<compile_context>
chip_gen: v7x
topology: tpu7x:2x2x1
jax: 0.10.2.dev20260603
libtpu: 0.0.44.dev20260713+nightly
codegen_flags: <defaults>
</compile_context>

<pallas_src>
import functools

import jax
import jax.numpy as jnp
from jax.experimental import pallas as pl
from jax.experimental.pallas import tpu as pltpu
from jax.experimental.pallas import tpu_sc as plsc

EPS = 1e-5
B = 8
N = 2048
K = 32
M = B * N * K
RB = 256
KT = 4
MB = KT * N
GW = 128
TPB = K // KT


def _knn_body(Cc, xc_ref, out_ref):
    full = xc_ref[0]
    cols = xc_ref[0, :, pl.ds(pl.program_id(1) * RB, RB)]
    if Cc <= 16:
        x2m = (full[0] * full[0] + full[1] * full[1]) + full[2] * full[2]
        x2n = (cols[0] * cols[0] + cols[1] * cols[1]) + cols[2] * cols[2]
        fb = full.astype(jnp.bfloat16).astype(jnp.float32)
        cb = cols.astype(jnp.bfloat16).astype(jnp.float32)
        inner = (cb[0][:, None] * fb[0][None, :]
                 + cb[1][:, None] * fb[1][None, :]) \
            + cb[2][:, None] * fb[2][None, :]
    else:
        x2m = jnp.sum(full * full, axis=0)
        x2n = jnp.sum(cols * cols, axis=0)
        inner = jax.lax.dot_general(
            cols.astype(jnp.bfloat16), full.astype(jnp.bfloat16),
            (((0,), (0,)), ((), ())),
            preferred_element_type=jnp.float32)
    scores = 2.0 * inner - x2n[:, None] - x2m[None, :]
    lane = jax.lax.broadcasted_iota(jnp.int32, (RB, N), 1)
    base = pl.program_id(0) * N
    for j in range(K):
        mx = jnp.max(scores, axis=1, keepdims=True)
        cand = jnp.where(scores == mx, lane, N)
        sel = jnp.min(cand, axis=1)
        out_ref[0, j, :] = sel + base
        scores = jnp.where(lane == sel[:, None], -jnp.inf, scores)


def _knn_indices(xc, Cc):
    return pl.pallas_call(
        functools.partial(_knn_body, Cc),
        grid=(B, N // RB),
        in_specs=[
            pl.BlockSpec((1, Cc, N), lambda b, i: (b, 0, 0)),
        ],
        out_specs=pl.BlockSpec((1, K, RB), lambda b, i: (b, 0, i)),
        out_shape=jax.ShapeDtypeStruct((B, K, N), jnp.int32),
        compiler_params=pltpu.CompilerParams(
            dimension_semantics=("parallel", "parallel")),
    )(xc)


def _sc_gather(src, idx):
    mesh = plsc.VectorSubcoreMesh(core_axis_name="c", subcore_axis_name="s")
    win = 128

    @functools.partial(
        pl.kernel,
        out_type=jax.ShapeDtypeStruct((M, GW), src.dtype),
        mesh=mesh,
    )
    def gather_kernel(src_hbm, i_hbm, o_hbm):
        def body(i_vmem, o_vmem):
            pltpu.sync_copy(src_hbm.at[i_vmem.at[0]], o_vmem)

        pltpu.emit_pipeline(
            body,
            grid=(M // win,),
            in_specs=[pl.BlockSpec((1, win), lambda i: (0, i))],
            out_specs=[pl.BlockSpec((win, GW), lambda i: (i, 0))],
            core_axis_name=("c", "s"),
            dimension_semantics=(pltpu.PARALLEL,),
        )(i_hbm, o_hbm)

    return gather_kernel(src, idx)


def _lrelu(z):
    return jnp.where(z > 0, z, 0.2 * z)


def _y1_body(xn_ref, ct_ref, w1t_ref, o_ref):
    ce = jnp.reshape(jnp.broadcast_to(ct_ref[...][None], (KT, N, GW)),
                     (MB, GW))
    delta = (xn_ref[...] - ce).astype(jnp.bfloat16)
    g = jnp.concatenate([delta, ce.astype(jnp.bfloat16)], axis=1)
    y = jnp.dot(g, w1t_ref[...], preferred_element_type=jnp.float32)
    for kk in range(KT):
        o_ref[0, kk] = y[kk * N:(kk + 1) * N, :].T


def _bn_lrelu3(y, m_ref, d_ref, g_ref, b_ref):
    z = (y - m_ref[...][:, :, None]) / d_ref[...][:, :, None]
    z = z * g_ref[...][:, :, None] + b_ref[...][:, :, None]
    return _lrelu(z)


def _y2_body(y1_ref, m1_ref, d1_ref, g1_ref, b1_ref, w2_ref, o_ref):
    h1 = _bn_lrelu3(y1_ref[0], m1_ref, d1_ref, g1_ref, b1_ref)
    h1 = h1.astype(jnp.bfloat16)
    for kk in range(KT):
        o_ref[0, kk] = jax.lax.dot_general(
            w2_ref[...], h1[kk], (((1,), (0,)), ((), ())),
            preferred_element_type=jnp.float32)


def _pool_body(y2_ref, m2_ref, d2_ref, g2_ref, b2_ref, xt_out_ref, ocm_ref):
    h2 = _bn_lrelu3(y2_ref[0], m2_ref, d2_ref, g2_ref, b2_ref)
    part = jnp.max(h2, axis=0)
    first = pl.program_id(0) % TPB == 0

    @pl.when(first)
    def _():
        ocm_ref[0] = part

    @pl.when(jnp.logical_not(first))
    def _():
        ocm_ref[0] = jnp.maximum(ocm_ref[0], part)

    last = pl.program_id(0) % TPB == TPB - 1

    @pl.when(last)
    def _():
        o = ocm_ref[0].T
        xt_out_ref[:, 0:64] = o
        xt_out_ref[:, 64:GW] = jnp.zeros((N, GW - 64), jnp.float32)


def _edge_layer(xt_flat, xc, w1, g1, b1, w2, g2, b2, C):
    pad = ((0, 0), (0, GW - C))
    w1t = jnp.concatenate([jnp.pad(w1[:, :C], pad).T,
                           jnp.pad(w1[:, C:], pad).T]).astype(jnp.bfloat16)
    w2b = w2.astype(jnp.bfloat16)

    gidx = _knn_indices(xc, xc.shape[1])
    xn = _sc_gather(xt_flat, gidx.reshape(1, M))

    grid = (M // MB,)
    xn_spec = pl.BlockSpec((MB, GW), lambda i: (i, 0))
    ct_spec = pl.BlockSpec((N, GW), lambda i: (i // TPB, 0))
    w1_spec = pl.BlockSpec((2 * GW, 64), lambda i: (0, 0))
    w2_spec = pl.BlockSpec((64, 64), lambda i: (0, 0))
    c_spec = pl.BlockSpec((1, 64), lambda i: (0, 0))
    y_spec = pl.BlockSpec((1, KT, 64, N), lambda i: (i // TPB, i % TPB, 0, 0))
    y_shape = jax.ShapeDtypeStruct((B, K, 64, N), jnp.float32)

    y1 = pl.pallas_call(
        _y1_body,
        grid=grid,
        in_specs=[xn_spec, ct_spec, w1_spec],
        out_specs=y_spec,
        out_shape=y_shape,
        compiler_params=pltpu.CompilerParams(
            dimension_semantics=("parallel",)),
    )(xn, xt_flat, w1t)
    m1 = jnp.mean(y1, axis=(0, 1, 3))
    d1 = jnp.sqrt(jnp.var(y1, axis=(0, 1, 3)) + EPS)

    y2 = pl.pallas_call(
        _y2_body,
        grid=grid,
        in_specs=[y_spec] + [c_spec] * 4 + [w2_spec],
        out_specs=y_spec,
        out_shape=y_shape,
        compiler_params=pltpu.CompilerParams(
            dimension_semantics=("parallel",)),
    )(y1, m1[None], d1[None], g1[None], b1[None], w2b)
    m2 = jnp.mean(y2, axis=(0, 1, 3))
    d2 = jnp.sqrt(jnp.var(y2, axis=(0, 1, 3)) + EPS)

    xt_next, ocm = pl.pallas_call(
        _pool_body,
        grid=grid,
        in_specs=[y_spec] + [c_spec] * 4,
        out_specs=[
            pl.BlockSpec((N, GW), lambda i: (i // TPB, 0)),
            pl.BlockSpec((1, 64, N), lambda i: (i // TPB, 0, 0)),
        ],
        out_shape=[
            jax.ShapeDtypeStruct((B * N, GW), jnp.float32),
            jax.ShapeDtypeStruct((B, 64, N), jnp.float32),
        ],
    )(y2, m2[None], d2[None], g2[None], b2[None])
    return xt_next, ocm


def kernel(x, coordinate, w1_0, gamma1_0, beta1_0, w2_0, gamma2_0, beta2_0, w1_1, gamma1_1, beta1_1, w2_1, gamma2_1, beta2_1, w1_2, gamma1_2, beta1_2, w2_2, gamma2_2, beta2_2):
    xc0 = jnp.pad(x, ((0, 0), (0, 13), (0, 0)))
    xt0 = jnp.pad(jnp.transpose(x, (0, 2, 1)).reshape(B * N, 3),
                  ((0, 0), (0, GW - 3)))
    xt1, o0 = _edge_layer(xt0, xc0, w1_0, gamma1_0, beta1_0,
                          w2_0, gamma2_0, beta2_0, C=3)
    xt2, o1 = _edge_layer(xt1, o0, w1_1, gamma1_1, beta1_1,
                          w2_1, gamma2_1, beta2_1, C=64)
    _, o2 = _edge_layer(xt2, o1, w1_2, gamma1_2, beta1_2,
                        w2_2, gamma2_2, beta2_2, C=64)
    cat = jnp.concatenate([o0, o1, o2], axis=1)
    return (cat, o0, o1, o2)

# --- scband reference (transcript-rebuilt; emitter-appended) ---
"""Pipeline reference for scband-edge-conv-block-63702954934706 (READ-ONLY COPY).

The authoritative reference and input builder live on the scoring server;
editing this copy changes nothing except your own understanding.
"""

import jax, jax.numpy as jnp
import numpy as np

EPS = 1e-5

def knn_idx(feat, k):
    # feat: [B, C, N] -> idx [B, N, k] of nearest neighbors in feature space
    x2 = jnp.sum(feat * feat, axis=1)                      # [B, N]
    inner = jnp.einsum('bcn,bcm->bnm', feat, feat)         # [B, N, N]
    neg_dist = 2.0 * inner - x2[:, :, None] - x2[:, None, :]
    _, idx = jax.lax.top_k(neg_dist, k)                    # [B, N, k]
    return idx

def group_center_diff(x, idx):
    # x: [B, C, N], idx: [B, N, K] -> [B, 2C, N, K]
    xt = jnp.transpose(x, (0, 2, 1))                       # [B, N, C]
    neigh = jax.vmap(lambda f, i: f[i])(xt, idx)           # [B, N, K, C]
    center = jnp.broadcast_to(xt[:, :, None, :], neigh.shape)
    g = jnp.concatenate([neigh - center, center], axis=-1) # [B, N, K, 2C]
    return jnp.transpose(g, (0, 3, 1, 2))                  # [B, 2C, N, K]

def conv_bn_lrelu(x, w, gamma, beta):
    # 1x1 conv (no bias) + BatchNorm2d (training-mode batch stats) + LeakyReLU(0.2)
    y = jnp.einsum('oc,bcnk->bonk', w, x)
    mean = jnp.mean(y, axis=(0, 2, 3), keepdims=True)
    var = jnp.var(y, axis=(0, 2, 3), keepdims=True)
    y = (y - mean) / jnp.sqrt(var + EPS)
    y = y * gamma.reshape(1, -1, 1, 1) + beta.reshape(1, -1, 1, 1)
    return jnp.where(y > 0, y, 0.2 * y)

def edgeconv(x, K, w1, g1, b1, w2, g2, b2):
    idx = knn_idx(x, K)  # neighbor_selection_method='feature'
    g = group_center_diff(x, idx)
    g = conv_bn_lrelu(g, w1, g1, b1)
    g = conv_bn_lrelu(g, w2, g2, b2)
    return jnp.max(g, axis=-1)  # pooling='max' -> [B, Cout, N]

def setup_inputs(seed: int = 0):
    key = jax.random.key(seed)
    ks = jax.random.split(key, 20)
    B, N = 8, 2048
    inp = {
        'x': jax.random.normal(ks[0], (B, 3, N), dtype=jnp.float32),
        'coordinate': jax.random.normal(ks[1], (B, 3, N), dtype=jnp.float32),
    }
    c1_in = [6, 128, 128]
    c1_out = [64, 64, 64]
    c2_in = [64, 64, 64]
    c2_out = [64, 64, 64]
    ki = 2
    for l in range(3):
        s1 = 1.0 / np.sqrt(c1_in[l])
        s2 = 1.0 / np.sqrt(c2_in[l])
        inp[f'w1_{l}'] = jax.random.normal(ks[ki], (c1_out[l], c1_in[l]), dtype=jnp.float32) * s1; ki += 1
        inp[f'gamma1_{l}'] = jnp.ones((c1_out[l],), dtype=jnp.float32)
        inp[f'beta1_{l}'] = jnp.zeros((c1_out[l],), dtype=jnp.float32)
        inp[f'w2_{l}'] = jax.random.normal(ks[ki], (c2_out[l], c2_in[l]), dtype=jnp.float32) * s2; ki += 1
        inp[f'gamma2_{l}'] = jnp.ones((c2_out[l],), dtype=jnp.float32)
        inp[f'beta2_{l}'] = jnp.zeros((c2_out[l],), dtype=jnp.float32)
    return inp

def reference(x, coordinate,
              w1_0, gamma1_0, beta1_0, w2_0, gamma2_0, beta2_0,
              w1_1, gamma1_1, beta1_1, w2_1, gamma2_1, beta2_1,
              w1_2, gamma1_2, beta1_2, w2_2, gamma2_2, beta2_2):
    Ks = (32, 32, 32)
    params = [
        (w1_0, gamma1_0, beta1_0, w2_0, gamma2_0, beta2_0),
        (w1_1, gamma1_1, beta1_1, w2_1, gamma2_1, beta2_1),
        (w1_2, gamma1_2, beta1_2, w2_2, gamma2_2, beta2_2),
    ]
    cur = x
    outs = []
    for l in range(3):
        cur = edgeconv(cur, Ks[l], *params[l])
        outs.append(cur)
    cat = jnp.concatenate(outs, axis=1)  # [B, 192, N]
    return (cat, outs[0], outs[1], outs[2])

if __name__ == "__main__":
    import jax
    _d = setup_inputs()
    print(jax.jit(kernel)(*tuple(_d.values())))

</pallas_src>

<mosaic_0001>
#map = affine_map<(d0, d1) -> (0, 0)>
module attributes {stable_mosaic.version = 14 : i64} {
  func.func @gather_kernel(%arg0: i32, %arg1: i32, %arg2: memref<16384x128xf32, #tpu.memory_space<hbm>>, %arg3: memref<1x524288xi32, #tpu.memory_space<hbm>>, %arg4: memref<524288x128xf32, #tpu.memory_space<hbm>>) attributes {dimension_semantics = [#tpu.dimension_semantics<core_parallel>, #tpu.dimension_semantics<subcore_parallel>], iteration_bounds = array<i64: 2, 16>, scalar_prefetch = 0 : i64, scratch_operands = 0 : i64, tpu.core_type = #tpu.core_type<sc_vector_subcore>, window_params = [{transform_indices = #map}, {transform_indices = #map}, {transform_indices = #map}]} {
    %mul3A = arith.constant 1 : i32
    %mul3A_0 = arith.muli %arg1, %mul3A : i32
    %add3A = arith.constant 0 : i32
    %add3A_1 = arith.addi %add3A, %mul3A_0 : i32
    %mul3A_2 = arith.constant 16 : i32
    %mul3A_3 = arith.muli %arg0, %mul3A_2 : i32
    %add3A_4 = arith.addi %add3A_1, %mul3A_3 : i32
    %mul3A_5 = arith.constant 128 : i32
    %mul3A_6 = arith.muli %add3A_4, %mul3A_5 : i32
    "tpu.region"() ({
      %run_scoped3A = memref.alloca() : memref<2x1x128xi32, #tpu.memory_space<vmem>>
      %run_scoped3A_7 = tpu.sem_alloc : memref<2x!tpu.dma_semaphore, #tpu.memory_space<semaphore_mem>>
      %run_scoped3A_8 = memref.alloca() : memref<2x128x128xf32, #tpu.memory_space<vmem>>
      %run_scoped3A_9 = tpu.sem_alloc : memref<2x!tpu.dma_semaphore, #tpu.memory_space<semaphore_mem>>
      %add3A_10 = arith.constant 0 : i32
      %add3A_11 = arith.addi %add3A_10, %mul3A_6 : i32
      %select_n3A = arith.constant true
      %select_n3A_12 = arith.constant 0 : i32
      %select_n3A_13 = arith.constant -1 : i32
      %select_n3A_14 = arith.select %select_n3A, %select_n3A_13, %select_n3A_12 : i32
      %eq3A = arith.constant -1 : i32
      %eq3A_15 = arith.cmpi eq, %select_n3A_14, %eq3A : i32
      %select_n3A_16 = arith.constant 127 : i32
      %select_n3A_17 = arith.select %eq3A_15, %select_n3A_16, %select_n3A_14 : i32
      %add3A_18 = arith.addi %select_n3A_17, %mul3A_6 : i32
      %select_n3A_19 = arith.constant true
      %select_n3A_20 = arith.constant 0 : i32
      %select_n3A_21 = arith.constant 1 : i32
      %select_n3A_22 = arith.select %select_n3A_19, %select_n3A_21, %select_n3A_20 : i32
      %eq3A_23 = arith.constant 128 : i32
      %eq3A_24 = arith.cmpi eq, %select_n3A_22, %eq3A_23 : i32
      %select_n3A_25 = arith.constant 0 : i32
      %select_n3A_26 = arith.select %eq3A_24, %select_n3A_25, %select_n3A_22 : i32
      %add3A_27 = arith.addi %select_n3A_26, %mul3A_6 : i32
      %add3A_28 = arith.constant 1 : i32
      %add3A_29 = arith.addi %select_n3A_26, %add3A_28 : i32
      %select_n3A_30 = arith.constant true
      %select_n3A_31 = arith.select %select_n3A_30, %add3A_29, %select_n3A_26 : i32
      %eq3A_32 = arith.constant 128 : i32
      %eq3A_33 = arith.cmpi eq, %select_n3A_31, %eq3A_32 : i32
      %select_n3A_34 = arith.constant 0 : i32
      %select_n3A_35 = arith.select %eq3A_33, %select_n3A_34, %select_n3A_31 : i32
      %add3A_36 = arith.addi %select_n3A_35, %mul3A_6 : i32
      "tpu.trace_start"() <{level = 10 : i32, message = "ep_initialize_0"}> : () -> ()
      %rem3A = arith.constant 0 : i32
      %rem3A_37 = arith.constant 2 : i32
      %rem3A_38 = arith.remui %rem3A, %rem3A_37 : i32
      %mul3A_39 = arith.constant 128 : i32
      %mul3A_40 = arith.muli %mul3A_39, %add3A_11 : i32
      %dma_start3A = arith.constant 0 : i32
      %dma_start3A_41 = arith.constant 0 : i32
      %dma_start3A_42 = tpu.memref_slice %run_scoped3A[%rem3A_38, %dma_start3A, %dma_start3A_41] : memref<2x1x128xi32, #tpu.memory_space<vmem>> -> memref<1x1x128xi32, #tpu.memory_space<vmem>>
      %dma_start3A_43 = tpu.memref_squeeze %dma_start3A_42 : memref<1x1x128xi32, #tpu.memory_space<vmem>> -> memref<1x128xi32, #tpu.memory_space<vmem>>
      %dma_start3A_44 = arith.constant 0 : i32
      %dma_start3A_45 = tpu.memref_slice %arg3[%dma_start3A_44, %mul3A_40] : memref<1x524288xi32, #tpu.memory_space<hbm>> -> memref<1x128xi32, #tpu.memory_space<hbm>>
      %dma_start3A_46 = tpu.memref_slice %run_scoped3A_7[%rem3A_38] : memref<2x!tpu.dma_semaphore, #tpu.memory_space<semaphore_mem>> -> memref<1x!tpu.dma_semaphore, #tpu.memory_space<semaphore_mem>>
      %dma_start3A_47 = tpu.memref_squeeze %dma_start3A_46 : memref<1x!tpu.dma_semaphore, #tpu.memory_space<semaphore_mem>> -> memref<!tpu.dma_semaphore, #tpu.memory_space<semaphore_mem>>
      %dma_start3A_48 = arith.constant 0 : i32
      %dma_start3A_49 = arith.constant 0 : i32
      %dma_start3A_50 = tpu.memref_slice %run_scoped3A[%rem3A_38, %dma_start3A_48, %dma_start3A_49] : memref<2x1x128xi32, #tpu.memory_space<vmem>> -> memref<1x1x128xi32, #tpu.memory_space<vmem>>
      %dma_start3A_51 = tpu.memref_squeeze %dma_start3A_50 : memref<1x1x128xi32, #tpu.memory_space<vmem>> -> memref<1x128xi32, #tpu.memory_space<vmem>>
      %dma_start3A_52 = arith.constant 0 : i32
      %dma_start3A_53 = tpu.memref_slice %arg3[%dma_start3A_52, %mul3A_40] : memref<1x524288xi32, #tpu.memory_space<hbm>> -> memref<1x128xi32, #tpu.memory_space<hbm>>
      tpu.enqueue_dma source(%dma_start3A_53 : memref<1x128xi32, #tpu.memory_space<hbm>>) target(%dma_start3A_51 : memref<1x128xi32, #tpu.memory_space<vmem>>) target_semaphore(%dma_start3A_47 : memref<!tpu.dma_semaphore, #tpu.memory_space<semaphore_mem>>)
      %add3A_54 = arith.constant 0 : i32
      %add3A_55 = arith.constant 1 : i32
      %add3A_56 = arith.addi %add3A_54, %add3A_55 : i32
      %select_n3A_57 = arith.constant true
      %select_n3A_58 = arith.constant 0 : i32
      %select_n3A_59 = arith.select %select_n3A_57, %add3A_56, %select_n3A_58 : i32
      "tpu.trace_stop"() : () -> ()
      %scan3A = arith.constant 0 : i32
      %scan3A_60 = arith.constant 0 : i32
      %scan3A_61 = arith.constant 0 : i32
      %scan3A_62 = arith.constant 0 : i32
      %scan3A_63 = arith.constant 0 : i32
      %scan3A_64 = arith.constant 128 : i32
      %scan3A_65 = arith.addi %scan3A_63, %scan3A_64 : i32
      %scan3A_66 = arith.constant 1 : i32
      %scan3A_67:5 = scf.for %scan3A_121 = %scan3A_63 to %scan3A_65 step %scan3A_66 iter_args(%scan3A_122 = %select_n3A_59, %scan3A_123 = %scan3A, %scan3A_124 = %scan3A_60, %scan3A_125 = %scan3A_61, %scan3A_126 = %scan3A_62) -> (i32, i32, i32, i32, i32)  : i32 {
        %eq3A_127 = arith.constant 0 : i32
        %eq3A_128 = arith.cmpi eq, %scan3A_121, %eq3A_127 : i32
        %eq3A_129 = arith.constant 127 : i32
        %eq3A_130 = arith.cmpi eq, %scan3A_121, %eq3A_129 : i32
        %add3A_131 = arith.addi %scan3A_126, %mul3A_6 : i32
        %sub3A_132 = arith.constant 1 : i32
        %sub3A_133 = arith.subi %scan3A_126, %sub3A_132 : i32
        %select_n3A_134 = arith.constant true
        %select_n3A_135 = arith.select %select_n3A_134, %sub3A_133, %scan3A_126 : i32
        %eq3A_136 = arith.constant -1 : i32
        %eq3A_137 = arith.cmpi eq, %select_n3A_135, %eq3A_136 : i32
        %select_n3A_138 = arith.constant 127 : i32
        %select_n3A_139 = arith.select %eq3A_137, %select_n3A_138, %select_n3A_135 : i32
        %add3A_140 = arith.addi %select_n3A_139, %mul3A_6 : i32
        %add3A_141 = arith.constant 1 : i32
        %add3A_142 = arith.addi %scan3A_126, %add3A_141 : i32
        %select_n3A_143 = arith.constant true
        %select_n3A_144 = arith.select %select_n3A_143, %add3A_142, %scan3A_126 : i32
        %eq3A_145 = arith.constant 128 : i32
        %eq3A_146 = arith.cmpi eq, %select_n3A_144, %eq3A_145 : i32
        %select_n3A_147 = arith.constant 0 : i32
        %select_n3A_148 = arith.select %eq3A_146, %select_n3A_147, %select_n3A_144 : i32
        %add3A_149 = arith.addi %select_n3A_148, %mul3A_6 : i32
        %add3A_150 = arith.constant 1 : i32
        %add3A_151 = arith.addi %select_n3A_148, %add3A_150 : i32
        %select_n3A_152 = arith.constant true
        %select_n3A_153 = arith.select %select_n3A_152, %add3A_151, %select_n3A_148 : i32
        %eq3A_154 = arith.constant 128 : i32
        %eq3A_155 = arith.cmpi eq, %select_n3A_153, %eq3A_154 : i32
        %select_n3A_156 = arith.constant 0 : i32
        %select_n3A_157 = arith.select %eq3A_155, %select_n3A_156, %select_n3A_153 : i32
        %add3A_158 = arith.addi %select_n3A_157, %mul3A_6 : i32
        %ne3A = arith.cmpi ne, %add3A_131, %add3A_149 : i32
        %or3A = arith.constant false
        %or3A_159 = arith.ori %or3A, %ne3A : i1
        %ge3A = arith.constant 127 : i32
        %ge3A_160 = arith.cmpi sge, %scan3A_121, %ge3A : i32
        %not3A = arith.constant true
        %not3A_161 = arith.xori %ge3A_160, %not3A : i1
        %and3A = arith.andi %or3A_159, %not3A_161 : i1
        %convert_element_type3A = arith.extui %and3A : i1 to i32
        %cond3A = arith.constant 0 : i32
        %cond3A_162 = arith.cmpi ne, %convert_element_type3A, %cond3A : i32
        scf.if %cond3A_162 {
          "tpu.trace_start"() <{level = 10 : i32, message = "ep_copy_in"}> : () -> ()
          %rem3A_264 = arith.constant 2 : i32
          %rem3A_265 = arith.remui %scan3A_122, %rem3A_264 : i32
          %mul3A_266 = arith.constant 128 : i32
          %mul3A_267 = arith.muli %mul3A_266, %add3A_149 : i32
          %dma_start3A_268 = arith.constant 0 : i32
          %dma_start3A_269 = arith.constant 0 : i32
          %dma_start3A_270 = tpu.memref_slice %run_scoped3A[%rem3A_265, %dma_start3A_268, %dma_start3A_269] : memref<2x1x128xi32, #tpu.memory_space<vmem>> -> memref<1x1x128xi32, #tpu.memory_space<vmem>>
          %dma_start3A_271 = tpu.memref_squeeze %dma_start3A_270 : memref<1x1x128xi32, #tpu.memory_space<vmem>> -> memref<1x128xi32, #tpu.memory_space<vmem>>
          %dma_start3A_272 = arith.constant 0 : i32
          %dma_start3A_273 = tpu.memref_slice %arg3[%dma_start3A_272, %mul3A_267] : memref<1x524288xi32, #tpu.memory_space<hbm>> -> memref<1x128xi32, #tpu.memory_space<hbm>>
          %dma_start3A_274 = tpu.memref_slice %run_scoped3A_7[%rem3A_265] : memref<2x!tpu.dma_semaphore, #tpu.memory_space<semaphore_mem>> -> memref<1x!tpu.dma_semaphore, #tpu.memory_space<semaphore_mem>>
          %dma_start3A_275 = tpu.memref_squeeze %dma_start3A_274 : memref<1x!tpu.dma_semaphore, #tpu.memory_space<semaphore_mem>> -> memref<!tpu.dma_semaphore, #tpu.memory_space<semaphore_mem>>
          %dma_start3A_276 = arith.constant 0 : i32
          %dma_start3A_277 = arith.constant 0 : i32
          %dma_start3A_278 = tpu.memref_slice %run_scoped3A[%rem3A_265, %dma_start3A_276, %dma_start3A_277] : memref<2x1x128xi32, #tpu.memory_space<vmem>> -> memref<1x1x128xi32, #tpu.memory_space<vmem>>
          %dma_start3A_279 = tpu.memref_squeeze %dma_start3A_278 : memref<1x1x128xi32, #tpu.memory_space<vmem>> -> memref<1x128xi32, #tpu.memory_space<vmem>>
          %dma_start3A_280 = arith.constant 0 : i32
          %dma_start3A_281 = tpu.memref_slice %arg3[%dma_start3A_280, %mul3A_267] : memref<1x524288xi32, #tpu.memory_space<hbm>> -> memref<1x128xi32, #tpu.memory_space<hbm>>
          tpu.enqueue_dma source(%dma_start3A_281 : memref<1x128xi32, #tpu.memory_space<hbm>>) target(%dma_start3A_279 : memref<1x128xi32, #tpu.memory_space<vmem>>) target_semaphore(%dma_start3A_275 : memref<!tpu.dma_semaphore, #tpu.memory_space<semaphore_mem>>)
          "tpu.trace_stop"() : () -> ()
        } else {
        }
        %and3A_163 = arith.constant true
        %and3A_164 = arith.andi %and3A, %and3A_163 : i1
        %add3A_165 = arith.constant 1 : i32
        %add3A_166 = arith.addi %scan3A_122, %add3A_165 : i32
        %select_n3A_167 = arith.select %and3A_164, %add3A_166, %scan3A_122 : i32
        %ne3A_168 = arith.cmpi ne, %add3A_131, %add3A_149 : i32
        %or3A_169 = arith.constant false
        %or3A_170 = arith.ori %or3A_169, %ne3A_168 : i1
        %or3A_171 = arith.constant false
        %or3A_172 = arith.ori %or3A_170, %or3A_171 : i1
        %ge3A_173 = arith.constant 127 : i32
        %ge3A_174 = arith.cmpi sge, %scan3A_121, %ge3A_173 : i32
        %not3A_175 = arith.constant true
        %not3A_176 = arith.xori %ge3A_174, %not3A_175 : i1
        %and3A_177 = arith.andi %or3A_172, %not3A_176 : i1
        %ne3A_178 = arith.cmpi ne, %add3A_131, %add3A_140 : i32
        %or3A_179 = arith.constant false
        %or3A_180 = arith.ori %or3A_179, %ne3A_178 : i1
        %or3A_181 = arith.ori %or3A_180, %eq3A_128 : i1
        %convert_element_type3A_182 = arith.extui %or3A_181 : i1 to i32
        %cond3A_183 = arith.constant 0 : i32
        %cond3A_184 = arith.cmpi ne, %convert_element_type3A_182, %cond3A_183 : i32
        scf.if %cond3A_184 {
          "tpu.trace_start"() <{level = 10 : i32, message = "ep_wait_in"}> : () -> ()
          %mul3A_264 = arith.constant 128 : i32
          %mul3A_265 = arith.muli %mul3A_264, %add3A_131 : i32
          %rem3A_266 = arith.constant 2 : i32
          %rem3A_267 = arith.remui %scan3A_123, %rem3A_266 : i32
          %dma_wait3A_268 = arith.constant 0 : i32
          %dma_wait3A_269 = arith.constant 0 : i32
          %dma_wait3A_270 = tpu.memref_slice %run_scoped3A[%rem3A_267, %dma_wait3A_268, %dma_wait3A_269] : memref<2x1x128xi32, #tpu.memory_space<vmem>> -> memref<1x1x128xi32, #tpu.memory_space<vmem>>
          %dma_wait3A_271 = tpu.memref_squeeze %dma_wait3A_270 : memref<1x1x128xi32, #tpu.memory_space<vmem>> -> memref<1x128xi32, #tpu.memory_space<vmem>>
          %dma_wait3A_272 = arith.constant 0 : i32
          %dma_wait3A_273 = tpu.memref_slice %arg3[%dma_wait3A_272, %mul3A_265] : memref<1x524288xi32, #tpu.memory_space<hbm>> -> memref<1x128xi32, #tpu.memory_space<hbm>>
          %dma_wait3A_274 = tpu.memref_slice %run_scoped3A_7[%rem3A_267] : memref<2x!tpu.dma_semaphore, #tpu.memory_space<semaphore_mem>> -> memref<1x!tpu.dma_semaphore, #tpu.memory_space<semaphore_mem>>
          %dma_wait3A_275 = tpu.memref_squeeze %dma_wait3A_274 : memref<1x!tpu.dma_semaphore, #tpu.memory_space<semaphore_mem>> -> memref<!tpu.dma_semaphore, #tpu.memory_space<semaphore_mem>>
          %dma_wait3A_276 = arith.constant 0 : i32
          %dma_wait3A_277 = arith.constant 0 : i32
          %dma_wait3A_278 = tpu.memref_slice %run_scoped3A[%rem3A_267, %dma_wait3A_276, %dma_wait3A_277] : memref<2x1x128xi32, #tpu.memory_space<vmem>> -> memref<1x1x128xi32, #tpu.memory_space<vmem>>
          %dma_wait3A_279 = tpu.memref_squeeze %dma_wait3A_278 : memref<1x1x128xi32, #tpu.memory_space<vmem>> -> memref<1x128xi32, #tpu.memory_space<vmem>>
          %dma_wait3A_280 = arith.constant 0 : i32
          %dma_wait3A_281 = tpu.memref_slice %arg3[%dma_wait3A_280, %mul3A_265] : memref<1x524288xi32, #tpu.memory_space<hbm>> -> memref<1x128xi32, #tpu.memory_space<hbm>>
          tpu.wait_dma2 semaphore(%dma_wait3A_275 : memref<!tpu.dma_semaphore, #tpu.memory_space<semaphore_mem>>) src(%dma_wait3A_281 : memref<1x128xi32, #tpu.memory_space<hbm>>) dst(%dma_wait3A_279 : memref<1x128xi32, #tpu.memory_space<vmem>>)
          "tpu.trace_stop"() : () -> ()
        } else {
        }
        %ne3A_185 = arith.cmpi ne, %add3A_131, %add3A_140 : i32
        %or3A_186 = arith.constant false
        %or3A_187 = arith.ori %or3A_186, %ne3A_185 : i1
        %or3A_188 = arith.constant false
        %or3A_189 = arith.ori %or3A_187, %or3A_188 : i1
        %or3A_190 = arith.ori %or3A_189, %eq3A_128 : i1
        %convert_element_type3A_191 = arith.extui %or3A_190 : i1 to i32
        %cond3A_192 = arith.constant 0 : i32
        %cond3A_193 = arith.cmpi ne, %convert_element_type3A_191, %cond3A_192 : i32
        scf.if %cond3A_193 {
        } else {
        }
        %rem3A_194 = arith.constant 2 : i32
        %rem3A_195 = arith.remui %scan3A_123, %rem3A_194 : i32
        %rem3A_196 = arith.constant 2 : i32
        %rem3A_197 = arith.remui %scan3A_124, %rem3A_196 : i32
        %run_scoped3A_198 = arith.constant 0 : i32
        "tpu.trace_start"() <{level = 10 : i32, message = "ep_run_kernel"}> : () -> ()
        "tpu.region"() ({
          %run_scoped3A_264 = tpu.sem_alloc : memref<!tpu.dma_semaphore, #tpu.memory_space<semaphore_mem>>
          %dma_start3A_265 = arith.constant 0 : i32
          %dma_start3A_266 = arith.constant 0 : i32
          %dma_start3A_267 = tpu.memref_slice %run_scoped3A_8[%rem3A_197, %dma_start3A_265, %dma_start3A_266] : memref<2x128x128xf32, #tpu.memory_space<vmem>> -> memref<1x128x128xf32, #tpu.memory_space<vmem>>
          %dma_start3A_268 = tpu.memref_squeeze %dma_start3A_267 : memref<1x128x128xf32, #tpu.memory_space<vmem>> -> memref<128x128xf32, #tpu.memory_space<vmem>>
          %dma_start3A_269 = arith.constant 0 : i32
          %dma_start3A_270 = arith.constant 0 : i32
          %dma_start3A_271 = tpu.memref_slice %run_scoped3A[%rem3A_195, %dma_start3A_269, %dma_start3A_270] : memref<2x1x128xi32, #tpu.memory_space<vmem>> -> memref<1x1x128xi32, #tpu.memory_space<vmem>>
          %dma_start3A_272 = tpu.memref_squeeze %dma_start3A_271 : memref<1x1x128xi32, #tpu.memory_space<vmem>> -> memref<1x128xi32, #tpu.memory_space<vmem>>
          %dma_start3A_273 = arith.constant 0 : i32
          %dma_start3A_274 = tpu.memref_slice %dma_start3A_272[%run_scoped3A_198, %dma_start3A_273] : memref<1x128xi32, #tpu.memory_space<vmem>> -> memref<1x128xi32, #tpu.memory_space<vmem>>
          %dma_start3A_275 = tpu.memref_squeeze %dma_start3A_274 : memref<1x128xi32, #tpu.memory_space<vmem>> -> memref<128xi32, #tpu.memory_space<vmem>>
          %dma_start3A_276 = arith.constant 0 : i32
          %dma_start3A_277 = arith.constant 0 : i32
          %dma_start3A_278 = tpu.memref_slice %arg2[%dma_start3A_276, %dma_start3A_277] : memref<16384x128xf32, #tpu.memory_space<hbm>> -> memref<16384x128xf32, #tpu.memory_space<hbm>>
          tpu.enqueue_indirect_dma source(%dma_start3A_278 : memref<16384x128xf32, #tpu.memory_space<hbm>>) target(%dma_start3A_268 : memref<128x128xf32, #tpu.memory_space<vmem>>) offsets(%dma_start3A_275 : memref<128xi32, #tpu.memory_space<vmem>>) semaphore(%run_scoped3A_264 : memref<!tpu.dma_semaphore, #tpu.memory_space<semaphore_mem>>)
          %dma_wait3A_279 = arith.constant 0 : i32
          %dma_wait3A_280 = arith.constant 0 : i32
          %dma_wait3A_281 = tpu.memref_slice %run_scoped3A_8[%rem3A_197, %dma_wait3A_279, %dma_wait3A_280] : memref<2x128x128xf32, #tpu.memory_space<vmem>> -> memref<1x128x128xf32, #tpu.memory_space<vmem>>
          %dma_wait3A_282 = tpu.memref_squeeze %dma_wait3A_281 : memref<1x128x128xf32, #tpu.memory_space<vmem>> -> memref<128x128xf32, #tpu.memory_space<vmem>>
          %dma_wait3A_283 = arith.constant 0 : i32
          %dma_wait3A_284 = arith.constant 0 : i32
          %dma_wait3A_285 = tpu.memref_slice %run_scoped3A[%rem3A_195, %dma_wait3A_283, %dma_wait3A_284] : memref<2x1x128xi32, #tpu.memory_space<vmem>> -> memref<1x1x128xi32, #tpu.memory_space<vmem>>
          %dma_wait3A_286 = tpu.memref_squeeze %dma_wait3A_285 : memref<1x1x128xi32, #tpu.memory_space<vmem>> -> memref<1x128xi32, #tpu.memory_space<vmem>>
          %dma_wait3A_287 = arith.constant 0 : i32
          %dma_wait3A_288 = tpu.memref_slice %dma_wait3A_286[%run_scoped3A_198, %dma_wait3A_287] : memref<1x128xi32, #tpu.memory_space<vmem>> -> memref<1x128xi32, #tpu.memory_space<vmem>>
          %dma_wait3A_289 = tpu.memref_squeeze %dma_wait3A_288 : memref<1x128xi32, #tpu.memory_space<vmem>> -> memref<128xi32, #tpu.memory_space<vmem>>
          %dma_wait3A_290 = arith.constant 0 : i32
          %dma_wait3A_291 = arith.constant 0 : i32
          %dma_wait3A_292 = tpu.memref_slice %arg2[%dma_wait3A_290, %dma_wait3A_291] : memref<16384x128xf32, #tpu.memory_space<hbm>> -> memref<16384x128xf32, #tpu.memory_space<hbm>>
          tpu.wait_indirect_dma semaphore(%run_scoped3A_264 : memref<!tpu.dma_semaphore, #tpu.memory_space<semaphore_mem>>) src(%dma_wait3A_292 : memref<16384x128xf32, #tpu.memory_space<hbm>>) dst(%dma_wait3A_282 : memref<128x128xf32, #tpu.memory_space<vmem>>)
          tpu.yield
        }) : () -> ()
        "tpu.trace_stop"() : () -> ()
        %ne3A_199 = arith.cmpi ne, %add3A_131, %add3A_149 : i32
        %or3A_200 = arith.constant false
        %or3A_201 = arith.ori %or3A_200, %ne3A_199 : i1
        %or3A_202 = arith.ori %or3A_201, %eq3A_130 : i1
        %convert_element_type3A_203 = arith.extui %or3A_202 : i1 to i32
        %cond3A_204 = arith.constant 0 : i32
        %cond3A_205 = arith.cmpi ne, %convert_element_type3A_203, %cond3A_204 : i32
        scf.if %cond3A_205 {
        } else {
        }
        %and3A_206 = arith.constant false
        %and3A_207 = arith.andi %or3A_202, %and3A_206 : i1
        %ne3A_208 = arith.cmpi ne, %add3A_131, %add3A_149 : i32
        %or3A_209 = arith.constant false
        %or3A_210 = arith.ori %or3A_209, %ne3A_208 : i1
        %or3A_211 = arith.constant false
        %or3A_212 = arith.ori %or3A_210, %or3A_211 : i1
        %or3A_213 = arith.ori %or3A_212, %eq3A_130 : i1
        %convert_element_type3A_214 = arith.extui %or3A_213 : i1 to i32
        %cond3A_215 = arith.constant 0 : i32
        %cond3A_216 = arith.cmpi ne, %convert_element_type3A_214, %cond3A_215 : i32
        scf.if %cond3A_216 {
          "tpu.trace_start"() <{level = 10 : i32, message = "ep_copy_out"}> : () -> ()
          %rem3A_264 = arith.constant 2 : i32
          %rem3A_265 = arith.remui %scan3A_124, %rem3A_264 : i32
          %mul3A_266 = arith.constant 128 : i32
          %mul3A_267 = arith.muli %mul3A_266, %add3A_131 : i32
          %dma_start3A_268 = arith.constant 0 : i32
          %dma_start3A_269 = arith.constant 0 : i32
          %dma_start3A_270 = tpu.memref_slice %run_scoped3A_8[%rem3A_265, %dma_start3A_268, %dma_start3A_269] : memref<2x128x128xf32, #tpu.memory_space<vmem>> -> memref<1x128x128xf32, #tpu.memory_space<vmem>>
          %dma_start3A_271 = tpu.memref_squeeze %dma_start3A_270 : memref<1x128x128xf32, #tpu.memory_space<vmem>> -> memref<128x128xf32, #tpu.memory_space<vmem>>
          %dma_start3A_272 = arith.constant 0 : i32
          %dma_start3A_273 = tpu.memref_slice %arg4[%mul3A_267, %dma_start3A_272] : memref<524288x128xf32, #tpu.memory_space<hbm>> -> memref<128x128xf32, #tpu.memory_space<hbm>>
          %dma_start3A_274 = tpu.memref_slice %run_scoped3A_9[%rem3A_265] : memref<2x!tpu.dma_semaphore, #tpu.memory_space<semaphore_mem>> -> memref<1x!tpu.dma_semaphore, #tpu.memory_space<semaphore_mem>>
          %dma_start3A_275 = tpu.memref_squeeze %dma_start3A_274 : memref<1x!tpu.dma_semaphore, #tpu.memory_space<semaphore_mem>> -> memref<!tpu.dma_semaphore, #tpu.memory_space<semaphore_mem>>
          %dma_start3A_276 = arith.constant 0 : i32
          %dma_start3A_277 = tpu.memref_slice %arg4[%mul3A_267, %dma_start3A_276] : memref<524288x128xf32, #tpu.memory_space<hbm>> -> memref<128x128xf32, #tpu.memory_space<hbm>>
          %dma_start3A_278 = arith.constant 0 : i32
          %dma_start3A_279 = arith.constant 0 : i32
          %dma_start3A_280 = tpu.memref_slice %run_scoped3A_8[%rem3A_265, %dma_start3A_278, %dma_start3A_279] : memref<2x128x128xf32, #tpu.memory_space<vmem>> -> memref<1x128x128xf32, #tpu.memory_space<vmem>>
          %dma_start3A_281 = tpu.memref_squeeze %dma_start3A_280 : memref<1x128x128xf32, #tpu.memory_space<vmem>> -> memref<128x128xf32, #tpu.memory_space<vmem>>
          tpu.enqueue_dma source(%dma_start3A_281 : memref<128x128xf32, #tpu.memory_space<vmem>>) target(%dma_start3A_277 : memref<128x128xf32, #tpu.memory_space<hbm>>) target_semaphore(%dma_start3A_275 : memref<!tpu.dma_semaphore, #tpu.memory_space<semaphore_mem>>)
          "tpu.trace_stop"() : () -> ()
        } else {
        }
        %and3A_217 = arith.constant true
        %and3A_218 = arith.andi %or3A_213, %and3A_217 : i1
        %add3A_219 = arith.constant 1 : i32
        %add3A_220 = arith.addi %scan3A_124, %add3A_219 : i32
        %select_n3A_221 = arith.select %and3A_218, %add3A_220, %scan3A_124 : i32
        %ne3A_222 = arith.cmpi ne, %add3A_131, %add3A_140 : i32
        %or3A_223 = arith.constant false
        %or3A_224 = arith.ori %or3A_223, %ne3A_222 : i1
        %not3A_225 = arith.constant true
        %not3A_226 = arith.xori %eq3A_128, %not3A_225 : i1
        %and3A_227 = arith.andi %or3A_224, %not3A_226 : i1
        %convert_element_type3A_228 = arith.extui %and3A_227 : i1 to i32
        %cond3A_229 = arith.constant 0 : i32
        %cond3A_230 = arith.cmpi ne, %convert_element_type3A_228, %cond3A_229 : i32
        scf.if %cond3A_230 {
        } else {
        }
        %and3A_231 = arith.constant false
        %and3A_232 = arith.andi %and3A_227, %and3A_231 : i1
        %ne3A_233 = arith.cmpi ne, %add3A_131, %add3A_140 : i32
        %or3A_234 = arith.constant false
        %or3A_235 = arith.ori %or3A_234, %ne3A_233 : i1
        %or3A_236 = arith.constant false
        %or3A_237 = arith.ori %or3A_235, %or3A_236 : i1
        %not3A_238 = arith.constant true
        %not3A_239 = arith.xori %eq3A_128, %not3A_238 : i1
        %and3A_240 = arith.andi %or3A_237, %not3A_239 : i1
        %convert_element_type3A_241 = arith.extui %and3A_240 : i1 to i32
        %cond3A_242 = arith.constant 0 : i32
        %cond3A_243 = arith.cmpi ne, %convert_element_type3A_241, %cond3A_242 : i32
        scf.if %cond3A_243 {
          "tpu.trace_start"() <{level = 10 : i32, message = "ep_wait_out"}> : () -> ()
          %rem3A_264 = arith.constant 2 : i32
          %rem3A_265 = arith.remui %scan3A_125, %rem3A_264 : i32
          %mul3A_266 = arith.constant 128 : i32
          %mul3A_267 = arith.muli %mul3A_266, %add3A_140 : i32
          %dma_wait3A_268 = arith.constant 0 : i32
          %dma_wait3A_269 = arith.constant 0 : i32
          %dma_wait3A_270 = tpu.memref_slice %run_scoped3A_8[%rem3A_265, %dma_wait3A_268, %dma_wait3A_269] : memref<2x128x128xf32, #tpu.memory_space<vmem>> -> memref<1x128x128xf32, #tpu.memory_space<vmem>>
          %dma_wait3A_271 = tpu.memref_squeeze %dma_wait3A_270 : memref<1x128x128xf32, #tpu.memory_space<vmem>> -> memref<128x128xf32, #tpu.memory_space<vmem>>
          %dma_wait3A_272 = arith.constant 0 : i32
          %dma_wait3A_273 = tpu.memref_slice %arg4[%mul3A_267, %dma_wait3A_272] : memref<524288x128xf32, #tpu.memory_space<hbm>> -> memref<128x128xf32, #tpu.memory_space<hbm>>
          %dma_wait3A_274 = tpu.memref_slice %run_scoped3A_9[%rem3A_265] : memref<2x!tpu.dma_semaphore, #tpu.memory_space<semaphore_mem>> -> memref<1x!tpu.dma_semaphore, #tpu.memory_space<semaphore_mem>>
          %dma_wait3A_275 = tpu.memref_squeeze %dma_wait3A_274 : memref<1x!tpu.dma_semaphore, #tpu.memory_space<semaphore_mem>> -> memref<!tpu.dma_semaphore, #tpu.memory_space<semaphore_mem>>
          %dma_wait3A_276 = arith.constant 0 : i32
          %dma_wait3A_277 = tpu.memref_slice %arg4[%mul3A_267, %dma_wait3A_276] : memref<524288x128xf32, #tpu.memory_space<hbm>> -> memref<128x128xf32, #tpu.memory_space<hbm>>
          %dma_wait3A_278 = arith.constant 0 : i32
          %dma_wait3A_279 = arith.constant 0 : i32
          %dma_wait3A_280 = tpu.memref_slice %run_scoped3A_8[%rem3A_265, %dma_wait3A_278, %dma_wait3A_279] : memref<2x128x128xf32, #tpu.memory_space<vmem>> -> memref<1x128x128xf32, #tpu.memory_space<vmem>>
          %dma_wait3A_281 = tpu.memref_squeeze %dma_wait3A_280 : memref<1x128x128xf32, #tpu.memory_space<vmem>> -> memref<128x128xf32, #tpu.memory_space<vmem>>
          tpu.wait_dma2 semaphore(%dma_wait3A_275 : memref<!tpu.dma_semaphore, #tpu.memory_space<semaphore_mem>>) src(%dma_wait3A_281 : memref<128x128xf32, #tpu.memory_space<vmem>>) dst(%dma_wait3A_277 : memref<128x128xf32, #tpu.memory_space<hbm>>)
          "tpu.trace_stop"() : () -> ()
        } else {
        }
        %and3A_244 = arith.constant true
        %and3A_245 = arith.andi %and3A_240, %and3A_244 : i1
        %add3A_246 = arith.constant 1 : i32
        %add3A_247 = arith.addi %scan3A_125, %add3A_246 : i32
        %select_n3A_248 = arith.select %and3A_245, %add3A_247, %scan3A_125 : i32
        %ne3A_249 = arith.cmpi ne, %add3A_131, %add3A_149 : i32
        %or3A_250 = arith.constant false
        %or3A_251 = arith.ori %or3A_250, %ne3A_249 : i1
        %or3A_252 = arith.ori %or3A_251, %eq3A_130 : i1
        %add3A_253 = arith.constant 1 : i32
        %add3A_254 = arith.addi %scan3A_123, %add3A_253 : i32
        %select_n3A_255 = arith.select %or3A_252, %add3A_254, %scan3A_123 : i32
        %add3A_256 = arith.constant 1 : i32
        %add3A_257 = arith.addi %scan3A_126, %add3A_256 : i32
        %select_n3A_258 = arith.constant true
        %select_n3A_259 = arith.select %select_n3A_258, %add3A_257, %scan3A_126 : i32
        %eq3A_260 = arith.constant 128 : i32
        %eq3A_261 = arith.cmpi eq, %select_n3A_259, %eq3A_260 : i32
        %select_n3A_262 = arith.constant 0 : i32
        %select_n3A_263 = arith.select %eq3A_261, %select_n3A_262, %select_n3A_259 : i32
        scf.yield %select_n3A_167, %select_n3A_255, %select_n3A_221, %select_n3A_248, %select_n3A_263 : i32, i32, i32, i32, i32
      }
      %scan3A_68 = arith.constant 128 : i32
      %sub3A = arith.constant 1 : i32
      %sub3A_69 = arith.subi %scan3A_67#4, %sub3A : i32
      %select_n3A_70 = arith.constant true
      %select_n3A_71 = arith.select %select_n3A_70, %sub3A_69, %scan3A_67#4 : i32
      %eq3A_72 = arith.constant -1 : i32
      %eq3A_73 = arith.cmpi eq, %select_n3A_71, %eq3A_72 : i32
      %select_n3A_74 = arith.constant 127 : i32
      %select_n3A_75 = arith.select %eq3A_73, %select_n3A_74, %select_n3A_71 : i32
      %add3A_76 = arith.addi %select_n3A_75, %mul3A_6 : i32
      %sub3A_77 = arith.constant 1 : i32
      %sub3A_78 = arith.subi %select_n3A_75, %sub3A_77 : i32
      %select_n3A_79 = arith.constant true
      %select_n3A_80 = arith.select %select_n3A_79, %sub3A_78, %select_n3A_75 : i32
      %eq3A_81 = arith.constant -1 : i32
      %eq3A_82 = arith.cmpi eq, %select_n3A_80, %eq3A_81 : i32
      %select_n3A_83 = arith.constant 127 : i32
      %select_n3A_84 = arith.select %eq3A_82, %select_n3A_83, %select_n3A_80 : i32
      %add3A_85 = arith.addi %select_n3A_84, %mul3A_6 : i32
      %add3A_86 = arith.constant 1 : i32
      %add3A_87 = arith.addi %select_n3A_75, %add3A_86 : i32
      %select_n3A_88 = arith.constant true
      %select_n3A_89 = arith.select %select_n3A_88, %add3A_87, %select_n3A_75 : i32
      %eq3A_90 = arith.constant 128 : i32
      %eq3A_91 = arith.cmpi eq, %select_n3A_89, %eq3A_90 : i32
      %select_n3A_92 = arith.constant 0 : i32
      %select_n3A_93 = arith.select %eq3A_91, %select_n3A_92, %select_n3A_89 : i32
      %add3A_94 = arith.addi %select_n3A_93, %mul3A_6 : i32
      %add3A_95 = arith.constant 1 : i32
      %add3A_96 = arith.addi %select_n3A_93, %add3A_95 : i32
      %select_n3A_97 = arith.constant true
      %select_n3A_98 = arith.select %select_n3A_97, %add3A_96, %select_n3A_93 : i32
      %eq3A_99 = arith.constant 128 : i32
      %eq3A_100 = arith.cmpi eq, %select_n3A_98, %eq3A_99 : i32
      %select_n3A_101 = arith.constant 0 : i32
      %select_n3A_102 = arith.select %eq3A_100, %select_n3A_101, %select_n3A_98 : i32
      %add3A_103 = arith.addi %select_n3A_102, %mul3A_6 : i32
      "tpu.trace_start"() <{level = 10 : i32, message = "ep_finalize"}> : () -> ()
      %rem3A_104 = arith.constant 2 : i32
      %rem3A_105 = arith.remui %scan3A_67#3, %rem3A_104 : i32
      %mul3A_106 = arith.constant 128 : i32
      %mul3A_107 = arith.muli %mul3A_106, %add3A_76 : i32
      %dma_wait3A = arith.constant 0 : i32
      %dma_wait3A_108 = arith.constant 0 : i32
      %dma_wait3A_109 = tpu.memref_slice %run_scoped3A_8[%rem3A_105, %dma_wait3A, %dma_wait3A_108] : memref<2x128x128xf32, #tpu.memory_space<vmem>> -> memref<1x128x128xf32, #tpu.memory_space<vmem>>
      %dma_wait3A_110 = tpu.memref_squeeze %dma_wait3A_109 : memref<1x128x128xf32, #tpu.memory_space<vmem>> -> memref<128x128xf32, #tpu.memory_space<vmem>>
      %dma_wait3A_111 = arith.constant 0 : i32
      %dma_wait3A_112 = tpu.memref_slice %arg4[%mul3A_107, %dma_wait3A_111] : memref<524288x128xf32, #tpu.memory_space<hbm>> -> memref<128x128xf32, #tpu.memory_space<hbm>>
      %dma_wait3A_113 = tpu.memref_slice %run_scoped3A_9[%rem3A_105] : memref<2x!tpu.dma_semaphore, #tpu.memory_space<semaphore_mem>> -> memref<1x!tpu.dma_semaphore, #tpu.memory_space<semaphore_mem>>
      %dma_wait3A_114 = tpu.memref_squeeze %dma_wait3A_113 : memref<1x!tpu.dma_semaphore, #tpu.memory_space<semaphore_mem>> -> memref<!tpu.dma_semaphore, #tpu.memory_space<semaphore_mem>>
      %dma_wait3A_115 = arith.constant 0 : i32
      %dma_wait3A_116 = tpu.memref_slice %arg4[%mul3A_107, %dma_wait3A_115] : memref<524288x128xf32, #tpu.memory_space<hbm>> -> memref<128x128xf32, #tpu.memory_space<hbm>>
      %dma_wait3A_117 = arith.constant 0 : i32
      %dma_wait3A_118 = arith.constant 0 : i32
      %dma_wait3A_119 = tpu.memref_slice %run_scoped3A_8[%rem3A_105, %dma_wait3A_117, %dma_wait3A_118] : memref<2x128x128xf32, #tpu.memory_space<vmem>> -> memref<1x128x128xf32, #tpu.memory_space<vmem>>
      %dma_wait3A_120 = tpu.memref_squeeze %dma_wait3A_119 : memref<1x128x128xf32, #tpu.memory_space<vmem>> -> memref<128x128xf32, #tpu.memory_space<vmem>>
      tpu.wait_dma2 semaphore(%dma_wait3A_114 : memref<!tpu.dma_semaphore, #tpu.memory_space<semaphore_mem>>) src(%dma_wait3A_120 : memref<128x128xf32, #tpu.memory_space<vmem>>) dst(%dma_wait3A_116 : memref<128x128xf32, #tpu.memory_space<hbm>>)
      "tpu.trace_stop"() : () -> ()
      tpu.yield
    }) : () -> ()
    return
  }
}

#map = affine_map<(d0, d1) -> (0, 0)>
module attributes {stable_mosaic.version = 14 : i64} {
  func.func @gather_kernel(%arg0: i32, %arg1: i32, %arg2: memref<16384x128xf32, #tpu.memory_space<hbm>>, %arg3: memref<1x524288xi32, #tpu.memory_space<hbm>>, %arg4: memref<524288x128xf32, #tpu.memory_space<hbm>>) attributes {dimension_semantics = [#tpu.dimension_semantics<core_parallel>, #tpu.dimension_semantics<subcore_parallel>], iteration_bounds = array<i64: 2, 16>, scalar_prefetch = 0 : i64, scratch_operands = 0 : i64, tpu.core_type = #tpu.core_type<sc_vector_subcore>, window_params = [{transform_indices = #map}, {transform_indices = #map}, {transform_indices = #map}]} {
    %mul3A = arith.constant 1 : i32
    %mul3A_0 = arith.muli %arg1, %mul3A : i32
    %add3A = arith.constant 0 : i32
    %add3A_1 = arith.addi %add3A, %mul3A_0 : i32
    %mul3A_2 = arith.constant 16 : i32
    %mul3A_3 = arith.muli %arg0, %mul3A_2 : i32
    %add3A_4 = arith.addi %add3A_1, %mul3A_3 : i32
    %mul3A_5 = arith.constant 128 : i32
    %mul3A_6 = arith.muli %add3A_4, %mul3A_5 : i32
    "tpu.region"() ({
      %run_scoped3A = memref.alloca() : memref<2x1x128xi32, #tpu.memory_space<vmem>>
      %run_scoped3A_7 = tpu.sem_alloc : memref<2x!tpu.dma_semaphore, #tpu.memory_space<semaphore_mem>>
      %run_scoped3A_8 = memref.alloca() : memref<2x128x128xf32, #tpu.memory_space<vmem>>
      %run_scoped3A_9 = tpu.sem_alloc : memref<2x!tpu.dma_semaphore, #tpu.memory_space<semaphore_mem>>
      %add3A_10 = arith.constant 0 : i32
      %add3A_11 = arith.addi %add3A_10, %mul3A_6 : i32
      %select_n3A = arith.constant true
      %select_n3A_12 = arith.constant 0 : i32
      %select_n3A_13 = arith.constant -1 : i32
      %select_n3A_14 = arith.select %select_n3A, %select_n3A_13, %select_n3A_12 : i32
      %eq3A = arith.constant -1 : i32
      %eq3A_15 = arith.cmpi eq, %select_n3A_14, %eq3A : i32
      %select_n3A_16 = arith.constant 127 : i32
      %select_n3A_17 = arith.select %eq3A_15, %select_n3A_16, %select_n3A_14 : i32
      %add3A_18 = arith.addi %select_n3A_17, %mul3A_6 : i32
      %select_n3A_19 = arith.constant true
      %select_n3A_20 = arith.constant 0 : i32
      %select_n3A_21 = arith.constant 1 : i32
      %select_n3A_22 = arith.select %select_n3A_19, %select_n3A_21, %select_n3A_20 : i32
      %eq3A_23 = arith.constant 128 : i32
      %eq3A_24 = arith.cmpi eq, %select_n3A_22, %eq3A_23 : i32
      %select_n3A_25 = arith.constant 0 : i32
      %select_n3A_26 = arith.select %eq3A_24, %select_n3A_25, %select_n3A_22 : i32
      %add3A_27 = arith.addi %select_n3A_26, %mul3A_6 : i32
      %add3A_28 = arith.constant 1 : i32
      %add3A_29 = arith.addi %select_n3A_26, %add3A_28 : i32
      %select_n3A_30 = arith.constant true
      %select_n3A_31 = arith.select %select_n3A_30, %add3A_29, %select_n3A_26 : i32
      %eq3A_32 = arith.constant 128 : i32
      %eq3A_33 = arith.cmpi eq, %select_n3A_31, %eq3A_32 : i32
      %select_n3A_34 = arith.constant 0 : i32
      %select_n3A_35 = arith.select %eq3A_33, %select_n3A_34, %select_n3A_31 : i32
      %add3A_36 = arith.addi %select_n3A_35, %mul3A_6 : i32
      "tpu.trace_start"() <{level = 10 : i32, message = "ep_initialize_0"}> : () -> ()
      %rem3A = arith.constant 0 : i32
      %rem3A_37 = arith.constant 2 : i32
      %rem3A_38 = arith.remui %rem3A, %rem3A_37 : i32
      %mul3A_39 = arith.constant 128 : i32
      %mul3A_40 = arith.muli %mul3A_39, %add3A_11 : i32
      %dma_start3A = arith.constant 0 : i32
      %dma_start3A_41 = arith.constant 0 : i32
      %dma_start3A_42 = tpu.memref_slice %run_scoped3A[%rem3A_38, %dma_start3A, %dma_start3A_41] : memref<2x1x128xi32, #tpu.memory_space<vmem>> -> memref<1x1x128xi32, #tpu.memory_space<vmem>>
      %dma_start3A_43 = tpu.memref_squeeze %dma_start3A_42 : memref<1x1x128xi32, #tpu.memory_space<vmem>> -> memref<1x128xi32, #tpu.memory_space<vmem>>
      %dma_start3A_44 = arith.constant 0 : i32
      %dma_start3A_45 = tpu.memref_slice %arg3[%dma_start3A_44, %mul3A_40] : memref<1x524288xi32, #tpu.memory_space<hbm>> -> memref<1x128xi32, #tpu.memory_space<hbm>>
      %dma_start3A_46 = tpu.memref_slice %run_scoped3A_7[%rem3A_38] : memref<2x!tpu.dma_semaphore, #tpu.memory_space<semaphore_mem>> -> memref<1x!tpu.dma_semaphore, #tpu.memory_space<semaphore_mem>>
      %dma_start3A_47 = tpu.memref_squeeze %dma_start3A_46 : memref<1x!tpu.dma_semaphore, #tpu.memory_space<semaphore_mem>> -> memref<!tpu.dma_semaphore, #tpu.memory_space<semaphore_mem>>
      %dma_start3A_48 = arith.constant 0 : i32
      %dma_start3A_49 = arith.constant 0 : i32
      %dma_start3A_50 = tpu.memref_slice %run_scoped3A[%rem3A_38, %dma_start3A_48, %dma_start3A_49] : memref<2x1x128xi32, #tpu.memory_space<vmem>> -> memref<1x1x128xi32, #tpu.memory_space<vmem>>
      %dma_start3A_51 = tpu.memref_squeeze %dma_start3A_50 : memref<1x1x128xi32, #tpu.memory_space<vmem>> -> memref<1x128xi32, #tpu.memory_space<vmem>>
      %dma_start3A_52 = arith.constant 0 : i32
      %dma_start3A_53 = tpu.memref_slice %arg3[%dma_start3A_52, %mul3A_40] : memref<1x524288xi32, #tpu.memory_space<hbm>> -> memref<1x128xi32, #tpu.memory_space<hbm>>
      tpu.enqueue_dma source(%dma_start3A_53 : memref<1x128xi32, #tpu.memory_space<hbm>>) target(%dma_start3A_51 : memref<1x128xi32, #tpu.memory_space<vmem>>) target_semaphore(%dma_start3A_47 : memref<!tpu.dma_semaphore, #tpu.memory_space<semaphore_mem>>)
      %add3A_54 = arith.constant 0 : i32
      %add3A_55 = arith.constant 1 : i32
      %add3A_56 = arith.addi %add3A_54, %add3A_55 : i32
      %select_n3A_57 = arith.constant true
      %select_n3A_58 = arith.constant 0 : i32
      %select_n3A_59 = arith.select %select_n3A_57, %add3A_56, %select_n3A_58 : i32
      "tpu.trace_stop"() : () -> ()
      %scan3A = arith.constant 0 : i32
      %scan3A_60 = arith.constant 0 : i32
      %scan3A_61 = arith.constant 0 : i32
      %scan3A_62 = arith.constant 0 : i32
      %scan3A_63 = arith.constant 0 : i32
      %scan3A_64 = arith.constant 128 : i32
      %scan3A_65 = arith.addi %scan3A_63, %scan3A_64 : i32
      %scan3A_66 = arith.constant 1 : i32
      %scan3A_67:5 = scf.for %scan3A_121 = %scan3A_63 to %scan3A_65 step %scan3A_66 iter_args(%scan3A_122 = %select_n3A_59, %scan3A_123 = %scan3A, %scan3A_124 = %scan3A_60, %scan3A_125 = %scan3A_61, %scan3A_126 = %scan3A_62) -> (i32, i32, i32, i32, i32)  : i32 {
        %eq3A_127 = arith.constant 0 : i32
        %eq3A_128 = arith.cmpi eq, %scan3A_121, %eq3A_127 : i32
        %eq3A_129 = arith.constant 127 : i32
        %eq3A_130 = arith.cmpi eq, %scan3A_121, %eq3A_129 : i32
        %add3A_131 = arith.addi %scan3A_126, %mul3A_6 : i32
        %sub3A_132 = arith.constant 1 : i32
        %sub3A_133 = arith.subi %scan3A_126, %sub3A_132 : i32
        %select_n3A_134 = arith.constant true
        %select_n3A_135 = arith.select %select_n3A_134, %sub3A_133, %scan3A_126 : i32
        %eq3A_136 = arith.constant -1 : i32
        %eq3A_137 = arith.cmpi eq, %select_n3A_135, %eq3A_136 : i32
        %select_n3A_138 = arith.constant 127 : i32
        %select_n3A_139 = arith.select %eq3A_137, %select_n3A_138, %select_n3A_135 : i32
        %add3A_140 = arith.addi %select_n3A_139, %mul3A_6 : i32
        %add3A_141 = arith.constant 1 : i32
        %add3A_142 = arith.addi %scan3A_126, %add3A_141 : i32
        %select_n3A_143 = arith.constant true
        %select_n3A_144 = arith.select %select_n3A_143, %add3A_142, %scan3A_126 : i32
        %eq3A_145 = arith.constant 128 : i32
        %eq3A_146 = arith.cmpi eq, %select_n3A_144, %eq3A_145 : i32
        %select_n3A_147 = arith.constant 0 : i32
        %select_n3A_148 = arith.select %eq3A_146, %select_n3A_147, %select_n3A_144 : i32
        %add3A_149 = arith.addi %select_n3A_148, %mul3A_6 : i32
        %add3A_150 = arith.constant 1 : i32
        %add3A_151 = arith.addi %select_n3A_148, %add3A_150 : i32
        %select_n3A_152 = arith.constant true
        %select_n3A_153 = arith.select %select_n3A_152, %add3A_151, %select_n3A_148 : i32
        %eq3A_154 = arith.constant 128 : i32
        %eq3A_155 = arith.cmpi eq, %select_n3A_153, %eq3A_154 : i32
        %select_n3A_156 = arith.constant 0 : i32
        %select_n3A_157 = arith.select %eq3A_155, %select_n3A_156, %select_n3A_153 : i32
        %add3A_158 = arith.addi %select_n3A_157, %mul3A_6 : i32
        %ne3A = arith.cmpi ne, %add3A_131, %add3A_149 : i32
        %or3A = arith.constant false
        %or3A_159 = arith.ori %or3A, %ne3A : i1
        %ge3A = arith.constant 127 : i32
        %ge3A_160 = arith.cmpi sge, %scan3A_121, %ge3A : i32
        %not3A = arith.constant true
        %not3A_161 = arith.xori %ge3A_160, %not3A : i1
        %and3A = arith.andi %or3A_159, %not3A_161 : i1
        %convert_element_type3A = arith.extui %and3A : i1 to i32
        %cond3A = arith.constant 0 : i32
        %cond3A_162 = arith.cmpi ne, %convert_element_type3A, %cond3A : i32
        scf.if %cond3A_162 {
          "tpu.trace_start"() <{level = 10 : i32, message = "ep_copy_in"}> : () -> ()
          %rem3A_264 = arith.constant 2 : i32
          %rem3A_265 = arith.remui %scan3A_122, %rem3A_264 : i32
          %mul3A_266 = arith.constant 128 : i32
          %mul3A_267 = arith.muli %mul3A_266, %add3A_149 : i32
          %dma_start3A_268 = arith.constant 0 : i32
          %dma_start3A_269 = arith.constant 0 : i32
          %dma_start3A_270 = tpu.memref_slice %run_scoped3A[%rem3A_265, %dma_start3A_268, %dma_start3A_269] : memref<2x1x128xi32, #tpu.memory_space<vmem>> -> memref<1x1x128xi32, #tpu.memory_space<vmem>>
          %dma_start3A_271 = tpu.memref_squeeze %dma_start3A_270 : memref<1x1x128xi32, #tpu.memory_space<vmem>> -> memref<1x128xi32, #tpu.memory_space<vmem>>
          %dma_start3A_272 = arith.constant 0 : i32
          %dma_start3A_273 = tpu.memref_slice %arg3[%dma_start3A_272, %mul3A_267] : memref<1x524288xi32, #tpu.memory_space<hbm>> -> memref<1x128xi32, #tpu.memory_space<hbm>>
          %dma_start3A_274 = tpu.memref_slice %run_scoped3A_7[%rem3A_265] : memref<2x!tpu.dma_semaphore, #tpu.memory_space<semaphore_mem>> -> memref<1x!tpu.dma_semaphore, #tpu.memory_space<semaphore_mem>>
          %dma_start3A_275 = tpu.memref_squeeze %dma_start3A_274 : memref<1x!tpu.dma_semaphore, #tpu.memory_space<semaphore_mem>> -> memref<!tpu.dma_semaphore, #tpu.memory_space<semaphore_mem>>
          %dma_start3A_276 = arith.constant 0 : i32
          %dma_start3A_277 = arith.constant 0 : i32
          %dma_start3A_278 = tpu.memref_slice %run_scoped3A[%rem3A_265, %dma_start3A_276, %dma_start3A_277] : memref<2x1x128xi32, #tpu.memory_space<vmem>> -> memref<1x1x128xi32, #tpu.memory_space<vmem>>
          %dma_start3A_279 = tpu.memref_squeeze %dma_start3A_278 : memref<1x1x128xi32, #tpu.memory_space<vmem>> -> memref<1x128xi32, #tpu.memory_space<vmem>>
          %dma_start3A_280 = arith.constant 0 : i32
          %dma_start3A_281 = tpu.memref_slice %arg3[%dma_start3A_280, %mul3A_267] : memref<1x524288xi32, #tpu.memory_space<hbm>> -> memref<1x128xi32, #tpu.memory_space<hbm>>
          tpu.enqueue_dma source(%dma_start3A_281 : memref<1x128xi32, #tpu.memory_space<hbm>>) target(%dma_start3A_279 : memref<1x128xi32, #tpu.memory_space<vmem>>) target_semaphore(%dma_start3A_275 : memref<!tpu.dma_semaphore, #tpu.memory_space<semaphore_mem>>)
          "tpu.trace_stop"() : () -> ()
        } else {
        }
        %and3A_163 = arith.constant true
        %and3A_164 = arith.andi %and3A, %and3A_163 : i1
        %add3A_165 = arith.constant 1 : i32
        %add3A_166 = arith.addi %scan3A_122, %add3A_165 : i32
        %select_n3A_167 = arith.select %and3A_164, %add3A_166, %scan3A_122 : i32
        %ne3A_168 = arith.cmpi ne, %add3A_131, %add3A_149 : i32
        %or3A_169 = arith.constant false
        %or3A_170 = arith.ori %or3A_169, %ne3A_168 : i1
        %or3A_171 = arith.constant false
        %or3A_172 = arith.ori %or3A_170, %or3A_171 : i1
        %ge3A_173 = arith.constant 127 : i32
        %ge3A_174 = arith.cmpi sge, %scan3A_121, %ge3A_173 : i32
        %not3A_175 = arith.constant true
        %not3A_176 = arith.xori %ge3A_174, %not3A_175 : i1
        %and3A_177 = arith.andi %or3A_172, %not3A_176 : i1
        %ne3A_178 = arith.cmpi ne, %add3A_131, %add3A_140 : i32
        %or3A_179 = arith.constant false
        %or3A_180 = arith.ori %or3A_179, %ne3A_178 : i1
        %or3A_181 = arith.ori %or3A_180, %eq3A_128 : i1
        %convert_element_type3A_182 = arith.extui %or3A_181 : i1 to i32
        %cond3A_183 = arith.constant 0 : i32
        %cond3A_184 = arith.cmpi ne, %convert_element_type3A_182, %cond3A_183 : i32
        scf.if %cond3A_184 {
          "tpu.trace_start"() <{level = 10 : i32, message = "ep_wait_in"}> : () -> ()
          %mul3A_264 = arith.constant 128 : i32
          %mul3A_265 = arith.muli %mul3A_264, %add3A_131 : i32
          %rem3A_266 = arith.constant 2 : i32
          %rem3A_267 = arith.remui %scan3A_123, %rem3A_266 : i32
          %dma_wait3A_268 = arith.constant 0 : i32
          %dma_wait3A_269 = arith.constant 0 : i32
          %dma_wait3A_270 = tpu.memref_slice %run_scoped3A[%rem3A_267, %dma_wait3A_268, %dma_wait3A_269] : memref<2x1x128xi32, #tpu.memory_space<vmem>> -> memref<1x1x128xi32, #tpu.memory_space<vmem>>
          %dma_wait3A_271 = tpu.memref_squeeze %dma_wait3A_270 : memref<1x1x128xi32, #tpu.memory_space<vmem>> -> memref<1x128xi32, #tpu.memory_space<vmem>>
          %dma_wait3A_272 = arith.constant 0 : i32
          %dma_wait3A_273 = tpu.memref_slice %arg3[%dma_wait3A_272, %mul3A_265] : memref<1x524288xi32, #tpu.memory_space<hbm>> -> memref<1x128xi32, #tpu.memory_space<hbm>>
          %dma_wait3A_274 = tpu.memref_slice %run_scoped3A_7[%rem3A_267] : memref<2x!tpu.dma_semaphore, #tpu.memory_space<semaphore_mem>> -> memref<1x!tpu.dma_semaphore, #tpu.memory_space<semaphore_mem>>
          %dma_wait3A_275 = tpu.memref_squeeze %dma_wait3A_274 : memref<1x!tpu.dma_semaphore, #tpu.memory_space<semaphore_mem>> -> memref<!tpu.dma_semaphore, #tpu.memory_space<semaphore_mem>>
          %dma_wait3A_276 = arith.constant 0 : i32
          %dma_wait3A_277 = arith.constant 0 : i32
          %dma_wait3A_278 = tpu.memref_slice %run_scoped3A[%rem3A_267, %dma_wait3A_276, %dma_wait3A_277] : memref<2x1x128xi32, #tpu.memory_space<vmem>> -> memref<1x1x128xi32, #tpu.memory_space<vmem>>
          %dma_wait3A_279 = tpu.memref_squeeze %dma_wait3A_278 : memref<1x1x128xi32, #tpu.memory_space<vmem>> -> memref<1x128xi32, #tpu.memory_space<vmem>>
          %dma_wait3A_280 = arith.constant 0 : i32
          %dma_wait3A_281 = tpu.memref_slice %arg3[%dma_wait3A_280, %mul3A_265] : memref<1x524288xi32, #tpu.memory_space<hbm>> -> memref<1x128xi32, #tpu.memory_space<hbm>>
          tpu.wait_dma2 semaphore(%dma_wait3A_275 : memref<!tpu.dma_semaphore, #tpu.memory_space<semaphore_mem>>) src(%dma_wait3A_281 : memref<1x128xi32, #tpu.memory_space<hbm>>) dst(%dma_wait3A_279 : memref<1x128xi32, #tpu.memory_space<vmem>>)
          "tpu.trace_stop"() : () -> ()
        } else {
        }
        %ne3A_185 = arith.cmpi ne, %add3A_131, %add3A_140 : i32
        %or3A_186 = arith.constant false
        %or3A_187 = arith.ori %or3A_186, %ne3A_185 : i1
        %or3A_188 = arith.constant false
        %or3A_189 = arith.ori %or3A_187, %or3A_188 : i1
        %or3A_190 = arith.ori %or3A_189, %eq3A_128 : i1
        %convert_element_type3A_191 = arith.extui %or3A_190 : i1 to i32
        %cond3A_192 = arith.constant 0 : i32
        %cond3A_193 = arith.cmpi ne, %convert_element_type3A_191, %cond3A_192 : i32
        scf.if %cond3A_193 {
        } else {
        }
        %rem3A_194 = arith.constant 2 : i32
        %rem3A_195 = arith.remui %scan3A_123, %rem3A_194 : i32
        %rem3A_196 = arith.constant 2 : i32
        %rem3A_197 = arith.remui %scan3A_124, %rem3A_196 : i32
        %run_scoped3A_198 = arith.constant 0 : i32
        "tpu.trace_start"() <{level = 10 : i32, message = "ep_run_kernel"}> : () -> ()
        "tpu.region"() ({
          %run_scoped3A_264 = tpu.sem_alloc : memref<!tpu.dma_semaphore, #tpu.memory_space<semaphore_mem>>
          %dma_start3A_265 = arith.constant 0 : i32
          %dma_start3A_266 = arith.constant 0 : i32
          %dma_start3A_267 = tpu.memref_slice %run_scoped3A_8[%rem3A_197, %dma_start3A_265, %dma_start3A_266] : memref<2x128x128xf32, #tpu.memory_space<vmem>> -> memref<1x128x128xf32, #tpu.memory_space<vmem>>
          %dma_start3A_268 = tpu.memref_squeeze %dma_start3A_267 : memref<1x128x128xf32, #tpu.memory_space<vmem>> -> memref<128x128xf32, #tpu.memory_space<vmem>>
          %dma_start3A_269 = arith.constant 0 : i32
          %dma_start3A_270 = arith.constant 0 : i32
          %dma_start3A_271 = tpu.memref_slice %run_scoped3A[%rem3A_195, %dma_start3A_269, %dma_start3A_270] : memref<2x1x128xi32, #tpu.memory_space<vmem>> -> memref<1x1x128xi32, #tpu.memory_space<vmem>>
          %dma_start3A_272 = tpu.memref_squeeze %dma_start3A_271 : memref<1x1x128xi32, #tpu.memory_space<vmem>> -> memref<1x128xi32, #tpu.memory_space<vmem>>
          %dma_start3A_273 = arith.constant 0 : i32
          %dma_start3A_274 = tpu.memref_slice %dma_start3A_272[%run_scoped3A_198, %dma_start3A_273] : memref<1x128xi32, #tpu.memory_space<vmem>> -> memref<1x128xi32, #tpu.memory_space<vmem>>
          %dma_start3A_275 = tpu.memref_squeeze %dma_start3A_274 : memref<1x128xi32, #tpu.memory_space<vmem>> -> memref<128xi32, #tpu.memory_space<vmem>>
          %dma_start3A_276 = arith.constant 0 : i32
          %dma_start3A_277 = arith.constant 0 : i32
          %dma_start3A_278 = tpu.memref_slice %arg2[%dma_start3A_276, %dma_start3A_277] : memref<16384x128xf32, #tpu.memory_space<hbm>> -> memref<16384x128xf32, #tpu.memory_space<hbm>>
          tpu.enqueue_indirect_dma source(%dma_start3A_278 : memref<16384x128xf32, #tpu.memory_space<hbm>>) target(%dma_start3A_268 : memref<128x128xf32, #tpu.memory_space<vmem>>) offsets(%dma_start3A_275 : memref<128xi32, #tpu.memory_space<vmem>>) semaphore(%run_scoped3A_264 : memref<!tpu.dma_semaphore, #tpu.memory_space<semaphore_mem>>)
          %dma_wait3A_279 = arith.constant 0 : i32
          %dma_wait3A_280 = arith.constant 0 : i32
          %dma_wait3A_281 = tpu.memref_slice %run_scoped3A_8[%rem3A_197, %dma_wait3A_279, %dma_wait3A_280] : memref<2x128x128xf32, #tpu.memory_space<vmem>> -> memref<1x128x128xf32, #tpu.memory_space<vmem>>
          %dma_wait3A_282 = tpu.memref_squeeze %dma_wait3A_281 : memref<1x128x128xf32, #tpu.memory_space<vmem>> -> memref<128x128xf32, #tpu.memory_space<vmem>>
          %dma_wait3A_283 = arith.constant 0 : i32
          %dma_wait3A_284 = arith.constant 0 : i32
          %dma_wait3A_285 = tpu.memref_slice %run_scoped3A[%rem3A_195, %dma_wait3A_283, %dma_wait3A_284] : memref<2x1x128xi32, #tpu.memory_space<vmem>> -> memref<1x1x128xi32, #tpu.memory_space<vmem>>
          %dma_wait3A_286 = tpu.memref_squeeze %dma_wait3A_285 : memref<1x1x128xi32, #tpu.memory_space<vmem>> -> memref<1x128xi32, #tpu.memory_space<vmem>>
          %dma_wait3A_287 = arith.constant 0 : i32
          %dma_wait3A_288 = tpu.memref_slice %dma_wait3A_286[%run_scoped3A_198, %dma_wait3A_287] : memref<1x128xi32, #tpu.memory_space<vmem>> -> memref<1x128xi32, #tpu.memory_space<vmem>>
          %dma_wait3A_289 = tpu.memref_squeeze %dma_wait3A_288 : memref<1x128xi32, #tpu.memory_space<vmem>> -> memref<128xi32, #tpu.memory_space<vmem>>
          %dma_wait3A_290 = arith.constant 0 : i32
          %dma_wait3A_291 = arith.constant 0 : i32
          %dma_wait3A_292 = tpu.memref_slice %arg2[%dma_wait3A_290, %dma_wait3A_291] : memref<16384x128xf32, #tpu.memory_space<hbm>> -> memref<16384x128xf32, #tpu.memory_space<hbm>>
          tpu.wait_indirect_dma semaphore(%run_scoped3A_264 : memref<!tpu.dma_semaphore, #tpu.memory_space<semaphore_mem>>) src(%dma_wait3A_292 : memref<16384x128xf32, #tpu.memory_space<hbm>>) dst(%dma_wait3A_282 : memref<128x128xf32, #tpu.memory_space<vmem>>)
          tpu.yield
        }) : () -> ()
        "tpu.trace_stop"() : () -> ()
        %ne3A_199 = arith.cmpi ne, %add3A_131, %add3A_149 : i32
        %or3A_200 = arith.constant false
        %or3A_201 = arith.ori %or3A_200, %ne3A_199 : i1
        %or3A_202 = arith.ori %or3A_201, %eq3A_130 : i1
        %convert_element_type3A_203 = arith.extui %or3A_202 : i1 to i32
        %cond3A_204 = arith.constant 0 : i32
        %cond3A_205 = arith.cmpi ne, %convert_element_type3A_203, %cond3A_204 : i32
        scf.if %cond3A_205 {
        } else {
        }
        %and3A_206 = arith.constant false
        %and3A_207 = arith.andi %or3A_202, %and3A_206 : i1
        %ne3A_208 = arith.cmpi ne, %add3A_131, %add3A_149 : i32
        %or3A_209 = arith.constant false
        %or3A_210 = arith.ori %or3A_209, %ne3A_208 : i1
        %or3A_211 = arith.constant false
        %or3A_212 = arith.ori %or3A_210, %or3A_211 : i1
        %or3A_213 = arith.ori %or3A_212, %eq3A_130 : i1
        %convert_element_type3A_214 = arith.extui %or3A_213 : i1 to i32
        %cond3A_215 = arith.constant 0 : i32
        %cond3A_216 = arith.cmpi ne, %convert_element_type3A_214, %cond3A_215 : i32
        scf.if %cond3A_216 {
          "tpu.trace_start"() <{level = 10 : i32, message = "ep_copy_out"}> : () -> ()
          %rem3A_264 = arith.constant 2 : i32
          %rem3A_265 = arith.remui %scan3A_124, %rem3A_264 : i32
          %mul3A_266 = arith.constant 128 : i32
          %mul3A_267 = arith.muli %mul3A_266, %add3A_131 : i32
          %dma_start3A_268 = arith.constant 0 : i32
          %dma_start3A_269 = arith.constant 0 : i32
          %dma_start3A_270 = tpu.memref_slice %run_scoped3A_8[%rem3A_265, %dma_start3A_268, %dma_start3A_269] : memref<2x128x128xf32, #tpu.memory_space<vmem>> -> memref<1x128x128xf32, #tpu.memory_space<vmem>>
          %dma_start3A_271 = tpu.memref_squeeze %dma_start3A_270 : memref<1x128x128xf32, #tpu.memory_space<vmem>> -> memref<128x128xf32, #tpu.memory_space<vmem>>
          %dma_start3A_272 = arith.constant 0 : i32
          %dma_start3A_273 = tpu.memref_slice %arg4[%mul3A_267, %dma_start3A_272] : memref<524288x128xf32, #tpu.memory_space<hbm>> -> memref<128x128xf32, #tpu.memory_space<hbm>>
          %dma_start3A_274 = tpu.memref_slice %run_scoped3A_9[%rem3A_265] : memref<2x!tpu.dma_semaphore, #tpu.memory_space<semaphore_mem>> -> memref<1x!tpu.dma_semaphore, #tpu.memory_space<semaphore_mem>>
          %dma_start3A_275 = tpu.memref_squeeze %dma_start3A_274 : memref<1x!tpu.dma_semaphore, #tpu.memory_space<semaphore_mem>> -> memref<!tpu.dma_semaphore, #tpu.memory_space<semaphore_mem>>
          %dma_start3A_276 = arith.constant 0 : i32
          %dma_start3A_277 = tpu.memref_slice %arg4[%mul3A_267, %dma_start3A_276] : memref<524288x128xf32, #tpu.memory_space<hbm>> -> memref<128x128xf32, #tpu.memory_space<hbm>>
          %dma_start3A_278 = arith.constant 0 : i32
          %dma_start3A_279 = arith.constant 0 : i32
          %dma_start3A_280 = tpu.memref_slice %run_scoped3A_8[%rem3A_265, %dma_start3A_278, %dma_start3A_279] : memref<2x128x128xf32, #tpu.memory_space<vmem>> -> memref<1x128x128xf32, #tpu.memory_space<vmem>>
          %dma_start3A_281 = tpu.memref_squeeze %dma_start3A_280 : memref<1x128x128xf32, #tpu.memory_space<vmem>> -> memref<128x128xf32, #tpu.memory_space<vmem>>
          tpu.enqueue_dma source(%dma_start3A_281 : memref<128x128xf32, #tpu.memory_space<vmem>>) target(%dma_start3A_277 : memref<128x128xf32, #tpu.memory_space<hbm>>) target_semaphore(%dma_start3A_275 : memref<!tpu.dma_semaphore, #tpu.memory_space<semaphore_mem>>)
          "tpu.trace_stop"() : () -> ()
        } else {
        }
        %and3A_217 = arith.constant true
        %and3A_218 = arith.andi %or3A_213, %and3A_217 : i1
        %add3A_219 = arith.constant 1 : i32
        %add3A_220 = arith.addi %scan3A_124, %add3A_219 : i32
        %select_n3A_221 = arith.select %and3A_218, %add3A_220, %scan3A_124 : i32
        %ne3A_222 = arith.cmpi ne, %add3A_131, %add3A_140 : i32
        %or3A_223 = arith.constant false
        %or3A_224 = arith.ori %or3A_223, %ne3A_222 : i1
        %not3A_225 = arith.constant true
        %not3A_226 = arith.xori %eq3A_128, %not3A_225 : i1
        %and3A_227 = arith.andi %or3A_224, %not3A_226 : i1
        %convert_element_type3A_228 = arith.extui %and3A_227 : i1 to i32
        %cond3A_229 = arith.constant 0 : i32
        %cond3A_230 = arith.cmpi ne, %convert_element_type3A_228, %cond3A_229 : i32
        scf.if %cond3A_230 {
        } else {
        }
        %and3A_231 = arith.constant false
        %and3A_232 = arith.andi %and3A_227, %and3A_231 : i1
        %ne3A_233 = arith.cmpi ne, %add3A_131, %add3A_140 : i32
        %or3A_234 = arith.constant false
        %or3A_235 = arith.ori %or3A_234, %ne3A_233 : i1
        %or3A_236 = arith.constant false
        %or3A_237 = arith.ori %or3A_235, %or3A_236 : i1
        %not3A_238 = arith.constant true
        %not3A_239 = arith.xori %eq3A_128, %not3A_238 : i1
        %and3A_240 = arith.andi %or3A_237, %not3A_239 : i1
        %convert_element_type3A_241 = arith.extui %and3A_240 : i1 to i32
        %cond3A_242 = arith.constant 0 : i32
        %cond3A_243 = arith.cmpi ne, %convert_element_type3A_241, %cond3A_242 : i32
        scf.if %cond3A_243 {
          "tpu.trace_start"() <{level = 10 : i32, message = "ep_wait_out"}> : () -> ()
          %rem3A_264 = arith.constant 2 : i32
          %rem3A_265 = arith.remui %scan3A_125, %rem3A_264 : i32
          %mul3A_266 = arith.constant 128 : i32
          %mul3A_267 = arith.muli %mul3A_266, %add3A_140 : i32
          %dma_wait3A_268 = arith.constant 0 : i32
          %dma_wait3A_269 = arith.constant 0 : i32
          %dma_wait3A_270 = tpu.memref_slice %run_scoped3A_8[%rem3A_265, %dma_wait3A_268, %dma_wait3A_269] : memref<2x128x128xf32, #tpu.memory_space<vmem>> -> memref<1x128x128xf32, #tpu.memory_space<vmem>>
          %dma_wait3A_271 = tpu.memref_squeeze %dma_wait3A_270 : memref<1x128x128xf32, #tpu.memory_space<vmem>> -> memref<128x128xf32, #tpu.memory_space<vmem>>
          %dma_wait3A_272 = arith.constant 0 : i32
          %dma_wait3A_273 = tpu.memref_slice %arg4[%mul3A_267, %dma_wait3A_272] : memref<524288x128xf32, #tpu.memory_space<hbm>> -> memref<128x128xf32, #tpu.memory_space<hbm>>
          %dma_wait3A_274 = tpu.memref_slice %run_scoped3A_9[%rem3A_265] : memref<2x!tpu.dma_semaphore, #tpu.memory_space<semaphore_mem>> -> memref<1x!tpu.dma_semaphore, #tpu.memory_space<semaphore_mem>>
          %dma_wait3A_275 = tpu.memref_squeeze %dma_wait3A_274 : memref<1x!tpu.dma_semaphore, #tpu.memory_space<semaphore_mem>> -> memref<!tpu.dma_semaphore, #tpu.memory_space<semaphore_mem>>
          %dma_wait3A_276 = arith.constant 0 : i32
          %dma_wait3A_277 = tpu.memref_slice %arg4[%mul3A_267, %dma_wait3A_276] : memref<524288x128xf32, #tpu.memory_space<hbm>> -> memref<128x128xf32, #tpu.memory_space<hbm>>
          %dma_wait3A_278 = arith.constant 0 : i32
          %dma_wait3A_279 = arith.constant 0 : i32
          %dma_wait3A_280 = tpu.memref_slice %run_scoped3A_8[%rem3A_265, %dma_wait3A_278, %dma_wait3A_279] : memref<2x128x128xf32, #tpu.memory_space<vmem>> -> memref<1x128x128xf32, #tpu.memory_space<vmem>>
          %dma_wait3A_281 = tpu.memref_squeeze %dma_wait3A_280 : memref<1x128x128xf32, #tpu.memory_space<vmem>> -> memref<128x128xf32, #tpu.memory_space<vmem>>
          tpu.wait_dma2 semaphore(%dma_wait3A_275 : memref<!tpu.dma_semaphore, #tpu.memory_space<semaphore_mem>>) src(%dma_wait3A_281 : memref<128x128xf32, #tpu.memory_space<vmem>>) dst(%dma_wait3A_277 : memref<128x128xf32, #tpu.memory_space<hbm>>)
          "tpu.trace_stop"() : () -> ()
        } else {
        }
        %and3A_244 = arith.constant true
        %and3A_245 = arith.andi %and3A_240, %and3A_244 : i1
        %add3A_246 = arith.constant 1 : i32
        %add3A_247 = arith.addi %scan3A_125, %add3A_246 : i32
        %select_n3A_248 = arith.select %and3A_245, %add3A_247, %scan3A_125 : i32
        %ne3A_249 = arith.cmpi ne, %add3A_131, %add3A_149 : i32
        %or3A_250 = arith.constant false
        %or3A_251 = arith.ori %or3A_250, %ne3A_249 : i1
        %or3A_252 = arith.ori %or3A_251, %eq3A_130 : i1
        %add3A_253 = arith.constant 1 : i32
        %add3A_254 = arith.addi %scan3A_123, %add3A_253 : i32
        %select_n3A_255 = arith.select %or3A_252, %add3A_254, %scan3A_123 : i32
        %add3A_256 = arith.constant 1 : i32
        %add3A_257 = arith.addi %scan3A_126, %add3A_256 : i32
        %select_n3A_258 = arith.constant true
        %select_n3A_259 = arith.select %select_n3A_258, %add3A_257, %scan3A_126 : i32
        %eq3A_260 = arith.constant 128 : i32
        %eq3A_261 = arith.cmpi eq, %select_n3A_259, %eq3A_260 : i32
        %select_n3A_262 = arith.constant 0 : i32
        %select_n3A_263 = arith.select %eq3A_261, %select_n3A_262, %select_n3A_259 : i32
        scf.yield %select_n3A_167, %select_n3A_255, %select_n3A_221, %select_n3A_248, %select_n3A_263 : i32, i32, i32, i32, i32
      }
      %scan3A_68 = arith.constant 128 : i32
      %sub3A = arith.constant 1 : i32
      %sub3A_69 = arith.subi %scan3A_67#4, %sub3A : i32
      %select_n3A_70 = arith.constant true
      %select_n3A_71 = arith.select %select_n3A_70, %sub3A_69, %scan3A_67#4 : i32
      %eq3A_72 = arith.constant -1 : i32
      %eq3A_73 = arith.cmpi eq, %select_n3A_71, %eq3A_72 : i32
      %select_n3A_74 = arith.constant 127 : i32
      %select_n3A_75 = arith.select %eq3A_73, %select_n3A_74, %select_n3A_71 : i32
      %add3A_76 = arith.addi %select_n3A_75, %mul3A_6 : i32
      %sub3A_77 = arith.constant 1 : i32
      %sub3A_78 = arith.subi %select_n3A_75, %sub3A_77 : i32
      %select_n3A_79 = arith.constant true
      %select_n3A_80 = arith.select %select_n3A_79, %sub3A_78, %select_n3A_75 : i32
      %eq3A_81 = arith.constant -1 : i32
      %eq3A_82 = arith.cmpi eq, %select_n3A_80, %eq3A_81 : i32
      %select_n3A_83 = arith.constant 127 : i32
      %select_n3A_84 = arith.select %eq3A_82, %select_n3A_83, %select_n3A_80 : i32
      %add3A_85 = arith.addi %select_n3A_84, %mul3A_6 : i32
      %add3A_86 = arith.constant 1 : i32
      %add3A_87 = arith.addi %select_n3A_75, %add3A_86 : i32
      %select_n3A_88 = arith.constant true
      %select_n3A_89 = arith.select %select_n3A_88, %add3A_87, %select_n3A_75 : i32
      %eq3A_90 = arith.constant 128 : i32
      %eq3A_91 = arith.cmpi eq, %select_n3A_89, %eq3A_90 : i32
      %select_n3A_92 = arith.constant 0 : i32
      %select_n3A_93 = arith.select %eq3A_91, %select_n3A_92, %select_n3A_89 : i32
      %add3A_94 = arith.addi %select_n3A_93, %mul3A_6 : i32
      %add3A_95 = arith.constant 1 : i32
      %add3A_96 = arith.addi %select_n3A_93, %add3A_95 : i32
      %select_n3A_97 = arith.constant true
      %select_n3A_98 = arith.select %select_n3A_97, %add3A_96, %select_n3A_93 : i32
      %eq3A_99 = arith.constant 128 : i32
      %eq3A_100 = arith.cmpi eq, %select_n3A_98, %eq3A_99 : i32
      %select_n3A_101 = arith.constant 0 : i32
      %select_n3A_102 = arith.select %eq3A_100, %select_n3A_101, %select_n3A_98 : i32
      %add3A_103 = arith.addi %select_n3A_102, %mul3A_6 : i32
      "tpu.trace_start"() <{level = 10 : i32, message = "ep_finalize"}> : () -> ()
      %rem3A_104 = arith.constant 2 : i32
      %rem3A_105 = arith.remui %scan3A_67#3, %rem3A_104 : i32
      %mul3A_106 = arith.constant 128 : i32
      %mul3A_107 = arith.muli %mul3A_106, %add3A_76 : i32
      %dma_wait3A = arith.constant 0 : i32
      %dma_wait3A_108 = arith.constant 0 : i32
      %dma_wait3A_109 = tpu.memref_slice %run_scoped3A_8[%rem3A_105, %dma_wait3A, %dma_wait3A_108] : memref<2x128x128xf32, #tpu.memory_space<vmem>> -> memref<1x128x128xf32, #tpu.memory_space<vmem>>
      %dma_wait3A_110 = tpu.memref_squeeze %dma_wait3A_109 : memref<1x128x128xf32, #tpu.memory_space<vmem>> -> memref<128x128xf32, #tpu.memory_space<vmem>>
      %dma_wait3A_111 = arith.constant 0 : i32
      %dma_wait3A_112 = tpu.memref_slice %arg4[%mul3A_107, %dma_wait3A_111] : memref<524288x128xf32, #tpu.memory_space<hbm>> -> memref<128x128xf32, #tpu.memory_space<hbm>>
      %dma_wait3A_113 = tpu.memref_slice %run_scoped3A_9[%rem3A_105] : memref<2x!tpu.dma_semaphore, #tpu.memory_space<semaphore_mem>> -> memref<1x!tpu.dma_semaphore, #tpu.memory_space<semaphore_mem>>
      %dma_wait3A_114 = tpu.memref_squeeze %dma_wait3A_113 : memref<1x!tpu.dma_semaphore, #tpu.memory_space<semaphore_mem>> -> memref<!tpu.dma_semaphore, #tpu.memory_space<semaphore_mem>>
      %dma_wait3A_115 = arith.constant 0 : i32
      %dma_wait3A_116 = tpu.memref_slice %arg4[%mul3A_107, %dma_wait3A_115] : memref<524288x128xf32, #tpu.memory_space<hbm>> -> memref<128x128xf32, #tpu.memory_space<hbm>>
      %dma_wait3A_117 = arith.constant 0 : i32
      %dma_wait3A_118 = arith.constant 0 : i32
      %dma_wait3A_119 = tpu.memref_slice %run_scoped3A_8[%rem3A_105, %dma_wait3A_117, %dma_wait3A_118] : memref<2x128x128xf32, #tpu.memory_space<vmem>> -> memref<1x128x128xf32, #tpu.memory_space<vmem>>
      %dma_wait3A_120 = tpu.memref_squeeze %dma_wait3A_119 : memref<1x128x128xf32, #tpu.memory_space<vmem>> -> memref<128x128xf32, #tpu.memory_space<vmem>>
      tpu.wait_dma2 semaphore(%dma_wait3A_114 : memref<!tpu.dma_semaphore, #tpu.memory_space<semaphore_mem>>) src(%dma_wait3A_120 : memref<128x128xf32, #tpu.memory_space<vmem>>) dst(%dma_wait3A_116 : memref<128x128xf32, #tpu.memory_space<hbm>>)
      "tpu.trace_stop"() : () -> ()
      tpu.yield
    }) : () -> ()
    return
  }
}

#map = affine_map<(d0, d1) -> (0, 0)>
module attributes {stable_mosaic.version = 14 : i64} {
  func.func @gather_kernel(%arg0: i32, %arg1: i32, %arg2: memref<16384x128xf32, #tpu.memory_space<hbm>>, %arg3: memref<1x524288xi32, #tpu.memory_space<hbm>>, %arg4: memref<524288x128xf32, #tpu.memory_space<hbm>>) attributes {dimension_semantics = [#tpu.dimension_semantics<core_parallel>, #tpu.dimension_semantics<subcore_parallel>], iteration_bounds = array<i64: 2, 16>, scalar_prefetch = 0 : i64, scratch_operands = 0 : i64, tpu.core_type = #tpu.core_type<sc_vector_subcore>, window_params = [{transform_indices = #map}, {transform_indices = #map}, {transform_indices = #map}]} {
    %mul3A = arith.constant 1 : i32
    %mul3A_0 = arith.muli %arg1, %mul3A : i32
    %add3A = arith.constant 0 : i32
    %add3A_1 = arith.addi %add3A, %mul3A_0 : i32
    %mul3A_2 = arith.constant 16 : i32
    %mul3A_3 = arith.muli %arg0, %mul3A_2 : i32
    %add3A_4 = arith.addi %add3A_1, %mul3A_3 : i32
    %mul3A_5 = arith.constant 128 : i32
    %mul3A_6 = arith.muli %add3A_4, %mul3A_5 : i32
    "tpu.region"() ({
      %run_scoped3A = memref.alloca() : memref<2x1x128xi32, #tpu.memory_space<vmem>>
      %run_scoped3A_7 = tpu.sem_alloc : memref<2x!tpu.dma_semaphore, #tpu.memory_space<semaphore_mem>>
      %run_scoped3A_8 = memref.alloca() : memref<2x128x128xf32, #tpu.memory_space<vmem>>
      %run_scoped3A_9 = tpu.sem_alloc : memref<2x!tpu.dma_semaphore, #tpu.memory_space<semaphore_mem>>
      %add3A_10 = arith.constant 0 : i32
      %add3A_11 = arith.addi %add3A_10, %mul3A_6 : i32
      %select_n3A = arith.constant true
      %select_n3A_12 = arith.constant 0 : i32
      %select_n3A_13 = arith.constant -1 : i32
      %select_n3A_14 = arith.select %select_n3A, %select_n3A_13, %select_n3A_12 : i32
      %eq3A = arith.constant -1 : i32
      %eq3A_15 = arith.cmpi eq, %select_n3A_14, %eq3A : i32
      %select_n3A_16 = arith.constant 127 : i32
      %select_n3A_17 = arith.select %eq3A_15, %select_n3A_16, %select_n3A_14 : i32
      %add3A_18 = arith.addi %select_n3A_17, %mul3A_6 : i32
      %select_n3A_19 = arith.constant true
      %select_n3A_20 = arith.constant 0 : i32
      %select_n3A_21 = arith.constant 1 : i32
      %select_n3A_22 = arith.select %select_n3A_19, %select_n3A_21, %select_n3A_20 : i32
      %eq3A_23 = arith.constant 128 : i32
      %eq3A_24 = arith.cmpi eq, %select_n3A_22, %eq3A_23 : i32
      %select_n3A_25 = arith.constant 0 : i32
      %select_n3A_26 = arith.select %eq3A_24, %select_n3A_25, %select_n3A_22 : i32
      %add3A_27 = arith.addi %select_n3A_26, %mul3A_6 : i32
      %add3A_28 = arith.constant 1 : i32
      %add3A_29 = arith.addi %select_n3A_26, %add3A_28 : i32
      %select_n3A_30 = arith.constant true
      %select_n3A_31 = arith.select %select_n3A_30, %add3A_29, %select_n3A_26 : i32
      %eq3A_32 = arith.constant 128 : i32
      %eq3A_33 = arith.cmpi eq, %select_n3A_31, %eq3A_32 : i32
      %select_n3A_34 = arith.constant 0 : i32
      %select_n3A_35 = arith.select %eq3A_33, %select_n3A_34, %select_n3A_31 : i32
      %add3A_36 = arith.addi %select_n3A_35, %mul3A_6 : i32
      "tpu.trace_start"() <{level = 10 : i32, message = "ep_initialize_0"}> : () -> ()
      %rem3A = arith.constant 0 : i32
      %rem3A_37 = arith.constant 2 : i32
      %rem3A_38 = arith.remui %rem3A, %rem3A_37 : i32
      %mul3A_39 = arith.constant 128 : i32
      %mul3A_40 = arith.muli %mul3A_39, %add3A_11 : i32
      %dma_start3A = arith.constant 0 : i32
      %dma_start3A_41 = arith.constant 0 : i32
      %dma_start3A_42 = tpu.memref_slice %run_scoped3A[%rem3A_38, %dma_start3A, %dma_start3A_41] : memref<2x1x128xi32, #tpu.memory_space<vmem>> -> memref<1x1x128xi32, #tpu.memory_space<vmem>>
      %dma_start3A_43 = tpu.memref_squeeze %dma_start3A_42 : memref<1x1x128xi32, #tpu.memory_space<vmem>> -> memref<1x128xi32, #tpu.memory_space<vmem>>
      %dma_start3A_44 = arith.constant 0 : i32
      %dma_start3A_45 = tpu.memref_slice %arg3[%dma_start3A_44, %mul3A_40] : memref<1x524288xi32, #tpu.memory_space<hbm>> -> memref<1x128xi32, #tpu.memory_space<hbm>>
      %dma_start3A_46 = tpu.memref_slice %run_scoped3A_7[%rem3A_38] : memref<2x!tpu.dma_semaphore, #tpu.memory_space<semaphore_mem>> -> memref<1x!tpu.dma_semaphore, #tpu.memory_space<semaphore_mem>>
      %dma_start3A_47 = tpu.memref_squeeze %dma_start3A_46 : memref<1x!tpu.dma_semaphore, #tpu.memory_space<semaphore_mem>> -> memref<!tpu.dma_semaphore, #tpu.memory_space<semaphore_mem>>
      %dma_start3A_48 = arith.constant 0 : i32
      %dma_start3A_49 = arith.constant 0 : i32
      %dma_start3A_50 = tpu.memref_slice %run_scoped3A[%rem3A_38, %dma_start3A_48, %dma_start3A_49] : memref<2x1x128xi32, #tpu.memory_space<vmem>> -> memref<1x1x128xi32, #tpu.memory_space<vmem>>
      %dma_start3A_51 = tpu.memref_squeeze %dma_start3A_50 : memref<1x1x128xi32, #tpu.memory_space<vmem>> -> memref<1x128xi32, #tpu.memory_space<vmem>>
      %dma_start3A_52 = arith.constant 0 : i32
      %dma_start3A_53 = tpu.memref_slice %arg3[%dma_start3A_52, %mul3A_40] : memref<1x524288xi32, #tpu.memory_space<hbm>> -> memref<1x128xi32, #tpu.memory_space<hbm>>
      tpu.enqueue_dma source(%dma_start3A_53 : memref<1x128xi32, #tpu.memory_space<hbm>>) target(%dma_start3A_51 : memref<1x128xi32, #tpu.memory_space<vmem>>) target_semaphore(%dma_start3A_47 : memref<!tpu.dma_semaphore, #tpu.memory_space<semaphore_mem>>)
      %add3A_54 = arith.constant 0 : i32
      %add3A_55 = arith.constant 1 : i32
      %add3A_56 = arith.addi %add3A_54, %add3A_55 : i32
      %select_n3A_57 = arith.constant true
      %select_n3A_58 = arith.constant 0 : i32
      %select_n3A_59 = arith.select %select_n3A_57, %add3A_56, %select_n3A_58 : i32
      "tpu.trace_stop"() : () -> ()
      %scan3A = arith.constant 0 : i32
      %scan3A_60 = arith.constant 0 : i32
      %scan3A_61 = arith.constant 0 : i32
      %scan3A_62 = arith.constant 0 : i32
      %scan3A_63 = arith.constant 0 : i32
      %scan3A_64 = arith.constant 128 : i32
      %scan3A_65 = arith.addi %scan3A_63, %scan3A_64 : i32
      %scan3A_66 = arith.constant 1 : i32
      %scan3A_67:5 = scf.for %scan3A_121 = %scan3A_63 to %scan3A_65 step %scan3A_66 iter_args(%scan3A_122 = %select_n3A_59, %scan3A_123 = %scan3A, %scan3A_124 = %scan3A_60, %scan3A_125 = %scan3A_61, %scan3A_126 = %scan3A_62) -> (i32, i32, i32, i32, i32)  : i32 {
        %eq3A_127 = arith.constant 0 : i32
        %eq3A_128 = arith.cmpi eq, %scan3A_121, %eq3A_127 : i32
        %eq3A_129 = arith.constant 127 : i32
        %eq3A_130 = arith.cmpi eq, %scan3A_121, %eq3A_129 : i32
        %add3A_131 = arith.addi %scan3A_126, %mul3A_6 : i32
        %sub3A_132 = arith.constant 1 : i32
        %sub3A_133 = arith.subi %scan3A_126, %sub3A_132 : i32
        %select_n3A_134 = arith.constant true
        %select_n3A_135 = arith.select %select_n3A_134, %sub3A_133, %scan3A_126 : i32
        %eq3A_136 = arith.constant -1 : i32
        %eq3A_137 = arith.cmpi eq, %select_n3A_135, %eq3A_136 : i32
        %select_n3A_138 = arith.constant 127 : i32
        %select_n3A_139 = arith.select %eq3A_137, %select_n3A_138, %select_n3A_135 : i32
        %add3A_140 = arith.addi %select_n3A_139, %mul3A_6 : i32
        %add3A_141 = arith.constant 1 : i32
        %add3A_142 = arith.addi %scan3A_126, %add3A_141 : i32
        %select_n3A_143 = arith.constant true
        %select_n3A_144 = arith.select %select_n3A_143, %add3A_142, %scan3A_126 : i32
        %eq3A_145 = arith.constant 128 : i32
        %eq3A_146 = arith.cmpi eq, %select_n3A_144, %eq3A_145 : i32
        %select_n3A_147 = arith.constant 0 : i32
        %select_n3A_148 = arith.select %eq3A_146, %select_n3A_147, %select_n3A_144 : i32
        %add3A_149 = arith.addi %select_n3A_148, %mul3A_6 : i32
        %add3A_150 = arith.constant 1 : i32
        %add3A_151 = arith.addi %select_n3A_148, %add3A_150 : i32
        %select_n3A_152 = arith.constant true
        %select_n3A_153 = arith.select %select_n3A_152, %add3A_151, %select_n3A_148 : i32
        %eq3A_154 = arith.constant 128 : i32
        %eq3A_155 = arith.cmpi eq, %select_n3A_153, %eq3A_154 : i32
        %select_n3A_156 = arith.constant 0 : i32
        %select_n3A_157 = arith.select %eq3A_155, %select_n3A_156, %select_n3A_153 : i32
        %add3A_158 = arith.addi %select_n3A_157, %mul3A_6 : i32
        %ne3A = arith.cmpi ne, %add3A_131, %add3A_149 : i32
        %or3A = arith.constant false
        %or3A_159 = arith.ori %or3A, %ne3A : i1
        %ge3A = arith.constant 127 : i32
        %ge3A_160 = arith.cmpi sge, %scan3A_121, %ge3A : i32
        %not3A = arith.constant true
        %not3A_161 = arith.xori %ge3A_160, %not3A : i1
        %and3A = arith.andi %or3A_159, %not3A_161 : i1
        %convert_element_type3A = arith.extui %and3A : i1 to i32
        %cond3A = arith.constant 0 : i32
        %cond3A_162 = arith.cmpi ne, %convert_element_type3A, %cond3A : i32
        scf.if %cond3A_162 {
          "tpu.trace_start"() <{level = 10 : i32, message = "ep_copy_in"}> : () -> ()
          %rem3A_264 = arith.constant 2 : i32
          %rem3A_265 = arith.remui %scan3A_122, %rem3A_264 : i32
          %mul3A_266 = arith.constant 128 : i32
          %mul3A_267 = arith.muli %mul3A_266, %add3A_149 : i32
          %dma_start3A_268 = arith.constant 0 : i32
          %dma_start3A_269 = arith.constant 0 : i32
          %dma_start3A_270 = tpu.memref_slice %run_scoped3A[%rem3A_265, %dma_start3A_268, %dma_start3A_269] : memref<2x1x128xi32, #tpu.memory_space<vmem>> -> memref<1x1x128xi32, #tpu.memory_space<vmem>>
          %dma_start3A_271 = tpu.memref_squeeze %dma_start3A_270 : memref<1x1x128xi32, #tpu.memory_space<vmem>> -> memref<1x128xi32, #tpu.memory_space<vmem>>
          %dma_start3A_272 = arith.constant 0 : i32
          %dma_start3A_273 = tpu.memref_slice %arg3[%dma_start3A_272, %mul3A_267] : memref<1x524288xi32, #tpu.memory_space<hbm>> -> memref<1x128xi32, #tpu.memory_space<hbm>>
          %dma_start3A_274 = tpu.memref_slice %run_scoped3A_7[%rem3A_265] : memref<2x!tpu.dma_semaphore, #tpu.memory_space<semaphore_mem>> -> memref<1x!tpu.dma_semaphore, #tpu.memory_space<semaphore_mem>>
          %dma_start3A_275 = tpu.memref_squeeze %dma_start3A_274 : memref<1x!tpu.dma_semaphore, #tpu.memory_space<semaphore_mem>> -> memref<!tpu.dma_semaphore, #tpu.memory_space<semaphore_mem>>
          %dma_start3A_276 = arith.constant 0 : i32
          %dma_start3A_277 = arith.constant 0 : i32
          %dma_start3A_278 = tpu.memref_slice %run_scoped3A[%rem3A_265, %dma_start3A_276, %dma_start3A_277] : memref<2x1x128xi32, #tpu.memory_space<vmem>> -> memref<1x1x128xi32, #tpu.memory_space<vmem>>
          %dma_start3A_279 = tpu.memref_squeeze %dma_start3A_278 : memref<1x1x128xi32, #tpu.memory_space<vmem>> -> memref<1x128xi32, #tpu.memory_space<vmem>>
          %dma_start3A_280 = arith.constant 0 : i32
          %dma_start3A_281 = tpu.memref_slice %arg3[%dma_start3A_280, %mul3A_267] : memref<1x524288xi32, #tpu.memory_space<hbm>> -> memref<1x128xi32, #tpu.memory_space<hbm>>
          tpu.enqueue_dma source(%dma_start3A_281 : memref<1x128xi32, #tpu.memory_space<hbm>>) target(%dma_start3A_279 : memref<1x128xi32, #tpu.memory_space<vmem>>) target_semaphore(%dma_start3A_275 : memref<!tpu.dma_semaphore, #tpu.memory_space<semaphore_mem>>)
          "tpu.trace_stop"() : () -> ()
        } else {
        }
        %and3A_163 = arith.constant true
        %and3A_164 = arith.andi %and3A, %and3A_163 : i1
        %add3A_165 = arith.constant 1 : i32
        %add3A_166 = arith.addi %scan3A_122, %add3A_165 : i32
        %select_n3A_167 = arith.select %and3A_164, %add3A_166, %scan3A_122 : i32
        %ne3A_168 = arith.cmpi ne, %add3A_131, %add3A_149 : i32
        %or3A_169 = arith.constant false
        %or3A_170 = arith.ori %or3A_169, %ne3A_168 : i1
        %or3A_171 = arith.constant false
        %or3A_172 = arith.ori %or3A_170, %or3A_171 : i1
        %ge3A_173 = arith.constant 127 : i32
        %ge3A_174 = arith.cmpi sge, %scan3A_121, %ge3A_173 : i32
        %not3A_175 = arith.constant true
        %not3A_176 = arith.xori %ge3A_174, %not3A_175 : i1
        %and3A_177 = arith.andi %or3A_172, %not3A_176 : i1
        %ne3A_178 = arith.cmpi ne, %add3A_131, %add3A_140 : i32
        %or3A_179 = arith.constant false
        %or3A_180 = arith.ori %or3A_179, %ne3A_178 : i1
        %or3A_181 = arith.ori %or3A_180, %eq3A_128 : i1
        %convert_element_type3A_182 = arith.extui %or3A_181 : i1 to i32
        %cond3A_183 = arith.constant 0 : i32
        %cond3A_184 = arith.cmpi ne, %convert_element_type3A_182, %cond3A_183 : i32
        scf.if %cond3A_184 {
          "tpu.trace_start"() <{level = 10 : i32, message = "ep_wait_in"}> : () -> ()
          %mul3A_264 = arith.constant 128 : i32
          %mul3A_265 = arith.muli %mul3A_264, %add3A_131 : i32
          %rem3A_266 = arith.constant 2 : i32
          %rem3A_267 = arith.remui %scan3A_123, %rem3A_266 : i32
          %dma_wait3A_268 = arith.constant 0 : i32
          %dma_wait3A_269 = arith.constant 0 : i32
          %dma_wait3A_270 = tpu.memref_slice %run_scoped3A[%rem3A_267, %dma_wait3A_268, %dma_wait3A_269] : memref<2x1x128xi32, #tpu.memory_space<vmem>> -> memref<1x1x128xi32, #tpu.memory_space<vmem>>
          %dma_wait3A_271 = tpu.memref_squeeze %dma_wait3A_270 : memref<1x1x128xi32, #tpu.memory_space<vmem>> -> memref<1x128xi32, #tpu.memory_space<vmem>>
          %dma_wait3A_272 = arith.constant 0 : i32
          %dma_wait3A_273 = tpu.memref_slice %arg3[%dma_wait3A_272, %mul3A_265] : memref<1x524288xi32, #tpu.memory_space<hbm>> -> memref<1x128xi32, #tpu.memory_space<hbm>>
          %dma_wait3A_274 = tpu.memref_slice %run_scoped3A_7[%rem3A_267] : memref<2x!tpu.dma_semaphore, #tpu.memory_space<semaphore_mem>> -> memref<1x!tpu.dma_semaphore, #tpu.memory_space<semaphore_mem>>
          %dma_wait3A_275 = tpu.memref_squeeze %dma_wait3A_274 : memref<1x!tpu.dma_semaphore, #tpu.memory_space<semaphore_mem>> -> memref<!tpu.dma_semaphore, #tpu.memory_space<semaphore_mem>>
          %dma_wait3A_276 = arith.constant 0 : i32
          %dma_wait3A_277 = arith.constant 0 : i32
          %dma_wait3A_278 = tpu.memref_slice %run_scoped3A[%rem3A_267, %dma_wait3A_276, %dma_wait3A_277] : memref<2x1x128xi32, #tpu.memory_space<vmem>> -> memref<1x1x128xi32, #tpu.memory_space<vmem>>
          %dma_wait3A_279 = tpu.memref_squeeze %dma_wait3A_278 : memref<1x1x128xi32, #tpu.memory_space<vmem>> -> memref<1x128xi32, #tpu.memory_space<vmem>>
          %dma_wait3A_280 = arith.constant 0 : i32
          %dma_wait3A_281 = tpu.memref_slice %arg3[%dma_wait3A_280, %mul3A_265] : memref<1x524288xi32, #tpu.memory_space<hbm>> -> memref<1x128xi32, #tpu.memory_space<hbm>>
          tpu.wait_dma2 semaphore(%dma_wait3A_275 : memref<!tpu.dma_semaphore, #tpu.memory_space<semaphore_mem>>) src(%dma_wait3A_281 : memref<1x128xi32, #tpu.memory_space<hbm>>) dst(%dma_wait3A_279 : memref<1x128xi32, #tpu.memory_space<vmem>>)
          "tpu.trace_stop"() : () -> ()
        } else {
        }
        %ne3A_185 = arith.cmpi ne, %add3A_131, %add3A_140 : i32
        %or3A_186 = arith.constant false
        %or3A_187 = arith.ori %or3A_186, %ne3A_185 : i1
        %or3A_188 = arith.constant false
        %or3A_189 = arith.ori %or3A_187, %or3A_188 : i1
        %or3A_190 = arith.ori %or3A_189, %eq3A_128 : i1
        %convert_element_type3A_191 = arith.extui %or3A_190 : i1 to i32
        %cond3A_192 = arith.constant 0 : i32
        %cond3A_193 = arith.cmpi ne, %convert_element_type3A_191, %cond3A_192 : i32
        scf.if %cond3A_193 {
        } else {
        }
        %rem3A_194 = arith.constant 2 : i32
        %rem3A_195 = arith.remui %scan3A_123, %rem3A_194 : i32
        %rem3A_196 = arith.constant 2 : i32
        %rem3A_197 = arith.remui %scan3A_124, %rem3A_196 : i32
        %run_scoped3A_198 = arith.constant 0 : i32
        "tpu.trace_start"() <{level = 10 : i32, message = "ep_run_kernel"}> : () -> ()
        "tpu.region"() ({
          %run_scoped3A_264 = tpu.sem_alloc : memref<!tpu.dma_semaphore, #tpu.memory_space<semaphore_mem>>
          %dma_start3A_265 = arith.constant 0 : i32
          %dma_start3A_266 = arith.constant 0 : i32
          %dma_start3A_267 = tpu.memref_slice %run_scoped3A_8[%rem3A_197, %dma_start3A_265, %dma_start3A_266] : memref<2x128x128xf32, #tpu.memory_space<vmem>> -> memref<1x128x128xf32, #tpu.memory_space<vmem>>
          %dma_start3A_268 = tpu.memref_squeeze %dma_start3A_267 : memref<1x128x128xf32, #tpu.memory_space<vmem>> -> memref<128x128xf32, #tpu.memory_space<vmem>>
          %dma_start3A_269 = arith.constant 0 : i32
          %dma_start3A_270 = arith.constant 0 : i32
          %dma_start3A_271 = tpu.memref_slice %run_scoped3A[%rem3A_195, %dma_start3A_269, %dma_start3A_270] : memref<2x1x128xi32, #tpu.memory_space<vmem>> -> memref<1x1x128xi32, #tpu.memory_space<vmem>>
          %dma_start3A_272 = tpu.memref_squeeze %dma_start3A_271 : memref<1x1x128xi32, #tpu.memory_space<vmem>> -> memref<1x128xi32, #tpu.memory_space<vmem>>
          %dma_start3A_273 = arith.constant 0 : i32
          %dma_start3A_274 = tpu.memref_slice %dma_start3A_272[%run_scoped3A_198, %dma_start3A_273] : memref<1x128xi32, #tpu.memory_space<vmem>> -> memref<1x128xi32, #tpu.memory_space<vmem>>
          %dma_start3A_275 = tpu.memref_squeeze %dma_start3A_274 : memref<1x128xi32, #tpu.memory_space<vmem>> -> memref<128xi32, #tpu.memory_space<vmem>>
          %dma_start3A_276 = arith.constant 0 : i32
          %dma_start3A_277 = arith.constant 0 : i32
          %dma_start3A_278 = tpu.memref_slice %arg2[%dma_start3A_276, %dma_start3A_277] : memref<16384x128xf32, #tpu.memory_space<hbm>> -> memref<16384x128xf32, #tpu.memory_space<hbm>>
          tpu.enqueue_indirect_dma source(%dma_start3A_278 : memref<16384x128xf32, #tpu.memory_space<hbm>>) target(%dma_start3A_268 : memref<128x128xf32, #tpu.memory_space<vmem>>) offsets(%dma_start3A_275 : memref<128xi32, #tpu.memory_space<vmem>>) semaphore(%run_scoped3A_264 : memref<!tpu.dma_semaphore, #tpu.memory_space<semaphore_mem>>)
          %dma_wait3A_279 = arith.constant 0 : i32
          %dma_wait3A_280 = arith.constant 0 : i32
          %dma_wait3A_281 = tpu.memref_slice %run_scoped3A_8[%rem3A_197, %dma_wait3A_279, %dma_wait3A_280] : memref<2x128x128xf32, #tpu.memory_space<vmem>> -> memref<1x128x128xf32, #tpu.memory_space<vmem>>
          %dma_wait3A_282 = tpu.memref_squeeze %dma_wait3A_281 : memref<1x128x128xf32, #tpu.memory_space<vmem>> -> memref<128x128xf32, #tpu.memory_space<vmem>>
          %dma_wait3A_283 = arith.constant 0 : i32
          %dma_wait3A_284 = arith.constant 0 : i32
          %dma_wait3A_285 = tpu.memref_slice %run_scoped3A[%rem3A_195, %dma_wait3A_283, %dma_wait3A_284] : memref<2x1x128xi32, #tpu.memory_space<vmem>> -> memref<1x1x128xi32, #tpu.memory_space<vmem>>
          %dma_wait3A_286 = tpu.memref_squeeze %dma_wait3A_285 : memref<1x1x128xi32, #tpu.memory_space<vmem>> -> memref<1x128xi32, #tpu.memory_space<vmem>>
          %dma_wait3A_287 = arith.constant 0 : i32
          %dma_wait3A_288 = tpu.memref_slice %dma_wait3A_286[%run_scoped3A_198, %dma_wait3A_287] : memref<1x128xi32, #tpu.memory_space<vmem>> -> memref<1x128xi32, #tpu.memory_space<vmem>>
          %dma_wait3A_289 = tpu.memref_squeeze %dma_wait3A_288 : memref<1x128xi32, #tpu.memory_space<vmem>> -> memref<128xi32, #tpu.memory_space<vmem>>
          %dma_wait3A_290 = arith.constant 0 : i32
          %dma_wait3A_291 = arith.constant 0 : i32
          %dma_wait3A_292 = tpu.memref_slice %arg2[%dma_wait3A_290, %dma_wait3A_291] : memref<16384x128xf32, #tpu.memory_space<hbm>> -> memref<16384x128xf32, #tpu.memory_space<hbm>>
          tpu.wait_indirect_dma semaphore(%run_scoped3A_264 : memref<!tpu.dma_semaphore, #tpu.memory_space<semaphore_mem>>) src(%dma_wait3A_292 : memref<16384x128xf32, #tpu.memory_space<hbm>>) dst(%dma_wait3A_282 : memref<128x128xf32, #tpu.memory_space<vmem>>)
          tpu.yield
        }) : () -> ()
        "tpu.trace_stop"() : () -> ()
        %ne3A_199 = arith.cmpi ne, %add3A_131, %add3A_149 : i32
        %or3A_200 = arith.constant false
        %or3A_201 = arith.ori %or3A_200, %ne3A_199 : i1
        %or3A_202 = arith.ori %or3A_201, %eq3A_130 : i1
        %convert_element_type3A_203 = arith.extui %or3A_202 : i1 to i32
        %cond3A_204 = arith.constant 0 : i32
        %cond3A_205 = arith.cmpi ne, %convert_element_type3A_203, %cond3A_204 : i32
        scf.if %cond3A_205 {
        } else {
        }
        %and3A_206 = arith.constant false
        %and3A_207 = arith.andi %or3A_202, %and3A_206 : i1
        %ne3A_208 = arith.cmpi ne, %add3A_131, %add3A_149 : i32
        %or3A_209 = arith.constant false
        %or3A_210 = arith.ori %or3A_209, %ne3A_208 : i1
        %or3A_211 = arith.constant false
        %or3A_212 = arith.ori %or3A_210, %or3A_211 : i1
        %or3A_213 = arith.ori %or3A_212, %eq3A_130 : i1
        %convert_element_type3A_214 = arith.extui %or3A_213 : i1 to i32
        %cond3A_215 = arith.constant 0 : i32
        %cond3A_216 = arith.cmpi ne, %convert_element_type3A_214, %cond3A_215 : i32
        scf.if %cond3A_216 {
          "tpu.trace_start"() <{level = 10 : i32, message = "ep_copy_out"}> : () -> ()
          %rem3A_264 = arith.constant 2 : i32
          %rem3A_265 = arith.remui %scan3A_124, %rem3A_264 : i32
          %mul3A_266 = arith.constant 128 : i32
          %mul3A_267 = arith.muli %mul3A_266, %add3A_131 : i32
          %dma_start3A_268 = arith.constant 0 : i32
          %dma_start3A_269 = arith.constant 0 : i32
          %dma_start3A_270 = tpu.memref_slice %run_scoped3A_8[%rem3A_265, %dma_start3A_268, %dma_start3A_269] : memref<2x128x128xf32, #tpu.memory_space<vmem>> -> memref<1x128x128xf32, #tpu.memory_space<vmem>>
          %dma_start3A_271 = tpu.memref_squeeze %dma_start3A_270 : memref<1x128x128xf32, #tpu.memory_space<vmem>> -> memref<128x128xf32, #tpu.memory_space<vmem>>
          %dma_start3A_272 = arith.constant 0 : i32
          %dma_start3A_273 = tpu.memref_slice %arg4[%mul3A_267, %dma_start3A_272] : memref<524288x128xf32, #tpu.memory_space<hbm>> -> memref<128x128xf32, #tpu.memory_space<hbm>>
          %dma_start3A_274 = tpu.memref_slice %run_scoped3A_9[%rem3A_265] : memref<2x!tpu.dma_semaphore, #tpu.memory_space<semaphore_mem>> -> memref<1x!tpu.dma_semaphore, #tpu.memory_space<semaphore_mem>>
          %dma_start3A_275 = tpu.memref_squeeze %dma_start3A_274 : memref<1x!tpu.dma_semaphore, #tpu.memory_space<semaphore_mem>> -> memref<!tpu.dma_semaphore, #tpu.memory_space<semaphore_mem>>
          %dma_start3A_276 = arith.constant 0 : i32
          %dma_start3A_277 = tpu.memref_slice %arg4[%mul3A_267, %dma_start3A_276] : memref<524288x128xf32, #tpu.memory_space<hbm>> -> memref<128x128xf32, #tpu.memory_space<hbm>>
          %dma_start3A_278 = arith.constant 0 : i32
          %dma_start3A_279 = arith.constant 0 : i32
          %dma_start3A_280 = tpu.memref_slice %run_scoped3A_8[%rem3A_265, %dma_start3A_278, %dma_start3A_279] : memref<2x128x128xf32, #tpu.memory_space<vmem>> -> memref<1x128x128xf32, #tpu.memory_space<vmem>>
          %dma_start3A_281 = tpu.memref_squeeze %dma_start3A_280 : memref<1x128x128xf32, #tpu.memory_space<vmem>> -> memref<128x128xf32, #tpu.memory_space<vmem>>
          tpu.enqueue_dma source(%dma_start3A_281 : memref<128x128xf32, #tpu.memory_space<vmem>>) target(%dma_start3A_277 : memref<128x128xf32, #tpu.memory_space<hbm>>) target_semaphore(%dma_start3A_275 : memref<!tpu.dma_semaphore, #tpu.memory_space<semaphore_mem>>)
          "tpu.trace_stop"() : () -> ()
        } else {
        }
        %and3A_217 = arith.constant true
        %and3A_218 = arith.andi %or3A_213, %and3A_217 : i1
        %add3A_219 = arith.constant 1 : i32
        %add3A_220 = arith.addi %scan3A_124, %add3A_219 : i32
        %select_n3A_221 = arith.select %and3A_218, %add3A_220, %scan3A_124 : i32
        %ne3A_222 = arith.cmpi ne, %add3A_131, %add3A_140 : i32
        %or3A_223 = arith.constant false
        %or3A_224 = arith.ori %or3A_223, %ne3A_222 : i1
        %not3A_225 = arith.constant true
        %not3A_226 = arith.xori %eq3A_128, %not3A_225 : i1
        %and3A_227 = arith.andi %or3A_224, %not3A_226 : i1
        %convert_element_type3A_228 = arith.extui %and3A_227 : i1 to i32
        %cond3A_229 = arith.constant 0 : i32
        %cond3A_230 = arith.cmpi ne, %convert_element_type3A_228, %cond3A_229 : i32
        scf.if %cond3A_230 {
        } else {
        }
        %and3A_231 = arith.constant false
        %and3A_232 = arith.andi %and3A_227, %and3A_231 : i1
        %ne3A_233 = arith.cmpi ne, %add3A_131, %add3A_140 : i32
        %or3A_234 = arith.constant false
        %or3A_235 = arith.ori %or3A_234, %ne3A_233 : i1
        %or3A_236 = arith.constant false
        %or3A_237 = arith.ori %or3A_235, %or3A_236 : i1
        %not3A_238 = arith.constant true
        %not3A_239 = arith.xori %eq3A_128, %not3A_238 : i1
        %and3A_240 = arith.andi %or3A_237, %not3A_239 : i1
        %convert_element_type3A_241 = arith.extui %and3A_240 : i1 to i32
        %cond3A_242 = arith.constant 0 : i32
        %cond3A_243 = arith.cmpi ne, %convert_element_type3A_241, %cond3A_242 : i32
        scf.if %cond3A_243 {
          "tpu.trace_start"() <{level = 10 : i32, message = "ep_wait_out"}> : () -> ()
          %rem3A_264 = arith.constant 2 : i32
          %rem3A_265 = arith.remui %scan3A_125, %rem3A_264 : i32
          %mul3A_266 = arith.constant 128 : i32
          %mul3A_267 = arith.muli %mul3A_266, %add3A_140 : i32
          %dma_wait3A_268 = arith.constant 0 : i32
          %dma_wait3A_269 = arith.constant 0 : i32
          %dma_wait3A_270 = tpu.memref_slice %run_scoped3A_8[%rem3A_265, %dma_wait3A_268, %dma_wait3A_269] : memref<2x128x128xf32, #tpu.memory_space<vmem>> -> memref<1x128x128xf32, #tpu.memory_space<vmem>>
          %dma_wait3A_271 = tpu.memref_squeeze %dma_wait3A_270 : memref<1x128x128xf32, #tpu.memory_space<vmem>> -> memref<128x128xf32, #tpu.memory_space<vmem>>
          %dma_wait3A_272 = arith.constant 0 : i32
          %dma_wait3A_273 = tpu.memref_slice %arg4[%mul3A_267, %dma_wait3A_272] : memref<524288x128xf32, #tpu.memory_space<hbm>> -> memref<128x128xf32, #tpu.memory_space<hbm>>
          %dma_wait3A_274 = tpu.memref_slice %run_scoped3A_9[%rem3A_265] : memref<2x!tpu.dma_semaphore, #tpu.memory_space<semaphore_mem>> -> memref<1x!tpu.dma_semaphore, #tpu.memory_space<semaphore_mem>>
          %dma_wait3A_275 = tpu.memref_squeeze %dma_wait3A_274 : memref<1x!tpu.dma_semaphore, #tpu.memory_space<semaphore_mem>> -> memref<!tpu.dma_semaphore, #tpu.memory_space<semaphore_mem>>
          %dma_wait3A_276 = arith.constant 0 : i32
          %dma_wait3A_277 = tpu.memref_slice %arg4[%mul3A_267, %dma_wait3A_276] : memref<524288x128xf32, #tpu.memory_space<hbm>> -> memref<128x128xf32, #tpu.memory_space<hbm>>
          %dma_wait3A_278 = arith.constant 0 : i32
          %dma_wait3A_279 = arith.constant 0 : i32
          %dma_wait3A_280 = tpu.memref_slice %run_scoped3A_8[%rem3A_265, %dma_wait3A_278, %dma_wait3A_279] : memref<2x128x128xf32, #tpu.memory_space<vmem>> -> memref<1x128x128xf32, #tpu.memory_space<vmem>>
          %dma_wait3A_281 = tpu.memref_squeeze %dma_wait3A_280 : memref<1x128x128xf32, #tpu.memory_space<vmem>> -> memref<128x128xf32, #tpu.memory_space<vmem>>
          tpu.wait_dma2 semaphore(%dma_wait3A_275 : memref<!tpu.dma_semaphore, #tpu.memory_space<semaphore_mem>>) src(%dma_wait3A_281 : memref<128x128xf32, #tpu.memory_space<vmem>>) dst(%dma_wait3A_277 : memref<128x128xf32, #tpu.memory_space<hbm>>)
          "tpu.trace_stop"() : () -> ()
        } else {
        }
        %and3A_244 = arith.constant true
        %and3A_245 = arith.andi %and3A_240, %and3A_244 : i1
        %add3A_246 = arith.constant 1 : i32
        %add3A_247 = arith.addi %scan3A_125, %add3A_246 : i32
        %select_n3A_248 = arith.select %and3A_245, %add3A_247, %scan3A_125 : i32
        %ne3A_249 = arith.cmpi ne, %add3A_131, %add3A_149 : i32
        %or3A_250 = arith.constant false
        %or3A_251 = arith.ori %or3A_250, %ne3A_249 : i1
        %or3A_252 = arith.ori %or3A_251, %eq3A_130 : i1
        %add3A_253 = arith.constant 1 : i32
        %add3A_254 = arith.addi %scan3A_123, %add3A_253 : i32
        %select_n3A_255 = arith.select %or3A_252, %add3A_254, %scan3A_123 : i32
        %add3A_256 = arith.constant 1 : i32
        %add3A_257 = arith.addi %scan3A_126, %add3A_256 : i32
        %select_n3A_258 = arith.constant true
        %select_n3A_259 = arith.select %select_n3A_258, %add3A_257, %scan3A_126 : i32
        %eq3A_260 = arith.constant 128 : i32
        %eq3A_261 = arith.cmpi eq, %select_n3A_259, %eq3A_260 : i32
        %select_n3A_262 = arith.constant 0 : i32
        %select_n3A_263 = arith.select %eq3A_261, %select_n3A_262, %select_n3A_259 : i32
        scf.yield %select_n3A_167, %select_n3A_255, %select_n3A_221, %select_n3A_248, %select_n3A_263 : i32, i32, i32, i32, i32
      }
      %scan3A_68 = arith.constant 128 : i32
      %sub3A = arith.constant 1 : i32
      %sub3A_69 = arith.subi %scan3A_67#4, %sub3A : i32
      %select_n3A_70 = arith.constant true
      %select_n3A_71 = arith.select %select_n3A_70, %sub3A_69, %scan3A_67#4 : i32
      %eq3A_72 = arith.constant -1 : i32
      %eq3A_73 = arith.cmpi eq, %select_n3A_71, %eq3A_72 : i32
      %select_n3A_74 = arith.constant 127 : i32
      %select_n3A_75 = arith.select %eq3A_73, %select_n3A_74, %select_n3A_71 : i32
      %add3A_76 = arith.addi %select_n3A_75, %mul3A_6 : i32
      %sub3A_77 = arith.constant 1 : i32
      %sub3A_78 = arith.subi %select_n3A_75, %sub3A_77 : i32
      %select_n3A_79 = arith.constant true
      %select_n3A_80 = arith.select %select_n3A_79, %sub3A_78, %select_n3A_75 : i32
      %eq3A_81 = arith.constant -1 : i32
      %eq3A_82 = arith.cmpi eq, %select_n3A_80, %eq3A_81 : i32
      %select_n3A_83 = arith.constant 127 : i32
      %select_n3A_84 = arith.select %eq3A_82, %select_n3A_83, %select_n3A_80 : i32
      %add3A_85 = arith.addi %select_n3A_84, %mul3A_6 : i32
      %add3A_86 = arith.constant 1 : i32
      %add3A_87 = arith.addi %select_n3A_75, %add3A_86 : i32
      %select_n3A_88 = arith.constant true
      %select_n3A_89 = arith.select %select_n3A_88, %add3A_87, %select_n3A_75 : i32
      %eq3A_90 = arith.constant 128 : i32
      %eq3A_91 = arith.cmpi eq, %select_n3A_89, %eq3A_90 : i32
      %select_n3A_92 = arith.constant 0 : i32
      %select_n3A_93 = arith.select %eq3A_91, %select_n3A_92, %select_n3A_89 : i32
      %add3A_94 = arith.addi %select_n3A_93, %mul3A_6 : i32
      %add3A_95 = arith.constant 1 : i32
      %add3A_96 = arith.addi %select_n3A_93, %add3A_95 : i32
      %select_n3A_97 = arith.constant true
      %select_n3A_98 = arith.select %select_n3A_97, %add3A_96, %select_n3A_93 : i32
      %eq3A_99 = arith.constant 128 : i32
      %eq3A_100 = arith.cmpi eq, %select_n3A_98, %eq3A_99 : i32
      %select_n3A_101 = arith.constant 0 : i32
      %select_n3A_102 = arith.select %eq3A_100, %select_n3A_101, %select_n3A_98 : i32
      %add3A_103 = arith.addi %select_n3A_102, %mul3A_6 : i32
      "tpu.trace_start"() <{level = 10 : i32, message = "ep_finalize"}> : () -> ()
      %rem3A_104 = arith.constant 2 : i32
      %rem3A_105 = arith.remui %scan3A_67#3, %rem3A_104 : i32
      %mul3A_106 = arith.constant 128 : i32
      %mul3A_107 = arith.muli %mul3A_106, %add3A_76 : i32
      %dma_wait3A = arith.constant 0 : i32
      %dma_wait3A_108 = arith.constant 0 : i32
      %dma_wait3A_109 = tpu.memref_slice %run_scoped3A_8[%rem3A_105, %dma_wait3A, %dma_wait3A_108] : memref<2x128x128xf32, #tpu.memory_space<vmem>> -> memref<1x128x128xf32, #tpu.memory_space<vmem>>
      %dma_wait3A_110 = tpu.memref_squeeze %dma_wait3A_109 : memref<1x128x128xf32, #tpu.memory_space<vmem>> -> memref<128x128xf32, #tpu.memory_space<vmem>>
      %dma_wait3A_111 = arith.constant 0 : i32
      %dma_wait3A_112 = tpu.memref_slice %arg4[%mul3A_107, %dma_wait3A_111] : memref<524288x128xf32, #tpu.memory_space<hbm>> -> memref<128x128xf32, #tpu.memory_space<hbm>>
      %dma_wait3A_113 = tpu.memref_slice %run_scoped3A_9[%rem3A_105] : memref<2x!tpu.dma_semaphore, #tpu.memory_space<semaphore_mem>> -> memref<1x!tpu.dma_semaphore, #tpu.memory_space<semaphore_mem>>
      %dma_wait3A_114 = tpu.memref_squeeze %dma_wait3A_113 : memref<1x!tpu.dma_semaphore, #tpu.memory_space<semaphore_mem>> -> memref<!tpu.dma_semaphore, #tpu.memory_space<semaphore_mem>>
      %dma_wait3A_115 = arith.constant 0 : i32
      %dma_wait3A_116 = tpu.memref_slice %arg4[%mul3A_107, %dma_wait3A_115] : memref<524288x128xf32, #tpu.memory_space<hbm>> -> memref<128x128xf32, #tpu.memory_space<hbm>>
      %dma_wait3A_117 = arith.constant 0 : i32
      %dma_wait3A_118 = arith.constant 0 : i32
      %dma_wait3A_119 = tpu.memref_slice %run_scoped3A_8[%rem3A_105, %dma_wait3A_117, %dma_wait3A_118] : memref<2x128x128xf32, #tpu.memory_space<vmem>> -> memref<1x128x128xf32, #tpu.memory_space<vmem>>
      %dma_wait3A_120 = tpu.memref_squeeze %dma_wait3A_119 : memref<1x128x128xf32, #tpu.memory_space<vmem>> -> memref<128x128xf32, #tpu.memory_space<vmem>>
      tpu.wait_dma2 semaphore(%dma_wait3A_114 : memref<!tpu.dma_semaphore, #tpu.memory_space<semaphore_mem>>) src(%dma_wait3A_120 : memref<128x128xf32, #tpu.memory_space<vmem>>) dst(%dma_wait3A_116 : memref<128x128xf32, #tpu.memory_space<hbm>>)
      "tpu.trace_stop"() : () -> ()
      tpu.yield
    }) : () -> ()
    return
  }
}

module attributes {stable_mosaic.version = 14 : i64} {
  func.func @_knn_body(%arg0: i32, %arg1: i32, %arg2: memref<1x16x2048xf32, #tpu.memory_space<vmem>>, %arg3: memref<1x32x256xi32, #tpu.memory_space<vmem>>) attributes {dimension_semantics = [#tpu.dimension_semantics<parallel>, #tpu.dimension_semantics<parallel>], iteration_bounds = array<i64: 8, 8>, scalar_prefetch = 0 : i64, scratch_operands = 0 : i64, tpu.core_type = #tpu.core_type<tc>, window_params = [{transform_indices = @transform_0, window_bounds = array<i64: 1, 16, 2048>}, {transform_indices = @transform_1, window_bounds = array<i64: 1, 32, 256>}]} {
    %get3A = arith.constant 0 : index
    %get3A_0 = arith.constant 0 : index
    %get3A_1 = arith.constant 0 : index
    %get3A_2 = vector.load %arg2[%get3A, %get3A_0, %get3A_1] : memref<1x16x2048xf32, #tpu.memory_space<vmem>>, vector<1x16x2048xf32>
    %get3A_3 = vector.shape_cast %get3A_2 : vector<1x16x2048xf32> to vector<16x2048xf32>
    %mul3A = arith.constant 256 : i32
    %mul3A_4 = arith.muli %arg1, %mul3A : i32
    %get3A_5 = arith.constant 0 : index
    %get3A_6 = arith.constant 0 : index
    %get3A_7 = arith.index_cast %mul3A_4 : i32 to index
    %get3A_8 = vector.load %arg2[%get3A_5, %get3A_6, %get3A_7] : memref<1x16x2048xf32, #tpu.memory_space<vmem>>, vector<1x16x256xf32>
    %get3A_9 = vector.shape_cast %get3A_8 : vector<1x16x256xf32> to vector<16x256xf32>
    %slice3A = vector.extract_strided_slice %get3A_3 {offsets = [0, 0], sizes = [1, 2048], strides = [1, 1]} : vector<16x2048xf32> to vector<1x2048xf32>
    %squeeze3A = vector.shape_cast %slice3A : vector<1x2048xf32> to vector<2048xf32>
    %slice3A_10 = vector.extract_strided_slice %get3A_3 {offsets = [0, 0], sizes = [1, 2048], strides = [1, 1]} : vector<16x2048xf32> to vector<1x2048xf32>
    %squeeze3A_11 = vector.shape_cast %slice3A_10 : vector<1x2048xf32> to vector<2048xf32>
    %mul3A_12 = arith.mulf %squeeze3A, %squeeze3A_11 : vector<2048xf32>
    %slice3A_13 = vector.extract_strided_slice %get3A_3 {offsets = [1, 0], sizes = [1, 2048], strides = [1, 1]} : vector<16x2048xf32> to vector<1x2048xf32>
    %squeeze3A_14 = vector.shape_cast %slice3A_13 : vector<1x2048xf32> to vector<2048xf32>
    %slice3A_15 = vector.extract_strided_slice %get3A_3 {offsets = [1, 0], sizes = [1, 2048], strides = [1, 1]} : vector<16x2048xf32> to vector<1x2048xf32>
    %squeeze3A_16 = vector.shape_cast %slice3A_15 : vector<1x2048xf32> to vector<2048xf32>
    %mul3A_17 = arith.mulf %squeeze3A_14, %squeeze3A_16 : vector<2048xf32>
    %add3A = arith.addf %mul3A_12, %mul3A_17 : vector<2048xf32>
    %slice3A_18 = vector.extract_strided_slice %get3A_3 {offsets = [2, 0], sizes = [1, 2048], strides = [1, 1]} : vector<16x2048xf32> to vector<1x2048xf32>
    %squeeze3A_19 = vector.shape_cast %slice3A_18 : vector<1x2048xf32> to vector<2048xf32>
    %slice3A_20 = vector.extract_strided_slice %get3A_3 {offsets = [2, 0], sizes = [1, 2048], strides = [1, 1]} : vector<16x2048xf32> to vector<1x2048xf32>
    %squeeze3A_21 = vector.shape_cast %slice3A_20 : vector<1x2048xf32> to vector<2048xf32>
    %mul3A_22 = arith.mulf %squeeze3A_19, %squeeze3A_21 : vector<2048xf32>
    %add3A_23 = arith.addf %add3A, %mul3A_22 : vector<2048xf32>
    %slice3A_24 = vector.extract_strided_slice %get3A_9 {offsets = [0, 0], sizes = [1, 256], strides = [1, 1]} : vector<16x256xf32> to vector<1x256xf32>
    %squeeze3A_25 = vector.shape_cast %slice3A_24 : vector<1x256xf32> to vector<256xf32>
    %slice3A_26 = vector.extract_strided_slice %get3A_9 {offsets = [0, 0], sizes = [1, 256], strides = [1, 1]} : vector<16x256xf32> to vector<1x256xf32>
    %squeeze3A_27 = vector.shape_cast %slice3A_26 : vector<1x256xf32> to vector<256xf32>
    %mul3A_28 = arith.mulf %squeeze3A_25, %squeeze3A_27 : vector<256xf32>
    %slice3A_29 = vector.extract_strided_slice %get3A_9 {offsets = [1, 0], sizes = [1, 256], strides = [1, 1]} : vector<16x256xf32> to vector<1x256xf32>
    %squeeze3A_30 = vector.shape_cast %slice3A_29 : vector<1x256xf32> to vector<256xf32>
    %slice3A_31 = vector.extract_strided_slice %get3A_9 {offsets = [1, 0], sizes = [1, 256], strides = [1, 1]} : vector<16x256xf32> to vector<1x256xf32>
    %squeeze3A_32 = vector.shape_cast %slice3A_31 : vector<1x256xf32> to vector<256xf32>
    %mul3A_33 = arith.mulf %squeeze3A_30, %squeeze3A_32 : vector<256xf32>
    %add3A_34 = arith.addf %mul3A_28, %mul3A_33 : vector<256xf32>
    %slice3A_35 = vector.extract_strided_slice %get3A_9 {offsets = [2, 0], sizes = [1, 256], strides = [1, 1]} : vector<16x256xf32> to vector<1x256xf32>
    %squeeze3A_36 = vector.shape_cast %slice3A_35 : vector<1x256xf32> to vector<256xf32>
    %slice3A_37 = vector.extract_strided_slice %get3A_9 {offsets = [2, 0], sizes = [1, 256], strides = [1, 1]} : vector<16x256xf32> to vector<1x256xf32>
    %squeeze3A_38 = vector.shape_cast %slice3A_37 : vector<1x256xf32> to vector<256xf32>
    %mul3A_39 = arith.mulf %squeeze3A_36, %squeeze3A_38 : vector<256xf32>
    %add3A_40 = arith.addf %add3A_34, %mul3A_39 : vector<256xf32>
    %convert_element_type3A = arith.truncf %get3A_3 : vector<16x2048xf32> to vector<16x2048xbf16>
    %convert_element_type3A_41 = arith.extf %convert_element_type3A : vector<16x2048xbf16> to vector<16x2048xf32>
    %convert_element_type3A_42 = arith.truncf %get3A_9 : vector<16x256xf32> to vector<16x256xbf16>
    %convert_element_type3A_43 = arith.extf %convert_element_type3A_42 : vector<16x256xbf16> to vector<16x256xf32>
    %slice3A_44 = vector.extract_strided_slice %convert_element_type3A_43 {offsets = [0, 0], sizes = [1, 256], strides = [1, 1]} : vector<16x256xf32> to vector<1x256xf32>
    %squeeze3A_45 = vector.shape_cast %slice3A_44 : vector<1x256xf32> to vector<256xf32>
    %broadcast_in_dim3A = vector.shape_cast %squeeze3A_45 : vector<256xf32> to vector<256x1xf32>
    %slice3A_46 = vector.extract_strided_slice %convert_element_type3A_41 {offsets = [0, 0], sizes = [1, 2048], strides = [1, 1]} : vector<16x2048xf32> to vector<1x2048xf32>
    %squeeze3A_47 = vector.shape_cast %slice3A_46 : vector<1x2048xf32> to vector<2048xf32>
    %broadcast_in_dim3A_48 = vector.shape_cast %squeeze3A_47 : vector<2048xf32> to vector<1x2048xf32>
    %mul3A_49 = vector.broadcast %broadcast_in_dim3A : vector<256x1xf32> to vector<256x2048xf32>
    %mul3A_50 = vector.broadcast %broadcast_in_dim3A_48 : vector<1x2048xf32> to vector<256x2048xf32>
    %mul3A_51 = arith.mulf %mul3A_49, %mul3A_50 : vector<256x2048xf32>
    %slice3A_52 = vector.extract_strided_slice %convert_element_type3A_43 {offsets = [1, 0], sizes = [1, 256], strides = [1, 1]} : vector<16x256xf32> to vector<1x256xf32>
    %squeeze3A_53 = vector.shape_cast %slice3A_52 : vector<1x256xf32> to vector<256xf32>
    %broadcast_in_dim3A_54 = vector.shape_cast %squeeze3A_53 : vector<256xf32> to vector<256x1xf32>
    %slice3A_55 = vector.extract_strided_slice %convert_element_type3A_41 {offsets = [1, 0], sizes = [1, 2048], strides = [1, 1]} : vector<16x2048xf32> to vector<1x2048xf32>
    %squeeze3A_56 = vector.shape_cast %slice3A_55 : vector<1x2048xf32> to vector<2048xf32>
    %broadcast_in_dim3A_57 = vector.shape_cast %squeeze3A_56 : vector<2048xf32> to vector<1x2048xf32>
    %mul3A_58 = vector.broadcast %broadcast_in_dim3A_54 : vector<256x1xf32> to vector<256x2048xf32>
    %mul3A_59 = vector.broadcast %broadcast_in_dim3A_57 : vector<1x2048xf32> to vector<256x2048xf32>
    %mul3A_60 = arith.mulf %mul3A_58, %mul3A_59 : vector<256x2048xf32>
    %add3A_61 = arith.addf %mul3A_51, %mul3A_60 : vector<256x2048xf32>
    %slice3A_62 = vector.extract_strided_slice %convert_element_type3A_43 {offsets = [2, 0], sizes = [1, 256], strides = [1, 1]} : vector<16x256xf32> to vector<1x256xf32>
    %squeeze3A_63 = vector.shape_cast %slice3A_62 : vector<1x256xf32> to vector<256xf32>
    %broadcast_in_dim3A_64 = vector.shape_cast %squeeze3A_63 : vector<256xf32> to vector<256x1xf32>
    %slice3A_65 = vector.extract_strided_slice %convert_element_type3A_41 {offsets = [2, 0], sizes = [1, 2048], strides = [1, 1]} : vector<16x2048xf32> to vector<1x2048xf32>
    %squeeze3A_66 = vector.shape_cast %slice3A_65 : vector<1x2048xf32> to vector<2048xf32>
    %broadcast_in_dim3A_67 = vector.shape_cast %squeeze3A_66 : vector<2048xf32> to vector<1x2048xf32>
    %mul3A_68 = vector.broadcast %broadcast_in_dim3A_64 : vector<256x1xf32> to vector<256x2048xf32>
    %mul3A_69 = vector.broadcast %broadcast_in_dim3A_67 : vector<1x2048xf32> to vector<256x2048xf32>
    %mul3A_70 = arith.mulf %mul3A_68, %mul3A_69 : vector<256x2048xf32>
    %add3A_71 = arith.addf %add3A_61, %mul3A_70 : vector<256x2048xf32>
    %mul3A_72 = arith.constant 2.000000e+00 : f32
    %mul3A_73 = vector.broadcast %mul3A_72 : f32 to vector<256x2048xf32>
    %mul3A_74 = arith.mulf %mul3A_73, %add3A_71 : vector<256x2048xf32>
    %broadcast_in_dim3A_75 = vector.shape_cast %add3A_40 : vector<256xf32> to vector<256x1xf32>
    %sub3A = vector.broadcast %broadcast_in_dim3A_75 : vector<256x1xf32> to vector<256x2048xf32>
    %sub3A_76 = arith.subf %mul3A_74, %sub3A : vector<256x2048xf32>
    %broadcast_in_dim3A_77 = vector.shape_cast %add3A_23 : vector<2048xf32> to vector<1x2048xf32>
    %sub3A_78 = vector.broadcast %broadcast_in_dim3A_77 : vector<1x2048xf32> to vector<256x2048xf32>
    %sub3A_79 = arith.subf %sub3A_76, %sub3A_78 : vector<256x2048xf32>
    %iota3A = tpu.iota {dimensions = array<i32: 1>} : vector<256x2048xi32>
    %mul3A_80 = arith.constant 2048 : i32
    %mul3A_81 = arith.muli %arg0, %mul3A_80 : i32
    %reduce_max3A = arith.constant dense<0xFF800000> : vector<256xf32>
    %reduce_max3A_82 = vector.multi_reduction <maximumf>, %sub3A_79, %reduce_max3A [1] : vector<256x2048xf32> to vector<256xf32>
    %broadcast_in_dim3A_83 = vector.shape_cast %reduce_max3A_82 : vector<256xf32> to vector<256x1xf32>
    %eq3A = vector.broadcast %broadcast_in_dim3A_83 : vector<256x1xf32> to vector<256x2048xf32>
    %eq3A_84 = arith.cmpf oeq, %sub3A_79, %eq3A : vector<256x2048xf32>
    %jit3A = arith.constant 2048 : i32
    %broadcast_in_dim3A_85 = vector.broadcast %jit3A : i32 to vector<256x2048xi32>
    %select_n3A = arith.select %eq3A_84, %iota3A, %broadcast_in_dim3A_85 : vector<256x2048xi1>, vector<256x2048xi32>
    %reduce_min3A = arith.constant dense<2147483647> : vector<256xi32>
    %reduce_min3A_86 = vector.multi_reduction <minsi>, %select_n3A, %reduce_min3A [1] : vector<256x2048xi32> to vector<256xi32>
    %add3A_87 = vector.broadcast %mul3A_81 : i32 to vector<256xi32>
    %add3A_88 = arith.addi %reduce_min3A_86, %add3A_87 : vector<256xi32>
    %swap3A = arith.constant 0 : index
    %swap3A_89 = arith.constant 0 : index
    %swap3A_90 = arith.constant 0 : index
    %swap3A_91 = vector.load %arg3[%swap3A, %swap3A_89, %swap3A_90] : memref<1x32x256xi32, #tpu.memory_space<vmem>>, vector<1x1x256xi32>
    %swap3A_92 = vector.shape_cast %swap3A_91 : vector<1x1x256xi32> to vector<256xi32>
    %swap3A_93 = vector.shape_cast %add3A_88 : vector<256xi32> to vector<1x1x256xi32>
    tpu.vector_store %arg3[%swap3A, %swap3A_89, %swap3A_90], %swap3A_93 {strides = array<i32>} : memref<1x32x256xi32, #tpu.memory_space<vmem>>, vector<1x1x256xi32>,
    %broadcast_in_dim3A_94 = vector.shape_cast %reduce_min3A_86 : vector<256xi32> to vector<256x1xi32>
    %eq3A_95 = vector.broadcast %broadcast_in_dim3A_94 : vector<256x1xi32> to vector<256x2048xi32>
    %eq3A_96 = arith.cmpi eq, %iota3A, %eq3A_95 : vector<256x2048xi32>
    %jit3A_97 = arith.constant 0xFF800000 : f32
    %broadcast_in_dim3A_98 = vector.broadcast %jit3A_97 : f32 to vector<256x2048xf32>
    %select_n3A_99 = arith.select %eq3A_96, %broadcast_in_dim3A_98, %sub3A_79 : vector<256x2048xi1>, vector<256x2048xf32>
    %reduce_max3A_100 = arith.constant dense<0xFF800000> : vector<256xf32>
    %reduce_max3A_101 = vector.multi_reduction <maximumf>, %select_n3A_99, %reduce_max3A_100 [1] : vector<256x2048xf32> to vector<256xf32>
    %broadcast_in_dim3A_102 = vector.shape_cast %reduce_max3A_101 : vector<256xf32> to vector<256x1xf32>
    %eq3A_103 = vector.broadcast %broadcast_in_dim3A_102 : vector<256x1xf32> to vector<256x2048xf32>
    %eq3A_104 = arith.cmpf oeq, %select_n3A_99, %eq3A_103 : vector<256x2048xf32>
    %jit3A_105 = arith.constant 2048 : i32
    %broadcast_in_dim3A_106 = vector.broadcast %jit3A_105 : i32 to vector<256x2048xi32>
    %select_n3A_107 = arith.select %eq3A_104, %iota3A, %broadcast_in_dim3A_106 : vector<256x2048xi1>, vector<256x2048xi32>
    %reduce_min3A_108 = arith.constant dense<2147483647> : vector<256xi32>
    %reduce_min3A_109 = vector.multi_reduction <minsi>, %select_n3A_107, %reduce_min3A_108 [1] : vector<256x2048xi32> to vector<256xi32>
    %add3A_110 = vector.broadcast %mul3A_81 : i32 to vector<256xi32>
    %add3A_111 = arith.addi %reduce_min3A_109, %add3A_110 : vector<256xi32>
    %swap3A_112 = arith.constant 0 : index
    %swap3A_113 = arith.constant 1 : index
    %swap3A_114 = arith.constant 0 : index
    %swap3A_115 = vector.load %arg3[%swap3A_112, %swap3A_113, %swap3A_114] : memref<1x32x256xi32, #tpu.memory_space<vmem>>, vector<1x1x256xi32>
    %swap3A_116 = vector.shape_cast %swap3A_115 : vector<1x1x256xi32> to vector<256xi32>
    %swap3A_117 = vector.shape_cast %add3A_111 : vector<256xi32> to vector<1x1x256xi32>
    tpu.vector_store %arg3[%swap3A_112, %swap3A_113, %swap3A_114], %swap3A_117 {strides = array<i32>} : memref<1x32x256xi32, #tpu.memory_space<vmem>>, vector<1x1x256xi32>,
    %broadcast_in_dim3A_118 = vector.shape_cast %reduce_min3A_109 : vector<256xi32> to vector<256x1xi32>
    %eq3A_119 = vector.broadcast %broadcast_in_dim3A_118 : vector<256x1xi32> to vector<256x2048xi32>
    %eq3A_120 = arith.cmpi eq, %iota3A, %eq3A_119 : vector<256x2048xi32>
    %jit3A_121 = arith.constant 0xFF800000 : f32
    %broadcast_in_dim3A_122 = vector.broadcast %jit3A_121 : f32 to vector<256x2048xf32>
    %select_n3A_123 = arith.select %eq3A_120, %broadcast_in_dim3A_122, %select_n3A_99 : vector<256x2048xi1>, vector<256x2048xf32>
    %reduce_max3A_124 = arith.constant dense<0xFF800000> : vector<256xf32>
    %reduce_max3A_125 = vector.multi_reduction <maximumf>, %select_n3A_123, %reduce_max3A_124 [1] : vector<256x2048xf32> to vector<256xf32>
    %broadcast_in_dim3A_126 = vector.shape_cast %reduce_max3A_125 : vector<256xf32> to vector<256x1xf32>
    %eq3A_127 = vector.broadcast %broadcast_in_dim3A_126 : vector<256x1xf32> to vector<256x2048xf32>
    %eq3A_128 = arith.cmpf oeq, %select_n3A_123, %eq3A_127 : vector<256x2048xf32>
    %jit3A_129 = arith.constant 2048 : i32
    %broadcast_in_dim3A_130 = vector.broadcast %jit3A_129 : i32 to vector<256x2048xi32>
    %select_n3A_131 = arith.select %eq3A_128, %iota3A, %broadcast_in_dim3A_130 : vector<256x2048xi1>, vector<256x2048xi32>
    %reduce_min3A_132 = arith.constant dense<2147483647> : vector<256xi32>
    %reduce_min3A_133 = vector.multi_reduction <minsi>, %select_n3A_131, %reduce_min3A_132 [1] : vector<256x2048xi32> to vector<256xi32>
    %add3A_134 = vector.broadcast %mul3A_81 : i32 to vector<256xi32>
    %add3A_135 = arith.addi %reduce_min3A_133, %add3A_134 : vector<256xi32>
    %swap3A_136 = arith.constant 0 : index
    %swap3A_137 = arith.constant 2 : index
    %swap3A_138 = arith.constant 0 : index
    %swap3A_139 = vector.load %arg3[%swap3A_136, %swap3A_137, %swap3A_138] : memref<1x32x256xi32, #tpu.memory_space<vmem>>, vector<1x1x256xi32>
    %swap3A_140 = vector.shape_cast %swap3A_139 : vector<1x1x256xi32> to vector<256xi32>
    %swap3A_141 = vector.shape_cast %add3A_135 : vector<256xi32> to vector<1x1x256xi32>
    tpu.vector_store %arg3[%swap3A_136, %swap3A_137, %swap3A_138], %swap3A_141 {strides = array<i32>} : memref<1x32x256xi32, #tpu.memory_space<vmem>>, vector<1x1x256xi32>,
    %broadcast_in_dim3A_142 = vector.shape_cast %reduce_min3A_133 : vector<256xi32> to vector<256x1xi32>
    %eq3A_143 = vector.broadcast %broadcast_in_dim3A_142 : vector<256x1xi32> to vector<256x2048xi32>
    %eq3A_144 = arith.cmpi eq, %iota3A, %eq3A_143 : vector<256x2048xi32>
    %jit3A_145 = arith.constant 0xFF800000 : f32
    %broadcast_in_dim3A_146 = vector.broadcast %jit3A_145 : f32 to vector<256x2048xf32>
    %select_n3A_147 = arith.select %eq3A_144, %broadcast_in_dim3A_146, %select_n3A_123 : vector<256x2048xi1>, vector<256x2048xf32>
    %reduce_max3A_148 = arith.constant dense<0xFF800000> : vector<256xf32>
    %reduce_max3A_149 = vector.multi_reduction <maximumf>, %select_n3A_147, %reduce_max3A_148 [1] : vector<256x2048xf32> to vector<256xf32>
    %broadcast_in_dim3A_150 = vector.shape_cast %reduce_max3A_149 : vector<256xf32> to vector<256x1xf32>
    %eq3A_151 = vector.broadcast %broadcast_in_dim3A_150 : vector<256x1xf32> to vector<256x2048xf32>
    %eq3A_152 = arith.cmpf oeq, %select_n3A_147, %eq3A_151 : vector<256x2048xf32>
    %jit3A_153 = arith.constant 2048 : i32
    %broadcast_in_dim3A_154 = vector.broadcast %jit3A_153 : i32 to vector<256x2048xi32>
    %select_n3A_155 = arith.select %eq3A_152, %iota3A, %broadcast_in_dim3A_154 : vector<256x2048xi1>, vector<256x2048xi32>
    %reduce_min3A_156 = arith.constant dense<2147483647> : vector<256xi32>
    %reduce_min3A_157 = vector.multi_reduction <minsi>, %select_n3A_155, %reduce_min3A_156 [1] : vector<256x2048xi32> to vector<256xi32>
    %add3A_158 = vector.broadcast %mul3A_81 : i32 to vector<256xi32>
    %add3A_159 = arith.addi %reduce_min3A_157, %add3A_158 : vector<256xi32>
    %swap3A_160 = arith.constant 0 : index
    %swap3A_161 = arith.constant 3 : index
    %swap3A_162 = arith.constant 0 : index
    %swap3A_163 = vector.load %arg3[%swap3A_160, %swap3A_161, %swap3A_162] : memref<1x32x256xi32, #tpu.memory_space<vmem>>, vector<1x1x256xi32>
    %swap3A_164 = vector.shape_cast %swap3A_163 : vector<1x1x256xi32> to vector<256xi32>
    %swap3A_165 = vector.shape_cast %add3A_159 : vector<256xi32> to vector<1x1x256xi32>
    tpu.vector_store %arg3[%swap3A_160, %swap3A_161, %swap3A_162], %swap3A_165 {strides = array<i32>} : memref<1x32x256xi32, #tpu.memory_space<vmem>>, vector<1x1x256xi32>,
    %broadcast_in_dim3A_166 = vector.shape_cast %reduce_min3A_157 : vector<256xi32> to vector<256x1xi32>
    %eq3A_167 = vector.broadcast %broadcast_in_dim3A_166 : vector<256x1xi32> to vector<256x2048xi32>
    %eq3A_168 = arith.cmpi eq, %iota3A, %eq3A_167 : vector<256x2048xi32>
    %jit3A_169 = arith.constant 0xFF800000 : f32
    %broadcast_in_dim3A_170 = vector.broadcast %jit3A_169 : f32 to vector<256x2048xf32>
    %select_n3A_171 = arith.select %eq3A_168, %broadcast_in_dim3A_170, %select_n3A_147 : vector<256x2048xi1>, vector<256x2048xf32>
    %reduce_max3A_172 = arith.constant dense<0xFF800000> : vector<256xf32>
    %reduce_max3A_173 = vector.multi_reduction <maximumf>, %select_n3A_171, %reduce_max3A_172 [1] : vector<256x2048xf32> to vector<256xf32>
    %broadcast_in_dim3A_174 = vector.shape_cast %reduce_max3A_173 : vector<256xf32> to vector<256x1xf32>
    %eq3A_175 = vector.broadcast %broadcast_in_dim3A_174 : vector<256x1xf32> to vector<256x2048xf32>
    %eq3A_176 = arith.cmpf oeq, %select_n3A_171, %eq3A_175 : vector<256x2048xf32>
    %jit3A_177 = arith.constant 2048 : i32
    %broadcast_in_dim3A_178 = vector.broadcast %jit3A_177 : i32 to vector<256x2048xi32>
    %select_n3A_179 = arith.select %eq3A_176, %iota3A, %broadcast_in_dim3A_178 : vector<256x2048xi1>, vector<256x2048xi32>
    %reduce_min3A_180 = arith.constant dense<2147483647> : vector<256xi32>
    %reduce_min3A_181 = vector.multi_reduction <minsi>, %select_n3A_179, %reduce_min3A_180 [1] : vector<256x2048xi32> to vector<256xi32>
    %add3A_182 = vector.broadcast %mul3A_81 : i32 to vector<256xi32>
    %add3A_183 = arith.addi %reduce_min3A_181, %add3A_182 : vector<256xi32>
    %swap3A_184 = arith.constant 0 : index
    %swap3A_185 = arith.constant 4 : index
    %swap3A_186 = arith.constant 0 : index
    %swap3A_187 = vector.load %arg3[%swap3A_184, %swap3A_185, %swap3A_186] : memref<1x32x256xi32, #tpu.memory_space<vmem>>, vector<1x1x256xi32>
    %swap3A_188 = vector.shape_cast %swap3A_187 : vector<1x1x256xi32> to vector<256xi32>
    %swap3A_189 = vector.shape_cast %add3A_183 : vector<256xi32> to vector<1x1x256xi32>
    tpu.vector_store %arg3[%swap3A_184, %swap3A_185, %swap3A_186], %swap3A_189 {strides = array<i32>} : memref<1x32x256xi32, #tpu.memory_space<vmem>>, vector<1x1x256xi32>,
    %broadcast_in_dim3A_190 = vector.shape_cast %reduce_min3A_181 : vector<256xi32> to vector<256x1xi32>
    %eq3A_191 = vector.broadcast %broadcast_in_dim3A_190 : vector<256x1xi32> to vector<256x2048xi32>
    %eq3A_192 = arith.cmpi eq, %iota3A, %eq3A_191 : vector<256x2048xi32>
    %jit3A_193 = arith.constant 0xFF800000 : f32
    %broadcast_in_dim3A_194 = vector.broadcast %jit3A_193 : f32 to vector<256x2048xf32>
    %select_n3A_195 = arith.select %eq3A_192, %broadcast_in_dim3A_194, %select_n3A_171 : vector<256x2048xi1>, vector<256x2048xf32>
    %reduce_max3A_196 = arith.constant dense<0xFF800000> : vector<256xf32>
    %reduce_max3A_197 = vector.multi_reduction <maximumf>, %select_n3A_195, %reduce_max3A_196 [1] : vector<256x2048xf32> to vector<256xf32>
    %broadcast_in_dim3A_198 = vector.shape_cast %reduce_max3A_197 : vector<256xf32> to vector<256x1xf32>
    %eq3A_199 = vector.broadcast %broadcast_in_dim3A_198 : vector<256x1xf32> to vector<256x2048xf32>
    %eq3A_200 = arith.cmpf oeq, %select_n3A_195, %eq3A_199 : vector<256x2048xf32>
    %jit3A_201 = arith.constant 2048 : i32
    %broadcast_in_dim3A_202 = vector.broadcast %jit3A_201 : i32 to vector<256x2048xi32>
    %select_n3A_203 = arith.select %eq3A_200, %iota3A, %broadcast_in_dim3A_202 : vector<256x2048xi1>, vector<256x2048xi32>
    %reduce_min3A_204 = arith.constant dense<2147483647> : vector<256xi32>
    %reduce_min3A_205 = vector.multi_reduction <minsi>, %select_n3A_203, %reduce_min3A_204 [1] : vector<256x2048xi32> to vector<256xi32>
    %add3A_206 = vector.broadcast %mul3A_81 : i32 to vector<256xi32>
    %add3A_207 = arith.addi %reduce_min3A_205, %add3A_206 : vector<256xi32>
    %swap3A_208 = arith.constant 0 : index
    %swap3A_209 = arith.constant 5 : index
    %swap3A_210 = arith.constant 0 : index
    %swap3A_211 = vector.load %arg3[%swap3A_208, %swap3A_209, %swap3A_210] : memref<1x32x256xi32, #tpu.memory_space<vmem>>, vector<1x1x256xi32>
    %swap3A_212 = vector.shape_cast %swap3A_211 : vector<1x1x256xi32> to vector<256xi32>
    %swap3A_213 = vector.shape_cast %add3A_207 : vector<256xi32> to vector<1x1x256xi32>
    tpu.vector_store %arg3[%swap3A_208, %swap3A_209, %swap3A_210], %swap3A_213 {strides = array<i32>} : memref<1x32x256xi32, #tpu.memory_space<vmem>>, vector<1x1x256xi32>,
    %broadcast_in_dim3A_214 = vector.shape_cast %reduce_min3A_205 : vector<256xi32> to vector<256x1xi32>
    %eq3A_215 = vector.broadcast %broadcast_in_dim3A_214 : vector<256x1xi32> to vector<256x2048xi32>
    %eq3A_216 = arith.cmpi eq, %iota3A, %eq3A_215 : vector<256x2048xi32>
    %jit3A_217 = arith.constant 0xFF800000 : f32
    %broadcast_in_dim3A_218 = vector.broadcast %jit3A_217 : f32 to vector<256x2048xf32>
    %select_n3A_219 = arith.select %eq3A_216, %broadcast_in_dim3A_218, %select_n3A_195 : vector<256x2048xi1>, vector<256x2048xf32>
    %reduce_max3A_220 = arith.constant dense<0xFF800000> : vector<256xf32>
    %reduce_max3A_221 = vector.multi_reduction <maximumf>, %select_n3A_219, %reduce_max3A_220 [1] : vector<256x2048xf32> to vector<256xf32>
    %broadcast_in_dim3A_222 = vector.shape_cast %reduce_max3A_221 : vector<256xf32> to vector<256x1xf32>
    %eq3A_223 = vector.broadcast %broadcast_in_dim3A_222 : vector<256x1xf32> to vector<256x2048xf32>
    %eq3A_224 = arith.cmpf oeq, %select_n3A_219, %eq3A_223 : vector<256x2048xf32>
    %jit3A_225 = arith.constant 2048 : i32
    %broadcast_in_dim3A_226 = vector.broadcast %jit3A_225 : i32 to vector<256x2048xi32>
    %select_n3A_227 = arith.select %eq3A_224, %iota3A, %broadcast_in_dim3A_226 : vector<256x2048xi1>, vector<256x2048xi32>
    %reduce_min3A_228 = arith.constant dense<2147483647> : vector<256xi32>
    %reduce_min3A_229 = vector.multi_reduction <minsi>, %select_n3A_227, %reduce_min3A_228 [1] : vector<256x2048xi32> to vector<256xi32>
    %add3A_230 = vector.broadcast %mul3A_81 : i32 to vector<256xi32>
    %add3A_231 = arith.addi %reduce_min3A_229, %add3A_230 : vector<256xi32>
    %swap3A_232 = arith.constant 0 : index
    %swap3A_233 = arith.constant 6 : index
    %swap3A_234 = arith.constant 0 : index
    %swap3A_235 = vector.load %arg3[%swap3A_232, %swap3A_233, %swap3A_234] : memref<1x32x256xi32, #tpu.memory_space<vmem>>, vector<1x1x256xi32>
    %swap3A_236 = vector.shape_cast %swap3A_235 : vector<1x1x256xi32> to vector<256xi32>
    %swap3A_237 = vector.shape_cast %add3A_231 : vector<256xi32> to vector<1x1x256xi32>
    tpu.vector_store %arg3[%swap3A_232, %swap3A_233, %swap3A_234], %swap3A_237 {strides = array<i32>} : memref<1x32x256xi32, #tpu.memory_space<vmem>>, vector<1x1x256xi32>,
    %broadcast_in_dim3A_238 = vector.shape_cast %reduce_min3A_229 : vector<256xi32> to vector<256x1xi32>
    %eq3A_239 = vector.broadcast %broadcast_in_dim3A_238 : vector<256x1xi32> to vector<256x2048xi32>
    %eq3A_240 = arith.cmpi eq, %iota3A, %eq3A_239 : vector<256x2048xi32>
    %jit3A_241 = arith.constant 0xFF800000 : f32
    %broadcast_in_dim3A_242 = vector.broadcast %jit3A_241 : f32 to vector<256x2048xf32>
    %select_n3A_243 = arith.select %eq3A_240, %broadcast_in_dim3A_242, %select_n3A_219 : vector<256x2048xi1>, vector<256x2048xf32>
    %reduce_max3A_244 = arith.constant dense<0xFF800000> : vector<256xf32>
    %reduce_max3A_245 = vector.multi_reduction <maximumf>, %select_n3A_243, %reduce_max3A_244 [1] : vector<256x2048xf32> to vector<256xf32>
    %broadcast_in_dim3A_246 = vector.shape_cast %reduce_max3A_245 : vector<256xf32> to vector<256x1xf32>
    %eq3A_247 = vector.broadcast %broadcast_in_dim3A_246 : vector<256x1xf32> to vector<256x2048xf32>
    %eq3A_248 = arith.cmpf oeq, %select_n3A_243, %eq3A_247 : vector<256x2048xf32>
    %jit3A_249 = arith.constant 2048 : i32
    %broadcast_in_dim3A_250 = vector.broadcast %jit3A_249 : i32 to vector<256x2048xi32>
    %select_n3A_251 = arith.select %eq3A_248, %iota3A, %broadcast_in_dim3A_250 : vector<256x2048xi1>, vector<256x2048xi32>
    %reduce_min3A_252 = arith.constant dense<2147483647> : vector<256xi32>
    %reduce_min3A_253 = vector.multi_reduction <minsi>, %select_n3A_251, %reduce_min3A_252 [1] : vector<256x2048xi32> to vector<256xi32>
    %add3A_254 = vector.broadcast %mul3A_81 : i32 to vector<256xi32>
    %add3A_255 = arith.addi %reduce_min3A_253, %add3A_254 : vector<256xi32>
    %swap3A_256 = arith.constant 0 : index
    %swap3A_257 = arith.constant 7 : index
    %swap3A_258 = arith.constant 0 : index
    %swap3A_259 = vector.load %arg3[%swap3A_256, %swap3A_257, %swap3A_258] : memref<1x32x256xi32, #tpu.memory_space<vmem>>, vector<1x1x256xi32>
    %swap3A_260 = vector.shape_cast %swap3A_259 : vector<1x1x256xi32> to vector<256xi32>
    %swap3A_261 = vector.shape_cast %add3A_255 : vector<256xi32> to vector<1x1x256xi32>
    tpu.vector_store %arg3[%swap3A_256, %swap3A_257, %swap3A_258], %swap3A_261 {strides = array<i32>} : memref<1x32x256xi32, #tpu.memory_space<vmem>>, vector<1x1x256xi32>,
    %broadcast_in_dim3A_262 = vector.shape_cast %reduce_min3A_253 : vector<256xi32> to vector<256x1xi32>
    %eq3A_263 = vector.broadcast %broadcast_in_dim3A_262 : vector<256x1xi32> to vector<256x2048xi32>
    %eq3A_264 = arith.cmpi eq, %iota3A, %eq3A_263 : vector<256x2048xi32>
    %jit3A_265 = arith.constant 0xFF800000 : f32
    %broadcast_in_dim3A_266 = vector.broadcast %jit3A_265 : f32 to vector<256x2048xf32>
    %select_n3A_267 = arith.select %eq3A_264, %broadcast_in_dim3A_266, %select_n3A_243 : vector<256x2048xi1>, vector<256x2048xf32>
    %reduce_max3A_268 = arith.constant dense<0xFF800000> : vector<256xf32>
    %reduce_max3A_269 = vector.multi_reduction <maximumf>, %select_n3A_267, %reduce_max3A_268 [1] : vector<256x2048xf32> to vector<256xf32>
    %broadcast_in_dim3A_270 = vector.shape_cast %reduce_max3A_269 : vector<256xf32> to vector<256x1xf32>
    %eq3A_271 = vector.broadcast %broadcast_in_dim3A_270 : vector<256x1xf32> to vector<256x2048xf32>
    %eq3A_272 = arith.cmpf oeq, %select_n3A_267, %eq3A_271 : vector<256x2048xf32>
    %jit3A_273 = arith.constant 2048 : i32
    %broadcast_in_dim3A_274 = vector.broadcast %jit3A_273 : i32 to vector<256x2048xi32>
    %select_n3A_275 = arith.select %eq3A_272, %iota3A, %broadcast_in_dim3A_274 : vector<256x2048xi1>, vector<256x2048xi32>
    %reduce_min3A_276 = arith.constant dense<2147483647> : vector<256xi32>
    %reduce_min3A_277 = vector.multi_reduction <minsi>, %select_n3A_275, %reduce_min3A_276 [1] : vector<256x2048xi32> to vector<256xi32>
    %add3A_278 = vector.broadcast %mul3A_81 : i32 to vector<256xi32>
    %add3A_279 = arith.addi %reduce_min3A_277, %add3A_278 : vector<256xi32>
    %swap3A_280 = arith.constant 0 : index
    %swap3A_281 = arith.constant 8 : index
    %swap3A_282 = arith.constant 0 : index
    %swap3A_283 = vector.load %arg3[%swap3A_280, %swap3A_281, %swap3A_282] : memref<1x32x256xi32, #tpu.memory_space<vmem>>, vector<1x1x256xi32>
    %swap3A_284 = vector.shape_cast %swap3A_283 : vector<1x1x256xi32> to vector<256xi32>
    %swap3A_285 = vector.shape_cast %add3A_279 : vector<256xi32> to vector<1x1x256xi32>
    tpu.vector_store %arg3[%swap3A_280, %swap3A_281, %swap3A_282], %swap3A_285 {strides = array<i32>} : memref<1x32x256xi32, #tpu.memory_space<vmem>>, vector<1x1x256xi32>,
    %broadcast_in_dim3A_286 = vector.shape_cast %reduce_min3A_277 : vector<256xi32> to vector<256x1xi32>
    %eq3A_287 = vector.broadcast %broadcast_in_dim3A_286 : vector<256x1xi32> to vector<256x2048xi32>
    %eq3A_288 = arith.cmpi eq, %iota3A, %eq3A_287 : vector<256x2048xi32>
    %jit3A_289 = arith.constant 0xFF800000 : f32
    %broadcast_in_dim3A_290 = vector.broadcast %jit3A_289 : f32 to vector<256x2048xf32>
    %select_n3A_291 = arith.select %eq3A_288, %broadcast_in_dim3A_290, %select_n3A_267 : vector<256x2048xi1>, vector<256x2048xf32>
    %reduce_max3A_292 = arith.constant dense<0xFF800000> : vector<256xf32>
    %reduce_max3A_293 = vector.multi_reduction <maximumf>, %select_n3A_291, %reduce_max3A_292 [1] : vector<256x2048xf32> to vector<256xf32>
    %broadcast_in_dim3A_294 = vector.shape_cast %reduce_max3A_293 : vector<256xf32> to vector<256x1xf32>
    %eq3A_295 = vector.broadcast %broadcast_in_dim3A_294 : vector<256x1xf32> to vector<256x2048xf32>
    %eq3A_296 = arith.cmpf oeq, %select_n3A_291, %eq3A_295 : vector<256x2048xf32>
    %jit3A_297 = arith.constant 2048 : i32
    %broadcast_in_dim3A_298 = vector.broadcast %jit3A_297 : i32 to vector<256x2048xi32>
    %select_n3A_299 = arith.select %eq3A_296, %iota3A, %broadcast_in_dim3A_298 : vector<256x2048xi1>, vector<256x2048xi32>
    %reduce_min3A_300 = arith.constant dense<2147483647> : vector<256xi32>
    %reduce_min3A_301 = vector.multi_reduction <minsi>, %select_n3A_299, %reduce_min3A_300 [1] : vector<256x2048xi32> to vector<256xi32>
    %add3A_302 = vector.broadcast %mul3A_81 : i32 to vector<256xi32>
    %add3A_303 = arith.addi %reduce_min3A_301, %add3A_302 : vector<256xi32>
    %swap3A_304 = arith.constant 0 : index
    %swap3A_305 = arith.constant 9 : index
    %swap3A_306 = arith.constant 0 : index
    %swap3A_307 = vector.load %arg3[%swap3A_304, %swap3A_305, %swap3A_306] : memref<1x32x256xi32, #tpu.memory_space<vmem>>, vector<1x1x256xi32>
    %swap3A_308 = vector.shape_cast %swap3A_307 : vector<1x1x256xi32> to vector<256xi32>
    %swap3A_309 = vector.shape_cast %add3A_303 : vector<256xi32> to vector<1x1x256xi32>
    tpu.vector_store %arg3[%swap3A_304, %swap3A_305, %swap3A_306], %swap3A_309 {strides = array<i32>} : memref<1x32x256xi32, #tpu.memory_space<vmem>>, vector<1x1x256xi32>,
    %broadcast_in_dim3A_310 = vector.shape_cast %reduce_min3A_301 : vector<256xi32> to vector<256x1xi32>
    %eq3A_311 = vector.broadcast %broadcast_in_dim3A_310 : vector<256x1xi32> to vector<256x2048xi32>
    %eq3A_312 = arith.cmpi eq, %iota3A, %eq3A_311 : vector<256x2048xi32>
    %jit3A_313 = arith.constant 0xFF800000 : f32
    %broadcast_in_dim3A_314 = vector.broadcast %jit3A_313 : f32 to vector<256x2048xf32>
    %select_n3A_315 = arith.select %eq3A_312, %broadcast_in_dim3A_314, %select_n3A_291 : vector<256x2048xi1>, vector<256x2048xf32>
    %reduce_max3A_316 = arith.constant dense<0xFF800000> : vector<256xf32>
    %reduce_max3A_317 = vector.multi_reduction <maximumf>, %select_n3A_315, %reduce_max3A_316 [1] : vector<256x2048xf32> to vector<256xf32>
    %broadcast_in_dim3A_318 = vector.shape_cast %reduce_max3A_317 : vector<256xf32> to vector<256x1xf32>
    %eq3A_319 = vector.broadcast %broadcast_in_dim3A_318 : vector<256x1xf32> to vector<256x2048xf32>
    %eq3A_320 = arith.cmpf oeq, %select_n3A_315, %eq3A_319 : vector<256x2048xf32>
    %jit3A_321 = arith.constant 2048 : i32
    %broadcast_in_dim3A_322 = vector.broadcast %jit3A_321 : i32 to vector<256x2048xi32>
    %select_n3A_323 = arith.select %eq3A_320, %iota3A, %broadcast_in_dim3A_322 : vector<256x2048xi1>, vector<256x2048xi32>
    %reduce_min3A_324 = arith.constant dense<2147483647> : vector<256xi32>
    %reduce_min3A_325 = vector.multi_reduction <minsi>, %select_n3A_323, %reduce_min3A_324 [1] : vector<256x2048xi32> to vector<256xi32>
    %add3A_326 = vector.broadcast %mul3A_81 : i32 to vector<256xi32>
    %add3A_327 = arith.addi %reduce_min3A_325, %add3A_326 : vector<256xi32>
    %swap3A_328 = arith.constant 0 : index
    %swap3A_329 = arith.constant 10 : index
    %swap3A_330 = arith.constant 0 : index
    %swap3A_331 = vector.load %arg3[%swap3A_328, %swap3A_329, %swap3A_330] : memref<1x32x256xi32, #tpu.memory_space<vmem>>, vector<1x1x256xi32>
    %swap3A_332 = vector.shape_cast %swap3A_331 : vector<1x1x256xi32> to vector<256xi32>
    %swap3A_333 = vector.shape_cast %add3A_327 : vector<256xi32> to vector<1x1x256xi32>
    tpu.vector_store %arg3[%swap3A_328, %swap3A_329, %swap3A_330], %swap3A_333 {strides = array<i32>} : memref<1x32x256xi32, #tpu.memory_space<vmem>>, vector<1x1x256xi32>,
    %broadcast_in_dim3A_334 = vector.shape_cast %reduce_min3A_325 : vector<256xi32> to vector<256x1xi32>
    %eq3A_335 = vector.broadcast %broadcast_in_dim3A_334 : vector<256x1xi32> to vector<256x2048xi32>
    %eq3A_336 = arith.cmpi eq, %iota3A, %eq3A_335 : vector<256x2048xi32>
    %jit3A_337 = arith.constant 0xFF800000 : f32
    %broadcast_in_dim3A_338 = vector.broadcast %jit3A_337 : f32 to vector<256x2048xf32>
    %select_n3A_339 = arith.select %eq3A_336, %broadcast_in_dim3A_338, %select_n3A_315 : vector<256x2048xi1>, vector<256x2048xf32>
    %reduce_max3A_340 = arith.constant dense<0xFF800000> : vector<256xf32>
    %reduce_max3A_341 = vector.multi_reduction <maximumf>, %select_n3A_339, %reduce_max3A_340 [1] : vector<256x2048xf32> to vector<256xf32>
    %broadcast_in_dim3A_342 = vector.shape_cast %reduce_max3A_341 : vector<256xf32> to vector<256x1xf32>
    %eq3A_343 = vector.broadcast %broadcast_in_dim3A_342 : vector<256x1xf32> to vector<256x2048xf32>
    %eq3A_344 = arith.cmpf oeq, %select_n3A_339, %eq3A_343 : vector<256x2048xf32>
    %jit3A_345 = arith.constant 2048 : i32
    %broadcast_in_dim3A_346 = vector.broadcast %jit3A_345 : i32 to vector<256x2048xi32>
    %select_n3A_347 = arith.select %eq3A_344, %iota3A, %broadcast_in_dim3A_346 : vector<256x2048xi1>, vector<256x2048xi32>
    %reduce_min3A_348 = arith.constant dense<2147483647> : vector<256xi32>
    %reduce_min3A_349 = vector.multi_reduction <minsi>, %select_n3A_347, %reduce_min3A_348 [1] : vector<256x2048xi32> to vector<256xi32>
    %add3A_350 = vector.broadcast %mul3A_81 : i32 to vector<256xi32>
    %add3A_351 = arith.addi %reduce_min3A_349, %add3A_350 : vector<256xi32>
    %swap3A_352 = arith.constant 0 : index
    %swap3A_353 = arith.constant 11 : index
    %swap3A_354 = arith.constant 0 : index
    %swap3A_355 = vector.load %arg3[%swap3A_352, %swap3A_353, %swap3A_354] : memref<1x32x256xi32, #tpu.memory_space<vmem>>, vector<1x1x256xi32>
    %swap3A_356 = vector.shape_cast %swap3A_355 : vector<1x1x256xi32> to vector<256xi32>
    %swap3A_357 = vector.shape_cast %add3A_351 : vector<256xi32> to vector<1x1x256xi32>
    tpu.vector_store %arg3[%swap3A_352, %swap3A_353, %swap3A_354], %swap3A_357 {strides = array<i32>} : memref<1x32x256xi32, #tpu.memory_space<vmem>>, vector<1x1x256xi32>,
    %broadcast_in_dim3A_358 = vector.shape_cast %reduce_min3A_349 : vector<256xi32> to vector<256x1xi32>
    %eq3A_359 = vector.broadcast %broadcast_in_dim3A_358 : vector<256x1xi32> to vector<256x2048xi32>
    %eq3A_360 = arith.cmpi eq, %iota3A, %eq3A_359 : vector<256x2048xi32>
    %jit3A_361 = arith.constant 0xFF800000 : f32
    %broadcast_in_dim3A_362 = vector.broadcast %jit3A_361 : f32 to vector<256x2048xf32>
    %select_n3A_363 = arith.select %eq3A_360, %broadcast_in_dim3A_362, %select_n3A_339 : vector<256x2048xi1>, vector<256x2048xf32>
    %reduce_max3A_364 = arith.constant dense<0xFF800000> : vector<256xf32>
    %reduce_max3A_365 = vector.multi_reduction <maximumf>, %select_n3A_363, %reduce_max3A_364 [1] : vector<256x2048xf32> to vector<256xf32>
    %broadcast_in_dim3A_366 = vector.shape_cast %reduce_max3A_365 : vector<256xf32> to vector<256x1xf32>
    %eq3A_367 = vector.broadcast %broadcast_in_dim3A_366 : vector<256x1xf32> to vector<256x2048xf32>
    %eq3A_368 = arith.cmpf oeq, %select_n3A_363, %eq3A_367 : vector<256x2048xf32>
    %jit3A_369 = arith.constant 2048 : i32
    %broadcast_in_dim3A_370 = vector.broadcast %jit3A_369 : i32 to vector<256x2048xi32>
    %select_n3A_371 = arith.select %eq3A_368, %iota3A, %broadcast_in_dim3A_370 : vector<256x2048xi1>, vector<256x2048xi32>
    %reduce_min3A_372 = arith.constant dense<2147483647> : vector<256xi32>
    %reduce_min3A_373 = vector.multi_reduction <minsi>, %select_n3A_371, %reduce_min3A_372 [1] : vector<256x2048xi32> to vector<256xi32>
    %add3A_374 = vector.broadcast %mul3A_81 : i32 to vector<256xi32>
    %add3A_375 = arith.addi %reduce_min3A_373, %add3A_374 : vector<256xi32>
    %swap3A_376 = arith.constant 0 : index
    %swap3A_377 = arith.constant 12 : index
    %swap3A_378 = arith.constant 0 : index
    %swap3A_379 = vector.load %arg3[%swap3A_376, %swap3A_377, %swap3A_378] : memref<1x32x256xi32, #tpu.memory_space<vmem>>, vector<1x1x256xi32>
    %swap3A_380 = vector.shape_cast %swap3A_379 : vector<1x1x256xi32> to vector<256xi32>
    %swap3A_381 = vector.shape_cast %add3A_375 : vector<256xi32> to vector<1x1x256xi32>
    tpu.vector_store %arg3[%swap3A_376, %swap3A_377, %swap3A_378], %swap3A_381 {strides = array<i32>} : memref<1x32x256xi32, #tpu.memory_space<vmem>>, vector<1x1x256xi32>,
    %broadcast_in_dim3A_382 = vector.shape_cast %reduce_min3A_373 : vector<256xi32> to vector<256x1xi32>
    %eq3A_383 = vector.broadcast %broadcast_in_dim3A_382 : vector<256x1xi32> to vector<256x2048xi32>
    %eq3A_384 = arith.cmpi eq, %iota3A, %eq3A_383 : vector<256x2048xi32>
    %jit3A_385 = arith.constant 0xFF800000 : f32
    %broadcast_in_dim3A_386 = vector.broadcast %jit3A_385 : f32 to vector<256x2048xf32>
    %select_n3A_387 = arith.select %eq3A_384, %broadcast_in_dim3A_386, %select_n3A_363 : vector<256x2048xi1>, vector<256x2048xf32>
    %reduce_max3A_388 = arith.constant dense<0xFF800000> : vector<256xf32>
    %reduce_max3A_389 = vector.multi_reduction <maximumf>, %select_n3A_387, %reduce_max3A_388 [1] : vector<256x2048xf32> to vector<256xf32>
    %broadcast_in_dim3A_390 = vector.shape_cast %reduce_max3A_389 : vector<256xf32> to vector<256x1xf32>
    %eq3A_391 = vector.broadcast %broadcast_in_dim3A_390 : vector<256x1xf32> to vector<256x2048xf32>
    %eq3A_392 = arith.cmpf oeq, %select_n3A_387, %eq3A_391 : vector<256x2048xf32>
    %jit3A_393 = arith.constant 2048 : i32
    %broadcast_in_dim3A_394 = vector.broadcast %jit3A_393 : i32 to vector<256x2048xi32>
    %select_n3A_395 = arith.select %eq3A_392, %iota3A, %broadcast_in_dim3A_394 : vector<256x2048xi1>, vector<256x2048xi32>
    %reduce_min3A_396 = arith.constant dense<2147483647> : vector<256xi32>
    %reduce_min3A_397 = vector.multi_reduction <minsi>, %select_n3A_395, %reduce_min3A_396 [1] : vector<256x2048xi32> to vector<256xi32>
    %add3A_398 = vector.broadcast %mul3A_81 : i32 to vector<256xi32>
    %add3A_399 = arith.addi %reduce_min3A_397, %add3A_398 : vector<256xi32>
    %swap3A_400 = arith.constant 0 : index
    %swap3A_401 = arith.constant 13 : index
    %swap3A_402 = arith.constant 0 : index
    %swap3A_403 = vector.load %arg3[%swap3A_400, %swap3A_401, %swap3A_402] : memref<1x32x256xi32, #tpu.memory_space<vmem>>, vector<1x1x256xi32>
    %swap3A_404 = vector.shape_cast %swap3A_403 : vector<1x1x256xi32> to vector<256xi32>
    %swap3A_405 = vector.shape_cast %add3A_399 : vector<256xi32> to vector<1x1x256xi32>
    tpu.vector_store %arg3[%swap3A_400, %swap3A_401, %swap3A_402], %swap3A_405 {strides = array<i32>} : memref<1x32x256xi32, #tpu.memory_space<vmem>>, vector<1x1x256xi32>,
    %broadcast_in_dim3A_406 = vector.shape_cast %reduce_min3A_397 : vector<256xi32> to vector<256x1xi32>
    %eq3A_407 = vector.broadcast %broadcast_in_dim3A_406 : vector<256x1xi32> to vector<256x2048xi32>
    %eq3A_408 = arith.cmpi eq, %iota3A, %eq3A_407 : vector<256x2048xi32>
    %jit3A_409 = arith.constant 0xFF800000 : f32
    %broadcast_in_dim3A_410 = vector.broadcast %jit3A_409 : f32 to vector<256x2048xf32>
    %select_n3A_411 = arith.select %eq3A_408, %broadcast_in_dim3A_410, %select_n3A_387 : vector<256x2048xi1>, vector<256x2048xf32>
    %reduce_max3A_412 = arith.constant dense<0xFF800000> : vector<256xf32>
    %reduce_max3A_413 = vector.multi_reduction <maximumf>, %select_n3A_411, %reduce_max3A_412 [1] : vector<256x2048xf32> to vector<256xf32>
    %broadcast_in_dim3A_414 = vector.shape_cast %reduce_max3A_413 : vector<256xf32> to vector<256x1xf32>
    %eq3A_415 = vector.broadcast %broadcast_in_dim3A_414 : vector<256x1xf32> to vector<256x2048xf32>
    %eq3A_416 = arith.cmpf oeq, %select_n3A_411, %eq3A_415 : vector<256x2048xf32>
    %jit3A_417 = arith.constant 2048 : i32
    %broadcast_in_dim3A_418 = vector.broadcast %jit3A_417 : i32 to vector<256x2048xi32>
    %select_n3A_419 = arith.select %eq3A_416, %iota3A, %broadcast_in_dim3A_418 : vector<256x2048xi1>, vector<256x2048xi32>
    %reduce_min3A_420 = arith.constant dense<2147483647> : vector<256xi32>
    %reduce_min3A_421 = vector.multi_reduction <minsi>, %select_n3A_419, %reduce_min3A_420 [1] : vector<256x2048xi32> to vector<256xi32>
    %add3A_422 = vector.broadcast %mul3A_81 : i32 to vector<256xi32>
    %add3A_423 = arith.addi %reduce_min3A_421, %add3A_422 : vector<256xi32>
    %swap3A_424 = arith.constant 0 : index
    %swap3A_425 = arith.constant 14 : index
    %swap3A_426 = arith.constant 0 : index
    %swap3A_427 = vector.load %arg3[%swap3A_424, %swap3A_425, %swap3A_426] : memref<1x32x256xi32, #tpu.memory_space<vmem>>, vector<1x1x256xi32>
    %swap3A_428 = vector.shape_cast %swap3A_427 : vector<1x1x256xi32> to vector<256xi32>
    %swap3A_429 = vector.shape_cast %add3A_423 : vector<256xi32> to vector<1x1x256xi32>
    tpu.vector_store %arg3[%swap3A_424, %swap3A_425, %swap3A_426], %swap3A_429 {strides = array<i32>} : memref<1x32x256xi32, #tpu.memory_space<vmem>>, vector<1x1x256xi32>,
    %broadcast_in_dim3A_430 = vector.shape_cast %reduce_min3A_421 : vector<256xi32> to vector<256x1xi32>
    %eq3A_431 = vector.broadcast %broadcast_in_dim3A_430 : vector<256x1xi32> to vector<256x2048xi32>
    %eq3A_432 = arith.cmpi eq, %iota3A, %eq3A_431 : vector<256x2048xi32>
    %jit3A_433 = arith.constant 0xFF800000 : f32
    %broadcast_in_dim3A_434 = vector.broadcast %jit3A_433 : f32 to vector<256x2048xf32>
    %select_n3A_435 = arith.select %eq3A_432, %broadcast_in_dim3A_434, %select_n3A_411 : vector<256x2048xi1>, vector<256x2048xf32>
    %reduce_max3A_436 = arith.constant dense<0xFF800000> : vector<256xf32>
    %reduce_max3A_437 = vector.multi_reduction <maximumf>, %select_n3A_435, %reduce_max3A_436 [1] : vector<256x2048xf32> to vector<256xf32>
    %broadcast_in_dim3A_438 = vector.shape_cast %reduce_max3A_437 : vector<256xf32> to vector<256x1xf32>
    %eq3A_439 = vector.broadcast %broadcast_in_dim3A_438 : vector<256x1xf32> to vector<256x2048xf32>
    %eq3A_440 = arith.cmpf oeq, %select_n3A_435, %eq3A_439 : vector<256x2048xf32>
    %jit3A_441 = arith.constant 2048 : i32
    %broadcast_in_dim3A_442 = vector.broadcast %jit3A_441 : i32 to vector<256x2048xi32>
    %select_n3A_443 = arith.select %eq3A_440, %iota3A, %broadcast_in_dim3A_442 : vector<256x2048xi1>, vector<256x2048xi32>
    %reduce_min3A_444 = arith.constant dense<2147483647> : vector<256xi32>
    %reduce_min3A_445 = vector.multi_reduction <minsi>, %select_n3A_443, %reduce_min3A_444 [1] : vector<256x2048xi32> to vector<256xi32>
    %add3A_446 = vector.broadcast %mul3A_81 : i32 to vector<256xi32>
    %add3A_447 = arith.addi %reduce_min3A_445, %add3A_446 : vector<256xi32>
    %swap3A_448 = arith.constant 0 : index
    %swap3A_449 = arith.constant 15 : index
    %swap3A_450 = arith.constant 0 : index
    %swap3A_451 = vector.load %arg3[%swap3A_448, %swap3A_449, %swap3A_450] : memref<1x32x256xi32, #tpu.memory_space<vmem>>, vector<1x1x256xi32>
    %swap3A_452 = vector.shape_cast %swap3A_451 : vector<1x1x256xi32> to vector<256xi32>
    %swap3A_453 = vector.shape_cast %add3A_447 : vector<256xi32> to vector<1x1x256xi32>
    tpu.vector_store %arg3[%swap3A_448, %swap3A_449, %swap3A_450], %swap3A_453 {strides = array<i32>} : memref<1x32x256xi32, #tpu.memory_space<vmem>>, vector<1x1x256xi32>,
    %broadcast_in_dim3A_454 = vector.shape_cast %reduce_min3A_445 : vector<256xi32> to vector<256x1xi32>
    %eq3A_455 = vector.broadcast %broadcast_in_dim3A_454 : vector<256x1xi32> to vector<256x2048xi32>
    %eq3A_456 = arith.cmpi eq, %iota3A, %eq3A_455 : vector<256x2048xi32>
    %jit3A_457 = arith.constant 0xFF800000 : f32
    %broadcast_in_dim3A_458 = vector.broadcast %jit3A_457 : f32 to vector<256x2048xf32>
    %select_n3A_459 = arith.select %eq3A_456, %broadcast_in_dim3A_458, %select_n3A_435 : vector<256x2048xi1>, vector<256x2048xf32>
    %reduce_max3A_460 = arith.constant dense<0xFF800000> : vector<256xf32>
    %reduce_max3A_461 = vector.multi_reduction <maximumf>, %select_n3A_459, %reduce_max3A_460 [1] : vector<256x2048xf32> to vector<256xf32>
    %broadcast_in_dim3A_462 = vector.shape_cast %reduce_max3A_461 : vector<256xf32> to vector<256x1xf32>
    %eq3A_463 = vector.broadcast %broadcast_in_dim3A_462 : vector<256x1xf32> to vector<256x2048xf32>
    %eq3A_464 = arith.cmpf oeq, %select_n3A_459, %eq3A_463 : vector<256x2048xf32>
    %jit3A_465 = arith.constant 2048 : i32
    %broadcast_in_dim3A_466 = vector.broadcast %jit3A_465 : i32 to vector<256x2048xi32>
    %select_n3A_467 = arith.select %eq3A_464, %iota3A, %broadcast_in_dim3A_466 : vector<256x2048xi1>, vector<256x2048xi32>
    %reduce_min3A_468 = arith.constant dense<2147483647> : vector<256xi32>
    %reduce_min3A_469 = vector.multi_reduction <minsi>, %select_n3A_467, %reduce_min3A_468 [1] : vector<256x2048xi32> to vector<256xi32>
    %add3A_470 = vector.broadcast %mul3A_81 : i32 to vector<256xi32>
    %add3A_471 = arith.addi %reduce_min3A_469, %add3A_470 : vector<256xi32>
    %swap3A_472 = arith.constant 0 : index
    %swap3A_473 = arith.constant 16 : index
    %swap3A_474 = arith.constant 0 : index
    %swap3A_475 = vector.load %arg3[%swap3A_472, %swap3A_473, %swap3A_474] : memref<1x32x256xi32, #tpu.memory_space<vmem>>, vector<1x1x256xi32>
    %swap3A_476 = vector.shape_cast %swap3A_475 : vector<1x1x256xi32> to vector<256xi32>
    %swap3A_477 = vector.shape_cast %add3A_471 : vector<256xi32> to vector<1x1x256xi32>
    tpu.vector_store %arg3[%swap3A_472, %swap3A_473, %swap3A_474], %swap3A_477 {strides = array<i32>} : memref<1x32x256xi32, #tpu.memory_space<vmem>>, vector<1x1x256xi32>,
    %broadcast_in_dim3A_478 = vector.shape_cast %reduce_min3A_469 : vector<256xi32> to vector<256x1xi32>
    %eq3A_479 = vector.broadcast %broadcast_in_dim3A_478 : vector<256x1xi32> to vector<256x2048xi32>
    %eq3A_480 = arith.cmpi eq, %iota3A, %eq3A_479 : vector<256x2048xi32>
    %jit3A_481 = arith.constant 0xFF800000 : f32
    %broadcast_in_dim3A_482 = vector.broadcast %jit3A_481 : f32 to vector<256x2048xf32>
    %select_n3A_483 = arith.select %eq3A_480, %broadcast_in_dim3A_482, %select_n3A_459 : vector<256x2048xi1>, vector<256x2048xf32>
    %reduce_max3A_484 = arith.constant dense<0xFF800000> : vector<256xf32>
    %reduce_max3A_485 = vector.multi_reduction <maximumf>, %select_n3A_483, %reduce_max3A_484 [1] : vector<256x2048xf32> to vector<256xf32>
    %broadcast_in_dim3A_486 = vector.shape_cast %reduce_max3A_485 : vector<256xf32> to vector<256x1xf32>
    %eq3A_487 = vector.broadcast %broadcast_in_dim3A_486 : vector<256x1xf32> to vector<256x2048xf32>
    %eq3A_488 = arith.cmpf oeq, %select_n3A_483, %eq3A_487 : vector<256x2048xf32>
    %jit3A_489 = arith.constant 2048 : i32
    %broadcast_in_dim3A_490 = vector.broadcast %jit3A_489 : i32 to vector<256x2048xi32>
    %select_n3A_491 = arith.select %eq3A_488, %iota3A, %broadcast_in_dim3A_490 : vector<256x2048xi1>, vector<256x2048xi32>
    %reduce_min3A_492 = arith.constant dense<2147483647> : vector<256xi32>
    %reduce_min3A_493 = vector.multi_reduction <minsi>, %select_n3A_491, %reduce_min3A_492 [1] : vector<256x2048xi32> to vector<256xi32>
    %add3A_494 = vector.broadcast %mul3A_81 : i32 to vector<256xi32>
    %add3A_495 = arith.addi %reduce_min3A_493, %add3A_494 : vector<256xi32>
    %swap3A_496 = arith.constant 0 : index
    %swap3A_497 = arith.constant 17 : index
    %swap3A_498 = arith.constant 0 : index
    %swap3A_499 = vector.load %arg3[%swap3A_496, %swap3A_497, %swap3A_498] : memref<1x32x256xi32, #tpu.memory_space<vmem>>, vector<1x1x256xi32>
    %swap3A_500 = vector.shape_cast %swap3A_499 : vector<1x1x256xi32> to vector<256xi32>
    %swap3A_501 = vector.shape_cast %add3A_495 : vector<256xi32> to vector<1x1x256xi32>
    tpu.vector_store %arg3[%swap3A_496, %swap3A_497, %swap3A_498], %swap3A_501 {strides = array<i32>} : memref<1x32x256xi32, #tpu.memory_space<vmem>>, vector<1x1x256xi32>,
    %broadcast_in_dim3A_502 = vector.shape_cast %reduce_min3A_493 : vector<256xi32> to vector<256x1xi32>
    %eq3A_503 = vector.broadcast %broadcast_in_dim3A_502 : vector<256x1xi32> to vector<256x2048xi32>
    %eq3A_504 = arith.cmpi eq, %iota3A, %eq3A_503 : vector<256x2048xi32>
    %jit3A_505 = arith.constant 0xFF800000 : f32
    %broadcast_in_dim3A_506 = vector.broadcast %jit3A_505 : f32 to vector<256x2048xf32>
    %select_n3A_507 = arith.select %eq3A_504, %broadcast_in_dim3A_506, %select_n3A_483 : vector<256x2048xi1>, vector<256x2048xf32>
    %reduce_max3A_508 = arith.constant dense<0xFF800000> : vector<256xf32>
    %reduce_max3A_509 = vector.multi_reduction <maximumf>, %select_n3A_507, %reduce_max3A_508 [1] : vector<256x2048xf32> to vector<256xf32>
    %broadcast_in_dim3A_510 = vector.shape_cast %reduce_max3A_509 : vector<256xf32> to vector<256x1xf32>
    %eq3A_511 = vector.broadcast %broadcast_in_dim3A_510 : vector<256x1xf32> to vector<256x2048xf32>
    %eq3A_512 = arith.cmpf oeq, %select_n3A_507, %eq3A_511 : vector<256x2048xf32>
    %jit3A_513 = arith.constant 2048 : i32
    %broadcast_in_dim3A_514 = vector.broadcast %jit3A_513 : i32 to vector<256x2048xi32>
    %select_n3A_515 = arith.select %eq3A_512, %iota3A, %broadcast_in_dim3A_514 : vector<256x2048xi1>, vector<256x2048xi32>
    %reduce_min3A_516 = arith.constant dense<2147483647> : vector<256xi32>
    %reduce_min3A_517 = vector.multi_reduction <minsi>, %select_n3A_515, %reduce_min3A_516 [1] : vector<256x2048xi32> to vector<256xi32>
    %add3A_518 = vector.broadcast %mul3A_81 : i32 to vector<256xi32>
    %add3A_519 = arith.addi %reduce_min3A_517, %add3A_518 : vector<256xi32>
    %swap3A_520 = arith.constant 0 : index
    %swap3A_521 = arith.constant 18 : index
    %swap3A_522 = arith.constant 0 : index
    %swap3A_523 = vector.load %arg3[%swap3A_520, %swap3A_521, %swap3A_522] : memref<1x32x256xi32, #tpu.memory_space<vmem>>, vector<1x1x256xi32>
    %swap3A_524 = vector.shape_cast %swap3A_523 : vector<1x1x256xi32> to vector<256xi32>
    %swap3A_525 = vector.shape_cast %add3A_519 : vector<256xi32> to vector<1x1x256xi32>
    tpu.vector_store %arg3[%swap3A_520, %swap3A_521, %swap3A_522], %swap3A_525 {strides = array<i32>} : memref<1x32x256xi32, #tpu.memory_space<vmem>>, vector<1x1x256xi32>,
    %broadcast_in_dim3A_526 = vector.shape_cast %reduce_min3A_517 : vector<256xi32> to vector<256x1xi32>
    %eq3A_527 = vector.broadcast %broadcast_in_dim3A_526 : vector<256x1xi32> to vector<256x2048xi32>
    %eq3A_528 = arith.cmpi eq, %iota3A, %eq3A_527 : vector<256x2048xi32>
    %jit3A_529 = arith.constant 0xFF800000 : f32
    %broadcast_in_dim3A_530 = vector.broadcast %jit3A_529 : f32 to vector<256x2048xf32>
    %select_n3A_531 = arith.select %eq3A_528, %broadcast_in_dim3A_530, %select_n3A_507 : vector<256x2048xi1>, vector<256x2048xf32>
    %reduce_max3A_532 = arith.constant dense<0xFF800000> : vector<256xf32>
    %reduce_max3A_533 = vector.multi_reduction <maximumf>, %select_n3A_531, %reduce_max3A_532 [1] : vector<256x2048xf32> to vector<256xf32>
    %broadcast_in_dim3A_534 = vector.shape_cast %reduce_max3A_533 : vector<256xf32> to vector<256x1xf32>
    %eq3A_535 = vector.broadcast %broadcast_in_dim3A_534 : vector<256x1xf32> to vector<256x2048xf32>
    %eq3A_536 = arith.cmpf oeq, %select_n3A_531, %eq3A_535 : vector<256x2048xf32>
    %jit3A_537 = arith.constant 2048 : i32
    %broadcast_in_dim3A_538 = vector.broadcast %jit3A_537 : i32 to vector<256x2048xi32>
    %select_n3A_539 = arith.select %eq3A_536, %iota3A, %broadcast_in_dim3A_538 : vector<256x2048xi1>, vector<256x2048xi32>
    %reduce_min3A_540 = arith.constant dense<2147483647> : vector<256xi32>
    %reduce_min3A_541 = vector.multi_reduction <minsi>, %select_n3A_539, %reduce_min3A_540 [1] : vector<256x2048xi32> to vector<256xi32>
    %add3A_542 = vector.broadcast %mul3A_81 : i32 to vector<256xi32>
    %add3A_543 = arith.addi %reduce_min3A_541, %add3A_542 : vector<256xi32>
    %swap3A_544 = arith.constant 0 : index
    %swap3A_545 = arith.constant 19 : index
    %swap3A_546 = arith.constant 0 : index
    %swap3A_547 = vector.load %arg3[%swap3A_544, %swap3A_545, %swap3A_546] : memref<1x32x256xi32, #tpu.memory_space<vmem>>, vector<1x1x256xi32>
    %swap3A_548 = vector.shape_cast %swap3A_547 : vector<1x1x256xi32> to vector<256xi32>
    %swap3A_549 = vector.shape_cast %add3A_543 : vector<256xi32> to vector<1x1x256xi32>
    tpu.vector_store %arg3[%swap3A_544, %swap3A_545, %swap3A_546], %swap3A_549 {strides = array<i32>} : memref<1x32x256xi32, #tpu.memory_space<vmem>>, vector<1x1x256xi32>,
    %broadcast_in_dim3A_550 = vector.shape_cast %reduce_min3A_541 : vector<256xi32> to vector<256x1xi32>
    %eq3A_551 = vector.broadcast %broadcast_in_dim3A_550 : vector<256x1xi32> to vector<256x2048xi32>
    %eq3A_552 = arith.cmpi eq, %iota3A, %eq3A_551 : vector<256x2048xi32>
    %jit3A_553 = arith.constant 0xFF800000 : f32
    %broadcast_in_dim3A_554 = vector.broadcast %jit3A_553 : f32 to vector<256x2048xf32>
    %select_n3A_555 = arith.select %eq3A_552, %broadcast_in_dim3A_554, %select_n3A_531 : vector<256x2048xi1>, vector<256x2048xf32>
    %reduce_max3A_556 = arith.constant dense<0xFF800000> : vector<256xf32>
    %reduce_max3A_557 = vector.multi_reduction <maximumf>, %select_n3A_555, %reduce_max3A_556 [1] : vector<256x2048xf32> to vector<256xf32>
    %broadcast_in_dim3A_558 = vector.shape_cast %reduce_max3A_557 : vector<256xf32> to vector<256x1xf32>
    %eq3A_559 = vector.broadcast %broadcast_in_dim3A_558 : vector<256x1xf32> to vector<256x2048xf32>
    %eq3A_560 = arith.cmpf oeq, %select_n3A_555, %eq3A_559 : vector<256x2048xf32>
    %jit3A_561 = arith.constant 2048 : i32
    %broadcast_in_dim3A_562 = vector.broadcast %jit3A_561 : i32 to vector<256x2048xi32>
    %select_n3A_563 = arith.select %eq3A_560, %iota3A, %broadcast_in_dim3A_562 : vector<256x2048xi1>, vector<256x2048xi32>
    %reduce_min3A_564 = arith.constant dense<2147483647> : vector<256xi32>
    %reduce_min3A_565 = vector.multi_reduction <minsi>, %select_n3A_563, %reduce_min3A_564 [1] : vector<256x2048xi32> to vector<256xi32>
    %add3A_566 = vector.broadcast %mul3A_81 : i32 to vector<256xi32>
    %add3A_567 = arith.addi %reduce_min3A_565, %add3A_566 : vector<256xi32>
    %swap3A_568 = arith.constant 0 : index
    %swap3A_569 = arith.constant 20 : index
    %swap3A_570 = arith.constant 0 : index
    %swap3A_571 = vector.load %arg3[%swap3A_568, %swap3A_569, %swap3A_570] : memref<1x32x256xi32, #tpu.memory_space<vmem>>, vector<1x1x256xi32>
    %swap3A_572 = vector.shape_cast %swap3A_571 : vector<1x1x256xi32> to vector<256xi32>
    %swap3A_573 = vector.shape_cast %add3A_567 : vector<256xi32> to vector<1x1x256xi32>
    tpu.vector_store %arg3[%swap3A_568, %swap3A_569, %swap3A_570], %swap3A_573 {strides = array<i32>} : memref<1x32x256xi32, #tpu.memory_space<vmem>>, vector<1x1x256xi32>,
    %broadcast_in_dim3A_574 = vector.shape_cast %reduce_min3A_565 : vector<256xi32> to vector<256x1xi32>
    %eq3A_575 = vector.broadcast %broadcast_in_dim3A_574 : vector<256x1xi32> to vector<256x2048xi32>
    %eq3A_576 = arith.cmpi eq, %iota3A, %eq3A_575 : vector<256x2048xi32>
    %jit3A_577 = arith.constant 0xFF800000 : f32
    %broadcast_in_dim3A_578 = vector.broadcast %jit3A_577 : f32 to vector<256x2048xf32>
    %select_n3A_579 = arith.select %eq3A_576, %broadcast_in_dim3A_578, %select_n3A_555 : vector<256x2048xi1>, vector<256x2048xf32>
    %reduce_max3A_580 = arith.constant dense<0xFF800000> : vector<256xf32>
    %reduce_max3A_581 = vector.multi_reduction <maximumf>, %select_n3A_579, %reduce_max3A_580 [1] : vector<256x2048xf32> to vector<256xf32>
    %broadcast_in_dim3A_582 = vector.shape_cast %reduce_max3A_581 : vector<256xf32> to vector<256x1xf32>
    %eq3A_583 = vector.broadcast %broadcast_in_dim3A_582 : vector<256x1xf32> to vector<256x2048xf32>
    %eq3A_584 = arith.cmpf oeq, %select_n3A_579, %eq3A_583 : vector<256x2048xf32>
    %jit3A_585 = arith.constant 2048 : i32
    %broadcast_in_dim3A_586 = vector.broadcast %jit3A_585 : i32 to vector<256x2048xi32>
    %select_n3A_587 = arith.select %eq3A_584, %iota3A, %broadcast_in_dim3A_586 : vector<256x2048xi1>, vector<256x2048xi32>
    %reduce_min3A_588 = arith.constant dense<2147483647> : vector<256xi32>
    %reduce_min3A_589 = vector.multi_reduction <minsi>, %select_n3A_587, %reduce_min3A_588 [1] : vector<256x2048xi32> to vector<256xi32>
    %add3A_590 = vector.broadcast %mul3A_81 : i32 to vector<256xi32>
    %add3A_591 = arith.addi %reduce_min3A_589, %add3A_590 : vector<256xi32>
    %swap3A_592 = arith.constant 0 : index
    %swap3A_593 = arith.constant 21 : index
    %swap3A_594 = arith.constant 0 : index
    %swap3A_595 = vector.load %arg3[%swap3A_592, %swap3A_593, %swap3A_594] : memref<1x32x256xi32, #tpu.memory_space<vmem>>, vector<1x1x256xi32>
    %swap3A_596 = vector.shape_cast %swap3A_595 : vector<1x1x256xi32> to vector<256xi32>
    %swap3A_597 = vector.shape_cast %add3A_591 : vector<256xi32> to vector<1x1x256xi32>
    tpu.vector_store %arg3[%swap3A_592, %swap3A_593, %swap3A_594], %swap3A_597 {strides = array<i32>} : memref<1x32x256xi32, #tpu.memory_space<vmem>>, vector<1x1x256xi32>,
    %broadcast_in_dim3A_598 = vector.shape_cast %reduce_min3A_589 : vector<256xi32> to vector<256x1xi32>
    %eq3A_599 = vector.broadcast %broadcast_in_dim3A_598 : vector<256x1xi32> to vector<256x2048xi32>
    %eq3A_600 = arith.cmpi eq, %iota3A, %eq3A_599 : vector<256x2048xi32>
    %jit3A_601 = arith.constant 0xFF800000 : f32
    %broadcast_in_dim3A_602 = vector.broadcast %jit3A_601 : f32 to vector<256x2048xf32>
    %select_n3A_603 = arith.select %eq3A_600, %broadcast_in_dim3A_602, %select_n3A_579 : vector<256x2048xi1>, vector<256x2048xf32>
    %reduce_max3A_604 = arith.constant dense<0xFF800000> : vector<256xf32>
    %reduce_max3A_605 = vector.multi_reduction <maximumf>, %select_n3A_603, %reduce_max3A_604 [1] : vector<256x2048xf32> to vector<256xf32>
    %broadcast_in_dim3A_606 = vector.shape_cast %reduce_max3A_605 : vector<256xf32> to vector<256x1xf32>
    %eq3A_607 = vector.broadcast %broadcast_in_dim3A_606 : vector<256x1xf32> to vector<256x2048xf32>
    %eq3A_608 = arith.cmpf oeq, %select_n3A_603, %eq3A_607 : vector<256x2048xf32>
    %jit3A_609 = arith.constant 2048 : i32
    %broadcast_in_dim3A_610 = vector.broadcast %jit3A_609 : i32 to vector<256x2048xi32>
    %select_n3A_611 = arith.select %eq3A_608, %iota3A, %broadcast_in_dim3A_610 : vector<256x2048xi1>, vector<256x2048xi32>
    %reduce_min3A_612 = arith.constant dense<2147483647> : vector<256xi32>
    %reduce_min3A_613 = vector.multi_reduction <minsi>, %select_n3A_611, %reduce_min3A_612 [1] : vector<256x2048xi32> to vector<256xi32>
    %add3A_614 = vector.broadcast %mul3A_81 : i32 to vector<256xi32>
    %add3A_615 = arith.addi %reduce_min3A_613, %add3A_614 : vector<256xi32>
    %swap3A_616 = arith.constant 0 : index
    %swap3A_617 = arith.constant 22 : index
    %swap3A_618 = arith.constant 0 : index
    %swap3A_619 = vector.load %arg3[%swap3A_616, %swap3A_617, %swap3A_618] : memref<1x32x256xi32, #tpu.memory_space<vmem>>, vector<1x1x256xi32>
    %swap3A_620 = vector.shape_cast %swap3A_619 : vector<1x1x256xi32> to vector<256xi32>
    %swap3A_621 = vector.shape_cast %add3A_615 : vector<256xi32> to vector<1x1x256xi32>
    tpu.vector_store %arg3[%swap3A_616, %swap3A_617, %swap3A_618], %swap3A_621 {strides = array<i32>} : memref<1x32x256xi32, #tpu.memory_space<vmem>>, vector<1x1x256xi32>,
    %broadcast_in_dim3A_622 = vector.shape_cast %reduce_min3A_613 : vector<256xi32> to vector<256x1xi32>
    %eq3A_623 = vector.broadcast %broadcast_in_dim3A_622 : vector<256x1xi32> to vector<256x2048xi32>
    %eq3A_624 = arith.cmpi eq, %iota3A, %eq3A_623 : vector<256x2048xi32>
    %jit3A_625 = arith.constant 0xFF800000 : f32
    %broadcast_in_dim3A_626 = vector.broadcast %jit3A_625 : f32 to vector<256x2048xf32>
    %select_n3A_627 = arith.select %eq3A_624, %broadcast_in_dim3A_626, %select_n3A_603 : vector<256x2048xi1>, vector<256x2048xf32>
    %reduce_max3A_628 = arith.constant dense<0xFF800000> : vector<256xf32>
    %reduce_max3A_629 = vector.multi_reduction <maximumf>, %select_n3A_627, %reduce_max3A_628 [1] : vector<256x2048xf32> to vector<256xf32>
    %broadcast_in_dim3A_630 = vector.shape_cast %reduce_max3A_629 : vector<256xf32> to vector<256x1xf32>
    %eq3A_631 = vector.broadcast %broadcast_in_dim3A_630 : vector<256x1xf32> to vector<256x2048xf32>
    %eq3A_632 = arith.cmpf oeq, %select_n3A_627, %eq3A_631 : vector<256x2048xf32>
    %jit3A_633 = arith.constant 2048 : i32
    %broadcast_in_dim3A_634 = vector.broadcast %jit3A_633 : i32 to vector<256x2048xi32>
    %select_n3A_635 = arith.select %eq3A_632, %iota3A, %broadcast_in_dim3A_634 : vector<256x2048xi1>, vector<256x2048xi32>
    %reduce_min3A_636 = arith.constant dense<2147483647> : vector<256xi32>
    %reduce_min3A_637 = vector.multi_reduction <minsi>, %select_n3A_635, %reduce_min3A_636 [1] : vector<256x2048xi32> to vector<256xi32>
    %add3A_638 = vector.broadcast %mul3A_81 : i32 to vector<256xi32>
    %add3A_639 = arith.addi %reduce_min3A_637, %add3A_638 : vector<256xi32>
    %swap3A_640 = arith.constant 0 : index
    %swap3A_641 = arith.constant 23 : index
    %swap3A_642 = arith.constant 0 : index
    %swap3A_643 = vector.load %arg3[%swap3A_640, %swap3A_641, %swap3A_642] : memref<1x32x256xi32, #tpu.memory_space<vmem>>, vector<1x1x256xi32>
    %swap3A_644 = vector.shape_cast %swap3A_643 : vector<1x1x256xi32> to vector<256xi32>
    %swap3A_645 = vector.shape_cast %add3A_639 : vector<256xi32> to vector<1x1x256xi32>
    tpu.vector_store %arg3[%swap3A_640, %swap3A_641, %swap3A_642], %swap3A_645 {strides = array<i32>} : memref<1x32x256xi32, #tpu.memory_space<vmem>>, vector<1x1x256xi32>,
    %broadcast_in_dim3A_646 = vector.shape_cast %reduce_min3A_637 : vector<256xi32> to vector<256x1xi32>
    %eq3A_647 = vector.broadcast %broadcast_in_dim3A_646 : vector<256x1xi32> to vector<256x2048xi32>
    %eq3A_648 = arith.cmpi eq, %iota3A, %eq3A_647 : vector<256x2048xi32>
    %jit3A_649 = arith.constant 0xFF800000 : f32
    %broadcast_in_dim3A_650 = vector.broadcast %jit3A_649 : f32 to vector<256x2048xf32>
    %select_n3A_651 = arith.select %eq3A_648, %broadcast_in_dim3A_650, %select_n3A_627 : vector<256x2048xi1>, vector<256x2048xf32>
    %reduce_max3A_652 = arith.constant dense<0xFF800000> : vector<256xf32>
    %reduce_max3A_653 = vector.multi_reduction <maximumf>, %select_n3A_651, %reduce_max3A_652 [1] : vector<256x2048xf32> to vector<256xf32>
    %broadcast_in_dim3A_654 = vector.shape_cast %reduce_max3A_653 : vector<256xf32> to vector<256x1xf32>
    %eq3A_655 = vector.broadcast %broadcast_in_dim3A_654 : vector<256x1xf32> to vector<256x2048xf32>
    %eq3A_656 = arith.cmpf oeq, %select_n3A_651, %eq3A_655 : vector<256x2048xf32>
    %jit3A_657 = arith.constant 2048 : i32
    %broadcast_in_dim3A_658 = vector.broadcast %jit3A_657 : i32 to vector<256x2048xi32>
    %select_n3A_659 = arith.select %eq3A_656, %iota3A, %broadcast_in_dim3A_658 : vector<256x2048xi1>, vector<256x2048xi32>
    %reduce_min3A_660 = arith.constant dense<2147483647> : vector<256xi32>
    %reduce_min3A_661 = vector.multi_reduction <minsi>, %select_n3A_659, %reduce_min3A_660 [1] : vector<256x2048xi32> to vector<256xi32>
    %add3A_662 = vector.broadcast %mul3A_81 : i32 to vector<256xi32>
    %add3A_663 = arith.addi %reduce_min3A_661, %add3A_662 : vector<256xi32>
    %swap3A_664 = arith.constant 0 : index
    %swap3A_665 = arith.constant 24 : index
    %swap3A_666 = arith.constant 0 : index
    %swap3A_667 = vector.load %arg3[%swap3A_664, %swap3A_665, %swap3A_666] : memref<1x32x256xi32, #tpu.memory_space<vmem>>, vector<1x1x256xi32>
    %swap3A_668 = vector.shape_cast %swap3A_667 : vector<1x1x256xi32> to vector<256xi32>
    %swap3A_669 = vector.shape_cast %add3A_663 : vector<256xi32> to vector<1x1x256xi32>
    tpu.vector_store %arg3[%swap3A_664, %swap3A_665, %swap3A_666], %swap3A_669 {strides = array<i32>} : memref<1x32x256xi32, #tpu.memory_space<vmem>>, vector<1x1x256xi32>,
    %broadcast_in_dim3A_670 = vector.shape_cast %reduce_min3A_661 : vector<256xi32> to vector<256x1xi32>
    %eq3A_671 = vector.broadcast %broadcast_in_dim3A_670 : vector<256x1xi32> to vector<256x2048xi32>
    %eq3A_672 = arith.cmpi eq, %iota3A, %eq3A_671 : vector<256x2048xi32>
    %jit3A_673 = arith.constant 0xFF800000 : f32
    %broadcast_in_dim3A_674 = vector.broadcast %jit3A_673 : f32 to vector<256x2048xf32>
    %select_n3A_675 = arith.select %eq3A_672, %broadcast_in_dim3A_674, %select_n3A_651 : vector<256x2048xi1>, vector<256x2048xf32>
    %reduce_max3A_676 = arith.constant dense<0xFF800000> : vector<256xf32>
    %reduce_max3A_677 = vector.multi_reduction <maximumf>, %select_n3A_675, %reduce_max3A_676 [1] : vector<256x2048xf32> to vector<256xf32>
    %broadcast_in_dim3A_678 = vector.shape_cast %reduce_max3A_677 : vector<256xf32> to vector<256x1xf32>
    %eq3A_679 = vector.broadcast %broadcast_in_dim3A_678 : vector<256x1xf32> to vector<256x2048xf32>
    %eq3A_680 = arith.cmpf oeq, %select_n3A_675, %eq3A_679 : vector<256x2048xf32>
    %jit3A_681 = arith.constant 2048 : i32
    %broadcast_in_dim3A_682 = vector.broadcast %jit3A_681 : i32 to vector<256x2048xi32>
    %select_n3A_683 = arith.select %eq3A_680, %iota3A, %broadcast_in_dim3A_682 : vector<256x2048xi1>, vector<256x2048xi32>
    %reduce_min3A_684 = arith.constant dense<2147483647> : vector<256xi32>
    %reduce_min3A_685 = vector.multi_reduction <minsi>, %select_n3A_683, %reduce_min3A_684 [1] : vector<256x2048xi32> to vector<256xi32>
    %add3A_686 = vector.broadcast %mul3A_81 : i32 to vector<256xi32>
    %add3A_687 = arith.addi %reduce_min3A_685, %add3A_686 : vector<256xi32>
    %swap3A_688 = arith.constant 0 : index
    %swap3A_689 = arith.constant 25 : index
    %swap3A_690 = arith.constant 0 : index
    %swap3A_691 = vector.load %arg3[%swap3A_688, %swap3A_689, %swap3A_690] : memref<1x32x256xi32, #tpu.memory_space<vmem>>, vector<1x1x256xi32>
    %swap3A_692 = vector.shape_cast %swap3A_691 : vector<1x1x256xi32> to vector<256xi32>
    %swap3A_693 = vector.shape_cast %add3A_687 : vector<256xi32> to vector<1x1x256xi32>
    tpu.vector_store %arg3[%swap3A_688, %swap3A_689, %swap3A_690], %swap3A_693 {strides = array<i32>} : memref<1x32x256xi32, #tpu.memory_space<vmem>>, vector<1x1x256xi32>,
    %broadcast_in_dim3A_694 = vector.shape_cast %reduce_min3A_685 : vector<256xi32> to vector<256x1xi32>
    %eq3A_695 = vector.broadcast %broadcast_in_dim3A_694 : vector<256x1xi32> to vector<256x2048xi32>
    %eq3A_696 = arith.cmpi eq, %iota3A, %eq3A_695 : vector<256x2048xi32>
    %jit3A_697 = arith.constant 0xFF800000 : f32
    %broadcast_in_dim3A_698 = vector.broadcast %jit3A_697 : f32 to vector<256x2048xf32>
    %select_n3A_699 = arith.select %eq3A_696, %broadcast_in_dim3A_698, %select_n3A_675 : vector<256x2048xi1>, vector<256x2048xf32>
    %reduce_max3A_700 = arith.constant dense<0xFF800000> : vector<256xf32>
    %reduce_max3A_701 = vector.multi_reduction <maximumf>, %select_n3A_699, %reduce_max3A_700 [1] : vector<256x2048xf32> to vector<256xf32>
    %broadcast_in_dim3A_702 = vector.shape_cast %reduce_max3A_701 : vector<256xf32> to vector<256x1xf32>
    %eq3A_703 = vector.broadcast %broadcast_in_dim3A_702 : vector<256x1xf32> to vector<256x2048xf32>
    %eq3A_704 = arith.cmpf oeq, %select_n3A_699, %eq3A_703 : vector<256x2048xf32>
    %jit3A_705 = arith.constant 2048 : i32
    %broadcast_in_dim3A_706 = vector.broadcast %jit3A_705 : i32 to vector<256x2048xi32>
    %select_n3A_707 = arith.select %eq3A_704, %iota3A, %broadcast_in_dim3A_706 : vector<256x2048xi1>, vector<256x2048xi32>
    %reduce_min3A_708 = arith.constant dense<2147483647> : vector<256xi32>
    %reduce_min3A_709 = vector.multi_reduction <minsi>, %select_n3A_707, %reduce_min3A_708 [1] : vector<256x2048xi32> to vector<256xi32>
    %add3A_710 = vector.broadcast %mul3A_81 : i32 to vector<256xi32>
    %add3A_711 = arith.addi %reduce_min3A_709, %add3A_710 : vector<256xi32>
    %swap3A_712 = arith.constant 0 : index
    %swap3A_713 = arith.constant 26 : index
    %swap3A_714 = arith.constant 0 : index
    %swap3A_715 = vector.load %arg3[%swap3A_712, %swap3A_713, %swap3A_714] : memref<1x32x256xi32, #tpu.memory_space<vmem>>, vector<1x1x256xi32>
    %swap3A_716 = vector.shape_cast %swap3A_715 : vector<1x1x256xi32> to vector<256xi32>
    %swap3A_717 = vector.shape_cast %add3A_711 : vector<256xi32> to vector<1x1x256xi32>
    tpu.vector_store %arg3[%swap3A_712, %swap3A_713, %swap3A_714], %swap3A_717 {strides = array<i32>} : memref<1x32x256xi32, #tpu.memory_space<vmem>>, vector<1x1x256xi32>,
    %broadcast_in_dim3A_718 = vector.shape_cast %reduce_min3A_709 : vector<256xi32> to vector<256x1xi32>
    %eq3A_719 = vector.broadcast %broadcast_in_dim3A_718 : vector<256x1xi32> to vector<256x2048xi32>
    %eq3A_720 = arith.cmpi eq, %iota3A, %eq3A_719 : vector<256x2048xi32>
    %jit3A_721 = arith.constant 0xFF800000 : f32
    %broadcast_in_dim3A_722 = vector.broadcast %jit3A_721 : f32 to vector<256x2048xf32>
    %select_n3A_723 = arith.select %eq3A_720, %broadcast_in_dim3A_722, %select_n3A_699 : vector<256x2048xi1>, vector<256x2048xf32>
    %reduce_max3A_724 = arith.constant dense<0xFF800000> : vector<256xf32>
    %reduce_max3A_725 = vector.multi_reduction <maximumf>, %select_n3A_723, %reduce_max3A_724 [1] : vector<256x2048xf32> to vector<256xf32>
    %broadcast_in_dim3A_726 = vector.shape_cast %reduce_max3A_725 : vector<256xf32> to vector<256x1xf32>
    %eq3A_727 = vector.broadcast %broadcast_in_dim3A_726 : vector<256x1xf32> to vector<256x2048xf32>
    %eq3A_728 = arith.cmpf oeq, %select_n3A_723, %eq3A_727 : vector<256x2048xf32>
    %jit3A_729 = arith.constant 2048 : i32
    %broadcast_in_dim3A_730 = vector.broadcast %jit3A_729 : i32 to vector<256x2048xi32>
    %select_n3A_731 = arith.select %eq3A_728, %iota3A, %broadcast_in_dim3A_730 : vector<256x2048xi1>, vector<256x2048xi32>
    %reduce_min3A_732 = arith.constant dense<2147483647> : vector<256xi32>
    %reduce_min3A_733 = vector.multi_reduction <minsi>, %select_n3A_731, %reduce_min3A_732 [1] : vector<256x2048xi32> to vector<256xi32>
    %add3A_734 = vector.broadcast %mul3A_81 : i32 to vector<256xi32>
    %add3A_735 = arith.addi %reduce_min3A_733, %add3A_734 : vector<256xi32>
    %swap3A_736 = arith.constant 0 : index
    %swap3A_737 = arith.constant 27 : index
    %swap3A_738 = arith.constant 0 : index
    %swap3A_739 = vector.load %arg3[%swap3A_736, %swap3A_737, %swap3A_738] : memref<1x32x256xi32, #tpu.memory_space<vmem>>, vector<1x1x256xi32>
    %swap3A_740 = vector.shape_cast %swap3A_739 : vector<1x1x256xi32> to vector<256xi32>
    %swap3A_741 = vector.shape_cast %add3A_735 : vector<256xi32> to vector<1x1x256xi32>
    tpu.vector_store %arg3[%swap3A_736, %swap3A_737, %swap3A_738], %swap3A_741 {strides = array<i32>} : memref<1x32x256xi32, #tpu.memory_space<vmem>>, vector<1x1x256xi32>,
    %broadcast_in_dim3A_742 = vector.shape_cast %reduce_min3A_733 : vector<256xi32> to vector<256x1xi32>
    %eq3A_743 = vector.broadcast %broadcast_in_dim3A_742 : vector<256x1xi32> to vector<256x2048xi32>
    %eq3A_744 = arith.cmpi eq, %iota3A, %eq3A_743 : vector<256x2048xi32>
    %jit3A_745 = arith.constant 0xFF800000 : f32
    %broadcast_in_dim3A_746 = vector.broadcast %jit3A_745 : f32 to vector<256x2048xf32>
    %select_n3A_747 = arith.select %eq3A_744, %broadcast_in_dim3A_746, %select_n3A_723 : vector<256x2048xi1>, vector<256x2048xf32>
    %reduce_max3A_748 = arith.constant dense<0xFF800000> : vector<256xf32>
    %reduce_max3A_749 = vector.multi_reduction <maximumf>, %select_n3A_747, %reduce_max3A_748 [1] : vector<256x2048xf32> to vector<256xf32>
    %broadcast_in_dim3A_750 = vector.shape_cast %reduce_max3A_749 : vector<256xf32> to vector<256x1xf32>
    %eq3A_751 = vector.broadcast %broadcast_in_dim3A_750 : vector<256x1xf32> to vector<256x2048xf32>
    %eq3A_752 = arith.cmpf oeq, %select_n3A_747, %eq3A_751 : vector<256x2048xf32>
    %jit3A_753 = arith.constant 2048 : i32
    %broadcast_in_dim3A_754 = vector.broadcast %jit3A_753 : i32 to vector<256x2048xi32>
    %select_n3A_755 = arith.select %eq3A_752, %iota3A, %broadcast_in_dim3A_754 : vector<256x2048xi1>, vector<256x2048xi32>
    %reduce_min3A_756 = arith.constant dense<2147483647> : vector<256xi32>
    %reduce_min3A_757 = vector.multi_reduction <minsi>, %select_n3A_755, %reduce_min3A_756 [1] : vector<256x2048xi32> to vector<256xi32>
    %add3A_758 = vector.broadcast %mul3A_81 : i32 to vector<256xi32>
    %add3A_759 = arith.addi %reduce_min3A_757, %add3A_758 : vector<256xi32>
    %swap3A_760 = arith.constant 0 : index
    %swap3A_761 = arith.constant 28 : index
    %swap3A_762 = arith.constant 0 : index
    %swap3A_763 = vector.load %arg3[%swap3A_760, %swap3A_761, %swap3A_762] : memref<1x32x256xi32, #tpu.memory_space<vmem>>, vector<1x1x256xi32>
    %swap3A_764 = vector.shape_cast %swap3A_763 : vector<1x1x256xi32> to vector<256xi32>
    %swap3A_765 = vector.shape_cast %add3A_759 : vector<256xi32> to vector<1x1x256xi32>
    tpu.vector_store %arg3[%swap3A_760, %swap3A_761, %swap3A_762], %swap3A_765 {strides = array<i32>} : memref<1x32x256xi32, #tpu.memory_space<vmem>>, vector<1x1x256xi32>,
    %broadcast_in_dim3A_766 = vector.shape_cast %reduce_min3A_757 : vector<256xi32> to vector<256x1xi32>
    %eq3A_767 = vector.broadcast %broadcast_in_dim3A_766 : vector<256x1xi32> to vector<256x2048xi32>
    %eq3A_768 = arith.cmpi eq, %iota3A, %eq3A_767 : vector<256x2048xi32>
    %jit3A_769 = arith.constant 0xFF800000 : f32
    %broadcast_in_dim3A_770 = vector.broadcast %jit3A_769 : f32 to vector<256x2048xf32>
    %select_n3A_771 = arith.select %eq3A_768, %broadcast_in_dim3A_770, %select_n3A_747 : vector<256x2048xi1>, vector<256x2048xf32>
    %reduce_max3A_772 = arith.constant dense<0xFF800000> : vector<256xf32>
    %reduce_max3A_773 = vector.multi_reduction <maximumf>, %select_n3A_771, %reduce_max3A_772 [1] : vector<256x2048xf32> to vector<256xf32>
    %broadcast_in_dim3A_774 = vector.shape_cast %reduce_max3A_773 : vector<256xf32> to vector<256x1xf32>
    %eq3A_775 = vector.broadcast %broadcast_in_dim3A_774 : vector<256x1xf32> to vector<256x2048xf32>
    %eq3A_776 = arith.cmpf oeq, %select_n3A_771, %eq3A_775 : vector<256x2048xf32>
    %jit3A_777 = arith.constant 2048 : i32
    %broadcast_in_dim3A_778 = vector.broadcast %jit3A_777 : i32 to vector<256x2048xi32>
    %select_n3A_779 = arith.select %eq3A_776, %iota3A, %broadcast_in_dim3A_778 : vector<256x2048xi1>, vector<256x2048xi32>
    %reduce_min3A_780 = arith.constant dense<2147483647> : vector<256xi32>
    %reduce_min3A_781 = vector.multi_reduction <minsi>, %select_n3A_779, %reduce_min3A_780 [1] : vector<256x2048xi32> to vector<256xi32>
    %add3A_782 = vector.broadcast %mul3A_81 : i32 to vector<256xi32>
    %add3A_783 = arith.addi %reduce_min3A_781, %add3A_782 : vector<256xi32>
    %swap3A_784 = arith.constant 0 : index
    %swap3A_785 = arith.constant 29 : index
    %swap3A_786 = arith.constant 0 : index
    %swap3A_787 = vector.load %arg3[%swap3A_784, %swap3A_785, %swap3A_786] : memref<1x32x256xi32, #tpu.memory_space<vmem>>, vector<1x1x256xi32>
    %swap3A_788 = vector.shape_cast %swap3A_787 : vector<1x1x256xi32> to vector<256xi32>
    %swap3A_789 = vector.shape_cast %add3A_783 : vector<256xi32> to vector<1x1x256xi32>
    tpu.vector_store %arg3[%swap3A_784, %swap3A_785, %swap3A_786], %swap3A_789 {strides = array<i32>} : memref<1x32x256xi32, #tpu.memory_space<vmem>>, vector<1x1x256xi32>,
    %broadcast_in_dim3A_790 = vector.shape_cast %reduce_min3A_781 : vector<256xi32> to vector<256x1xi32>
    %eq3A_791 = vector.broadcast %broadcast_in_dim3A_790 : vector<256x1xi32> to vector<256x2048xi32>
    %eq3A_792 = arith.cmpi eq, %iota3A, %eq3A_791 : vector<256x2048xi32>
    %jit3A_793 = arith.constant 0xFF800000 : f32
    %broadcast_in_dim3A_794 = vector.broadcast %jit3A_793 : f32 to vector<256x2048xf32>
    %select_n3A_795 = arith.select %eq3A_792, %broadcast_in_dim3A_794, %select_n3A_771 : vector<256x2048xi1>, vector<256x2048xf32>
    %reduce_max3A_796 = arith.constant dense<0xFF800000> : vector<256xf32>
    %reduce_max3A_797 = vector.multi_reduction <maximumf>, %select_n3A_795, %reduce_max3A_796 [1] : vector<256x2048xf32> to vector<256xf32>
    %broadcast_in_dim3A_798 = vector.shape_cast %reduce_max3A_797 : vector<256xf32> to vector<256x1xf32>
    %eq3A_799 = vector.broadcast %broadcast_in_dim3A_798 : vector<256x1xf32> to vector<256x2048xf32>
    %eq3A_800 = arith.cmpf oeq, %select_n3A_795, %eq3A_799 : vector<256x2048xf32>
    %jit3A_801 = arith.constant 2048 : i32
    %broadcast_in_dim3A_802 = vector.broadcast %jit3A_801 : i32 to vector<256x2048xi32>
    %select_n3A_803 = arith.select %eq3A_800, %iota3A, %broadcast_in_dim3A_802 : vector<256x2048xi1>, vector<256x2048xi32>
    %reduce_min3A_804 = arith.constant dense<2147483647> : vector<256xi32>
    %reduce_min3A_805 = vector.multi_reduction <minsi>, %select_n3A_803, %reduce_min3A_804 [1] : vector<256x2048xi32> to vector<256xi32>
    %add3A_806 = vector.broadcast %mul3A_81 : i32 to vector<256xi32>
    %add3A_807 = arith.addi %reduce_min3A_805, %add3A_806 : vector<256xi32>
    %swap3A_808 = arith.constant 0 : index
    %swap3A_809 = arith.constant 30 : index
    %swap3A_810 = arith.constant 0 : index
    %swap3A_811 = vector.load %arg3[%swap3A_808, %swap3A_809, %swap3A_810] : memref<1x32x256xi32, #tpu.memory_space<vmem>>, vector<1x1x256xi32>
    %swap3A_812 = vector.shape_cast %swap3A_811 : vector<1x1x256xi32> to vector<256xi32>
    %swap3A_813 = vector.shape_cast %add3A_807 : vector<256xi32> to vector<1x1x256xi32>
    tpu.vector_store %arg3[%swap3A_808, %swap3A_809, %swap3A_810], %swap3A_813 {strides = array<i32>} : memref<1x32x256xi32, #tpu.memory_space<vmem>>, vector<1x1x256xi32>,
    %broadcast_in_dim3A_814 = vector.shape_cast %reduce_min3A_805 : vector<256xi32> to vector<256x1xi32>
    %eq3A_815 = vector.broadcast %broadcast_in_dim3A_814 : vector<256x1xi32> to vector<256x2048xi32>
    %eq3A_816 = arith.cmpi eq, %iota3A, %eq3A_815 : vector<256x2048xi32>
    %jit3A_817 = arith.constant 0xFF800000 : f32
    %broadcast_in_dim3A_818 = vector.broadcast %jit3A_817 : f32 to vector<256x2048xf32>
    %select_n3A_819 = arith.select %eq3A_816, %broadcast_in_dim3A_818, %select_n3A_795 : vector<256x2048xi1>, vector<256x2048xf32>
    %reduce_max3A_820 = arith.constant dense<0xFF800000> : vector<256xf32>
    %reduce_max3A_821 = vector.multi_reduction <maximumf>, %select_n3A_819, %reduce_max3A_820 [1] : vector<256x2048xf32> to vector<256xf32>
    %broadcast_in_dim3A_822 = vector.shape_cast %reduce_max3A_821 : vector<256xf32> to vector<256x1xf32>
    %eq3A_823 = vector.broadcast %broadcast_in_dim3A_822 : vector<256x1xf32> to vector<256x2048xf32>
    %eq3A_824 = arith.cmpf oeq, %select_n3A_819, %eq3A_823 : vector<256x2048xf32>
    %jit3A_825 = arith.constant 2048 : i32
    %broadcast_in_dim3A_826 = vector.broadcast %jit3A_825 : i32 to vector<256x2048xi32>
    %select_n3A_827 = arith.select %eq3A_824, %iota3A, %broadcast_in_dim3A_826 : vector<256x2048xi1>, vector<256x2048xi32>
    %reduce_min3A_828 = arith.constant dense<2147483647> : vector<256xi32>
    %reduce_min3A_829 = vector.multi_reduction <minsi>, %select_n3A_827, %reduce_min3A_828 [1] : vector<256x2048xi32> to vector<256xi32>
    %add3A_830 = vector.broadcast %mul3A_81 : i32 to vector<256xi32>
    %add3A_831 = arith.addi %reduce_min3A_829, %add3A_830 : vector<256xi32>
    %swap3A_832 = arith.constant 0 : index
    %swap3A_833 = arith.constant 31 : index
    %swap3A_834 = arith.constant 0 : index
    %swap3A_835 = vector.load %arg3[%swap3A_832, %swap3A_833, %swap3A_834] : memref<1x32x256xi32, #tpu.memory_space<vmem>>, vector<1x1x256xi32>
    %swap3A_836 = vector.shape_cast %swap3A_835 : vector<1x1x256xi32> to vector<256xi32>
    %swap3A_837 = vector.shape_cast %add3A_831 : vector<256xi32> to vector<1x1x256xi32>
    tpu.vector_store %arg3[%swap3A_832, %swap3A_833, %swap3A_834], %swap3A_837 {strides = array<i32>} : memref<1x32x256xi32, #tpu.memory_space<vmem>>, vector<1x1x256xi32>,
    return
  }
  func.func @transform_0(%arg0: i32, %arg1: i32) -> (i32, i32, i32) {
    %c0_i32 = arith.constant 0 : i32
    %c0_i32_0 = arith.constant 0 : i32
    %c0_i32_1 = arith.constant 0 : i32
    return %arg0, %c0_i32, %c0_i32_0 : i32, i32, i32
  }
  func.func @transform_1(%arg0: i32, %arg1: i32) -> (i32, i32, i32) {
    %c0_i32 = arith.constant 0 : i32
    %c0_i32_0 = arith.constant 0 : i32
    return %arg0, %c0_i32, %arg1 : i32, i32, i32
  }
}

module attributes {stable_mosaic.version = 14 : i64} {
  func.func @_y1_body(%arg0: i32, %arg1: memref<8192x128xf32, #tpu.memory_space<vmem>>, %arg2: memref<2048x128xf32, #tpu.memory_space<vmem>>, %arg3: memref<256x64xbf16, #tpu.memory_space<vmem>>, %arg4: memref<1x4x64x2048xf32, #tpu.memory_space<vmem>>) attributes {dimension_semantics = [#tpu.dimension_semantics<parallel>], iteration_bounds = array<i64: 64>, scalar_prefetch = 0 : i64, scratch_operands = 0 : i64, tpu.core_type = #tpu.core_type<tc>, window_params = [{transform_indices = @transform_0, window_bounds = array<i64: 8192, 128>}, {transform_indices = @transform_1, window_bounds = array<i64: 2048, 128>}, {pipeline_mode = #tpu.pipeline_mode<synchronous>, transform_indices = @transform_2, window_bounds = array<i64: 256, 64>}, {transform_indices = @transform_3, window_bounds = array<i64: 1, 4, 64, 2048>}]} {
    %get3A = arith.constant 0 : index
    %get3A_0 = arith.constant 0 : index
    %get3A_1 = vector.load %arg2[%get3A, %get3A_0] : memref<2048x128xf32, #tpu.memory_space<vmem>>, vector<2048x128xf32>
    %broadcast_in_dim3A = vector.shape_cast %get3A_1 : vector<2048x128xf32> to vector<1x2048x128xf32>
    %broadcast_in_dim3A_2 = vector.shape_cast %broadcast_in_dim3A : vector<1x2048x128xf32> to vector<1x2048x128xf32>
    %broadcast_in_dim3A_3 = vector.broadcast %broadcast_in_dim3A_2 : vector<1x2048x128xf32> to vector<4x2048x128xf32>
    %reshape3A = vector.shape_cast %broadcast_in_dim3A_3 : vector<4x2048x128xf32> to vector<8192x128xf32>
    %get3A_4 = arith.constant 0 : index
    %get3A_5 = arith.constant 0 : index
    %get3A_6 = vector.load %arg1[%get3A_4, %get3A_5] : memref<8192x128xf32, #tpu.memory_space<vmem>>, vector<8192x128xf32>
    %sub3A = arith.subf %get3A_6, %reshape3A : vector<8192x128xf32>
    %convert_element_type3A = arith.truncf %sub3A : vector<8192x128xf32> to vector<8192x128xbf16>
    %convert_element_type3A_7 = arith.truncf %reshape3A : vector<8192x128xf32> to vector<8192x128xbf16>
    %concatenate3A = tpu.concatenate %convert_element_type3A, %convert_element_type3A_7 in 1 : vector<8192x128xbf16>, vector<8192x128xbf16> -> vector<8192x256xbf16>
    %get3A_8 = arith.constant 0 : index
    %get3A_9 = arith.constant 0 : index
    %get3A_10 = vector.load %arg3[%get3A_8, %get3A_9] : memref<256x64xbf16, #tpu.memory_space<vmem>>, vector<256x64xbf16>
    %dot_general3A = arith.constant dense<0.000000e+00> : vector<8192x64xf32>
    %dot_general3A_11 = tpu.matmul %concatenate3A, %get3A_10, %dot_general3A {dimension_numbers = #tpu.dot_dimension_numbers<[1], [0], [0], [1], [0, 0, 1, 1], [], []>, transpose_lhs_hint = false} : vector<8192x256xbf16>, vector<256x64xbf16>, vector<8192x64xf32> -> vector<8192x64xf32>
    %slice3A = vector.extract_strided_slice %dot_general3A_11 {offsets = [0, 0], sizes = [2048, 64], strides = [1, 1]} : vector<8192x64xf32> to vector<2048x64xf32>
    %transpose3A = tpu.transpose %slice3A, [1, 0] : vector<2048x64xf32> -> vector<64x2048xf32>
    %swap3A = arith.constant 0 : index
    %swap3A_12 = arith.constant 0 : index
    %swap3A_13 = arith.constant 0 : index
    %swap3A_14 = arith.constant 0 : index
    %swap3A_15 = vector.load %arg4[%swap3A, %swap3A_12, %swap3A_13, %swap3A_14] : memref<1x4x64x2048xf32, #tpu.memory_space<vmem>>, vector<1x1x64x2048xf32>
    %swap3A_16 = vector.shape_cast %swap3A_15 : vector<1x1x64x2048xf32> to vector<64x2048xf32>
    %swap3A_17 = vector.shape_cast %transpose3A : vector<64x2048xf32> to vector<1x1x64x2048xf32>
    tpu.vector_store %arg4[%swap3A, %swap3A_12, %swap3A_13, %swap3A_14], %swap3A_17 {strides = array<i32>} : memref<1x4x64x2048xf32, #tpu.memory_space<vmem>>, vector<1x1x64x2048xf32>,
    %slice3A_18 = vector.extract_strided_slice %dot_general3A_11 {offsets = [2048, 0], sizes = [2048, 64], strides = [1, 1]} : vector<8192x64xf32> to vector<2048x64xf32>
    %transpose3A_19 = tpu.transpose %slice3A_18, [1, 0] : vector<2048x64xf32> -> vector<64x2048xf32>
    %swap3A_20 = arith.constant 0 : index
    %swap3A_21 = arith.constant 1 : index
    %swap3A_22 = arith.constant 0 : index
    %swap3A_23 = arith.constant 0 : index
    %swap3A_24 = vector.load %arg4[%swap3A_20, %swap3A_21, %swap3A_22, %swap3A_23] : memref<1x4x64x2048xf32, #tpu.memory_space<vmem>>, vector<1x1x64x2048xf32>
    %swap3A_25 = vector.shape_cast %swap3A_24 : vector<1x1x64x2048xf32> to vector<64x2048xf32>
    %swap3A_26 = vector.shape_cast %transpose3A_19 : vector<64x2048xf32> to vector<1x1x64x2048xf32>
    tpu.vector_store %arg4[%swap3A_20, %swap3A_21, %swap3A_22, %swap3A_23], %swap3A_26 {strides = array<i32>} : memref<1x4x64x2048xf32, #tpu.memory_space<vmem>>, vector<1x1x64x2048xf32>,
    %slice3A_27 = vector.extract_strided_slice %dot_general3A_11 {offsets = [4096, 0], sizes = [2048, 64], strides = [1, 1]} : vector<8192x64xf32> to vector<2048x64xf32>
    %transpose3A_28 = tpu.transpose %slice3A_27, [1, 0] : vector<2048x64xf32> -> vector<64x2048xf32>
    %swap3A_29 = arith.constant 0 : index
    %swap3A_30 = arith.constant 2 : index
    %swap3A_31 = arith.constant 0 : index
    %swap3A_32 = arith.constant 0 : index
    %swap3A_33 = vector.load %arg4[%swap3A_29, %swap3A_30, %swap3A_31, %swap3A_32] : memref<1x4x64x2048xf32, #tpu.memory_space<vmem>>, vector<1x1x64x2048xf32>
    %swap3A_34 = vector.shape_cast %swap3A_33 : vector<1x1x64x2048xf32> to vector<64x2048xf32>
    %swap3A_35 = vector.shape_cast %transpose3A_28 : vector<64x2048xf32> to vector<1x1x64x2048xf32>
    tpu.vector_store %arg4[%swap3A_29, %swap3A_30, %swap3A_31, %swap3A_32], %swap3A_35 {strides = array<i32>} : memref<1x4x64x2048xf32, #tpu.memory_space<vmem>>, vector<1x1x64x2048xf32>,
    %slice3A_36 = vector.extract_strided_slice %dot_general3A_11 {offsets = [6144, 0], sizes = [2048, 64], strides = [1, 1]} : vector<8192x64xf32> to vector<2048x64xf32>
    %transpose3A_37 = tpu.transpose %slice3A_36, [1, 0] : vector<2048x64xf32> -> vector<64x2048xf32>
    %swap3A_38 = arith.constant 0 : index
    %swap3A_39 = arith.constant 3 : index
    %swap3A_40 = arith.constant 0 : index
    %swap3A_41 = arith.constant 0 : index
    %swap3A_42 = vector.load %arg4[%swap3A_38, %swap3A_39, %swap3A_40, %swap3A_41] : memref<1x4x64x2048xf32, #tpu.memory_space<vmem>>, vector<1x1x64x2048xf32>
    %swap3A_43 = vector.shape_cast %swap3A_42 : vector<1x1x64x2048xf32> to vector<64x2048xf32>
    %swap3A_44 = vector.shape_cast %transpose3A_37 : vector<64x2048xf32> to vector<1x1x64x2048xf32>
    tpu.vector_store %arg4[%swap3A_38, %swap3A_39, %swap3A_40, %swap3A_41], %swap3A_44 {strides = array<i32>} : memref<1x4x64x2048xf32, #tpu.memory_space<vmem>>, vector<1x1x64x2048xf32>,
    return
  }
  func.func @transform_0(%arg0: i32) -> (i32, i32) {
    %c0_i32 = arith.constant 0 : i32
    %c0_i32_0 = arith.constant 0 : i32
    return %arg0, %c0_i32 : i32, i32
  }
  func.func @transform_1(%arg0: i32) -> (i32, i32) {
    %jit3A = arith.constant 8 : i32
    %div3A = arith.divsi %arg0, %jit3A : i32
    %sign3A = arith.constant 0 : i32
    %sign3A_0 = arith.cmpi sgt, %arg0, %sign3A : i32
    %sign3A_1 = arith.extui %sign3A_0 : i1 to i32
    %sign3A_2 = arith.constant 0 : i32
    %sign3A_3 = arith.cmpi slt, %arg0, %sign3A_2 : i32
    %sign3A_4 = arith.extui %sign3A_3 : i1 to i32
    %sign3A_5 = arith.subi %sign3A_1, %sign3A_4 : i32
    %sign3A_6 = arith.constant 0 : i32
    %sign3A_7 = arith.cmpi sgt, %jit3A, %sign3A_6 : i32
    %sign3A_8 = arith.extui %sign3A_7 : i1 to i32
    %sign3A_9 = arith.constant 0 : i32
    %sign3A_10 = arith.cmpi slt, %jit3A, %sign3A_9 : i32
    %sign3A_11 = arith.extui %sign3A_10 : i1 to i32
    %sign3A_12 = arith.subi %sign3A_8, %sign3A_11 : i32
    %ne3A = arith.cmpi ne, %sign3A_5, %sign3A_12 : i32
    %rem3A = arith.remsi %arg0, %jit3A : i32
    %ne3A_13 = arith.constant 0 : i32
    %ne3A_14 = arith.cmpi ne, %rem3A, %ne3A_13 : i32
    %and3A = arith.andi %ne3A, %ne3A_14 : i1
    %sub3A = arith.constant 1 : i32
    %sub3A_15 = arith.subi %div3A, %sub3A : i32
    %select_n3A = arith.select %and3A, %sub3A_15, %div3A : i32
    %c0_i32 = arith.constant 0 : i32
    %c0_i32_16 = arith.constant 0 : i32
    return %select_n3A, %c0_i32 : i32, i32
  }
  func.func @transform_2(%arg0: i32) -> (i32, i32) {
    %c0_i32 = arith.constant 0 : i32
    %c0_i32_0 = arith.constant 0 : i32
    %c0_i32_1 = arith.constant 0 : i32
    return %c0_i32, %c0_i32_0 : i32, i32
  }
  func.func @transform_3(%arg0: i32) -> (i32, i32, i32, i32) {
    %jit3A = arith.constant 8 : i32
    %div3A = arith.divsi %arg0, %jit3A : i32
    %sign3A = arith.constant 0 : i32
    %sign3A_0 = arith.cmpi sgt, %arg0, %sign3A : i32
    %sign3A_1 = arith.extui %sign3A_0 : i1 to i32
    %sign3A_2 = arith.constant 0 : i32
    %sign3A_3 = arith.cmpi slt, %arg0, %sign3A_2 : i32
    %sign3A_4 = arith.extui %sign3A_3 : i1 to i32
    %sign3A_5 = arith.subi %sign3A_1, %sign3A_4 : i32
    %sign3A_6 = arith.constant 0 : i32
    %sign3A_7 = arith.cmpi sgt, %jit3A, %sign3A_6 : i32
    %sign3A_8 = arith.extui %sign3A_7 : i1 to i32
    %sign3A_9 = arith.constant 0 : i32
    %sign3A_10 = arith.cmpi slt, %jit3A, %sign3A_9 : i32
    %sign3A_11 = arith.extui %sign3A_10 : i1 to i32
    %sign3A_12 = arith.subi %sign3A_8, %sign3A_11 : i32
    %ne3A = arith.cmpi ne, %sign3A_5, %sign3A_12 : i32
    %rem3A = arith.remsi %arg0, %jit3A : i32
    %ne3A_13 = arith.constant 0 : i32
    %ne3A_14 = arith.cmpi ne, %rem3A, %ne3A_13 : i32
    %and3A = arith.andi %ne3A, %ne3A_14 : i1
    %sub3A = arith.constant 1 : i32
    %sub3A_15 = arith.subi %div3A, %sub3A : i32
    %select_n3A = arith.select %and3A, %sub3A_15, %div3A : i32
    %jit3A_16 = arith.constant 8 : i32
    %eq3A = arith.constant 0 : i32
    %eq3A_17 = arith.cmpi eq, %jit3A_16, %eq3A : i32
    %jit3A_18 = arith.constant 1 : i32
    %select_n3A_19 = arith.select %eq3A_17, %jit3A_18, %jit3A_16 : i32
    %rem3A_20 = arith.remsi %arg0, %select_n3A_19 : i32
    %ne3A_21 = arith.constant 0 : i32
    %ne3A_22 = arith.cmpi ne, %rem3A_20, %ne3A_21 : i32
    %lt3A = arith.constant 0 : i32
    %lt3A_23 = arith.cmpi slt, %rem3A_20, %lt3A : i32
    %lt3A_24 = arith.constant 0 : i32
    %lt3A_25 = arith.cmpi slt, %select_n3A_19, %lt3A_24 : i32
    %ne3A_26 = arith.xori %lt3A_23, %lt3A_25 : i1
    %and3A_27 = arith.andi %ne3A_26, %ne3A_22 : i1
    %add3A = arith.addi %rem3A_20, %select_n3A_19 : i32
    %select_n3A_28 = arith.select %and3A_27, %add3A, %rem3A_20 : i32
    %c0_i32 = arith.constant 0 : i32
    %c0_i32_29 = arith.constant 0 : i32
    %c0_i32_30 = arith.constant 0 : i32
    return %select_n3A, %select_n3A_28, %c0_i32, %c0_i32_29 : i32, i32, i32, i32
  }
}

module attributes {stable_mosaic.version = 14 : i64} {
  func.func @_y2_body(%arg0: i32, %arg1: memref<1x4x64x2048xf32, #tpu.memory_space<vmem>>, %arg2: memref<1x64xf32, #tpu.memory_space<vmem>>, %arg3: memref<1x64xf32, #tpu.memory_space<vmem>>, %arg4: memref<1x64xf32, #tpu.memory_space<vmem>>, %arg5: memref<1x64xf32, #tpu.memory_space<vmem>>, %arg6: memref<64x64xbf16, #tpu.memory_space<vmem>>, %arg7: memref<1x4x64x2048xf32, #tpu.memory_space<vmem>>) attributes {dimension_semantics = [#tpu.dimension_semantics<parallel>], iteration_bounds = array<i64: 64>, scalar_prefetch = 0 : i64, scratch_operands = 0 : i64, tpu.core_type = #tpu.core_type<tc>, window_params = [{transform_indices = @transform_0, window_bounds = array<i64: 1, 4, 64, 2048>}, {pipeline_mode = #tpu.pipeline_mode<synchronous>, transform_indices = @transform_1, window_bounds = array<i64: 1, 64>}, {pipeline_mode = #tpu.pipeline_mode<synchronous>, transform_indices = @transform_2, window_bounds = array<i64: 1, 64>}, {pipeline_mode = #tpu.pipeline_mode<synchronous>, transform_indices = @transform_3, window_bounds = array<i64: 1, 64>}, {pipeline_mode = #tpu.pipeline_mode<synchronous>, transform_indices = @transform_4, window_bounds = array<i64: 1, 64>}, {pipeline_mode = #tpu.pipeline_mode<synchronous>, transform_indices = @transform_5, window_bounds = array<i64: 64, 64>}, {transform_indices = @transform_6, window_bounds = array<i64: 1, 4, 64, 2048>}]} {
    %get3A = arith.constant 0 : index
    %get3A_0 = arith.constant 0 : index
    %get3A_1 = arith.constant 0 : index
    %get3A_2 = arith.constant 0 : index
    %get3A_3 = vector.load %arg1[%get3A, %get3A_0, %get3A_1, %get3A_2] : memref<1x4x64x2048xf32, #tpu.memory_space<vmem>>, vector<1x4x64x2048xf32>
    %get3A_4 = vector.shape_cast %get3A_3 : vector<1x4x64x2048xf32> to vector<4x64x2048xf32>
    %get3A_5 = arith.constant 0 : index
    %get3A_6 = arith.constant 0 : index
    %get3A_7 = vector.load %arg2[%get3A_5, %get3A_6] : memref<1x64xf32, #tpu.memory_space<vmem>>, vector<1x64xf32>
    %broadcast_in_dim3A = vector.shape_cast %get3A_7 : vector<1x64xf32> to vector<1x64x1xf32>
    %sub3A = vector.broadcast %broadcast_in_dim3A : vector<1x64x1xf32> to vector<4x64x2048xf32>
    %sub3A_8 = arith.subf %get3A_4, %sub3A : vector<4x64x2048xf32>
    %get3A_9 = arith.constant 0 : index
    %get3A_10 = arith.constant 0 : index
    %get3A_11 = vector.load %arg3[%get3A_9, %get3A_10] : memref<1x64xf32, #tpu.memory_space<vmem>>, vector<1x64xf32>
    %broadcast_in_dim3A_12 = vector.shape_cast %get3A_11 : vector<1x64xf32> to vector<1x64x1xf32>
    %div3A = vector.broadcast %broadcast_in_dim3A_12 : vector<1x64x1xf32> to vector<4x64x2048xf32>
    %div3A_13 = arith.divf %sub3A_8, %div3A : vector<4x64x2048xf32>
    %get3A_14 = arith.constant 0 : index
    %get3A_15 = arith.constant 0 : index
    %get3A_16 = vector.load %arg4[%get3A_14, %get3A_15] : memref<1x64xf32, #tpu.memory_space<vmem>>, vector<1x64xf32>
    %broadcast_in_dim3A_17 = vector.shape_cast %get3A_16 : vector<1x64xf32> to vector<1x64x1xf32>
    %mul3A = vector.broadcast %broadcast_in_dim3A_17 : vector<1x64x1xf32> to vector<4x64x2048xf32>
    %mul3A_18 = arith.mulf %div3A_13, %mul3A : vector<4x64x2048xf32>
    %get3A_19 = arith.constant 0 : index
    %get3A_20 = arith.constant 0 : index
    %get3A_21 = vector.load %arg5[%get3A_19, %get3A_20] : memref<1x64xf32, #tpu.memory_space<vmem>>, vector<1x64xf32>
    %broadcast_in_dim3A_22 = vector.shape_cast %get3A_21 : vector<1x64xf32> to vector<1x64x1xf32>
    %add3A = vector.broadcast %broadcast_in_dim3A_22 : vector<1x64x1xf32> to vector<4x64x2048xf32>
    %add3A_23 = arith.addf %mul3A_18, %add3A : vector<4x64x2048xf32>
    %gt3A = arith.constant 0.000000e+00 : f32
    %gt3A_24 = vector.broadcast %gt3A : f32 to vector<4x64x2048xf32>
    %gt3A_25 = arith.cmpf ogt, %add3A_23, %gt3A_24 : vector<4x64x2048xf32>
    %mul3A_26 = arith.constant 2.000000e-01 : f32
    %mul3A_27 = vector.broadcast %mul3A_26 : f32 to vector<4x64x2048xf32>
    %mul3A_28 = arith.mulf %mul3A_27, %add3A_23 : vector<4x64x2048xf32>
    %select_n3A = arith.select %gt3A_25, %add3A_23, %mul3A_28 : vector<4x64x2048xi1>, vector<4x64x2048xf32>
    %convert_element_type3A = arith.truncf %select_n3A : vector<4x64x2048xf32> to vector<4x64x2048xbf16>
    %get3A_29 = arith.constant 0 : index
    %get3A_30 = arith.constant 0 : index
    %get3A_31 = vector.load %arg6[%get3A_29, %get3A_30] : memref<64x64xbf16, #tpu.memory_space<vmem>>, vector<64x64xbf16>
    %slice3A = vector.extract_strided_slice %convert_element_type3A {offsets = [0, 0, 0], sizes = [1, 64, 2048], strides = [1, 1, 1]} : vector<4x64x2048xbf16> to vector<1x64x2048xbf16>
    %squeeze3A = vector.shape_cast %slice3A : vector<1x64x2048xbf16> to vector<64x2048xbf16>
    %dot_general3A = arith.constant dense<0.000000e+00> : vector<64x2048xf32>
    %dot_general3A_32 = tpu.matmul %get3A_31, %squeeze3A, %dot_general3A {dimension_numbers = #tpu.dot_dimension_numbers<[1], [0], [0], [1], [0, 0, 1, 1], [], []>, transpose_lhs_hint = false} : vector<64x64xbf16>, vector<64x2048xbf16>, vector<64x2048xf32> -> vector<64x2048xf32>
    %swap3A = arith.constant 0 : index
    %swap3A_33 = arith.constant 0 : index
    %swap3A_34 = arith.constant 0 : index
    %swap3A_35 = arith.constant 0 : index
    %swap3A_36 = vector.load %arg7[%swap3A, %swap3A_33, %swap3A_34, %swap3A_35] : memref<1x4x64x2048xf32, #tpu.memory_space<vmem>>, vector<1x1x64x2048xf32>
    %swap3A_37 = vector.shape_cast %swap3A_36 : vector<1x1x64x2048xf32> to vector<64x2048xf32>
    %swap3A_38 = vector.shape_cast %dot_general3A_32 : vector<64x2048xf32> to vector<1x1x64x2048xf32>
    tpu.vector_store %arg7[%swap3A, %swap3A_33, %swap3A_34, %swap3A_35], %swap3A_38 {strides = array<i32>} : memref<1x4x64x2048xf32, #tpu.memory_space<vmem>>, vector<1x1x64x2048xf32>,
    %get3A_39 = arith.constant 0 : index
    %get3A_40 = arith.constant 0 : index
    %get3A_41 = vector.load %arg6[%get3A_39, %get3A_40] : memref<64x64xbf16, #tpu.memory_space<vmem>>, vector<64x64xbf16>
    %slice3A_42 = vector.extract_strided_slice %convert_element_type3A {offsets = [1, 0, 0], sizes = [1, 64, 2048], strides = [1, 1, 1]} : vector<4x64x2048xbf16> to vector<1x64x2048xbf16>
    %squeeze3A_43 = vector.shape_cast %slice3A_42 : vector<1x64x2048xbf16> to vector<64x2048xbf16>
    %dot_general3A_44 = arith.constant dense<0.000000e+00> : vector<64x2048xf32>
    %dot_general3A_45 = tpu.matmul %get3A_41, %squeeze3A_43, %dot_general3A_44 {dimension_numbers = #tpu.dot_dimension_numbers<[1], [0], [0], [1], [0, 0, 1, 1], [], []>, transpose_lhs_hint = false} : vector<64x64xbf16>, vector<64x2048xbf16>, vector<64x2048xf32> -> vector<64x2048xf32>
    %swap3A_46 = arith.constant 0 : index
    %swap3A_47 = arith.constant 1 : index
    %swap3A_48 = arith.constant 0 : index
    %swap3A_49 = arith.constant 0 : index
    %swap3A_50 = vector.load %arg7[%swap3A_46, %swap3A_47, %swap3A_48, %swap3A_49] : memref<1x4x64x2048xf32, #tpu.memory_space<vmem>>, vector<1x1x64x2048xf32>
    %swap3A_51 = vector.shape_cast %swap3A_50 : vector<1x1x64x2048xf32> to vector<64x2048xf32>
    %swap3A_52 = vector.shape_cast %dot_general3A_45 : vector<64x2048xf32> to vector<1x1x64x2048xf32>
    tpu.vector_store %arg7[%swap3A_46, %swap3A_47, %swap3A_48, %swap3A_49], %swap3A_52 {strides = array<i32>} : memref<1x4x64x2048xf32, #tpu.memory_space<vmem>>, vector<1x1x64x2048xf32>,
    %get3A_53 = arith.constant 0 : index
    %get3A_54 = arith.constant 0 : index
    %get3A_55 = vector.load %arg6[%get3A_53, %get3A_54] : memref<64x64xbf16, #tpu.memory_space<vmem>>, vector<64x64xbf16>
    %slice3A_56 = vector.extract_strided_slice %convert_element_type3A {offsets = [2, 0, 0], sizes = [1, 64, 2048], strides = [1, 1, 1]} : vector<4x64x2048xbf16> to vector<1x64x2048xbf16>
    %squeeze3A_57 = vector.shape_cast %slice3A_56 : vector<1x64x2048xbf16> to vector<64x2048xbf16>
    %dot_general3A_58 = arith.constant dense<0.000000e+00> : vector<64x2048xf32>
    %dot_general3A_59 = tpu.matmul %get3A_55, %squeeze3A_57, %dot_general3A_58 {dimension_numbers = #tpu.dot_dimension_numbers<[1], [0], [0], [1], [0, 0, 1, 1], [], []>, transpose_lhs_hint = false} : vector<64x64xbf16>, vector<64x2048xbf16>, vector<64x2048xf32> -> vector<64x2048xf32>
    %swap3A_60 = arith.constant 0 : index
    %swap3A_61 = arith.constant 2 : index
    %swap3A_62 = arith.constant 0 : index
    %swap3A_63 = arith.constant 0 : index
    %swap3A_64 = vector.load %arg7[%swap3A_60, %swap3A_61, %swap3A_62, %swap3A_63] : memref<1x4x64x2048xf32, #tpu.memory_space<vmem>>, vector<1x1x64x2048xf32>
    %swap3A_65 = vector.shape_cast %swap3A_64 : vector<1x1x64x2048xf32> to vector<64x2048xf32>
    %swap3A_66 = vector.shape_cast %dot_general3A_59 : vector<64x2048xf32> to vector<1x1x64x2048xf32>
    tpu.vector_store %arg7[%swap3A_60, %swap3A_61, %swap3A_62, %swap3A_63], %swap3A_66 {strides = array<i32>} : memref<1x4x64x2048xf32, #tpu.memory_space<vmem>>, vector<1x1x64x2048xf32>,
    %get3A_67 = arith.constant 0 : index
    %get3A_68 = arith.constant 0 : index
    %get3A_69 = vector.load %arg6[%get3A_67, %get3A_68] : memref<64x64xbf16, #tpu.memory_space<vmem>>, vector<64x64xbf16>
    %slice3A_70 = vector.extract_strided_slice %convert_element_type3A {offsets = [3, 0, 0], sizes = [1, 64, 2048], strides = [1, 1, 1]} : vector<4x64x2048xbf16> to vector<1x64x2048xbf16>
    %squeeze3A_71 = vector.shape_cast %slice3A_70 : vector<1x64x2048xbf16> to vector<64x2048xbf16>
    %dot_general3A_72 = arith.constant dense<0.000000e+00> : vector<64x2048xf32>
    %dot_general3A_73 = tpu.matmul %get3A_69, %squeeze3A_71, %dot_general3A_72 {dimension_numbers = #tpu.dot_dimension_numbers<[1], [0], [0], [1], [0, 0, 1, 1], [], []>, transpose_lhs_hint = false} : vector<64x64xbf16>, vector<64x2048xbf16>, vector<64x2048xf32> -> vector<64x2048xf32>
    %swap3A_74 = arith.constant 0 : index
    %swap3A_75 = arith.constant 3 : index
    %swap3A_76 = arith.constant 0 : index
    %swap3A_77 = arith.constant 0 : index
    %swap3A_78 = vector.load %arg7[%swap3A_74, %swap3A_75, %swap3A_76, %swap3A_77] : memref<1x4x64x2048xf32, #tpu.memory_space<vmem>>, vector<1x1x64x2048xf32>
    %swap3A_79 = vector.shape_cast %swap3A_78 : vector<1x1x64x2048xf32> to vector<64x2048xf32>
    %swap3A_80 = vector.shape_cast %dot_general3A_73 : vector<64x2048xf32> to vector<1x1x64x2048xf32>
    tpu.vector_store %arg7[%swap3A_74, %swap3A_75, %swap3A_76, %swap3A_77], %swap3A_80 {strides = array<i32>} : memref<1x4x64x2048xf32, #tpu.memory_space<vmem>>, vector<1x1x64x2048xf32>,
    return
  }
  func.func @transform_0(%arg0: i32) -> (i32, i32, i32, i32) {
    %jit3A = arith.constant 8 : i32
    %div3A = arith.divsi %arg0, %jit3A : i32
    %sign3A = arith.constant 0 : i32
    %sign3A_0 = arith.cmpi sgt, %arg0, %sign3A : i32
    %sign3A_1 = arith.extui %sign3A_0 : i1 to i32
    %sign3A_2 = arith.constant 0 : i32
    %sign3A_3 = arith.cmpi slt, %arg0, %sign3A_2 : i32
    %sign3A_4 = arith.extui %sign3A_3 : i1 to i32
    %sign3A_5 = arith.subi %sign3A_1, %sign3A_4 : i32
    %sign3A_6 = arith.constant 0 : i32
    %sign3A_7 = arith.cmpi sgt, %jit3A, %sign3A_6 : i32
    %sign3A_8 = arith.extui %sign3A_7 : i1 to i32
    %sign3A_9 = arith.constant 0 : i32
    %sign3A_10 = arith.cmpi slt, %jit3A, %sign3A_9 : i32
    %sign3A_11 = arith.extui %sign3A_10 : i1 to i32
    %sign3A_12 = arith.subi %sign3A_8, %sign3A_11 : i32
    %ne3A = arith.cmpi ne, %sign3A_5, %sign3A_12 : i32
    %rem3A = arith.remsi %arg0, %jit3A : i32
    %ne3A_13 = arith.constant 0 : i32
    %ne3A_14 = arith.cmpi ne, %rem3A, %ne3A_13 : i32
    %and3A = arith.andi %ne3A, %ne3A_14 : i1
    %sub3A = arith.constant 1 : i32
    %sub3A_15 = arith.subi %div3A, %sub3A : i32
    %select_n3A = arith.select %and3A, %sub3A_15, %div3A : i32
    %jit3A_16 = arith.constant 8 : i32
    %eq3A = arith.constant 0 : i32
    %eq3A_17 = arith.cmpi eq, %jit3A_16, %eq3A : i32
    %jit3A_18 = arith.constant 1 : i32
    %select_n3A_19 = arith.select %eq3A_17, %jit3A_18, %jit3A_16 : i32
    %rem3A_20 = arith.remsi %arg0, %select_n3A_19 : i32
    %ne3A_21 = arith.constant 0 : i32
    %ne3A_22 = arith.cmpi ne, %rem3A_20, %ne3A_21 : i32
    %lt3A = arith.constant 0 : i32
    %lt3A_23 = arith.cmpi slt, %rem3A_20, %lt3A : i32
    %lt3A_24 = arith.constant 0 : i32
    %lt3A_25 = arith.cmpi slt, %select_n3A_19, %lt3A_24 : i32
    %ne3A_26 = arith.xori %lt3A_23, %lt3A_25 : i1
    %and3A_27 = arith.andi %ne3A_26, %ne3A_22 : i1
    %add3A = arith.addi %rem3A_20, %select_n3A_19 : i32
    %select_n3A_28 = arith.select %and3A_27, %add3A, %rem3A_20 : i32
    %c0_i32 = arith.constant 0 : i32
    %c0_i32_29 = arith.constant 0 : i32
    %c0_i32_30 = arith.constant 0 : i32
    return %select_n3A, %select_n3A_28, %c0_i32, %c0_i32_29 : i32, i32, i32, i32
  }
  func.func @transform_1(%arg0: i32) -> (i32, i32) {
    %c0_i32 = arith.constant 0 : i32
    %c0_i32_0 = arith.constant 0 : i32
    %c0_i32_1 = arith.constant 0 : i32
    return %c0_i32, %c0_i32_0 : i32, i32
  }
  func.func @transform_2(%arg0: i32) -> (i32, i32) {
    %c0_i32 = arith.constant 0 : i32
    %c0_i32_0 = arith.constant 0 : i32
    %c0_i32_1 = arith.constant 0 : i32
    return %c0_i32, %c0_i32_0 : i32, i32
  }
  func.func @transform_3(%arg0: i32) -> (i32, i32) {
    %c0_i32 = arith.constant 0 : i32
    %c0_i32_0 = arith.constant 0 : i32
    %c0_i32_1 = arith.constant 0 : i32
    return %c0_i32, %c0_i32_0 : i32, i32
  }
  func.func @transform_4(%arg0: i32) -> (i32, i32) {
    %c0_i32 = arith.constant 0 : i32
    %c0_i32_0 = arith.constant 0 : i32
    %c0_i32_1 = arith.constant 0 : i32
    return %c0_i32, %c0_i32_0 : i32, i32
  }
  func.func @transform_5(%arg0: i32) -> (i32, i32) {
    %c0_i32 = arith.constant 0 : i32
    %c0_i32_0 = arith.constant 0 : i32
    %c0_i32_1 = arith.constant 0 : i32
    return %c0_i32, %c0_i32_0 : i32, i32
  }
  func.func @transform_6(%arg0: i32) -> (i32, i32, i32, i32) {
    %jit3A = arith.constant 8 : i32
    %div3A = arith.divsi %arg0, %jit3A : i32
    %sign3A = arith.constant 0 : i32
    %sign3A_0 = arith.cmpi sgt, %arg0, %sign3A : i32
    %sign3A_1 = arith.extui %sign3A_0 : i1 to i32
    %sign3A_2 = arith.constant 0 : i32
    %sign3A_3 = arith.cmpi slt, %arg0, %sign3A_2 : i32
    %sign3A_4 = arith.extui %sign3A_3 : i1 to i32
    %sign3A_5 = arith.subi %sign3A_1, %sign3A_4 : i32
    %sign3A_6 = arith.constant 0 : i32
    %sign3A_7 = arith.cmpi sgt, %jit3A, %sign3A_6 : i32
    %sign3A_8 = arith.extui %sign3A_7 : i1 to i32
    %sign3A_9 = arith.constant 0 : i32
    %sign3A_10 = arith.cmpi slt, %jit3A, %sign3A_9 : i32
    %sign3A_11 = arith.extui %sign3A_10 : i1 to i32
    %sign3A_12 = arith.subi %sign3A_8, %sign3A_11 : i32
    %ne3A = arith.cmpi ne, %sign3A_5, %sign3A_12 : i32
    %rem3A = arith.remsi %arg0, %jit3A : i32
    %ne3A_13 = arith.constant 0 : i32
    %ne3A_14 = arith.cmpi ne, %rem3A, %ne3A_13 : i32
    %and3A = arith.andi %ne3A, %ne3A_14 : i1
    %sub3A = arith.constant 1 : i32
    %sub3A_15 = arith.subi %div3A, %sub3A : i32
    %select_n3A = arith.select %and3A, %sub3A_15, %div3A : i32
    %jit3A_16 = arith.constant 8 : i32
    %eq3A = arith.constant 0 : i32
    %eq3A_17 = arith.cmpi eq, %jit3A_16, %eq3A : i32
    %jit3A_18 = arith.constant 1 : i32
    %select_n3A_19 = arith.select %eq3A_17, %jit3A_18, %jit3A_16 : i32
    %rem3A_20 = arith.remsi %arg0, %select_n3A_19 : i32
    %ne3A_21 = arith.constant 0 : i32
    %ne3A_22 = arith.cmpi ne, %rem3A_20, %ne3A_21 : i32
    %lt3A = arith.constant 0 : i32
    %lt3A_23 = arith.cmpi slt, %rem3A_20, %lt3A : i32
    %lt3A_24 = arith.constant 0 : i32
    %lt3A_25 = arith.cmpi slt, %select_n3A_19, %lt3A_24 : i32
    %ne3A_26 = arith.xori %lt3A_23, %lt3A_25 : i1
    %and3A_27 = arith.andi %ne3A_26, %ne3A_22 : i1
    %add3A = arith.addi %rem3A_20, %select_n3A_19 : i32
    %select_n3A_28 = arith.select %and3A_27, %add3A, %rem3A_20 : i32
    %c0_i32 = arith.constant 0 : i32
    %c0_i32_29 = arith.constant 0 : i32
    %c0_i32_30 = arith.constant 0 : i32
    return %select_n3A, %select_n3A_28, %c0_i32, %c0_i32_29 : i32, i32, i32, i32
  }
}

module attributes {stable_mosaic.version = 14 : i64} {
  func.func @_pool_body(%arg0: i32, %arg1: memref<1x4x64x2048xf32, #tpu.memory_space<vmem>>, %arg2: memref<1x64xf32, #tpu.memory_space<vmem>>, %arg3: memref<1x64xf32, #tpu.memory_space<vmem>>, %arg4: memref<1x64xf32, #tpu.memory_space<vmem>>, %arg5: memref<1x64xf32, #tpu.memory_space<vmem>>, %arg6: memref<2048x128xf32, #tpu.memory_space<vmem>>, %arg7: memref<1x64x2048xf32, #tpu.memory_space<vmem>>) attributes {dimension_semantics = [#tpu.dimension_semantics<arbitrary>], iteration_bounds = array<i64: 64>, scalar_prefetch = 0 : i64, scratch_operands = 0 : i64, tpu.core_type = #tpu.core_type<tc>, window_params = [{transform_indices = @transform_0, window_bounds = array<i64: 1, 4, 64, 2048>}, {pipeline_mode = #tpu.pipeline_mode<synchronous>, transform_indices = @transform_1, window_bounds = array<i64: 1, 64>}, {pipeline_mode = #tpu.pipeline_mode<synchronous>, transform_indices = @transform_2, window_bounds = array<i64: 1, 64>}, {pipeline_mode = #tpu.pipeline_mode<synchronous>, transform_indices = @transform_3, window_bounds = array<i64: 1, 64>}, {pipeline_mode = #tpu.pipeline_mode<synchronous>, transform_indices = @transform_4, window_bounds = array<i64: 1, 64>}, {transform_indices = @transform_5, window_bounds = array<i64: 2048, 128>}, {transform_indices = @transform_6, window_bounds = array<i64: 1, 64, 2048>}]} {
    %get3A = arith.constant 0 : index
    %get3A_0 = arith.constant 0 : index
    %get3A_1 = arith.constant 0 : index
    %get3A_2 = arith.constant 0 : index
    %get3A_3 = vector.load %arg1[%get3A, %get3A_0, %get3A_1, %get3A_2] : memref<1x4x64x2048xf32, #tpu.memory_space<vmem>>, vector<1x4x64x2048xf32>
    %get3A_4 = vector.shape_cast %get3A_3 : vector<1x4x64x2048xf32> to vector<4x64x2048xf32>
    %get3A_5 = arith.constant 0 : index
    %get3A_6 = arith.constant 0 : index
    %get3A_7 = vector.load %arg2[%get3A_5, %get3A_6] : memref<1x64xf32, #tpu.memory_space<vmem>>, vector<1x64xf32>
    %broadcast_in_dim3A = vector.shape_cast %get3A_7 : vector<1x64xf32> to vector<1x64x1xf32>
    %sub3A = vector.broadcast %broadcast_in_dim3A : vector<1x64x1xf32> to vector<4x64x2048xf32>
    %sub3A_8 = arith.subf %get3A_4, %sub3A : vector<4x64x2048xf32>
    %get3A_9 = arith.constant 0 : index
    %get3A_10 = arith.constant 0 : index
    %get3A_11 = vector.load %arg3[%get3A_9, %get3A_10] : memref<1x64xf32, #tpu.memory_space<vmem>>, vector<1x64xf32>
    %broadcast_in_dim3A_12 = vector.shape_cast %get3A_11 : vector<1x64xf32> to vector<1x64x1xf32>
    %div3A = vector.broadcast %broadcast_in_dim3A_12 : vector<1x64x1xf32> to vector<4x64x2048xf32>
    %div3A_13 = arith.divf %sub3A_8, %div3A : vector<4x64x2048xf32>
    %get3A_14 = arith.constant 0 : index
    %get3A_15 = arith.constant 0 : index
    %get3A_16 = vector.load %arg4[%get3A_14, %get3A_15] : memref<1x64xf32, #tpu.memory_space<vmem>>, vector<1x64xf32>
    %broadcast_in_dim3A_17 = vector.shape_cast %get3A_16 : vector<1x64xf32> to vector<1x64x1xf32>
    %mul3A = vector.broadcast %broadcast_in_dim3A_17 : vector<1x64x1xf32> to vector<4x64x2048xf32>
    %mul3A_18 = arith.mulf %div3A_13, %mul3A : vector<4x64x2048xf32>
    %get3A_19 = arith.constant 0 : index
    %get3A_20 = arith.constant 0 : index
    %get3A_21 = vector.load %arg5[%get3A_19, %get3A_20] : memref<1x64xf32, #tpu.memory_space<vmem>>, vector<1x64xf32>
    %broadcast_in_dim3A_22 = vector.shape_cast %get3A_21 : vector<1x64xf32> to vector<1x64x1xf32>
    %add3A = vector.broadcast %broadcast_in_dim3A_22 : vector<1x64x1xf32> to vector<4x64x2048xf32>
    %add3A_23 = arith.addf %mul3A_18, %add3A : vector<4x64x2048xf32>
    %gt3A = arith.constant 0.000000e+00 : f32
    %gt3A_24 = vector.broadcast %gt3A : f32 to vector<4x64x2048xf32>
    %gt3A_25 = arith.cmpf ogt, %add3A_23, %gt3A_24 : vector<4x64x2048xf32>
    %mul3A_26 = arith.constant 2.000000e-01 : f32
    %mul3A_27 = vector.broadcast %mul3A_26 : f32 to vector<4x64x2048xf32>
    %mul3A_28 = arith.mulf %mul3A_27, %add3A_23 : vector<4x64x2048xf32>
    %select_n3A = arith.select %gt3A_25, %add3A_23, %mul3A_28 : vector<4x64x2048xi1>, vector<4x64x2048xf32>
    %reduce_max3A = arith.constant dense<0xFF800000> : vector<64x2048xf32>
    %reduce_max3A_29 = vector.multi_reduction <maximumf>, %select_n3A, %reduce_max3A [0] : vector<4x64x2048xf32> to vector<64x2048xf32>
    %jit3A = arith.constant 8 : i32
    %eq3A = arith.constant 0 : i32
    %eq3A_30 = arith.cmpi eq, %jit3A, %eq3A : i32
    %jit3A_31 = arith.constant 1 : i32
    %select_n3A_32 = arith.select %eq3A_30, %jit3A_31, %jit3A : i32
    %rem3A = arith.remsi %arg0, %select_n3A_32 : i32
    %ne3A = arith.constant 0 : i32
    %ne3A_33 = arith.cmpi ne, %rem3A, %ne3A : i32
    %lt3A = arith.constant 0 : i32
    %lt3A_34 = arith.cmpi slt, %rem3A, %lt3A : i32
    %lt3A_35 = arith.constant 0 : i32
    %lt3A_36 = arith.cmpi slt, %select_n3A_32, %lt3A_35 : i32
    %ne3A_37 = arith.xori %lt3A_34, %lt3A_36 : i1
    %and3A = arith.andi %ne3A_37, %ne3A_33 : i1
    %add3A_38 = arith.addi %rem3A, %select_n3A_32 : i32
    %select_n3A_39 = arith.select %and3A, %add3A_38, %rem3A : i32
    %eq3A_40 = arith.constant 0 : i32
    %eq3A_41 = arith.cmpi eq, %select_n3A_39, %eq3A_40 : i32
    %convert_element_type3A = arith.extui %eq3A_41 : i1 to i32
    %cond3A = arith.constant 0 : i32
    %cond3A_42 = arith.cmpi ne, %convert_element_type3A, %cond3A : i32
    scf.if %cond3A_42 {
      %swap3A = arith.constant 0 : index
      %swap3A_68 = arith.constant 0 : index
      %swap3A_69 = arith.constant 0 : index
      %swap3A_70 = vector.load %arg7[%swap3A, %swap3A_68, %swap3A_69] : memref<1x64x2048xf32, #tpu.memory_space<vmem>>, vector<1x64x2048xf32>
      %swap3A_71 = vector.shape_cast %swap3A_70 : vector<1x64x2048xf32> to vector<64x2048xf32>
      %swap3A_72 = vector.shape_cast %reduce_max3A_29 : vector<64x2048xf32> to vector<1x64x2048xf32>
      tpu.vector_store %arg7[%swap3A, %swap3A_68, %swap3A_69], %swap3A_72 {strides = array<i32>} : memref<1x64x2048xf32, #tpu.memory_space<vmem>>, vector<1x64x2048xf32>,
    } else {
    }
    %not3A = arith.constant true
    %not3A_43 = arith.xori %eq3A_41, %not3A : i1
    %convert_element_type3A_44 = arith.extui %not3A_43 : i1 to i32
    %cond3A_45 = arith.constant 0 : i32
    %cond3A_46 = arith.cmpi ne, %convert_element_type3A_44, %cond3A_45 : i32
    scf.if %cond3A_46 {
      %get3A_68 = arith.constant 0 : index
      %get3A_69 = arith.constant 0 : index
      %get3A_70 = arith.constant 0 : index
      %get3A_71 = vector.load %arg7[%get3A_68, %get3A_69, %get3A_70] : memref<1x64x2048xf32, #tpu.memory_space<vmem>>, vector<1x64x2048xf32>
      %get3A_72 = vector.shape_cast %get3A_71 : vector<1x64x2048xf32> to vector<64x2048xf32>
      %max3A = arith.maximumf %get3A_72, %reduce_max3A_29 : vector<64x2048xf32>
      %swap3A = arith.constant 0 : index
      %swap3A_73 = arith.constant 0 : index
      %swap3A_74 = arith.constant 0 : index
      %swap3A_75 = vector.load %arg7[%swap3A, %swap3A_73, %swap3A_74] : memref<1x64x2048xf32, #tpu.memory_space<vmem>>, vector<1x64x2048xf32>
      %swap3A_76 = vector.shape_cast %swap3A_75 : vector<1x64x2048xf32> to vector<64x2048xf32>
      %swap3A_77 = vector.shape_cast %max3A : vector<64x2048xf32> to vector<1x64x2048xf32>
      tpu.vector_store %arg7[%swap3A, %swap3A_73, %swap3A_74], %swap3A_77 {strides = array<i32>} : memref<1x64x2048xf32, #tpu.memory_space<vmem>>, vector<1x64x2048xf32>,
    } else {
    }
    %jit3A_47 = arith.constant 8 : i32
    %eq3A_48 = arith.constant 0 : i32
    %eq3A_49 = arith.cmpi eq, %jit3A_47, %eq3A_48 : i32
    %jit3A_50 = arith.constant 1 : i32
    %select_n3A_51 = arith.select %eq3A_49, %jit3A_50, %jit3A_47 : i32
    %rem3A_52 = arith.remsi %arg0, %select_n3A_51 : i32
    %ne3A_53 = arith.constant 0 : i32
    %ne3A_54 = arith.cmpi ne, %rem3A_52, %ne3A_53 : i32
    %lt3A_55 = arith.constant 0 : i32
    %lt3A_56 = arith.cmpi slt, %rem3A_52, %lt3A_55 : i32
    %lt3A_57 = arith.constant 0 : i32
    %lt3A_58 = arith.cmpi slt, %select_n3A_51, %lt3A_57 : i32
    %ne3A_59 = arith.xori %lt3A_56, %lt3A_58 : i1
    %and3A_60 = arith.andi %ne3A_59, %ne3A_54 : i1
    %add3A_61 = arith.addi %rem3A_52, %select_n3A_51 : i32
    %select_n3A_62 = arith.select %and3A_60, %add3A_61, %rem3A_52 : i32
    %eq3A_63 = arith.constant 7 : i32
    %eq3A_64 = arith.cmpi eq, %select_n3A_62, %eq3A_63 : i32
    %convert_element_type3A_65 = arith.extui %eq3A_64 : i1 to i32
    %cond3A_66 = arith.constant 0 : i32
    %cond3A_67 = arith.cmpi ne, %convert_element_type3A_65, %cond3A_66 : i32
    scf.if %cond3A_67 {
      %get3A_68 = arith.constant 0 : index
      %get3A_69 = arith.constant 0 : index
      %get3A_70 = arith.constant 0 : index
      %get3A_71 = vector.load %arg7[%get3A_68, %get3A_69, %get3A_70] : memref<1x64x2048xf32, #tpu.memory_space<vmem>>, vector<1x64x2048xf32>
      %get3A_72 = vector.shape_cast %get3A_71 : vector<1x64x2048xf32> to vector<64x2048xf32>
      %transpose3A = tpu.transpose %get3A_72, [1, 0] : vector<64x2048xf32> -> vector<2048x64xf32>
      %swap3A = arith.constant 0 : index
      %swap3A_73 = arith.constant 0 : index
      %swap3A_74 = vector.load %arg6[%swap3A, %swap3A_73] : memref<2048x128xf32, #tpu.memory_space<vmem>>, vector<2048x64xf32>
      tpu.vector_store %arg6[%swap3A, %swap3A_73], %transpose3A {strides = array<i32>} : memref<2048x128xf32, #tpu.memory_space<vmem>>, vector<2048x64xf32>,
      %broadcast_in_dim3A_75 = arith.constant 0.000000e+00 : f32
      %broadcast_in_dim3A_76 = vector.broadcast %broadcast_in_dim3A_75 : f32 to vector<2048x64xf32>
      %swap3A_77 = arith.constant 0 : index
      %swap3A_78 = arith.constant 64 : index
      %swap3A_79 = vector.load %arg6[%swap3A_77, %swap3A_78] : memref<2048x128xf32, #tpu.memory_space<vmem>>, vector<2048x64xf32>
      tpu.vector_store %arg6[%swap3A_77, %swap3A_78], %broadcast_in_dim3A_76 {strides = array<i32>} : memref<2048x128xf32, #tpu.memory_space<vmem>>, vector<2048x64xf32>,
    } else {
    }
    return
  }
  func.func @transform_0(%arg0: i32) -> (i32, i32, i32, i32) {
    %jit3A = arith.constant 8 : i32
    %div3A = arith.divsi %arg0, %jit3A : i32
    %sign3A = arith.constant 0 : i32
    %sign3A_0 = arith.cmpi sgt, %arg0, %sign3A : i32
    %sign3A_1 = arith.extui %sign3A_0 : i1 to i32
    %sign3A_2 = arith.constant 0 : i32
    %sign3A_3 = arith.cmpi slt, %arg0, %sign3A_2 : i32
    %sign3A_4 = arith.extui %sign3A_3 : i1 to i32
    %sign3A_5 = arith.subi %sign3A_1, %sign3A_4 : i32
    %sign3A_6 = arith.constant 0 : i32
    %sign3A_7 = arith.cmpi sgt, %jit3A, %sign3A_6 : i32
    %sign3A_8 = arith.extui %sign3A_7 : i1 to i32
    %sign3A_9 = arith.constant 0 : i32
    %sign3A_10 = arith.cmpi slt, %jit3A, %sign3A_9 : i32
    %sign3A_11 = arith.extui %sign3A_10 : i1 to i32
    %sign3A_12 = arith.subi %sign3A_8, %sign3A_11 : i32
    %ne3A = arith.cmpi ne, %sign3A_5, %sign3A_12 : i32
    %rem3A = arith.remsi %arg0, %jit3A : i32
    %ne3A_13 = arith.constant 0 : i32
    %ne3A_14 = arith.cmpi ne, %rem3A, %ne3A_13 : i32
    %and3A = arith.andi %ne3A, %ne3A_14 : i1
    %sub3A = arith.constant 1 : i32
    %sub3A_15 = arith.subi %div3A, %sub3A : i32
    %select_n3A = arith.select %and3A, %sub3A_15, %div3A : i32
    %jit3A_16 = arith.constant 8 : i32
    %eq3A = arith.constant 0 : i32
    %eq3A_17 = arith.cmpi eq, %jit3A_16, %eq3A : i32
    %jit3A_18 = arith.constant 1 : i32
    %select_n3A_19 = arith.select %eq3A_17, %jit3A_18, %jit3A_16 : i32
    %rem3A_20 = arith.remsi %arg0, %select_n3A_19 : i32
    %ne3A_21 = arith.constant 0 : i32
    %ne3A_22 = arith.cmpi ne, %rem3A_20, %ne3A_21 : i32
    %lt3A = arith.constant 0 : i32
    %lt3A_23 = arith.cmpi slt, %rem3A_20, %lt3A : i32
    %lt3A_24 = arith.constant 0 : i32
    %lt3A_25 = arith.cmpi slt, %select_n3A_19, %lt3A_24 : i32
    %ne3A_26 = arith.xori %lt3A_23, %lt3A_25 : i1
    %and3A_27 = arith.andi %ne3A_26, %ne3A_22 : i1
    %add3A = arith.addi %rem3A_20, %select_n3A_19 : i32
    %select_n3A_28 = arith.select %and3A_27, %add3A, %rem3A_20 : i32
    %c0_i32 = arith.constant 0 : i32
    %c0_i32_29 = arith.constant 0 : i32
    %c0_i32_30 = arith.constant 0 : i32
    return %select_n3A, %select_n3A_28, %c0_i32, %c0_i32_29 : i32, i32, i32, i32
  }
  func.func @transform_1(%arg0: i32) -> (i32, i32) {
    %c0_i32 = arith.constant 0 : i32
    %c0_i32_0 = arith.constant 0 : i32
    %c0_i32_1 = arith.constant 0 : i32
    return %c0_i32, %c0_i32_0 : i32, i32
  }
  func.func @transform_2(%arg0: i32) -> (i32, i32) {
    %c0_i32 = arith.constant 0 : i32
    %c0_i32_0 = arith.constant 0 : i32
    %c0_i32_1 = arith.constant 0 : i32
    return %c0_i32, %c0_i32_0 : i32, i32
  }
  func.func @transform_3(%arg0: i32) -> (i32, i32) {
    %c0_i32 = arith.constant 0 : i32
    %c0_i32_0 = arith.constant 0 : i32
    %c0_i32_1 = arith.constant 0 : i32
    return %c0_i32, %c0_i32_0 : i32, i32
  }
  func.func @transform_4(%arg0: i32) -> (i32, i32) {
    %c0_i32 = arith.constant 0 : i32
    %c0_i32_0 = arith.constant 0 : i32
    %c0_i32_1 = arith.constant 0 : i32
    return %c0_i32, %c0_i32_0 : i32, i32
  }
  func.func @transform_5(%arg0: i32) -> (i32, i32) {
    %jit3A = arith.constant 8 : i32
    %div3A = arith.divsi %arg0, %jit3A : i32
    %sign3A = arith.constant 0 : i32
    %sign3A_0 = arith.cmpi sgt, %arg0, %sign3A : i32
    %sign3A_1 = arith.extui %sign3A_0 : i1 to i32
    %sign3A_2 = arith.constant 0 : i32
    %sign3A_3 = arith.cmpi slt, %arg0, %sign3A_2 : i32
    %sign3A_4 = arith.extui %sign3A_3 : i1 to i32
    %sign3A_5 = arith.subi %sign3A_1, %sign3A_4 : i32
    %sign3A_6 = arith.constant 0 : i32
    %sign3A_7 = arith.cmpi sgt, %jit3A, %sign3A_6 : i32
    %sign3A_8 = arith.extui %sign3A_7 : i1 to i32
    %sign3A_9 = arith.constant 0 : i32
    %sign3A_10 = arith.cmpi slt, %jit3A, %sign3A_9 : i32
    %sign3A_11 = arith.extui %sign3A_10 : i1 to i32
    %sign3A_12 = arith.subi %sign3A_8, %sign3A_11 : i32
    %ne3A = arith.cmpi ne, %sign3A_5, %sign3A_12 : i32
    %rem3A = arith.remsi %arg0, %jit3A : i32
    %ne3A_13 = arith.constant 0 : i32
    %ne3A_14 = arith.cmpi ne, %rem3A, %ne3A_13 : i32
    %and3A = arith.andi %ne3A, %ne3A_14 : i1
    %sub3A = arith.constant 1 : i32
    %sub3A_15 = arith.subi %div3A, %sub3A : i32
    %select_n3A = arith.select %and3A, %sub3A_15, %div3A : i32
    %c0_i32 = arith.constant 0 : i32
    %c0_i32_16 = arith.constant 0 : i32
    return %select_n3A, %c0_i32 : i32, i32
  }
  func.func @transform_6(%arg0: i32) -> (i32, i32, i32) {
    %jit3A = arith.constant 8 : i32
    %div3A = arith.divsi %arg0, %jit3A : i32
    %sign3A = arith.constant 0 : i32
    %sign3A_0 = arith.cmpi sgt, %arg0, %sign3A : i32
    %sign3A_1 = arith.extui %sign3A_0 : i1 to i32
    %sign3A_2 = arith.constant 0 : i32
    %sign3A_3 = arith.cmpi slt, %arg0, %sign3A_2 : i32
    %sign3A_4 = arith.extui %sign3A_3 : i1 to i32
    %sign3A_5 = arith.subi %sign3A_1, %sign3A_4 : i32
    %sign3A_6 = arith.constant 0 : i32
    %sign3A_7 = arith.cmpi sgt, %jit3A, %sign3A_6 : i32
    %sign3A_8 = arith.extui %sign3A_7 : i1 to i32
    %sign3A_9 = arith.constant 0 : i32
    %sign3A_10 = arith.cmpi slt, %jit3A, %sign3A_9 : i32
    %sign3A_11 = arith.extui %sign3A_10 : i1 to i32
    %sign3A_12 = arith.subi %sign3A_8, %sign3A_11 : i32
    %ne3A = arith.cmpi ne, %sign3A_5, %sign3A_12 : i32
    %rem3A = arith.remsi %arg0, %jit3A : i32
    %ne3A_13 = arith.constant 0 : i32
    %ne3A_14 = arith.cmpi ne, %rem3A, %ne3A_13 : i32
    %and3A = arith.andi %ne3A, %ne3A_14 : i1
    %sub3A = arith.constant 1 : i32
    %sub3A_15 = arith.subi %div3A, %sub3A : i32
    %select_n3A = arith.select %and3A, %sub3A_15, %div3A : i32
    %c0_i32 = arith.constant 0 : i32
    %c0_i32_16 = arith.constant 0 : i32
    %c0_i32_17 = arith.constant 0 : i32
    return %select_n3A, %c0_i32, %c0_i32_16 : i32, i32, i32
  }
}

module attributes {stable_mosaic.version = 14 : i64} {
  func.func @_knn_body(%arg0: i32, %arg1: i32, %arg2: memref<1x64x2048xf32, #tpu.memory_space<vmem>>, %arg3: memref<1x32x256xi32, #tpu.memory_space<vmem>>) attributes {dimension_semantics = [#tpu.dimension_semantics<parallel>, #tpu.dimension_semantics<parallel>], iteration_bounds = array<i64: 8, 8>, scalar_prefetch = 0 : i64, scratch_operands = 0 : i64, tpu.core_type = #tpu.core_type<tc>, window_params = [{transform_indices = @transform_0, window_bounds = array<i64: 1, 64, 2048>}, {transform_indices = @transform_1, window_bounds = array<i64: 1, 32, 256>}]} {
    %get3A = arith.constant 0 : index
    %get3A_0 = arith.constant 0 : index
    %get3A_1 = arith.constant 0 : index
    %get3A_2 = vector.load %arg2[%get3A, %get3A_0, %get3A_1] : memref<1x64x2048xf32, #tpu.memory_space<vmem>>, vector<1x64x2048xf32>
    %get3A_3 = vector.shape_cast %get3A_2 : vector<1x64x2048xf32> to vector<64x2048xf32>
    %mul3A = arith.constant 256 : i32
    %mul3A_4 = arith.muli %arg1, %mul3A : i32
    %get3A_5 = arith.constant 0 : index
    %get3A_6 = arith.constant 0 : index
    %get3A_7 = arith.index_cast %mul3A_4 : i32 to index
    %get3A_8 = vector.load %arg2[%get3A_5, %get3A_6, %get3A_7] : memref<1x64x2048xf32, #tpu.memory_space<vmem>>, vector<1x64x256xf32>
    %get3A_9 = vector.shape_cast %get3A_8 : vector<1x64x256xf32> to vector<64x256xf32>
    %mul3A_10 = arith.mulf %get3A_3, %get3A_3 : vector<64x2048xf32>
    %reduce_sum3A = arith.constant dense<0.000000e+00> : vector<2048xf32>
    %reduce_sum3A_11 = vector.multi_reduction <add>, %mul3A_10, %reduce_sum3A [0] : vector<64x2048xf32> to vector<2048xf32>
    %mul3A_12 = arith.mulf %get3A_9, %get3A_9 : vector<64x256xf32>
    %reduce_sum3A_13 = arith.constant dense<0.000000e+00> : vector<256xf32>
    %reduce_sum3A_14 = vector.multi_reduction <add>, %mul3A_12, %reduce_sum3A_13 [0] : vector<64x256xf32> to vector<256xf32>
    %convert_element_type3A = arith.truncf %get3A_9 : vector<64x256xf32> to vector<64x256xbf16>
    %convert_element_type3A_15 = arith.truncf %get3A_3 : vector<64x2048xf32> to vector<64x2048xbf16>
    %dot_general3A = arith.constant dense<0.000000e+00> : vector<256x2048xf32>
    %dot_general3A_16 = tpu.matmul %convert_element_type3A, %convert_element_type3A_15, %dot_general3A {dimension_numbers = #tpu.dot_dimension_numbers<[0], [0], [1], [1], [0, 1, 1, 1], [], []>, transpose_lhs_hint = false} : vector<64x256xbf16>, vector<64x2048xbf16>, vector<256x2048xf32> -> vector<256x2048xf32>
    %mul3A_17 = arith.constant 2.000000e+00 : f32
    %mul3A_18 = vector.broadcast %mul3A_17 : f32 to vector<256x2048xf32>
    %mul3A_19 = arith.mulf %mul3A_18, %dot_general3A_16 : vector<256x2048xf32>
    %broadcast_in_dim3A = vector.shape_cast %reduce_sum3A_14 : vector<256xf32> to vector<256x1xf32>
    %sub3A = vector.broadcast %broadcast_in_dim3A : vector<256x1xf32> to vector<256x2048xf32>
    %sub3A_20 = arith.subf %mul3A_19, %sub3A : vector<256x2048xf32>
    %broadcast_in_dim3A_21 = vector.shape_cast %reduce_sum3A_11 : vector<2048xf32> to vector<1x2048xf32>
    %sub3A_22 = vector.broadcast %broadcast_in_dim3A_21 : vector<1x2048xf32> to vector<256x2048xf32>
    %sub3A_23 = arith.subf %sub3A_20, %sub3A_22 : vector<256x2048xf32>
    %iota3A = tpu.iota {dimensions = array<i32: 1>} : vector<256x2048xi32>
    %mul3A_24 = arith.constant 2048 : i32
    %mul3A_25 = arith.muli %arg0, %mul3A_24 : i32
    %reduce_max3A = arith.constant dense<0xFF800000> : vector<256xf32>
    %reduce_max3A_26 = vector.multi_reduction <maximumf>, %sub3A_23, %reduce_max3A [1] : vector<256x2048xf32> to vector<256xf32>
    %broadcast_in_dim3A_27 = vector.shape_cast %reduce_max3A_26 : vector<256xf32> to vector<256x1xf32>
    %eq3A = vector.broadcast %broadcast_in_dim3A_27 : vector<256x1xf32> to vector<256x2048xf32>
    %eq3A_28 = arith.cmpf oeq, %sub3A_23, %eq3A : vector<256x2048xf32>
    %jit3A = arith.constant 2048 : i32
    %broadcast_in_dim3A_29 = vector.broadcast %jit3A : i32 to vector<256x2048xi32>
    %select_n3A = arith.select %eq3A_28, %iota3A, %broadcast_in_dim3A_29 : vector<256x2048xi1>, vector<256x2048xi32>
    %reduce_min3A = arith.constant dense<2147483647> : vector<256xi32>
    %reduce_min3A_30 = vector.multi_reduction <minsi>, %select_n3A, %reduce_min3A [1] : vector<256x2048xi32> to vector<256xi32>
    %add3A = vector.broadcast %mul3A_25 : i32 to vector<256xi32>
    %add3A_31 = arith.addi %reduce_min3A_30, %add3A : vector<256xi32>
    %swap3A = arith.constant 0 : index
    %swap3A_32 = arith.constant 0 : index
    %swap3A_33 = arith.constant 0 : index
    %swap3A_34 = vector.load %arg3[%swap3A, %swap3A_32, %swap3A_33] : memref<1x32x256xi32, #tpu.memory_space<vmem>>, vector<1x1x256xi32>
    %swap3A_35 = vector.shape_cast %swap3A_34 : vector<1x1x256xi32> to vector<256xi32>
    %swap3A_36 = vector.shape_cast %add3A_31 : vector<256xi32> to vector<1x1x256xi32>
    tpu.vector_store %arg3[%swap3A, %swap3A_32, %swap3A_33], %swap3A_36 {strides = array<i32>} : memref<1x32x256xi32, #tpu.memory_space<vmem>>, vector<1x1x256xi32>,
    %broadcast_in_dim3A_37 = vector.shape_cast %reduce_min3A_30 : vector<256xi32> to vector<256x1xi32>
    %eq3A_38 = vector.broadcast %broadcast_in_dim3A_37 : vector<256x1xi32> to vector<256x2048xi32>
    %eq3A_39 = arith.cmpi eq, %iota3A, %eq3A_38 : vector<256x2048xi32>
    %jit3A_40 = arith.constant 0xFF800000 : f32
    %broadcast_in_dim3A_41 = vector.broadcast %jit3A_40 : f32 to vector<256x2048xf32>
    %select_n3A_42 = arith.select %eq3A_39, %broadcast_in_dim3A_41, %sub3A_23 : vector<256x2048xi1>, vector<256x2048xf32>
    %reduce_max3A_43 = arith.constant dense<0xFF800000> : vector<256xf32>
    %reduce_max3A_44 = vector.multi_reduction <maximumf>, %select_n3A_42, %reduce_max3A_43 [1] : vector<256x2048xf32> to vector<256xf32>
    %broadcast_in_dim3A_45 = vector.shape_cast %reduce_max3A_44 : vector<256xf32> to vector<256x1xf32>
    %eq3A_46 = vector.broadcast %broadcast_in_dim3A_45 : vector<256x1xf32> to vector<256x2048xf32>
    %eq3A_47 = arith.cmpf oeq, %select_n3A_42, %eq3A_46 : vector<256x2048xf32>
    %jit3A_48 = arith.constant 2048 : i32
    %broadcast_in_dim3A_49 = vector.broadcast %jit3A_48 : i32 to vector<256x2048xi32>
    %select_n3A_50 = arith.select %eq3A_47, %iota3A, %broadcast_in_dim3A_49 : vector<256x2048xi1>, vector<256x2048xi32>
    %reduce_min3A_51 = arith.constant dense<2147483647> : vector<256xi32>
    %reduce_min3A_52 = vector.multi_reduction <minsi>, %select_n3A_50, %reduce_min3A_51 [1] : vector<256x2048xi32> to vector<256xi32>
    %add3A_53 = vector.broadcast %mul3A_25 : i32 to vector<256xi32>
    %add3A_54 = arith.addi %reduce_min3A_52, %add3A_53 : vector<256xi32>
    %swap3A_55 = arith.constant 0 : index
    %swap3A_56 = arith.constant 1 : index
    %swap3A_57 = arith.constant 0 : index
    %swap3A_58 = vector.load %arg3[%swap3A_55, %swap3A_56, %swap3A_57] : memref<1x32x256xi32, #tpu.memory_space<vmem>>, vector<1x1x256xi32>
    %swap3A_59 = vector.shape_cast %swap3A_58 : vector<1x1x256xi32> to vector<256xi32>
    %swap3A_60 = vector.shape_cast %add3A_54 : vector<256xi32> to vector<1x1x256xi32>
    tpu.vector_store %arg3[%swap3A_55, %swap3A_56, %swap3A_57], %swap3A_60 {strides = array<i32>} : memref<1x32x256xi32, #tpu.memory_space<vmem>>, vector<1x1x256xi32>,
    %broadcast_in_dim3A_61 = vector.shape_cast %reduce_min3A_52 : vector<256xi32> to vector<256x1xi32>
    %eq3A_62 = vector.broadcast %broadcast_in_dim3A_61 : vector<256x1xi32> to vector<256x2048xi32>
    %eq3A_63 = arith.cmpi eq, %iota3A, %eq3A_62 : vector<256x2048xi32>
    %jit3A_64 = arith.constant 0xFF800000 : f32
    %broadcast_in_dim3A_65 = vector.broadcast %jit3A_64 : f32 to vector<256x2048xf32>
    %select_n3A_66 = arith.select %eq3A_63, %broadcast_in_dim3A_65, %select_n3A_42 : vector<256x2048xi1>, vector<256x2048xf32>
    %reduce_max3A_67 = arith.constant dense<0xFF800000> : vector<256xf32>
    %reduce_max3A_68 = vector.multi_reduction <maximumf>, %select_n3A_66, %reduce_max3A_67 [1] : vector<256x2048xf32> to vector<256xf32>
    %broadcast_in_dim3A_69 = vector.shape_cast %reduce_max3A_68 : vector<256xf32> to vector<256x1xf32>
    %eq3A_70 = vector.broadcast %broadcast_in_dim3A_69 : vector<256x1xf32> to vector<256x2048xf32>
    %eq3A_71 = arith.cmpf oeq, %select_n3A_66, %eq3A_70 : vector<256x2048xf32>
    %jit3A_72 = arith.constant 2048 : i32
    %broadcast_in_dim3A_73 = vector.broadcast %jit3A_72 : i32 to vector<256x2048xi32>
    %select_n3A_74 = arith.select %eq3A_71, %iota3A, %broadcast_in_dim3A_73 : vector<256x2048xi1>, vector<256x2048xi32>
    %reduce_min3A_75 = arith.constant dense<2147483647> : vector<256xi32>
    %reduce_min3A_76 = vector.multi_reduction <minsi>, %select_n3A_74, %reduce_min3A_75 [1] : vector<256x2048xi32> to vector<256xi32>
    %add3A_77 = vector.broadcast %mul3A_25 : i32 to vector<256xi32>
    %add3A_78 = arith.addi %reduce_min3A_76, %add3A_77 : vector<256xi32>
    %swap3A_79 = arith.constant 0 : index
    %swap3A_80 = arith.constant 2 : index
    %swap3A_81 = arith.constant 0 : index
    %swap3A_82 = vector.load %arg3[%swap3A_79, %swap3A_80, %swap3A_81] : memref<1x32x256xi32, #tpu.memory_space<vmem>>, vector<1x1x256xi32>
    %swap3A_83 = vector.shape_cast %swap3A_82 : vector<1x1x256xi32> to vector<256xi32>
    %swap3A_84 = vector.shape_cast %add3A_78 : vector<256xi32> to vector<1x1x256xi32>
    tpu.vector_store %arg3[%swap3A_79, %swap3A_80, %swap3A_81], %swap3A_84 {strides = array<i32>} : memref<1x32x256xi32, #tpu.memory_space<vmem>>, vector<1x1x256xi32>,
    %broadcast_in_dim3A_85 = vector.shape_cast %reduce_min3A_76 : vector<256xi32> to vector<256x1xi32>
    %eq3A_86 = vector.broadcast %broadcast_in_dim3A_85 : vector<256x1xi32> to vector<256x2048xi32>
    %eq3A_87 = arith.cmpi eq, %iota3A, %eq3A_86 : vector<256x2048xi32>
    %jit3A_88 = arith.constant 0xFF800000 : f32
    %broadcast_in_dim3A_89 = vector.broadcast %jit3A_88 : f32 to vector<256x2048xf32>
    %select_n3A_90 = arith.select %eq3A_87, %broadcast_in_dim3A_89, %select_n3A_66 : vector<256x2048xi1>, vector<256x2048xf32>
    %reduce_max3A_91 = arith.constant dense<0xFF800000> : vector<256xf32>
    %reduce_max3A_92 = vector.multi_reduction <maximumf>, %select_n3A_90, %reduce_max3A_91 [1] : vector<256x2048xf32> to vector<256xf32>
    %broadcast_in_dim3A_93 = vector.shape_cast %reduce_max3A_92 : vector<256xf32> to vector<256x1xf32>
    %eq3A_94 = vector.broadcast %broadcast_in_dim3A_93 : vector<256x1xf32> to vector<256x2048xf32>
    %eq3A_95 = arith.cmpf oeq, %select_n3A_90, %eq3A_94 : vector<256x2048xf32>
    %jit3A_96 = arith.constant 2048 : i32
    %broadcast_in_dim3A_97 = vector.broadcast %jit3A_96 : i32 to vector<256x2048xi32>
    %select_n3A_98 = arith.select %eq3A_95, %iota3A, %broadcast_in_dim3A_97 : vector<256x2048xi1>, vector<256x2048xi32>
    %reduce_min3A_99 = arith.constant dense<2147483647> : vector<256xi32>
    %reduce_min3A_100 = vector.multi_reduction <minsi>, %select_n3A_98, %reduce_min3A_99 [1] : vector<256x2048xi32> to vector<256xi32>
    %add3A_101 = vector.broadcast %mul3A_25 : i32 to vector<256xi32>
    %add3A_102 = arith.addi %reduce_min3A_100, %add3A_101 : vector<256xi32>
    %swap3A_103 = arith.constant 0 : index
    %swap3A_104 = arith.constant 3 : index
    %swap3A_105 = arith.constant 0 : index
    %swap3A_106 = vector.load %arg3[%swap3A_103, %swap3A_104, %swap3A_105] : memref<1x32x256xi32, #tpu.memory_space<vmem>>, vector<1x1x256xi32>
    %swap3A_107 = vector.shape_cast %swap3A_106 : vector<1x1x256xi32> to vector<256xi32>
    %swap3A_108 = vector.shape_cast %add3A_102 : vector<256xi32> to vector<1x1x256xi32>
    tpu.vector_store %arg3[%swap3A_103, %swap3A_104, %swap3A_105], %swap3A_108 {strides = array<i32>} : memref<1x32x256xi32, #tpu.memory_space<vmem>>, vector<1x1x256xi32>,
    %broadcast_in_dim3A_109 = vector.shape_cast %reduce_min3A_100 : vector<256xi32> to vector<256x1xi32>
    %eq3A_110 = vector.broadcast %broadcast_in_dim3A_109 : vector<256x1xi32> to vector<256x2048xi32>
    %eq3A_111 = arith.cmpi eq, %iota3A, %eq3A_110 : vector<256x2048xi32>
    %jit3A_112 = arith.constant 0xFF800000 : f32
    %broadcast_in_dim3A_113 = vector.broadcast %jit3A_112 : f32 to vector<256x2048xf32>
    %select_n3A_114 = arith.select %eq3A_111, %broadcast_in_dim3A_113, %select_n3A_90 : vector<256x2048xi1>, vector<256x2048xf32>
    %reduce_max3A_115 = arith.constant dense<0xFF800000> : vector<256xf32>
    %reduce_max3A_116 = vector.multi_reduction <maximumf>, %select_n3A_114, %reduce_max3A_115 [1] : vector<256x2048xf32> to vector<256xf32>
    %broadcast_in_dim3A_117 = vector.shape_cast %reduce_max3A_116 : vector<256xf32> to vector<256x1xf32>
    %eq3A_118 = vector.broadcast %broadcast_in_dim3A_117 : vector<256x1xf32> to vector<256x2048xf32>
    %eq3A_119 = arith.cmpf oeq, %select_n3A_114, %eq3A_118 : vector<256x2048xf32>
    %jit3A_120 = arith.constant 2048 : i32
    %broadcast_in_dim3A_121 = vector.broadcast %jit3A_120 : i32 to vector<256x2048xi32>
    %select_n3A_122 = arith.select %eq3A_119, %iota3A, %broadcast_in_dim3A_121 : vector<256x2048xi1>, vector<256x2048xi32>
    %reduce_min3A_123 = arith.constant dense<2147483647> : vector<256xi32>
    %reduce_min3A_124 = vector.multi_reduction <minsi>, %select_n3A_122, %reduce_min3A_123 [1] : vector<256x2048xi32> to vector<256xi32>
    %add3A_125 = vector.broadcast %mul3A_25 : i32 to vector<256xi32>
    %add3A_126 = arith.addi %reduce_min3A_124, %add3A_125 : vector<256xi32>
    %swap3A_127 = arith.constant 0 : index
    %swap3A_128 = arith.constant 4 : index
    %swap3A_129 = arith.constant 0 : index
    %swap3A_130 = vector.load %arg3[%swap3A_127, %swap3A_128, %swap3A_129] : memref<1x32x256xi32, #tpu.memory_space<vmem>>, vector<1x1x256xi32>
    %swap3A_131 = vector.shape_cast %swap3A_130 : vector<1x1x256xi32> to vector<256xi32>
    %swap3A_132 = vector.shape_cast %add3A_126 : vector<256xi32> to vector<1x1x256xi32>
    tpu.vector_store %arg3[%swap3A_127, %swap3A_128, %swap3A_129], %swap3A_132 {strides = array<i32>} : memref<1x32x256xi32, #tpu.memory_space<vmem>>, vector<1x1x256xi32>,
    %broadcast_in_dim3A_133 = vector.shape_cast %reduce_min3A_124 : vector<256xi32> to vector<256x1xi32>
    %eq3A_134 = vector.broadcast %broadcast_in_dim3A_133 : vector<256x1xi32> to vector<256x2048xi32>
    %eq3A_135 = arith.cmpi eq, %iota3A, %eq3A_134 : vector<256x2048xi32>
    %jit3A_136 = arith.constant 0xFF800000 : f32
    %broadcast_in_dim3A_137 = vector.broadcast %jit3A_136 : f32 to vector<256x2048xf32>
    %select_n3A_138 = arith.select %eq3A_135, %broadcast_in_dim3A_137, %select_n3A_114 : vector<256x2048xi1>, vector<256x2048xf32>
    %reduce_max3A_139 = arith.constant dense<0xFF800000> : vector<256xf32>
    %reduce_max3A_140 = vector.multi_reduction <maximumf>, %select_n3A_138, %reduce_max3A_139 [1] : vector<256x2048xf32> to vector<256xf32>
    %broadcast_in_dim3A_141 = vector.shape_cast %reduce_max3A_140 : vector<256xf32> to vector<256x1xf32>
    %eq3A_142 = vector.broadcast %broadcast_in_dim3A_141 : vector<256x1xf32> to vector<256x2048xf32>
    %eq3A_143 = arith.cmpf oeq, %select_n3A_138, %eq3A_142 : vector<256x2048xf32>
    %jit3A_144 = arith.constant 2048 : i32
    %broadcast_in_dim3A_145 = vector.broadcast %jit3A_144 : i32 to vector<256x2048xi32>
    %select_n3A_146 = arith.select %eq3A_143, %iota3A, %broadcast_in_dim3A_145 : vector<256x2048xi1>, vector<256x2048xi32>
    %reduce_min3A_147 = arith.constant dense<2147483647> : vector<256xi32>
    %reduce_min3A_148 = vector.multi_reduction <minsi>, %select_n3A_146, %reduce_min3A_147 [1] : vector<256x2048xi32> to vector<256xi32>
    %add3A_149 = vector.broadcast %mul3A_25 : i32 to vector<256xi32>
    %add3A_150 = arith.addi %reduce_min3A_148, %add3A_149 : vector<256xi32>
    %swap3A_151 = arith.constant 0 : index
    %swap3A_152 = arith.constant 5 : index
    %swap3A_153 = arith.constant 0 : index
    %swap3A_154 = vector.load %arg3[%swap3A_151, %swap3A_152, %swap3A_153] : memref<1x32x256xi32, #tpu.memory_space<vmem>>, vector<1x1x256xi32>
    %swap3A_155 = vector.shape_cast %swap3A_154 : vector<1x1x256xi32> to vector<256xi32>
    %swap3A_156 = vector.shape_cast %add3A_150 : vector<256xi32> to vector<1x1x256xi32>
    tpu.vector_store %arg3[%swap3A_151, %swap3A_152, %swap3A_153], %swap3A_156 {strides = array<i32>} : memref<1x32x256xi32, #tpu.memory_space<vmem>>, vector<1x1x256xi32>,
    %broadcast_in_dim3A_157 = vector.shape_cast %reduce_min3A_148 : vector<256xi32> to vector<256x1xi32>
    %eq3A_158 = vector.broadcast %broadcast_in_dim3A_157 : vector<256x1xi32> to vector<256x2048xi32>
    %eq3A_159 = arith.cmpi eq, %iota3A, %eq3A_158 : vector<256x2048xi32>
    %jit3A_160 = arith.constant 0xFF800000 : f32
    %broadcast_in_dim3A_161 = vector.broadcast %jit3A_160 : f32 to vector<256x2048xf32>
    %select_n3A_162 = arith.select %eq3A_159, %broadcast_in_dim3A_161, %select_n3A_138 : vector<256x2048xi1>, vector<256x2048xf32>
    %reduce_max3A_163 = arith.constant dense<0xFF800000> : vector<256xf32>
    %reduce_max3A_164 = vector.multi_reduction <maximumf>, %select_n3A_162, %reduce_max3A_163 [1] : vector<256x2048xf32> to vector<256xf32>
    %broadcast_in_dim3A_165 = vector.shape_cast %reduce_max3A_164 : vector<256xf32> to vector<256x1xf32>
    %eq3A_166 = vector.broadcast %broadcast_in_dim3A_165 : vector<256x1xf32> to vector<256x2048xf32>
    %eq3A_167 = arith.cmpf oeq, %select_n3A_162, %eq3A_166 : vector<256x2048xf32>
    %jit3A_168 = arith.constant 2048 : i32
    %broadcast_in_dim3A_169 = vector.broadcast %jit3A_168 : i32 to vector<256x2048xi32>
    %select_n3A_170 = arith.select %eq3A_167, %iota3A, %broadcast_in_dim3A_169 : vector<256x2048xi1>, vector<256x2048xi32>
    %reduce_min3A_171 = arith.constant dense<2147483647> : vector<256xi32>
    %reduce_min3A_172 = vector.multi_reduction <minsi>, %select_n3A_170, %reduce_min3A_171 [1] : vector<256x2048xi32> to vector<256xi32>
    %add3A_173 = vector.broadcast %mul3A_25 : i32 to vector<256xi32>
    %add3A_174 = arith.addi %reduce_min3A_172, %add3A_173 : vector<256xi32>
    %swap3A_175 = arith.constant 0 : index
    %swap3A_176 = arith.constant 6 : index
    %swap3A_177 = arith.constant 0 : index
    %swap3A_178 = vector.load %arg3[%swap3A_175, %swap3A_176, %swap3A_177] : memref<1x32x256xi32, #tpu.memory_space<vmem>>, vector<1x1x256xi32>
    %swap3A_179 = vector.shape_cast %swap3A_178 : vector<1x1x256xi32> to vector<256xi32>
    %swap3A_180 = vector.shape_cast %add3A_174 : vector<256xi32> to vector<1x1x256xi32>
    tpu.vector_store %arg3[%swap3A_175, %swap3A_176, %swap3A_177], %swap3A_180 {strides = array<i32>} : memref<1x32x256xi32, #tpu.memory_space<vmem>>, vector<1x1x256xi32>,
    %broadcast_in_dim3A_181 = vector.shape_cast %reduce_min3A_172 : vector<256xi32> to vector<256x1xi32>
    %eq3A_182 = vector.broadcast %broadcast_in_dim3A_181 : vector<256x1xi32> to vector<256x2048xi32>
    %eq3A_183 = arith.cmpi eq, %iota3A, %eq3A_182 : vector<256x2048xi32>
    %jit3A_184 = arith.constant 0xFF800000 : f32
    %broadcast_in_dim3A_185 = vector.broadcast %jit3A_184 : f32 to vector<256x2048xf32>
    %select_n3A_186 = arith.select %eq3A_183, %broadcast_in_dim3A_185, %select_n3A_162 : vector<256x2048xi1>, vector<256x2048xf32>
    %reduce_max3A_187 = arith.constant dense<0xFF800000> : vector<256xf32>
    %reduce_max3A_188 = vector.multi_reduction <maximumf>, %select_n3A_186, %reduce_max3A_187 [1] : vector<256x2048xf32> to vector<256xf32>
    %broadcast_in_dim3A_189 = vector.shape_cast %reduce_max3A_188 : vector<256xf32> to vector<256x1xf32>
    %eq3A_190 = vector.broadcast %broadcast_in_dim3A_189 : vector<256x1xf32> to vector<256x2048xf32>
    %eq3A_191 = arith.cmpf oeq, %select_n3A_186, %eq3A_190 : vector<256x2048xf32>
    %jit3A_192 = arith.constant 2048 : i32
    %broadcast_in_dim3A_193 = vector.broadcast %jit3A_192 : i32 to vector<256x2048xi32>
    %select_n3A_194 = arith.select %eq3A_191, %iota3A, %broadcast_in_dim3A_193 : vector<256x2048xi1>, vector<256x2048xi32>
    %reduce_min3A_195 = arith.constant dense<2147483647> : vector<256xi32>
    %reduce_min3A_196 = vector.multi_reduction <minsi>, %select_n3A_194, %reduce_min3A_195 [1] : vector<256x2048xi32> to vector<256xi32>
    %add3A_197 = vector.broadcast %mul3A_25 : i32 to vector<256xi32>
    %add3A_198 = arith.addi %reduce_min3A_196, %add3A_197 : vector<256xi32>
    %swap3A_199 = arith.constant 0 : index
    %swap3A_200 = arith.constant 7 : index
    %swap3A_201 = arith.constant 0 : index
    %swap3A_202 = vector.load %arg3[%swap3A_199, %swap3A_200, %swap3A_201] : memref<1x32x256xi32, #tpu.memory_space<vmem>>, vector<1x1x256xi32>
    %swap3A_203 = vector.shape_cast %swap3A_202 : vector<1x1x256xi32> to vector<256xi32>
    %swap3A_204 = vector.shape_cast %add3A_198 : vector<256xi32> to vector<1x1x256xi32>
    tpu.vector_store %arg3[%swap3A_199, %swap3A_200, %swap3A_201], %swap3A_204 {strides = array<i32>} : memref<1x32x256xi32, #tpu.memory_space<vmem>>, vector<1x1x256xi32>,
    %broadcast_in_dim3A_205 = vector.shape_cast %reduce_min3A_196 : vector<256xi32> to vector<256x1xi32>
    %eq3A_206 = vector.broadcast %broadcast_in_dim3A_205 : vector<256x1xi32> to vector<256x2048xi32>
    %eq3A_207 = arith.cmpi eq, %iota3A, %eq3A_206 : vector<256x2048xi32>
    %jit3A_208 = arith.constant 0xFF800000 : f32
    %broadcast_in_dim3A_209 = vector.broadcast %jit3A_208 : f32 to vector<256x2048xf32>
    %select_n3A_210 = arith.select %eq3A_207, %broadcast_in_dim3A_209, %select_n3A_186 : vector<256x2048xi1>, vector<256x2048xf32>
    %reduce_max3A_211 = arith.constant dense<0xFF800000> : vector<256xf32>
    %reduce_max3A_212 = vector.multi_reduction <maximumf>, %select_n3A_210, %reduce_max3A_211 [1] : vector<256x2048xf32> to vector<256xf32>
    %broadcast_in_dim3A_213 = vector.shape_cast %reduce_max3A_212 : vector<256xf32> to vector<256x1xf32>
    %eq3A_214 = vector.broadcast %broadcast_in_dim3A_213 : vector<256x1xf32> to vector<256x2048xf32>
    %eq3A_215 = arith.cmpf oeq, %select_n3A_210, %eq3A_214 : vector<256x2048xf32>
    %jit3A_216 = arith.constant 2048 : i32
    %broadcast_in_dim3A_217 = vector.broadcast %jit3A_216 : i32 to vector<256x2048xi32>
    %select_n3A_218 = arith.select %eq3A_215, %iota3A, %broadcast_in_dim3A_217 : vector<256x2048xi1>, vector<256x2048xi32>
    %reduce_min3A_219 = arith.constant dense<2147483647> : vector<256xi32>
    %reduce_min3A_220 = vector.multi_reduction <minsi>, %select_n3A_218, %reduce_min3A_219 [1] : vector<256x2048xi32> to vector<256xi32>
    %add3A_221 = vector.broadcast %mul3A_25 : i32 to vector<256xi32>
    %add3A_222 = arith.addi %reduce_min3A_220, %add3A_221 : vector<256xi32>
    %swap3A_223 = arith.constant 0 : index
    %swap3A_224 = arith.constant 8 : index
    %swap3A_225 = arith.constant 0 : index
    %swap3A_226 = vector.load %arg3[%swap3A_223, %swap3A_224, %swap3A_225] : memref<1x32x256xi32, #tpu.memory_space<vmem>>, vector<1x1x256xi32>
    %swap3A_227 = vector.shape_cast %swap3A_226 : vector<1x1x256xi32> to vector<256xi32>
    %swap3A_228 = vector.shape_cast %add3A_222 : vector<256xi32> to vector<1x1x256xi32>
    tpu.vector_store %arg3[%swap3A_223, %swap3A_224, %swap3A_225], %swap3A_228 {strides = array<i32>} : memref<1x32x256xi32, #tpu.memory_space<vmem>>, vector<1x1x256xi32>,
    %broadcast_in_dim3A_229 = vector.shape_cast %reduce_min3A_220 : vector<256xi32> to vector<256x1xi32>
    %eq3A_230 = vector.broadcast %broadcast_in_dim3A_229 : vector<256x1xi32> to vector<256x2048xi32>
    %eq3A_231 = arith.cmpi eq, %iota3A, %eq3A_230 : vector<256x2048xi32>
    %jit3A_232 = arith.constant 0xFF800000 : f32
    %broadcast_in_dim3A_233 = vector.broadcast %jit3A_232 : f32 to vector<256x2048xf32>
    %select_n3A_234 = arith.select %eq3A_231, %broadcast_in_dim3A_233, %select_n3A_210 : vector<256x2048xi1>, vector<256x2048xf32>
    %reduce_max3A_235 = arith.constant dense<0xFF800000> : vector<256xf32>
    %reduce_max3A_236 = vector.multi_reduction <maximumf>, %select_n3A_234, %reduce_max3A_235 [1] : vector<256x2048xf32> to vector<256xf32>
    %broadcast_in_dim3A_237 = vector.shape_cast %reduce_max3A_236 : vector<256xf32> to vector<256x1xf32>
    %eq3A_238 = vector.broadcast %broadcast_in_dim3A_237 : vector<256x1xf32> to vector<256x2048xf32>
    %eq3A_239 = arith.cmpf oeq, %select_n3A_234, %eq3A_238 : vector<256x2048xf32>
    %jit3A_240 = arith.constant 2048 : i32
    %broadcast_in_dim3A_241 = vector.broadcast %jit3A_240 : i32 to vector<256x2048xi32>
    %select_n3A_242 = arith.select %eq3A_239, %iota3A, %broadcast_in_dim3A_241 : vector<256x2048xi1>, vector<256x2048xi32>
    %reduce_min3A_243 = arith.constant dense<2147483647> : vector<256xi32>
    %reduce_min3A_244 = vector.multi_reduction <minsi>, %select_n3A_242, %reduce_min3A_243 [1] : vector<256x2048xi32> to vector<256xi32>
    %add3A_245 = vector.broadcast %mul3A_25 : i32 to vector<256xi32>
    %add3A_246 = arith.addi %reduce_min3A_244, %add3A_245 : vector<256xi32>
    %swap3A_247 = arith.constant 0 : index
    %swap3A_248 = arith.constant 9 : index
    %swap3A_249 = arith.constant 0 : index
    %swap3A_250 = vector.load %arg3[%swap3A_247, %swap3A_248, %swap3A_249] : memref<1x32x256xi32, #tpu.memory_space<vmem>>, vector<1x1x256xi32>
    %swap3A_251 = vector.shape_cast %swap3A_250 : vector<1x1x256xi32> to vector<256xi32>
    %swap3A_252 = vector.shape_cast %add3A_246 : vector<256xi32> to vector<1x1x256xi32>
    tpu.vector_store %arg3[%swap3A_247, %swap3A_248, %swap3A_249], %swap3A_252 {strides = array<i32>} : memref<1x32x256xi32, #tpu.memory_space<vmem>>, vector<1x1x256xi32>,
    %broadcast_in_dim3A_253 = vector.shape_cast %reduce_min3A_244 : vector<256xi32> to vector<256x1xi32>
    %eq3A_254 = vector.broadcast %broadcast_in_dim3A_253 : vector<256x1xi32> to vector<256x2048xi32>
    %eq3A_255 = arith.cmpi eq, %iota3A, %eq3A_254 : vector<256x2048xi32>
    %jit3A_256 = arith.constant 0xFF800000 : f32
    %broadcast_in_dim3A_257 = vector.broadcast %jit3A_256 : f32 to vector<256x2048xf32>
    %select_n3A_258 = arith.select %eq3A_255, %broadcast_in_dim3A_257, %select_n3A_234 : vector<256x2048xi1>, vector<256x2048xf32>
    %reduce_max3A_259 = arith.constant dense<0xFF800000> : vector<256xf32>
    %reduce_max3A_260 = vector.multi_reduction <maximumf>, %select_n3A_258, %reduce_max3A_259 [1] : vector<256x2048xf32> to vector<256xf32>
    %broadcast_in_dim3A_261 = vector.shape_cast %reduce_max3A_260 : vector<256xf32> to vector<256x1xf32>
    %eq3A_262 = vector.broadcast %broadcast_in_dim3A_261 : vector<256x1xf32> to vector<256x2048xf32>
    %eq3A_263 = arith.cmpf oeq, %select_n3A_258, %eq3A_262 : vector<256x2048xf32>
    %jit3A_264 = arith.constant 2048 : i32
    %broadcast_in_dim3A_265 = vector.broadcast %jit3A_264 : i32 to vector<256x2048xi32>
    %select_n3A_266 = arith.select %eq3A_263, %iota3A, %broadcast_in_dim3A_265 : vector<256x2048xi1>, vector<256x2048xi32>
    %reduce_min3A_267 = arith.constant dense<2147483647> : vector<256xi32>
    %reduce_min3A_268 = vector.multi_reduction <minsi>, %select_n3A_266, %reduce_min3A_267 [1] : vector<256x2048xi32> to vector<256xi32>
    %add3A_269 = vector.broadcast %mul3A_25 : i32 to vector<256xi32>
    %add3A_270 = arith.addi %reduce_min3A_268, %add3A_269 : vector<256xi32>
    %swap3A_271 = arith.constant 0 : index
    %swap3A_272 = arith.constant 10 : index
    %swap3A_273 = arith.constant 0 : index
    %swap3A_274 = vector.load %arg3[%swap3A_271, %swap3A_272, %swap3A_273] : memref<1x32x256xi32, #tpu.memory_space<vmem>>, vector<1x1x256xi32>
    %swap3A_275 = vector.shape_cast %swap3A_274 : vector<1x1x256xi32> to vector<256xi32>
    %swap3A_276 = vector.shape_cast %add3A_270 : vector<256xi32> to vector<1x1x256xi32>
    tpu.vector_store %arg3[%swap3A_271, %swap3A_272, %swap3A_273], %swap3A_276 {strides = array<i32>} : memref<1x32x256xi32, #tpu.memory_space<vmem>>, vector<1x1x256xi32>,
    %broadcast_in_dim3A_277 = vector.shape_cast %reduce_min3A_268 : vector<256xi32> to vector<256x1xi32>
    %eq3A_278 = vector.broadcast %broadcast_in_dim3A_277 : vector<256x1xi32> to vector<256x2048xi32>
    %eq3A_279 = arith.cmpi eq, %iota3A, %eq3A_278 : vector<256x2048xi32>
    %jit3A_280 = arith.constant 0xFF800000 : f32
    %broadcast_in_dim3A_281 = vector.broadcast %jit3A_280 : f32 to vector<256x2048xf32>
    %select_n3A_282 = arith.select %eq3A_279, %broadcast_in_dim3A_281, %select_n3A_258 : vector<256x2048xi1>, vector<256x2048xf32>
    %reduce_max3A_283 = arith.constant dense<0xFF800000> : vector<256xf32>
    %reduce_max3A_284 = vector.multi_reduction <maximumf>, %select_n3A_282, %reduce_max3A_283 [1] : vector<256x2048xf32> to vector<256xf32>
    %broadcast_in_dim3A_285 = vector.shape_cast %reduce_max3A_284 : vector<256xf32> to vector<256x1xf32>
    %eq3A_286 = vector.broadcast %broadcast_in_dim3A_285 : vector<256x1xf32> to vector<256x2048xf32>
    %eq3A_287 = arith.cmpf oeq, %select_n3A_282, %eq3A_286 : vector<256x2048xf32>
    %jit3A_288 = arith.constant 2048 : i32
    %broadcast_in_dim3A_289 = vector.broadcast %jit3A_288 : i32 to vector<256x2048xi32>
    %select_n3A_290 = arith.select %eq3A_287, %iota3A, %broadcast_in_dim3A_289 : vector<256x2048xi1>, vector<256x2048xi32>
    %reduce_min3A_291 = arith.constant dense<2147483647> : vector<256xi32>
    %reduce_min3A_292 = vector.multi_reduction <minsi>, %select_n3A_290, %reduce_min3A_291 [1] : vector<256x2048xi32> to vector<256xi32>
    %add3A_293 = vector.broadcast %mul3A_25 : i32 to vector<256xi32>
    %add3A_294 = arith.addi %reduce_min3A_292, %add3A_293 : vector<256xi32>
    %swap3A_295 = arith.constant 0 : index
    %swap3A_296 = arith.constant 11 : index
    %swap3A_297 = arith.constant 0 : index
    %swap3A_298 = vector.load %arg3[%swap3A_295, %swap3A_296, %swap3A_297] : memref<1x32x256xi32, #tpu.memory_space<vmem>>, vector<1x1x256xi32>
    %swap3A_299 = vector.shape_cast %swap3A_298 : vector<1x1x256xi32> to vector<256xi32>
    %swap3A_300 = vector.shape_cast %add3A_294 : vector<256xi32> to vector<1x1x256xi32>
    tpu.vector_store %arg3[%swap3A_295, %swap3A_296, %swap3A_297], %swap3A_300 {strides = array<i32>} : memref<1x32x256xi32, #tpu.memory_space<vmem>>, vector<1x1x256xi32>,
    %broadcast_in_dim3A_301 = vector.shape_cast %reduce_min3A_292 : vector<256xi32> to vector<256x1xi32>
    %eq3A_302 = vector.broadcast %broadcast_in_dim3A_301 : vector<256x1xi32> to vector<256x2048xi32>
    %eq3A_303 = arith.cmpi eq, %iota3A, %eq3A_302 : vector<256x2048xi32>
    %jit3A_304 = arith.constant 0xFF800000 : f32
    %broadcast_in_dim3A_305 = vector.broadcast %jit3A_304 : f32 to vector<256x2048xf32>
    %select_n3A_306 = arith.select %eq3A_303, %broadcast_in_dim3A_305, %select_n3A_282 : vector<256x2048xi1>, vector<256x2048xf32>
    %reduce_max3A_307 = arith.constant dense<0xFF800000> : vector<256xf32>
    %reduce_max3A_308 = vector.multi_reduction <maximumf>, %select_n3A_306, %reduce_max3A_307 [1] : vector<256x2048xf32> to vector<256xf32>
    %broadcast_in_dim3A_309 = vector.shape_cast %reduce_max3A_308 : vector<256xf32> to vector<256x1xf32>
    %eq3A_310 = vector.broadcast %broadcast_in_dim3A_309 : vector<256x1xf32> to vector<256x2048xf32>
    %eq3A_311 = arith.cmpf oeq, %select_n3A_306, %eq3A_310 : vector<256x2048xf32>
    %jit3A_312 = arith.constant 2048 : i32
    %broadcast_in_dim3A_313 = vector.broadcast %jit3A_312 : i32 to vector<256x2048xi32>
    %select_n3A_314 = arith.select %eq3A_311, %iota3A, %broadcast_in_dim3A_313 : vector<256x2048xi1>, vector<256x2048xi32>
    %reduce_min3A_315 = arith.constant dense<2147483647> : vector<256xi32>
    %reduce_min3A_316 = vector.multi_reduction <minsi>, %select_n3A_314, %reduce_min3A_315 [1] : vector<256x2048xi32> to vector<256xi32>
    %add3A_317 = vector.broadcast %mul3A_25 : i32 to vector<256xi32>
    %add3A_318 = arith.addi %reduce_min3A_316, %add3A_317 : vector<256xi32>
    %swap3A_319 = arith.constant 0 : index
    %swap3A_320 = arith.constant 12 : index
    %swap3A_321 = arith.constant 0 : index
    %swap3A_322 = vector.load %arg3[%swap3A_319, %swap3A_320, %swap3A_321] : memref<1x32x256xi32, #tpu.memory_space<vmem>>, vector<1x1x256xi32>
    %swap3A_323 = vector.shape_cast %swap3A_322 : vector<1x1x256xi32> to vector<256xi32>
    %swap3A_324 = vector.shape_cast %add3A_318 : vector<256xi32> to vector<1x1x256xi32>
    tpu.vector_store %arg3[%swap3A_319, %swap3A_320, %swap3A_321], %swap3A_324 {strides = array<i32>} : memref<1x32x256xi32, #tpu.memory_space<vmem>>, vector<1x1x256xi32>,
    %broadcast_in_dim3A_325 = vector.shape_cast %reduce_min3A_316 : vector<256xi32> to vector<256x1xi32>
    %eq3A_326 = vector.broadcast %broadcast_in_dim3A_325 : vector<256x1xi32> to vector<256x2048xi32>
    %eq3A_327 = arith.cmpi eq, %iota3A, %eq3A_326 : vector<256x2048xi32>
    %jit3A_328 = arith.constant 0xFF800000 : f32
    %broadcast_in_dim3A_329 = vector.broadcast %jit3A_328 : f32 to vector<256x2048xf32>
    %select_n3A_330 = arith.select %eq3A_327, %broadcast_in_dim3A_329, %select_n3A_306 : vector<256x2048xi1>, vector<256x2048xf32>
    %reduce_max3A_331 = arith.constant dense<0xFF800000> : vector<256xf32>
    %reduce_max3A_332 = vector.multi_reduction <maximumf>, %select_n3A_330, %reduce_max3A_331 [1] : vector<256x2048xf32> to vector<256xf32>
    %broadcast_in_dim3A_333 = vector.shape_cast %reduce_max3A_332 : vector<256xf32> to vector<256x1xf32>
    %eq3A_334 = vector.broadcast %broadcast_in_dim3A_333 : vector<256x1xf32> to vector<256x2048xf32>
    %eq3A_335 = arith.cmpf oeq, %select_n3A_330, %eq3A_334 : vector<256x2048xf32>
    %jit3A_336 = arith.constant 2048 : i32
    %broadcast_in_dim3A_337 = vector.broadcast %jit3A_336 : i32 to vector<256x2048xi32>
    %select_n3A_338 = arith.select %eq3A_335, %iota3A, %broadcast_in_dim3A_337 : vector<256x2048xi1>, vector<256x2048xi32>
    %reduce_min3A_339 = arith.constant dense<2147483647> : vector<256xi32>
    %reduce_min3A_340 = vector.multi_reduction <minsi>, %select_n3A_338, %reduce_min3A_339 [1] : vector<256x2048xi32> to vector<256xi32>
    %add3A_341 = vector.broadcast %mul3A_25 : i32 to vector<256xi32>
    %add3A_342 = arith.addi %reduce_min3A_340, %add3A_341 : vector<256xi32>
    %swap3A_343 = arith.constant 0 : index
    %swap3A_344 = arith.constant 13 : index
    %swap3A_345 = arith.constant 0 : index
    %swap3A_346 = vector.load %arg3[%swap3A_343, %swap3A_344, %swap3A_345] : memref<1x32x256xi32, #tpu.memory_space<vmem>>, vector<1x1x256xi32>
    %swap3A_347 = vector.shape_cast %swap3A_346 : vector<1x1x256xi32> to vector<256xi32>
    %swap3A_348 = vector.shape_cast %add3A_342 : vector<256xi32> to vector<1x1x256xi32>
    tpu.vector_store %arg3[%swap3A_343, %swap3A_344, %swap3A_345], %swap3A_348 {strides = array<i32>} : memref<1x32x256xi32, #tpu.memory_space<vmem>>, vector<1x1x256xi32>,
    %broadcast_in_dim3A_349 = vector.shape_cast %reduce_min3A_340 : vector<256xi32> to vector<256x1xi32>
    %eq3A_350 = vector.broadcast %broadcast_in_dim3A_349 : vector<256x1xi32> to vector<256x2048xi32>
    %eq3A_351 = arith.cmpi eq, %iota3A, %eq3A_350 : vector<256x2048xi32>
    %jit3A_352 = arith.constant 0xFF800000 : f32
    %broadcast_in_dim3A_353 = vector.broadcast %jit3A_352 : f32 to vector<256x2048xf32>
    %select_n3A_354 = arith.select %eq3A_351, %broadcast_in_dim3A_353, %select_n3A_330 : vector<256x2048xi1>, vector<256x2048xf32>
    %reduce_max3A_355 = arith.constant dense<0xFF800000> : vector<256xf32>
    %reduce_max3A_356 = vector.multi_reduction <maximumf>, %select_n3A_354, %reduce_max3A_355 [1] : vector<256x2048xf32> to vector<256xf32>
    %broadcast_in_dim3A_357 = vector.shape_cast %reduce_max3A_356 : vector<256xf32> to vector<256x1xf32>
    %eq3A_358 = vector.broadcast %broadcast_in_dim3A_357 : vector<256x1xf32> to vector<256x2048xf32>
    %eq3A_359 = arith.cmpf oeq, %select_n3A_354, %eq3A_358 : vector<256x2048xf32>
    %jit3A_360 = arith.constant 2048 : i32
    %broadcast_in_dim3A_361 = vector.broadcast %jit3A_360 : i32 to vector<256x2048xi32>
    %select_n3A_362 = arith.select %eq3A_359, %iota3A, %broadcast_in_dim3A_361 : vector<256x2048xi1>, vector<256x2048xi32>
    %reduce_min3A_363 = arith.constant dense<2147483647> : vector<256xi32>
    %reduce_min3A_364 = vector.multi_reduction <minsi>, %select_n3A_362, %reduce_min3A_363 [1] : vector<256x2048xi32> to vector<256xi32>
    %add3A_365 = vector.broadcast %mul3A_25 : i32 to vector<256xi32>
    %add3A_366 = arith.addi %reduce_min3A_364, %add3A_365 : vector<256xi32>
    %swap3A_367 = arith.constant 0 : index
    %swap3A_368 = arith.constant 14 : index
    %swap3A_369 = arith.constant 0 : index
    %swap3A_370 = vector.load %arg3[%swap3A_367, %swap3A_368, %swap3A_369] : memref<1x32x256xi32, #tpu.memory_space<vmem>>, vector<1x1x256xi32>
    %swap3A_371 = vector.shape_cast %swap3A_370 : vector<1x1x256xi32> to vector<256xi32>
    %swap3A_372 = vector.shape_cast %add3A_366 : vector<256xi32> to vector<1x1x256xi32>
    tpu.vector_store %arg3[%swap3A_367, %swap3A_368, %swap3A_369], %swap3A_372 {strides = array<i32>} : memref<1x32x256xi32, #tpu.memory_space<vmem>>, vector<1x1x256xi32>,
    %broadcast_in_dim3A_373 = vector.shape_cast %reduce_min3A_364 : vector<256xi32> to vector<256x1xi32>
    %eq3A_374 = vector.broadcast %broadcast_in_dim3A_373 : vector<256x1xi32> to vector<256x2048xi32>
    %eq3A_375 = arith.cmpi eq, %iota3A, %eq3A_374 : vector<256x2048xi32>
    %jit3A_376 = arith.constant 0xFF800000 : f32
    %broadcast_in_dim3A_377 = vector.broadcast %jit3A_376 : f32 to vector<256x2048xf32>
    %select_n3A_378 = arith.select %eq3A_375, %broadcast_in_dim3A_377, %select_n3A_354 : vector<256x2048xi1>, vector<256x2048xf32>
    %reduce_max3A_379 = arith.constant dense<0xFF800000> : vector<256xf32>
    %reduce_max3A_380 = vector.multi_reduction <maximumf>, %select_n3A_378, %reduce_max3A_379 [1] : vector<256x2048xf32> to vector<256xf32>
    %broadcast_in_dim3A_381 = vector.shape_cast %reduce_max3A_380 : vector<256xf32> to vector<256x1xf32>
    %eq3A_382 = vector.broadcast %broadcast_in_dim3A_381 : vector<256x1xf32> to vector<256x2048xf32>
    %eq3A_383 = arith.cmpf oeq, %select_n3A_378, %eq3A_382 : vector<256x2048xf32>
    %jit3A_384 = arith.constant 2048 : i32
    %broadcast_in_dim3A_385 = vector.broadcast %jit3A_384 : i32 to vector<256x2048xi32>
    %select_n3A_386 = arith.select %eq3A_383, %iota3A, %broadcast_in_dim3A_385 : vector<256x2048xi1>, vector<256x2048xi32>
    %reduce_min3A_387 = arith.constant dense<2147483647> : vector<256xi32>
    %reduce_min3A_388 = vector.multi_reduction <minsi>, %select_n3A_386, %reduce_min3A_387 [1] : vector<256x2048xi32> to vector<256xi32>
    %add3A_389 = vector.broadcast %mul3A_25 : i32 to vector<256xi32>
    %add3A_390 = arith.addi %reduce_min3A_388, %add3A_389 : vector<256xi32>
    %swap3A_391 = arith.constant 0 : index
    %swap3A_392 = arith.constant 15 : index
    %swap3A_393 = arith.constant 0 : index
    %swap3A_394 = vector.load %arg3[%swap3A_391, %swap3A_392, %swap3A_393] : memref<1x32x256xi32, #tpu.memory_space<vmem>>, vector<1x1x256xi32>
    %swap3A_395 = vector.shape_cast %swap3A_394 : vector<1x1x256xi32> to vector<256xi32>
    %swap3A_396 = vector.shape_cast %add3A_390 : vector<256xi32> to vector<1x1x256xi32>
    tpu.vector_store %arg3[%swap3A_391, %swap3A_392, %swap3A_393], %swap3A_396 {strides = array<i32>} : memref<1x32x256xi32, #tpu.memory_space<vmem>>, vector<1x1x256xi32>,
    %broadcast_in_dim3A_397 = vector.shape_cast %reduce_min3A_388 : vector<256xi32> to vector<256x1xi32>
    %eq3A_398 = vector.broadcast %broadcast_in_dim3A_397 : vector<256x1xi32> to vector<256x2048xi32>
    %eq3A_399 = arith.cmpi eq, %iota3A, %eq3A_398 : vector<256x2048xi32>
    %jit3A_400 = arith.constant 0xFF800000 : f32
    %broadcast_in_dim3A_401 = vector.broadcast %jit3A_400 : f32 to vector<256x2048xf32>
    %select_n3A_402 = arith.select %eq3A_399, %broadcast_in_dim3A_401, %select_n3A_378 : vector<256x2048xi1>, vector<256x2048xf32>
    %reduce_max3A_403 = arith.constant dense<0xFF800000> : vector<256xf32>
    %reduce_max3A_404 = vector.multi_reduction <maximumf>, %select_n3A_402, %reduce_max3A_403 [1] : vector<256x2048xf32> to vector<256xf32>
    %broadcast_in_dim3A_405 = vector.shape_cast %reduce_max3A_404 : vector<256xf32> to vector<256x1xf32>
    %eq3A_406 = vector.broadcast %broadcast_in_dim3A_405 : vector<256x1xf32> to vector<256x2048xf32>
    %eq3A_407 = arith.cmpf oeq, %select_n3A_402, %eq3A_406 : vector<256x2048xf32>
    %jit3A_408 = arith.constant 2048 : i32
    %broadcast_in_dim3A_409 = vector.broadcast %jit3A_408 : i32 to vector<256x2048xi32>
    %select_n3A_410 = arith.select %eq3A_407, %iota3A, %broadcast_in_dim3A_409 : vector<256x2048xi1>, vector<256x2048xi32>
    %reduce_min3A_411 = arith.constant dense<2147483647> : vector<256xi32>
    %reduce_min3A_412 = vector.multi_reduction <minsi>, %select_n3A_410, %reduce_min3A_411 [1] : vector<256x2048xi32> to vector<256xi32>
    %add3A_413 = vector.broadcast %mul3A_25 : i32 to vector<256xi32>
    %add3A_414 = arith.addi %reduce_min3A_412, %add3A_413 : vector<256xi32>
    %swap3A_415 = arith.constant 0 : index
    %swap3A_416 = arith.constant 16 : index
    %swap3A_417 = arith.constant 0 : index
    %swap3A_418 = vector.load %arg3[%swap3A_415, %swap3A_416, %swap3A_417] : memref<1x32x256xi32, #tpu.memory_space<vmem>>, vector<1x1x256xi32>
    %swap3A_419 = vector.shape_cast %swap3A_418 : vector<1x1x256xi32> to vector<256xi32>
    %swap3A_420 = vector.shape_cast %add3A_414 : vector<256xi32> to vector<1x1x256xi32>
    tpu.vector_store %arg3[%swap3A_415, %swap3A_416, %swap3A_417], %swap3A_420 {strides = array<i32>} : memref<1x32x256xi32, #tpu.memory_space<vmem>>, vector<1x1x256xi32>,
    %broadcast_in_dim3A_421 = vector.shape_cast %reduce_min3A_412 : vector<256xi32> to vector<256x1xi32>
    %eq3A_422 = vector.broadcast %broadcast_in_dim3A_421 : vector<256x1xi32> to vector<256x2048xi32>
    %eq3A_423 = arith.cmpi eq, %iota3A, %eq3A_422 : vector<256x2048xi32>
    %jit3A_424 = arith.constant 0xFF800000 : f32
    %broadcast_in_dim3A_425 = vector.broadcast %jit3A_424 : f32 to vector<256x2048xf32>
    %select_n3A_426 = arith.select %eq3A_423, %broadcast_in_dim3A_425, %select_n3A_402 : vector<256x2048xi1>, vector<256x2048xf32>
    %reduce_max3A_427 = arith.constant dense<0xFF800000> : vector<256xf32>
    %reduce_max3A_428 = vector.multi_reduction <maximumf>, %select_n3A_426, %reduce_max3A_427 [1] : vector<256x2048xf32> to vector<256xf32>
    %broadcast_in_dim3A_429 = vector.shape_cast %reduce_max3A_428 : vector<256xf32> to vector<256x1xf32>
    %eq3A_430 = vector.broadcast %broadcast_in_dim3A_429 : vector<256x1xf32> to vector<256x2048xf32>
    %eq3A_431 = arith.cmpf oeq, %select_n3A_426, %eq3A_430 : vector<256x2048xf32>
    %jit3A_432 = arith.constant 2048 : i32
    %broadcast_in_dim3A_433 = vector.broadcast %jit3A_432 : i32 to vector<256x2048xi32>
    %select_n3A_434 = arith.select %eq3A_431, %iota3A, %broadcast_in_dim3A_433 : vector<256x2048xi1>, vector<256x2048xi32>
    %reduce_min3A_435 = arith.constant dense<2147483647> : vector<256xi32>
    %reduce_min3A_436 = vector.multi_reduction <minsi>, %select_n3A_434, %reduce_min3A_435 [1] : vector<256x2048xi32> to vector<256xi32>
    %add3A_437 = vector.broadcast %mul3A_25 : i32 to vector<256xi32>
    %add3A_438 = arith.addi %reduce_min3A_436, %add3A_437 : vector<256xi32>
    %swap3A_439 = arith.constant 0 : index
    %swap3A_440 = arith.constant 17 : index
    %swap3A_441 = arith.constant 0 : index
    %swap3A_442 = vector.load %arg3[%swap3A_439, %swap3A_440, %swap3A_441] : memref<1x32x256xi32, #tpu.memory_space<vmem>>, vector<1x1x256xi32>
    %swap3A_443 = vector.shape_cast %swap3A_442 : vector<1x1x256xi32> to vector<256xi32>
    %swap3A_444 = vector.shape_cast %add3A_438 : vector<256xi32> to vector<1x1x256xi32>
    tpu.vector_store %arg3[%swap3A_439, %swap3A_440, %swap3A_441], %swap3A_444 {strides = array<i32>} : memref<1x32x256xi32, #tpu.memory_space<vmem>>, vector<1x1x256xi32>,
    %broadcast_in_dim3A_445 = vector.shape_cast %reduce_min3A_436 : vector<256xi32> to vector<256x1xi32>
    %eq3A_446 = vector.broadcast %broadcast_in_dim3A_445 : vector<256x1xi32> to vector<256x2048xi32>
    %eq3A_447 = arith.cmpi eq, %iota3A, %eq3A_446 : vector<256x2048xi32>
    %jit3A_448 = arith.constant 0xFF800000 : f32
    %broadcast_in_dim3A_449 = vector.broadcast %jit3A_448 : f32 to vector<256x2048xf32>
    %select_n3A_450 = arith.select %eq3A_447, %broadcast_in_dim3A_449, %select_n3A_426 : vector<256x2048xi1>, vector<256x2048xf32>
    %reduce_max3A_451 = arith.constant dense<0xFF800000> : vector<256xf32>
    %reduce_max3A_452 = vector.multi_reduction <maximumf>, %select_n3A_450, %reduce_max3A_451 [1] : vector<256x2048xf32> to vector<256xf32>
    %broadcast_in_dim3A_453 = vector.shape_cast %reduce_max3A_452 : vector<256xf32> to vector<256x1xf32>
    %eq3A_454 = vector.broadcast %broadcast_in_dim3A_453 : vector<256x1xf32> to vector<256x2048xf32>
    %eq3A_455 = arith.cmpf oeq, %select_n3A_450, %eq3A_454 : vector<256x2048xf32>
    %jit3A_456 = arith.constant 2048 : i32
    %broadcast_in_dim3A_457 = vector.broadcast %jit3A_456 : i32 to vector<256x2048xi32>
    %select_n3A_458 = arith.select %eq3A_455, %iota3A, %broadcast_in_dim3A_457 : vector<256x2048xi1>, vector<256x2048xi32>
    %reduce_min3A_459 = arith.constant dense<2147483647> : vector<256xi32>
    %reduce_min3A_460 = vector.multi_reduction <minsi>, %select_n3A_458, %reduce_min3A_459 [1] : vector<256x2048xi32> to vector<256xi32>
    %add3A_461 = vector.broadcast %mul3A_25 : i32 to vector<256xi32>
    %add3A_462 = arith.addi %reduce_min3A_460, %add3A_461 : vector<256xi32>
    %swap3A_463 = arith.constant 0 : index
    %swap3A_464 = arith.constant 18 : index
    %swap3A_465 = arith.constant 0 : index
    %swap3A_466 = vector.load %arg3[%swap3A_463, %swap3A_464, %swap3A_465] : memref<1x32x256xi32, #tpu.memory_space<vmem>>, vector<1x1x256xi32>
    %swap3A_467 = vector.shape_cast %swap3A_466 : vector<1x1x256xi32> to vector<256xi32>
    %swap3A_468 = vector.shape_cast %add3A_462 : vector<256xi32> to vector<1x1x256xi32>
    tpu.vector_store %arg3[%swap3A_463, %swap3A_464, %swap3A_465], %swap3A_468 {strides = array<i32>} : memref<1x32x256xi32, #tpu.memory_space<vmem>>, vector<1x1x256xi32>,
    %broadcast_in_dim3A_469 = vector.shape_cast %reduce_min3A_460 : vector<256xi32> to vector<256x1xi32>
    %eq3A_470 = vector.broadcast %broadcast_in_dim3A_469 : vector<256x1xi32> to vector<256x2048xi32>
    %eq3A_471 = arith.cmpi eq, %iota3A, %eq3A_470 : vector<256x2048xi32>
    %jit3A_472 = arith.constant 0xFF800000 : f32
    %broadcast_in_dim3A_473 = vector.broadcast %jit3A_472 : f32 to vector<256x2048xf32>
    %select_n3A_474 = arith.select %eq3A_471, %broadcast_in_dim3A_473, %select_n3A_450 : vector<256x2048xi1>, vector<256x2048xf32>
    %reduce_max3A_475 = arith.constant dense<0xFF800000> : vector<256xf32>
    %reduce_max3A_476 = vector.multi_reduction <maximumf>, %select_n3A_474, %reduce_max3A_475 [1] : vector<256x2048xf32> to vector<256xf32>
    %broadcast_in_dim3A_477 = vector.shape_cast %reduce_max3A_476 : vector<256xf32> to vector<256x1xf32>
    %eq3A_478 = vector.broadcast %broadcast_in_dim3A_477 : vector<256x1xf32> to vector<256x2048xf32>
    %eq3A_479 = arith.cmpf oeq, %select_n3A_474, %eq3A_478 : vector<256x2048xf32>
    %jit3A_480 = arith.constant 2048 : i32
    %broadcast_in_dim3A_481 = vector.broadcast %jit3A_480 : i32 to vector<256x2048xi32>
    %select_n3A_482 = arith.select %eq3A_479, %iota3A, %broadcast_in_dim3A_481 : vector<256x2048xi1>, vector<256x2048xi32>
    %reduce_min3A_483 = arith.constant dense<2147483647> : vector<256xi32>
    %reduce_min3A_484 = vector.multi_reduction <minsi>, %select_n3A_482, %reduce_min3A_483 [1] : vector<256x2048xi32> to vector<256xi32>
    %add3A_485 = vector.broadcast %mul3A_25 : i32 to vector<256xi32>
    %add3A_486 = arith.addi %reduce_min3A_484, %add3A_485 : vector<256xi32>
    %swap3A_487 = arith.constant 0 : index
    %swap3A_488 = arith.constant 19 : index
    %swap3A_489 = arith.constant 0 : index
    %swap3A_490 = vector.load %arg3[%swap3A_487, %swap3A_488, %swap3A_489] : memref<1x32x256xi32, #tpu.memory_space<vmem>>, vector<1x1x256xi32>
    %swap3A_491 = vector.shape_cast %swap3A_490 : vector<1x1x256xi32> to vector<256xi32>
    %swap3A_492 = vector.shape_cast %add3A_486 : vector<256xi32> to vector<1x1x256xi32>
    tpu.vector_store %arg3[%swap3A_487, %swap3A_488, %swap3A_489], %swap3A_492 {strides = array<i32>} : memref<1x32x256xi32, #tpu.memory_space<vmem>>, vector<1x1x256xi32>,
    %broadcast_in_dim3A_493 = vector.shape_cast %reduce_min3A_484 : vector<256xi32> to vector<256x1xi32>
    %eq3A_494 = vector.broadcast %broadcast_in_dim3A_493 : vector<256x1xi32> to vector<256x2048xi32>
    %eq3A_495 = arith.cmpi eq, %iota3A, %eq3A_494 : vector<256x2048xi32>
    %jit3A_496 = arith.constant 0xFF800000 : f32
    %broadcast_in_dim3A_497 = vector.broadcast %jit3A_496 : f32 to vector<256x2048xf32>
    %select_n3A_498 = arith.select %eq3A_495, %broadcast_in_dim3A_497, %select_n3A_474 : vector<256x2048xi1>, vector<256x2048xf32>
    %reduce_max3A_499 = arith.constant dense<0xFF800000> : vector<256xf32>
    %reduce_max3A_500 = vector.multi_reduction <maximumf>, %select_n3A_498, %reduce_max3A_499 [1] : vector<256x2048xf32> to vector<256xf32>
    %broadcast_in_dim3A_501 = vector.shape_cast %reduce_max3A_500 : vector<256xf32> to vector<256x1xf32>
    %eq3A_502 = vector.broadcast %broadcast_in_dim3A_501 : vector<256x1xf32> to vector<256x2048xf32>
    %eq3A_503 = arith.cmpf oeq, %select_n3A_498, %eq3A_502 : vector<256x2048xf32>
    %jit3A_504 = arith.constant 2048 : i32
    %broadcast_in_dim3A_505 = vector.broadcast %jit3A_504 : i32 to vector<256x2048xi32>
    %select_n3A_506 = arith.select %eq3A_503, %iota3A, %broadcast_in_dim3A_505 : vector<256x2048xi1>, vector<256x2048xi32>
    %reduce_min3A_507 = arith.constant dense<2147483647> : vector<256xi32>
    %reduce_min3A_508 = vector.multi_reduction <minsi>, %select_n3A_506, %reduce_min3A_507 [1] : vector<256x2048xi32> to vector<256xi32>
    %add3A_509 = vector.broadcast %mul3A_25 : i32 to vector<256xi32>
    %add3A_510 = arith.addi %reduce_min3A_508, %add3A_509 : vector<256xi32>
    %swap3A_511 = arith.constant 0 : index
    %swap3A_512 = arith.constant 20 : index
    %swap3A_513 = arith.constant 0 : index
    %swap3A_514 = vector.load %arg3[%swap3A_511, %swap3A_512, %swap3A_513] : memref<1x32x256xi32, #tpu.memory_space<vmem>>, vector<1x1x256xi32>
    %swap3A_515 = vector.shape_cast %swap3A_514 : vector<1x1x256xi32> to vector<256xi32>
    %swap3A_516 = vector.shape_cast %add3A_510 : vector<256xi32> to vector<1x1x256xi32>
    tpu.vector_store %arg3[%swap3A_511, %swap3A_512, %swap3A_513], %swap3A_516 {strides = array<i32>} : memref<1x32x256xi32, #tpu.memory_space<vmem>>, vector<1x1x256xi32>,
    %broadcast_in_dim3A_517 = vector.shape_cast %reduce_min3A_508 : vector<256xi32> to vector<256x1xi32>
    %eq3A_518 = vector.broadcast %broadcast_in_dim3A_517 : vector<256x1xi32> to vector<256x2048xi32>
    %eq3A_519 = arith.cmpi eq, %iota3A, %eq3A_518 : vector<256x2048xi32>
    %jit3A_520 = arith.constant 0xFF800000 : f32
    %broadcast_in_dim3A_521 = vector.broadcast %jit3A_520 : f32 to vector<256x2048xf32>
    %select_n3A_522 = arith.select %eq3A_519, %broadcast_in_dim3A_521, %select_n3A_498 : vector<256x2048xi1>, vector<256x2048xf32>
    %reduce_max3A_523 = arith.constant dense<0xFF800000> : vector<256xf32>
    %reduce_max3A_524 = vector.multi_reduction <maximumf>, %select_n3A_522, %reduce_max3A_523 [1] : vector<256x2048xf32> to vector<256xf32>
    %broadcast_in_dim3A_525 = vector.shape_cast %reduce_max3A_524 : vector<256xf32> to vector<256x1xf32>
    %eq3A_526 = vector.broadcast %broadcast_in_dim3A_525 : vector<256x1xf32> to vector<256x2048xf32>
    %eq3A_527 = arith.cmpf oeq, %select_n3A_522, %eq3A_526 : vector<256x2048xf32>
    %jit3A_528 = arith.constant 2048 : i32
    %broadcast_in_dim3A_529 = vector.broadcast %jit3A_528 : i32 to vector<256x2048xi32>
    %select_n3A_530 = arith.select %eq3A_527, %iota3A, %broadcast_in_dim3A_529 : vector<256x2048xi1>, vector<256x2048xi32>
    %reduce_min3A_531 = arith.constant dense<2147483647> : vector<256xi32>
    %reduce_min3A_532 = vector.multi_reduction <minsi>, %select_n3A_530, %reduce_min3A_531 [1] : vector<256x2048xi32> to vector<256xi32>
    %add3A_533 = vector.broadcast %mul3A_25 : i32 to vector<256xi32>
    %add3A_534 = arith.addi %reduce_min3A_532, %add3A_533 : vector<256xi32>
    %swap3A_535 = arith.constant 0 : index
    %swap3A_536 = arith.constant 21 : index
    %swap3A_537 = arith.constant 0 : index
    %swap3A_538 = vector.load %arg3[%swap3A_535, %swap3A_536, %swap3A_537] : memref<1x32x256xi32, #tpu.memory_space<vmem>>, vector<1x1x256xi32>
    %swap3A_539 = vector.shape_cast %swap3A_538 : vector<1x1x256xi32> to vector<256xi32>
    %swap3A_540 = vector.shape_cast %add3A_534 : vector<256xi32> to vector<1x1x256xi32>
    tpu.vector_store %arg3[%swap3A_535, %swap3A_536, %swap3A_537], %swap3A_540 {strides = array<i32>} : memref<1x32x256xi32, #tpu.memory_space<vmem>>, vector<1x1x256xi32>,
    %broadcast_in_dim3A_541 = vector.shape_cast %reduce_min3A_532 : vector<256xi32> to vector<256x1xi32>
    %eq3A_542 = vector.broadcast %broadcast_in_dim3A_541 : vector<256x1xi32> to vector<256x2048xi32>
    %eq3A_543 = arith.cmpi eq, %iota3A, %eq3A_542 : vector<256x2048xi32>
    %jit3A_544 = arith.constant 0xFF800000 : f32
    %broadcast_in_dim3A_545 = vector.broadcast %jit3A_544 : f32 to vector<256x2048xf32>
    %select_n3A_546 = arith.select %eq3A_543, %broadcast_in_dim3A_545, %select_n3A_522 : vector<256x2048xi1>, vector<256x2048xf32>
    %reduce_max3A_547 = arith.constant dense<0xFF800000> : vector<256xf32>
    %reduce_max3A_548 = vector.multi_reduction <maximumf>, %select_n3A_546, %reduce_max3A_547 [1] : vector<256x2048xf32> to vector<256xf32>
    %broadcast_in_dim3A_549 = vector.shape_cast %reduce_max3A_548 : vector<256xf32> to vector<256x1xf32>
    %eq3A_550 = vector.broadcast %broadcast_in_dim3A_549 : vector<256x1xf32> to vector<256x2048xf32>
    %eq3A_551 = arith.cmpf oeq, %select_n3A_546, %eq3A_550 : vector<256x2048xf32>
    %jit3A_552 = arith.constant 2048 : i32
    %broadcast_in_dim3A_553 = vector.broadcast %jit3A_552 : i32 to vector<256x2048xi32>
    %select_n3A_554 = arith.select %eq3A_551, %iota3A, %broadcast_in_dim3A_553 : vector<256x2048xi1>, vector<256x2048xi32>
    %reduce_min3A_555 = arith.constant dense<2147483647> : vector<256xi32>
    %reduce_min3A_556 = vector.multi_reduction <minsi>, %select_n3A_554, %reduce_min3A_555 [1] : vector<256x2048xi32> to vector<256xi32>
    %add3A_557 = vector.broadcast %mul3A_25 : i32 to vector<256xi32>
    %add3A_558 = arith.addi %reduce_min3A_556, %add3A_557 : vector<256xi32>
    %swap3A_559 = arith.constant 0 : index
    %swap3A_560 = arith.constant 22 : index
    %swap3A_561 = arith.constant 0 : index
    %swap3A_562 = vector.load %arg3[%swap3A_559, %swap3A_560, %swap3A_561] : memref<1x32x256xi32, #tpu.memory_space<vmem>>, vector<1x1x256xi32>
    %swap3A_563 = vector.shape_cast %swap3A_562 : vector<1x1x256xi32> to vector<256xi32>
    %swap3A_564 = vector.shape_cast %add3A_558 : vector<256xi32> to vector<1x1x256xi32>
    tpu.vector_store %arg3[%swap3A_559, %swap3A_560, %swap3A_561], %swap3A_564 {strides = array<i32>} : memref<1x32x256xi32, #tpu.memory_space<vmem>>, vector<1x1x256xi32>,
    %broadcast_in_dim3A_565 = vector.shape_cast %reduce_min3A_556 : vector<256xi32> to vector<256x1xi32>
    %eq3A_566 = vector.broadcast %broadcast_in_dim3A_565 : vector<256x1xi32> to vector<256x2048xi32>
    %eq3A_567 = arith.cmpi eq, %iota3A, %eq3A_566 : vector<256x2048xi32>
    %jit3A_568 = arith.constant 0xFF800000 : f32
    %broadcast_in_dim3A_569 = vector.broadcast %jit3A_568 : f32 to vector<256x2048xf32>
    %select_n3A_570 = arith.select %eq3A_567, %broadcast_in_dim3A_569, %select_n3A_546 : vector<256x2048xi1>, vector<256x2048xf32>
    %reduce_max3A_571 = arith.constant dense<0xFF800000> : vector<256xf32>
    %reduce_max3A_572 = vector.multi_reduction <maximumf>, %select_n3A_570, %reduce_max3A_571 [1] : vector<256x2048xf32> to vector<256xf32>
    %broadcast_in_dim3A_573 = vector.shape_cast %reduce_max3A_572 : vector<256xf32> to vector<256x1xf32>
    %eq3A_574 = vector.broadcast %broadcast_in_dim3A_573 : vector<256x1xf32> to vector<256x2048xf32>
    %eq3A_575 = arith.cmpf oeq, %select_n3A_570, %eq3A_574 : vector<256x2048xf32>
    %jit3A_576 = arith.constant 2048 : i32
    %broadcast_in_dim3A_577 = vector.broadcast %jit3A_576 : i32 to vector<256x2048xi32>
    %select_n3A_578 = arith.select %eq3A_575, %iota3A, %broadcast_in_dim3A_577 : vector<256x2048xi1>, vector<256x2048xi32>
    %reduce_min3A_579 = arith.constant dense<2147483647> : vector<256xi32>
    %reduce_min3A_580 = vector.multi_reduction <minsi>, %select_n3A_578, %reduce_min3A_579 [1] : vector<256x2048xi32> to vector<256xi32>
    %add3A_581 = vector.broadcast %mul3A_25 : i32 to vector<256xi32>
    %add3A_582 = arith.addi %reduce_min3A_580, %add3A_581 : vector<256xi32>
    %swap3A_583 = arith.constant 0 : index
    %swap3A_584 = arith.constant 23 : index
    %swap3A_585 = arith.constant 0 : index
    %swap3A_586 = vector.load %arg3[%swap3A_583, %swap3A_584, %swap3A_585] : memref<1x32x256xi32, #tpu.memory_space<vmem>>, vector<1x1x256xi32>
    %swap3A_587 = vector.shape_cast %swap3A_586 : vector<1x1x256xi32> to vector<256xi32>
    %swap3A_588 = vector.shape_cast %add3A_582 : vector<256xi32> to vector<1x1x256xi32>
    tpu.vector_store %arg3[%swap3A_583, %swap3A_584, %swap3A_585], %swap3A_588 {strides = array<i32>} : memref<1x32x256xi32, #tpu.memory_space<vmem>>, vector<1x1x256xi32>,
    %broadcast_in_dim3A_589 = vector.shape_cast %reduce_min3A_580 : vector<256xi32> to vector<256x1xi32>
    %eq3A_590 = vector.broadcast %broadcast_in_dim3A_589 : vector<256x1xi32> to vector<256x2048xi32>
    %eq3A_591 = arith.cmpi eq, %iota3A, %eq3A_590 : vector<256x2048xi32>
    %jit3A_592 = arith.constant 0xFF800000 : f32
    %broadcast_in_dim3A_593 = vector.broadcast %jit3A_592 : f32 to vector<256x2048xf32>
    %select_n3A_594 = arith.select %eq3A_591, %broadcast_in_dim3A_593, %select_n3A_570 : vector<256x2048xi1>, vector<256x2048xf32>
    %reduce_max3A_595 = arith.constant dense<0xFF800000> : vector<256xf32>
    %reduce_max3A_596 = vector.multi_reduction <maximumf>, %select_n3A_594, %reduce_max3A_595 [1] : vector<256x2048xf32> to vector<256xf32>
    %broadcast_in_dim3A_597 = vector.shape_cast %reduce_max3A_596 : vector<256xf32> to vector<256x1xf32>
    %eq3A_598 = vector.broadcast %broadcast_in_dim3A_597 : vector<256x1xf32> to vector<256x2048xf32>
    %eq3A_599 = arith.cmpf oeq, %select_n3A_594, %eq3A_598 : vector<256x2048xf32>
    %jit3A_600 = arith.constant 2048 : i32
    %broadcast_in_dim3A_601 = vector.broadcast %jit3A_600 : i32 to vector<256x2048xi32>
    %select_n3A_602 = arith.select %eq3A_599, %iota3A, %broadcast_in_dim3A_601 : vector<256x2048xi1>, vector<256x2048xi32>
    %reduce_min3A_603 = arith.constant dense<2147483647> : vector<256xi32>
    %reduce_min3A_604 = vector.multi_reduction <minsi>, %select_n3A_602, %reduce_min3A_603 [1] : vector<256x2048xi32> to vector<256xi32>
    %add3A_605 = vector.broadcast %mul3A_25 : i32 to vector<256xi32>
    %add3A_606 = arith.addi %reduce_min3A_604, %add3A_605 : vector<256xi32>
    %swap3A_607 = arith.constant 0 : index
    %swap3A_608 = arith.constant 24 : index
    %swap3A_609 = arith.constant 0 : index
    %swap3A_610 = vector.load %arg3[%swap3A_607, %swap3A_608, %swap3A_609] : memref<1x32x256xi32, #tpu.memory_space<vmem>>, vector<1x1x256xi32>
    %swap3A_611 = vector.shape_cast %swap3A_610 : vector<1x1x256xi32> to vector<256xi32>
    %swap3A_612 = vector.shape_cast %add3A_606 : vector<256xi32> to vector<1x1x256xi32>
    tpu.vector_store %arg3[%swap3A_607, %swap3A_608, %swap3A_609], %swap3A_612 {strides = array<i32>} : memref<1x32x256xi32, #tpu.memory_space<vmem>>, vector<1x1x256xi32>,
    %broadcast_in_dim3A_613 = vector.shape_cast %reduce_min3A_604 : vector<256xi32> to vector<256x1xi32>
    %eq3A_614 = vector.broadcast %broadcast_in_dim3A_613 : vector<256x1xi32> to vector<256x2048xi32>
    %eq3A_615 = arith.cmpi eq, %iota3A, %eq3A_614 : vector<256x2048xi32>
    %jit3A_616 = arith.constant 0xFF800000 : f32
    %broadcast_in_dim3A_617 = vector.broadcast %jit3A_616 : f32 to vector<256x2048xf32>
    %select_n3A_618 = arith.select %eq3A_615, %broadcast_in_dim3A_617, %select_n3A_594 : vector<256x2048xi1>, vector<256x2048xf32>
    %reduce_max3A_619 = arith.constant dense<0xFF800000> : vector<256xf32>
    %reduce_max3A_620 = vector.multi_reduction <maximumf>, %select_n3A_618, %reduce_max3A_619 [1] : vector<256x2048xf32> to vector<256xf32>
    %broadcast_in_dim3A_621 = vector.shape_cast %reduce_max3A_620 : vector<256xf32> to vector<256x1xf32>
    %eq3A_622 = vector.broadcast %broadcast_in_dim3A_621 : vector<256x1xf32> to vector<256x2048xf32>
    %eq3A_623 = arith.cmpf oeq, %select_n3A_618, %eq3A_622 : vector<256x2048xf32>
    %jit3A_624 = arith.constant 2048 : i32
    %broadcast_in_dim3A_625 = vector.broadcast %jit3A_624 : i32 to vector<256x2048xi32>
    %select_n3A_626 = arith.select %eq3A_623, %iota3A, %broadcast_in_dim3A_625 : vector<256x2048xi1>, vector<256x2048xi32>
    %reduce_min3A_627 = arith.constant dense<2147483647> : vector<256xi32>
    %reduce_min3A_628 = vector.multi_reduction <minsi>, %select_n3A_626, %reduce_min3A_627 [1] : vector<256x2048xi32> to vector<256xi32>
    %add3A_629 = vector.broadcast %mul3A_25 : i32 to vector<256xi32>
    %add3A_630 = arith.addi %reduce_min3A_628, %add3A_629 : vector<256xi32>
    %swap3A_631 = arith.constant 0 : index
    %swap3A_632 = arith.constant 25 : index
    %swap3A_633 = arith.constant 0 : index
    %swap3A_634 = vector.load %arg3[%swap3A_631, %swap3A_632, %swap3A_633] : memref<1x32x256xi32, #tpu.memory_space<vmem>>, vector<1x1x256xi32>
    %swap3A_635 = vector.shape_cast %swap3A_634 : vector<1x1x256xi32> to vector<256xi32>
    %swap3A_636 = vector.shape_cast %add3A_630 : vector<256xi32> to vector<1x1x256xi32>
    tpu.vector_store %arg3[%swap3A_631, %swap3A_632, %swap3A_633], %swap3A_636 {strides = array<i32>} : memref<1x32x256xi32, #tpu.memory_space<vmem>>, vector<1x1x256xi32>,
    %broadcast_in_dim3A_637 = vector.shape_cast %reduce_min3A_628 : vector<256xi32> to vector<256x1xi32>
    %eq3A_638 = vector.broadcast %broadcast_in_dim3A_637 : vector<256x1xi32> to vector<256x2048xi32>
    %eq3A_639 = arith.cmpi eq, %iota3A, %eq3A_638 : vector<256x2048xi32>
    %jit3A_640 = arith.constant 0xFF800000 : f32
    %broadcast_in_dim3A_641 = vector.broadcast %jit3A_640 : f32 to vector<256x2048xf32>
    %select_n3A_642 = arith.select %eq3A_639, %broadcast_in_dim3A_641, %select_n3A_618 : vector<256x2048xi1>, vector<256x2048xf32>
    %reduce_max3A_643 = arith.constant dense<0xFF800000> : vector<256xf32>
    %reduce_max3A_644 = vector.multi_reduction <maximumf>, %select_n3A_642, %reduce_max3A_643 [1] : vector<256x2048xf32> to vector<256xf32>
    %broadcast_in_dim3A_645 = vector.shape_cast %reduce_max3A_644 : vector<256xf32> to vector<256x1xf32>
    %eq3A_646 = vector.broadcast %broadcast_in_dim3A_645 : vector<256x1xf32> to vector<256x2048xf32>
    %eq3A_647 = arith.cmpf oeq, %select_n3A_642, %eq3A_646 : vector<256x2048xf32>
    %jit3A_648 = arith.constant 2048 : i32
    %broadcast_in_dim3A_649 = vector.broadcast %jit3A_648 : i32 to vector<256x2048xi32>
    %select_n3A_650 = arith.select %eq3A_647, %iota3A, %broadcast_in_dim3A_649 : vector<256x2048xi1>, vector<256x2048xi32>
    %reduce_min3A_651 = arith.constant dense<2147483647> : vector<256xi32>
    %reduce_min3A_652 = vector.multi_reduction <minsi>, %select_n3A_650, %reduce_min3A_651 [1] : vector<256x2048xi32> to vector<256xi32>
    %add3A_653 = vector.broadcast %mul3A_25 : i32 to vector<256xi32>
    %add3A_654 = arith.addi %reduce_min3A_652, %add3A_653 : vector<256xi32>
    %swap3A_655 = arith.constant 0 : index
    %swap3A_656 = arith.constant 26 : index
    %swap3A_657 = arith.constant 0 : index
    %swap3A_658 = vector.load %arg3[%swap3A_655, %swap3A_656, %swap3A_657] : memref<1x32x256xi32, #tpu.memory_space<vmem>>, vector<1x1x256xi32>
    %swap3A_659 = vector.shape_cast %swap3A_658 : vector<1x1x256xi32> to vector<256xi32>
    %swap3A_660 = vector.shape_cast %add3A_654 : vector<256xi32> to vector<1x1x256xi32>
    tpu.vector_store %arg3[%swap3A_655, %swap3A_656, %swap3A_657], %swap3A_660 {strides = array<i32>} : memref<1x32x256xi32, #tpu.memory_space<vmem>>, vector<1x1x256xi32>,
    %broadcast_in_dim3A_661 = vector.shape_cast %reduce_min3A_652 : vector<256xi32> to vector<256x1xi32>
    %eq3A_662 = vector.broadcast %broadcast_in_dim3A_661 : vector<256x1xi32> to vector<256x2048xi32>
    %eq3A_663 = arith.cmpi eq, %iota3A, %eq3A_662 : vector<256x2048xi32>
    %jit3A_664 = arith.constant 0xFF800000 : f32
    %broadcast_in_dim3A_665 = vector.broadcast %jit3A_664 : f32 to vector<256x2048xf32>
    %select_n3A_666 = arith.select %eq3A_663, %broadcast_in_dim3A_665, %select_n3A_642 : vector<256x2048xi1>, vector<256x2048xf32>
    %reduce_max3A_667 = arith.constant dense<0xFF800000> : vector<256xf32>
    %reduce_max3A_668 = vector.multi_reduction <maximumf>, %select_n3A_666, %reduce_max3A_667 [1] : vector<256x2048xf32> to vector<256xf32>
    %broadcast_in_dim3A_669 = vector.shape_cast %reduce_max3A_668 : vector<256xf32> to vector<256x1xf32>
    %eq3A_670 = vector.broadcast %broadcast_in_dim3A_669 : vector<256x1xf32> to vector<256x2048xf32>
    %eq3A_671 = arith.cmpf oeq, %select_n3A_666, %eq3A_670 : vector<256x2048xf32>
    %jit3A_672 = arith.constant 2048 : i32
    %broadcast_in_dim3A_673 = vector.broadcast %jit3A_672 : i32 to vector<256x2048xi32>
    %select_n3A_674 = arith.select %eq3A_671, %iota3A, %broadcast_in_dim3A_673 : vector<256x2048xi1>, vector<256x2048xi32>
    %reduce_min3A_675 = arith.constant dense<2147483647> : vector<256xi32>
    %reduce_min3A_676 = vector.multi_reduction <minsi>, %select_n3A_674, %reduce_min3A_675 [1] : vector<256x2048xi32> to vector<256xi32>
    %add3A_677 = vector.broadcast %mul3A_25 : i32 to vector<256xi32>
    %add3A_678 = arith.addi %reduce_min3A_676, %add3A_677 : vector<256xi32>
    %swap3A_679 = arith.constant 0 : index
    %swap3A_680 = arith.constant 27 : index
    %swap3A_681 = arith.constant 0 : index
    %swap3A_682 = vector.load %arg3[%swap3A_679, %swap3A_680, %swap3A_681] : memref<1x32x256xi32, #tpu.memory_space<vmem>>, vector<1x1x256xi32>
    %swap3A_683 = vector.shape_cast %swap3A_682 : vector<1x1x256xi32> to vector<256xi32>
    %swap3A_684 = vector.shape_cast %add3A_678 : vector<256xi32> to vector<1x1x256xi32>
    tpu.vector_store %arg3[%swap3A_679, %swap3A_680, %swap3A_681], %swap3A_684 {strides = array<i32>} : memref<1x32x256xi32, #tpu.memory_space<vmem>>, vector<1x1x256xi32>,
    %broadcast_in_dim3A_685 = vector.shape_cast %reduce_min3A_676 : vector<256xi32> to vector<256x1xi32>
    %eq3A_686 = vector.broadcast %broadcast_in_dim3A_685 : vector<256x1xi32> to vector<256x2048xi32>
    %eq3A_687 = arith.cmpi eq, %iota3A, %eq3A_686 : vector<256x2048xi32>
    %jit3A_688 = arith.constant 0xFF800000 : f32
    %broadcast_in_dim3A_689 = vector.broadcast %jit3A_688 : f32 to vector<256x2048xf32>
    %select_n3A_690 = arith.select %eq3A_687, %broadcast_in_dim3A_689, %select_n3A_666 : vector<256x2048xi1>, vector<256x2048xf32>
    %reduce_max3A_691 = arith.constant dense<0xFF800000> : vector<256xf32>
    %reduce_max3A_692 = vector.multi_reduction <maximumf>, %select_n3A_690, %reduce_max3A_691 [1] : vector<256x2048xf32> to vector<256xf32>
    %broadcast_in_dim3A_693 = vector.shape_cast %reduce_max3A_692 : vector<256xf32> to vector<256x1xf32>
    %eq3A_694 = vector.broadcast %broadcast_in_dim3A_693 : vector<256x1xf32> to vector<256x2048xf32>
    %eq3A_695 = arith.cmpf oeq, %select_n3A_690, %eq3A_694 : vector<256x2048xf32>
    %jit3A_696 = arith.constant 2048 : i32
    %broadcast_in_dim3A_697 = vector.broadcast %jit3A_696 : i32 to vector<256x2048xi32>
    %select_n3A_698 = arith.select %eq3A_695, %iota3A, %broadcast_in_dim3A_697 : vector<256x2048xi1>, vector<256x2048xi32>
    %reduce_min3A_699 = arith.constant dense<2147483647> : vector<256xi32>
    %reduce_min3A_700 = vector.multi_reduction <minsi>, %select_n3A_698, %reduce_min3A_699 [1] : vector<256x2048xi32> to vector<256xi32>
    %add3A_701 = vector.broadcast %mul3A_25 : i32 to vector<256xi32>
    %add3A_702 = arith.addi %reduce_min3A_700, %add3A_701 : vector<256xi32>
    %swap3A_703 = arith.constant 0 : index
    %swap3A_704 = arith.constant 28 : index
    %swap3A_705 = arith.constant 0 : index
    %swap3A_706 = vector.load %arg3[%swap3A_703, %swap3A_704, %swap3A_705] : memref<1x32x256xi32, #tpu.memory_space<vmem>>, vector<1x1x256xi32>
    %swap3A_707 = vector.shape_cast %swap3A_706 : vector<1x1x256xi32> to vector<256xi32>
    %swap3A_708 = vector.shape_cast %add3A_702 : vector<256xi32> to vector<1x1x256xi32>
    tpu.vector_store %arg3[%swap3A_703, %swap3A_704, %swap3A_705], %swap3A_708 {strides = array<i32>} : memref<1x32x256xi32, #tpu.memory_space<vmem>>, vector<1x1x256xi32>,
    %broadcast_in_dim3A_709 = vector.shape_cast %reduce_min3A_700 : vector<256xi32> to vector<256x1xi32>
    %eq3A_710 = vector.broadcast %broadcast_in_dim3A_709 : vector<256x1xi32> to vector<256x2048xi32>
    %eq3A_711 = arith.cmpi eq, %iota3A, %eq3A_710 : vector<256x2048xi32>
    %jit3A_712 = arith.constant 0xFF800000 : f32
    %broadcast_in_dim3A_713 = vector.broadcast %jit3A_712 : f32 to vector<256x2048xf32>
    %select_n3A_714 = arith.select %eq3A_711, %broadcast_in_dim3A_713, %select_n3A_690 : vector<256x2048xi1>, vector<256x2048xf32>
    %reduce_max3A_715 = arith.constant dense<0xFF800000> : vector<256xf32>
    %reduce_max3A_716 = vector.multi_reduction <maximumf>, %select_n3A_714, %reduce_max3A_715 [1] : vector<256x2048xf32> to vector<256xf32>
    %broadcast_in_dim3A_717 = vector.shape_cast %reduce_max3A_716 : vector<256xf32> to vector<256x1xf32>
    %eq3A_718 = vector.broadcast %broadcast_in_dim3A_717 : vector<256x1xf32> to vector<256x2048xf32>
    %eq3A_719 = arith.cmpf oeq, %select_n3A_714, %eq3A_718 : vector<256x2048xf32>
    %jit3A_720 = arith.constant 2048 : i32
    %broadcast_in_dim3A_721 = vector.broadcast %jit3A_720 : i32 to vector<256x2048xi32>
    %select_n3A_722 = arith.select %eq3A_719, %iota3A, %broadcast_in_dim3A_721 : vector<256x2048xi1>, vector<256x2048xi32>
    %reduce_min3A_723 = arith.constant dense<2147483647> : vector<256xi32>
    %reduce_min3A_724 = vector.multi_reduction <minsi>, %select_n3A_722, %reduce_min3A_723 [1] : vector<256x2048xi32> to vector<256xi32>
    %add3A_725 = vector.broadcast %mul3A_25 : i32 to vector<256xi32>
    %add3A_726 = arith.addi %reduce_min3A_724, %add3A_725 : vector<256xi32>
    %swap3A_727 = arith.constant 0 : index
    %swap3A_728 = arith.constant 29 : index
    %swap3A_729 = arith.constant 0 : index
    %swap3A_730 = vector.load %arg3[%swap3A_727, %swap3A_728, %swap3A_729] : memref<1x32x256xi32, #tpu.memory_space<vmem>>, vector<1x1x256xi32>
    %swap3A_731 = vector.shape_cast %swap3A_730 : vector<1x1x256xi32> to vector<256xi32>
    %swap3A_732 = vector.shape_cast %add3A_726 : vector<256xi32> to vector<1x1x256xi32>
    tpu.vector_store %arg3[%swap3A_727, %swap3A_728, %swap3A_729], %swap3A_732 {strides = array<i32>} : memref<1x32x256xi32, #tpu.memory_space<vmem>>, vector<1x1x256xi32>,
    %broadcast_in_dim3A_733 = vector.shape_cast %reduce_min3A_724 : vector<256xi32> to vector<256x1xi32>
    %eq3A_734 = vector.broadcast %broadcast_in_dim3A_733 : vector<256x1xi32> to vector<256x2048xi32>
    %eq3A_735 = arith.cmpi eq, %iota3A, %eq3A_734 : vector<256x2048xi32>
    %jit3A_736 = arith.constant 0xFF800000 : f32
    %broadcast_in_dim3A_737 = vector.broadcast %jit3A_736 : f32 to vector<256x2048xf32>
    %select_n3A_738 = arith.select %eq3A_735, %broadcast_in_dim3A_737, %select_n3A_714 : vector<256x2048xi1>, vector<256x2048xf32>
    %reduce_max3A_739 = arith.constant dense<0xFF800000> : vector<256xf32>
    %reduce_max3A_740 = vector.multi_reduction <maximumf>, %select_n3A_738, %reduce_max3A_739 [1] : vector<256x2048xf32> to vector<256xf32>
    %broadcast_in_dim3A_741 = vector.shape_cast %reduce_max3A_740 : vector<256xf32> to vector<256x1xf32>
    %eq3A_742 = vector.broadcast %broadcast_in_dim3A_741 : vector<256x1xf32> to vector<256x2048xf32>
    %eq3A_743 = arith.cmpf oeq, %select_n3A_738, %eq3A_742 : vector<256x2048xf32>
    %jit3A_744 = arith.constant 2048 : i32
    %broadcast_in_dim3A_745 = vector.broadcast %jit3A_744 : i32 to vector<256x2048xi32>
    %select_n3A_746 = arith.select %eq3A_743, %iota3A, %broadcast_in_dim3A_745 : vector<256x2048xi1>, vector<256x2048xi32>
    %reduce_min3A_747 = arith.constant dense<2147483647> : vector<256xi32>
    %reduce_min3A_748 = vector.multi_reduction <minsi>, %select_n3A_746, %reduce_min3A_747 [1] : vector<256x2048xi32> to vector<256xi32>
    %add3A_749 = vector.broadcast %mul3A_25 : i32 to vector<256xi32>
    %add3A_750 = arith.addi %reduce_min3A_748, %add3A_749 : vector<256xi32>
    %swap3A_751 = arith.constant 0 : index
    %swap3A_752 = arith.constant 30 : index
    %swap3A_753 = arith.constant 0 : index
    %swap3A_754 = vector.load %arg3[%swap3A_751, %swap3A_752, %swap3A_753] : memref<1x32x256xi32, #tpu.memory_space<vmem>>, vector<1x1x256xi32>
    %swap3A_755 = vector.shape_cast %swap3A_754 : vector<1x1x256xi32> to vector<256xi32>
    %swap3A_756 = vector.shape_cast %add3A_750 : vector<256xi32> to vector<1x1x256xi32>
    tpu.vector_store %arg3[%swap3A_751, %swap3A_752, %swap3A_753], %swap3A_756 {strides = array<i32>} : memref<1x32x256xi32, #tpu.memory_space<vmem>>, vector<1x1x256xi32>,
    %broadcast_in_dim3A_757 = vector.shape_cast %reduce_min3A_748 : vector<256xi32> to vector<256x1xi32>
    %eq3A_758 = vector.broadcast %broadcast_in_dim3A_757 : vector<256x1xi32> to vector<256x2048xi32>
    %eq3A_759 = arith.cmpi eq, %iota3A, %eq3A_758 : vector<256x2048xi32>
    %jit3A_760 = arith.constant 0xFF800000 : f32
    %broadcast_in_dim3A_761 = vector.broadcast %jit3A_760 : f32 to vector<256x2048xf32>
    %select_n3A_762 = arith.select %eq3A_759, %broadcast_in_dim3A_761, %select_n3A_738 : vector<256x2048xi1>, vector<256x2048xf32>
    %reduce_max3A_763 = arith.constant dense<0xFF800000> : vector<256xf32>
    %reduce_max3A_764 = vector.multi_reduction <maximumf>, %select_n3A_762, %reduce_max3A_763 [1] : vector<256x2048xf32> to vector<256xf32>
    %broadcast_in_dim3A_765 = vector.shape_cast %reduce_max3A_764 : vector<256xf32> to vector<256x1xf32>
    %eq3A_766 = vector.broadcast %broadcast_in_dim3A_765 : vector<256x1xf32> to vector<256x2048xf32>
    %eq3A_767 = arith.cmpf oeq, %select_n3A_762, %eq3A_766 : vector<256x2048xf32>
    %jit3A_768 = arith.constant 2048 : i32
    %broadcast_in_dim3A_769 = vector.broadcast %jit3A_768 : i32 to vector<256x2048xi32>
    %select_n3A_770 = arith.select %eq3A_767, %iota3A, %broadcast_in_dim3A_769 : vector<256x2048xi1>, vector<256x2048xi32>
    %reduce_min3A_771 = arith.constant dense<2147483647> : vector<256xi32>
    %reduce_min3A_772 = vector.multi_reduction <minsi>, %select_n3A_770, %reduce_min3A_771 [1] : vector<256x2048xi32> to vector<256xi32>
    %add3A_773 = vector.broadcast %mul3A_25 : i32 to vector<256xi32>
    %add3A_774 = arith.addi %reduce_min3A_772, %add3A_773 : vector<256xi32>
    %swap3A_775 = arith.constant 0 : index
    %swap3A_776 = arith.constant 31 : index
    %swap3A_777 = arith.constant 0 : index
    %swap3A_778 = vector.load %arg3[%swap3A_775, %swap3A_776, %swap3A_777] : memref<1x32x256xi32, #tpu.memory_space<vmem>>, vector<1x1x256xi32>
    %swap3A_779 = vector.shape_cast %swap3A_778 : vector<1x1x256xi32> to vector<256xi32>
    %swap3A_780 = vector.shape_cast %add3A_774 : vector<256xi32> to vector<1x1x256xi32>
    tpu.vector_store %arg3[%swap3A_775, %swap3A_776, %swap3A_777], %swap3A_780 {strides = array<i32>} : memref<1x32x256xi32, #tpu.memory_space<vmem>>, vector<1x1x256xi32>,
    return
  }
  func.func @transform_0(%arg0: i32, %arg1: i32) -> (i32, i32, i32) {
    %c0_i32 = arith.constant 0 : i32
    %c0_i32_0 = arith.constant 0 : i32
    %c0_i32_1 = arith.constant 0 : i32
    return %arg0, %c0_i32, %c0_i32_0 : i32, i32, i32
  }
  func.func @transform_1(%arg0: i32, %arg1: i32) -> (i32, i32, i32) {
    %c0_i32 = arith.constant 0 : i32
    %c0_i32_0 = arith.constant 0 : i32
    return %arg0, %c0_i32, %arg1 : i32, i32, i32
  }
}

module attributes {stable_mosaic.version = 14 : i64} {
  func.func @_pool_body(%arg0: i32, %arg1: memref<1x4x64x2048xf32, #tpu.memory_space<vmem>>, %arg2: memref<1x64xf32, #tpu.memory_space<vmem>>, %arg3: memref<1x64xf32, #tpu.memory_space<vmem>>, %arg4: memref<1x64xf32, #tpu.memory_space<vmem>>, %arg5: memref<1x64xf32, #tpu.memory_space<vmem>>, %arg6: memref<2048x128xf32, #tpu.memory_space<vmem>>, %arg7: memref<1x64x2048xf32, #tpu.memory_space<vmem>>) attributes {dimension_semantics = [#tpu.dimension_semantics<arbitrary>], iteration_bounds = array<i64: 64>, scalar_prefetch = 0 : i64, scratch_operands = 0 : i64, tpu.core_type = #tpu.core_type<tc>, window_params = [{transform_indices = @transform_0, window_bounds = array<i64: 1, 4, 64, 2048>}, {pipeline_mode = #tpu.pipeline_mode<synchronous>, transform_indices = @transform_1, window_bounds = array<i64: 1, 64>}, {pipeline_mode = #tpu.pipeline_mode<synchronous>, transform_indices = @transform_2, window_bounds = array<i64: 1, 64>}, {pipeline_mode = #tpu.pipeline_mode<synchronous>, transform_indices = @transform_3, window_bounds = array<i64: 1, 64>}, {pipeline_mode = #tpu.pipeline_mode<synchronous>, transform_indices = @transform_4, window_bounds = array<i64: 1, 64>}, {transform_indices = @transform_5, window_bounds = array<i64: 2048, 128>}, {transform_indices = @transform_6, window_bounds = array<i64: 1, 64, 2048>}]} {
    %get3A = arith.constant 0 : index
    %get3A_0 = arith.constant 0 : index
    %get3A_1 = arith.constant 0 : index
    %get3A_2 = arith.constant 0 : index
    %get3A_3 = vector.load %arg1[%get3A, %get3A_0, %get3A_1, %get3A_2] : memref<1x4x64x2048xf32, #tpu.memory_space<vmem>>, vector<1x4x64x2048xf32>
    %get3A_4 = vector.shape_cast %get3A_3 : vector<1x4x64x2048xf32> to vector<4x64x2048xf32>
    %get3A_5 = arith.constant 0 : index
    %get3A_6 = arith.constant 0 : index
    %get3A_7 = vector.load %arg2[%get3A_5, %get3A_6] : memref<1x64xf32, #tpu.memory_space<vmem>>, vector<1x64xf32>
    %broadcast_in_dim3A = vector.shape_cast %get3A_7 : vector<1x64xf32> to vector<1x64x1xf32>
    %sub3A = vector.broadcast %broadcast_in_dim3A : vector<1x64x1xf32> to vector<4x64x2048xf32>
    %sub3A_8 = arith.subf %get3A_4, %sub3A : vector<4x64x2048xf32>
    %get3A_9 = arith.constant 0 : index
    %get3A_10 = arith.constant 0 : index
    %get3A_11 = vector.load %arg3[%get3A_9, %get3A_10] : memref<1x64xf32, #tpu.memory_space<vmem>>, vector<1x64xf32>
    %broadcast_in_dim3A_12 = vector.shape_cast %get3A_11 : vector<1x64xf32> to vector<1x64x1xf32>
    %div3A = vector.broadcast %broadcast_in_dim3A_12 : vector<1x64x1xf32> to vector<4x64x2048xf32>
    %div3A_13 = arith.divf %sub3A_8, %div3A : vector<4x64x2048xf32>
    %get3A_14 = arith.constant 0 : index
    %get3A_15 = arith.constant 0 : index
    %get3A_16 = vector.load %arg4[%get3A_14, %get3A_15] : memref<1x64xf32, #tpu.memory_space<vmem>>, vector<1x64xf32>
    %broadcast_in_dim3A_17 = vector.shape_cast %get3A_16 : vector<1x64xf32> to vector<1x64x1xf32>
    %mul3A = vector.broadcast %broadcast_in_dim3A_17 : vector<1x64x1xf32> to vector<4x64x2048xf32>
    %mul3A_18 = arith.mulf %div3A_13, %mul3A : vector<4x64x2048xf32>
    %get3A_19 = arith.constant 0 : index
    %get3A_20 = arith.constant 0 : index
    %get3A_21 = vector.load %arg5[%get3A_19, %get3A_20] : memref<1x64xf32, #tpu.memory_space<vmem>>, vector<1x64xf32>
    %broadcast_in_dim3A_22 = vector.shape_cast %get3A_21 : vector<1x64xf32> to vector<1x64x1xf32>
    %add3A = vector.broadcast %broadcast_in_dim3A_22 : vector<1x64x1xf32> to vector<4x64x2048xf32>
    %add3A_23 = arith.addf %mul3A_18, %add3A : vector<4x64x2048xf32>
    %gt3A = arith.constant 0.000000e+00 : f32
    %gt3A_24 = vector.broadcast %gt3A : f32 to vector<4x64x2048xf32>
    %gt3A_25 = arith.cmpf ogt, %add3A_23, %gt3A_24 : vector<4x64x2048xf32>
    %mul3A_26 = arith.constant 2.000000e-01 : f32
    %mul3A_27 = vector.broadcast %mul3A_26 : f32 to vector<4x64x2048xf32>
    %mul3A_28 = arith.mulf %mul3A_27, %add3A_23 : vector<4x64x2048xf32>
    %select_n3A = arith.select %gt3A_25, %add3A_23, %mul3A_28 : vector<4x64x2048xi1>, vector<4x64x2048xf32>
    %reduce_max3A = arith.constant dense<0xFF800000> : vector<64x2048xf32>
    %reduce_max3A_29 = vector.multi_reduction <maximumf>, %select_n3A, %reduce_max3A [0] : vector<4x64x2048xf32> to vector<64x2048xf32>
    %jit3A = arith.constant 8 : i32
    %eq3A = arith.constant 0 : i32
    %eq3A_30 = arith.cmpi eq, %jit3A, %eq3A : i32
    %jit3A_31 = arith.constant 1 : i32
    %select_n3A_32 = arith.select %eq3A_30, %jit3A_31, %jit3A : i32
    %rem3A = arith.remsi %arg0, %select_n3A_32 : i32
    %ne3A = arith.constant 0 : i32
    %ne3A_33 = arith.cmpi ne, %rem3A, %ne3A : i32
    %lt3A = arith.constant 0 : i32
    %lt3A_34 = arith.cmpi slt, %rem3A, %lt3A : i32
    %lt3A_35 = arith.constant 0 : i32
    %lt3A_36 = arith.cmpi slt, %select_n3A_32, %lt3A_35 : i32
    %ne3A_37 = arith.xori %lt3A_34, %lt3A_36 : i1
    %and3A = arith.andi %ne3A_37, %ne3A_33 : i1
    %add3A_38 = arith.addi %rem3A, %select_n3A_32 : i32
    %select_n3A_39 = arith.select %and3A, %add3A_38, %rem3A : i32
    %eq3A_40 = arith.constant 0 : i32
    %eq3A_41 = arith.cmpi eq, %select_n3A_39, %eq3A_40 : i32
    %convert_element_type3A = arith.extui %eq3A_41 : i1 to i32
    %cond3A = arith.constant 0 : i32
    %cond3A_42 = arith.cmpi ne, %convert_element_type3A, %cond3A : i32
    scf.if %cond3A_42 {
      %swap3A = arith.constant 0 : index
      %swap3A_68 = arith.constant 0 : index
      %swap3A_69 = arith.constant 0 : index
      %swap3A_70 = vector.load %arg7[%swap3A, %swap3A_68, %swap3A_69] : memref<1x64x2048xf32, #tpu.memory_space<vmem>>, vector<1x64x2048xf32>
      %swap3A_71 = vector.shape_cast %swap3A_70 : vector<1x64x2048xf32> to vector<64x2048xf32>
      %swap3A_72 = vector.shape_cast %reduce_max3A_29 : vector<64x2048xf32> to vector<1x64x2048xf32>
      tpu.vector_store %arg7[%swap3A, %swap3A_68, %swap3A_69], %swap3A_72 {strides = array<i32>} : memref<1x64x2048xf32, #tpu.memory_space<vmem>>, vector<1x64x2048xf32>,
    } else {
    }
    %not3A = arith.constant true
    %not3A_43 = arith.xori %eq3A_41, %not3A : i1
    %convert_element_type3A_44 = arith.extui %not3A_43 : i1 to i32
    %cond3A_45 = arith.constant 0 : i32
    %cond3A_46 = arith.cmpi ne, %convert_element_type3A_44, %cond3A_45 : i32
    scf.if %cond3A_46 {
      %get3A_68 = arith.constant 0 : index
      %get3A_69 = arith.constant 0 : index
      %get3A_70 = arith.constant 0 : index
      %get3A_71 = vector.load %arg7[%get3A_68, %get3A_69, %get3A_70] : memref<1x64x2048xf32, #tpu.memory_space<vmem>>, vector<1x64x2048xf32>
      %get3A_72 = vector.shape_cast %get3A_71 : vector<1x64x2048xf32> to vector<64x2048xf32>
      %max3A = arith.maximumf %get3A_72, %reduce_max3A_29 : vector<64x2048xf32>
      %swap3A = arith.constant 0 : index
      %swap3A_73 = arith.constant 0 : index
      %swap3A_74 = arith.constant 0 : index
      %swap3A_75 = vector.load %arg7[%swap3A, %swap3A_73, %swap3A_74] : memref<1x64x2048xf32, #tpu.memory_space<vmem>>, vector<1x64x2048xf32>
      %swap3A_76 = vector.shape_cast %swap3A_75 : vector<1x64x2048xf32> to vector<64x2048xf32>
      %swap3A_77 = vector.shape_cast %max3A : vector<64x2048xf32> to vector<1x64x2048xf32>
      tpu.vector_store %arg7[%swap3A, %swap3A_73, %swap3A_74], %swap3A_77 {strides = array<i32>} : memref<1x64x2048xf32, #tpu.memory_space<vmem>>, vector<1x64x2048xf32>,
    } else {
    }
    %jit3A_47 = arith.constant 8 : i32
    %eq3A_48 = arith.constant 0 : i32
    %eq3A_49 = arith.cmpi eq, %jit3A_47, %eq3A_48 : i32
    %jit3A_50 = arith.constant 1 : i32
    %select_n3A_51 = arith.select %eq3A_49, %jit3A_50, %jit3A_47 : i32
    %rem3A_52 = arith.remsi %arg0, %select_n3A_51 : i32
    %ne3A_53 = arith.constant 0 : i32
    %ne3A_54 = arith.cmpi ne, %rem3A_52, %ne3A_53 : i32
    %lt3A_55 = arith.constant 0 : i32
    %lt3A_56 = arith.cmpi slt, %rem3A_52, %lt3A_55 : i32
    %lt3A_57 = arith.constant 0 : i32
    %lt3A_58 = arith.cmpi slt, %select_n3A_51, %lt3A_57 : i32
    %ne3A_59 = arith.xori %lt3A_56, %lt3A_58 : i1
    %and3A_60 = arith.andi %ne3A_59, %ne3A_54 : i1
    %add3A_61 = arith.addi %rem3A_52, %select_n3A_51 : i32
    %select_n3A_62 = arith.select %and3A_60, %add3A_61, %rem3A_52 : i32
    %eq3A_63 = arith.constant 7 : i32
    %eq3A_64 = arith.cmpi eq, %select_n3A_62, %eq3A_63 : i32
    %convert_element_type3A_65 = arith.extui %eq3A_64 : i1 to i32
    %cond3A_66 = arith.constant 0 : i32
    %cond3A_67 = arith.cmpi ne, %convert_element_type3A_65, %cond3A_66 : i32
    scf.if %cond3A_67 {
      %get3A_68 = arith.constant 0 : index
      %get3A_69 = arith.constant 0 : index
      %get3A_70 = arith.constant 0 : index
      %get3A_71 = vector.load %arg7[%get3A_68, %get3A_69, %get3A_70] : memref<1x64x2048xf32, #tpu.memory_space<vmem>>, vector<1x64x2048xf32>
      %get3A_72 = vector.shape_cast %get3A_71 : vector<1x64x2048xf32> to vector<64x2048xf32>
      %transpose3A = tpu.transpose %get3A_72, [1, 0] : vector<64x2048xf32> -> vector<2048x64xf32>
      %swap3A = arith.constant 0 : index
      %swap3A_73 = arith.constant 0 : index
      %swap3A_74 = vector.load %arg6[%swap3A, %swap3A_73] : memref<2048x128xf32, #tpu.memory_space<vmem>>, vector<2048x64xf32>
      tpu.vector_store %arg6[%swap3A, %swap3A_73], %transpose3A {strides = array<i32>} : memref<2048x128xf32, #tpu.memory_space<vmem>>, vector<2048x64xf32>,
      %broadcast_in_dim3A_75 = arith.constant 0.000000e+00 : f32
      %broadcast_in_dim3A_76 = vector.broadcast %broadcast_in_dim3A_75 : f32 to vector<2048x64xf32>
      %swap3A_77 = arith.constant 0 : index
      %swap3A_78 = arith.constant 64 : index
      %swap3A_79 = vector.load %arg6[%swap3A_77, %swap3A_78] : memref<2048x128xf32, #tpu.memory_space<vmem>>, vector<2048x64xf32>
      tpu.vector_store %arg6[%swap3A_77, %swap3A_78], %broadcast_in_dim3A_76 {strides = array<i32>} : memref<2048x128xf32, #tpu.memory_space<vmem>>, vector<2048x64xf32>,
    } else {
    }
    return
  }
  func.func @transform_0(%arg0: i32) -> (i32, i32, i32, i32) {
    %jit3A = arith.constant 8 : i32
    %div3A = arith.divsi %arg0, %jit3A : i32
    %sign3A = arith.constant 0 : i32
    %sign3A_0 = arith.cmpi sgt, %arg0, %sign3A : i32
    %sign3A_1 = arith.extui %sign3A_0 : i1 to i32
    %sign3A_2 = arith.constant 0 : i32
    %sign3A_3 = arith.cmpi slt, %arg0, %sign3A_2 : i32
    %sign3A_4 = arith.extui %sign3A_3 : i1 to i32
    %sign3A_5 = arith.subi %sign3A_1, %sign3A_4 : i32
    %sign3A_6 = arith.constant 0 : i32
    %sign3A_7 = arith.cmpi sgt, %jit3A, %sign3A_6 : i32
    %sign3A_8 = arith.extui %sign3A_7 : i1 to i32
    %sign3A_9 = arith.constant 0 : i32
    %sign3A_10 = arith.cmpi slt, %jit3A, %sign3A_9 : i32
    %sign3A_11 = arith.extui %sign3A_10 : i1 to i32
    %sign3A_12 = arith.subi %sign3A_8, %sign3A_11 : i32
    %ne3A = arith.cmpi ne, %sign3A_5, %sign3A_12 : i32
    %rem3A = arith.remsi %arg0, %jit3A : i32
    %ne3A_13 = arith.constant 0 : i32
    %ne3A_14 = arith.cmpi ne, %rem3A, %ne3A_13 : i32
    %and3A = arith.andi %ne3A, %ne3A_14 : i1
    %sub3A = arith.constant 1 : i32
    %sub3A_15 = arith.subi %div3A, %sub3A : i32
    %select_n3A = arith.select %and3A, %sub3A_15, %div3A : i32
    %jit3A_16 = arith.constant 8 : i32
    %eq3A = arith.constant 0 : i32
    %eq3A_17 = arith.cmpi eq, %jit3A_16, %eq3A : i32
    %jit3A_18 = arith.constant 1 : i32
    %select_n3A_19 = arith.select %eq3A_17, %jit3A_18, %jit3A_16 : i32
    %rem3A_20 = arith.remsi %arg0, %select_n3A_19 : i32
    %ne3A_21 = arith.constant 0 : i32
    %ne3A_22 = arith.cmpi ne, %rem3A_20, %ne3A_21 : i32
    %lt3A = arith.constant 0 : i32
    %lt3A_23 = arith.cmpi slt, %rem3A_20, %lt3A : i32
    %lt3A_24 = arith.constant 0 : i32
    %lt3A_25 = arith.cmpi slt, %select_n3A_19, %lt3A_24 : i32
    %ne3A_26 = arith.xori %lt3A_23, %lt3A_25 : i1
    %and3A_27 = arith.andi %ne3A_26, %ne3A_22 : i1
    %add3A = arith.addi %rem3A_20, %select_n3A_19 : i32
    %select_n3A_28 = arith.select %and3A_27, %add3A, %rem3A_20 : i32
    %c0_i32 = arith.constant 0 : i32
    %c0_i32_29 = arith.constant 0 : i32
    %c0_i32_30 = arith.constant 0 : i32
    return %select_n3A, %select_n3A_28, %c0_i32, %c0_i32_29 : i32, i32, i32, i32
  }
  func.func @transform_1(%arg0: i32) -> (i32, i32) {
    %c0_i32 = arith.constant 0 : i32
    %c0_i32_0 = arith.constant 0 : i32
    %c0_i32_1 = arith.constant 0 : i32
    return %c0_i32, %c0_i32_0 : i32, i32
  }
  func.func @transform_2(%arg0: i32) -> (i32, i32) {
    %c0_i32 = arith.constant 0 : i32
    %c0_i32_0 = arith.constant 0 : i32
    %c0_i32_1 = arith.constant 0 : i32
    return %c0_i32, %c0_i32_0 : i32, i32
  }
  func.func @transform_3(%arg0: i32) -> (i32, i32) {
    %c0_i32 = arith.constant 0 : i32
    %c0_i32_0 = arith.constant 0 : i32
    %c0_i32_1 = arith.constant 0 : i32
    return %c0_i32, %c0_i32_0 : i32, i32
  }
  func.func @transform_4(%arg0: i32) -> (i32, i32) {
    %c0_i32 = arith.constant 0 : i32
    %c0_i32_0 = arith.constant 0 : i32
    %c0_i32_1 = arith.constant 0 : i32
    return %c0_i32, %c0_i32_0 : i32, i32
  }
  func.func @transform_5(%arg0: i32) -> (i32, i32) {
    %jit3A = arith.constant 8 : i32
    %div3A = arith.divsi %arg0, %jit3A : i32
    %sign3A = arith.constant 0 : i32
    %sign3A_0 = arith.cmpi sgt, %arg0, %sign3A : i32
    %sign3A_1 = arith.extui %sign3A_0 : i1 to i32
    %sign3A_2 = arith.constant 0 : i32
    %sign3A_3 = arith.cmpi slt, %arg0, %sign3A_2 : i32
    %sign3A_4 = arith.extui %sign3A_3 : i1 to i32
    %sign3A_5 = arith.subi %sign3A_1, %sign3A_4 : i32
    %sign3A_6 = arith.constant 0 : i32
    %sign3A_7 = arith.cmpi sgt, %jit3A, %sign3A_6 : i32
    %sign3A_8 = arith.extui %sign3A_7 : i1 to i32
    %sign3A_9 = arith.constant 0 : i32
    %sign3A_10 = arith.cmpi slt, %jit3A, %sign3A_9 : i32
    %sign3A_11 = arith.extui %sign3A_10 : i1 to i32
    %sign3A_12 = arith.subi %sign3A_8, %sign3A_11 : i32
    %ne3A = arith.cmpi ne, %sign3A_5, %sign3A_12 : i32
    %rem3A = arith.remsi %arg0, %jit3A : i32
    %ne3A_13 = arith.constant 0 : i32
    %ne3A_14 = arith.cmpi ne, %rem3A, %ne3A_13 : i32
    %and3A = arith.andi %ne3A, %ne3A_14 : i1
    %sub3A = arith.constant 1 : i32
    %sub3A_15 = arith.subi %div3A, %sub3A : i32
    %select_n3A = arith.select %and3A, %sub3A_15, %div3A : i32
    %c0_i32 = arith.constant 0 : i32
    %c0_i32_16 = arith.constant 0 : i32
    return %select_n3A, %c0_i32 : i32, i32
  }
  func.func @transform_6(%arg0: i32) -> (i32, i32, i32) {
    %jit3A = arith.constant 8 : i32
    %div3A = arith.divsi %arg0, %jit3A : i32
    %sign3A = arith.constant 0 : i32
    %sign3A_0 = arith.cmpi sgt, %arg0, %sign3A : i32
    %sign3A_1 = arith.extui %sign3A_0 : i1 to i32
    %sign3A_2 = arith.constant 0 : i32
    %sign3A_3 = arith.cmpi slt, %arg0, %sign3A_2 : i32
    %sign3A_4 = arith.extui %sign3A_3 : i1 to i32
    %sign3A_5 = arith.subi %sign3A_1, %sign3A_4 : i32
    %sign3A_6 = arith.constant 0 : i32
    %sign3A_7 = arith.cmpi sgt, %jit3A, %sign3A_6 : i32
    %sign3A_8 = arith.extui %sign3A_7 : i1 to i32
    %sign3A_9 = arith.constant 0 : i32
    %sign3A_10 = arith.cmpi slt, %jit3A, %sign3A_9 : i32
    %sign3A_11 = arith.extui %sign3A_10 : i1 to i32
    %sign3A_12 = arith.subi %sign3A_8, %sign3A_11 : i32
    %ne3A = arith.cmpi ne, %sign3A_5, %sign3A_12 : i32
    %rem3A = arith.remsi %arg0, %jit3A : i32
    %ne3A_13 = arith.constant 0 : i32
    %ne3A_14 = arith.cmpi ne, %rem3A, %ne3A_13 : i32
    %and3A = arith.andi %ne3A, %ne3A_14 : i1
    %sub3A = arith.constant 1 : i32
    %sub3A_15 = arith.subi %div3A, %sub3A : i32
    %select_n3A = arith.select %and3A, %sub3A_15, %div3A : i32
    %c0_i32 = arith.constant 0 : i32
    %c0_i32_16 = arith.constant 0 : i32
    %c0_i32_17 = arith.constant 0 : i32
    return %select_n3A, %c0_i32, %c0_i32_16 : i32, i32, i32
  }
}

</mosaic_0001>

<sc_bundles>
// kernel: kernel.17.cloned.1.call-start
scs
__scs_entry_jumppad:
0x0: {  	(pc) =	sbr.rel $0x88, $3  }
0x1: {  	(tag) =	ssettag $0x0;
	lr =	simm.s32 $0x1  }
0x2: {  	[smem:$0x3F8E] =	sst lr;
	_ =	strace $0xD0000000  }
0x3: {  	_ = 	snop  }
0x4: {  	_ = 	snop  }
0x5: {  	_ = 	snop  }
0x6: {  	_ = 	snop  }
0x7: {  	_ = 	snop  }
__scs_overlays_trampoline_lowered:
0x8: {  	[smem:$0x3F9D] =	sst s0  }
0x9: {  	[smem:$0x3F9E] =	sst s1  }
0xa: {  	[smem:$0x3F9F] =	sst s2  }
0xb: {  	[smem:$0x3FA0] =	sst s3  }
0xc: {  	[smem:$0x3FA1] =	sst s4  }
0xd: {  	[smem:$0x3FA2] =	sst s5  }
0xe: {  	[smem:$0x3FA3] =	sst s6  }
0xf: {  	[smem:$0x3FA4] =	sst s7  }
0x10: {  	[smem:$0x3FA5] =	sst s8  }
0x11: {  	[smem:$0x3FA6] =	sst s9;
	s0 =	simm.s32 @!p0 $0x0  }
0x12: {  	s1 =	sld [smem:$0x3F8C];
	s0 =	simm.s32 @p0 $0x1  }
0x13: {  	[smem:$0x3FA7] =	sst s0;
	s0 =	simm.s32 @!p1 $0x0  }
0x14: {  	s2 =	sld [smem:$0x3F8B];
	s0 =	simm.s32 @p1 $0x1  }
0x15: {  	[smem:$0x3FA8] =	sst s0;
	s0 =	simm.s32 @!p2 $0x0  }
0x16: {  	s3 =	sld [smem:$0x3FDB];
	s0 =	simm.s32 @p2 $0x1  }
0x17: {  	s4 =	simm.s32 $0x1BF5;
	[smem:$0x3FAA] =	sst s0  }
0x18: {  	s0 =	sld [smem:$0x3F8D];
	_ =	swait.ge [sflag:s4], $0x0  }
0x19: {  	s7 =	sld [smem:$0x3F8E]  }
0x1a: {  	s8 =	sadd.s32 $0xFFFFE003, lr  }
0x1b: {  	s9 =	sadd.s32 $0xFFFFFEF7, lr;
	s5 =	simm.s32 $0xFFFFFFFF;
	p2 =	slt.u32 s8, $0xFFFFF086  }
0x1c: {  	p1 =	slt.u32 s9, $0xF7A;
	s5 =	simm.s32 @!p2 $0x0  }
0x1d: {  	s5 =	simm.s32 @p1 $0x1;
	p0 =	seq.s32 s7, s2  }
0x1e: {  	s7 =	smul.u32 @!p0 $0xF7A, s2;
	p2 =	seq.s32 @!p0 s5, $0x0  }
0x1f: {  	s9 =	smul.u32 $0xF7A, s1;
	s8 =	simm.s32 @!p0 $0x1BF5;
	p2 =	por !p2, p0  }
0x20: {  	[sflag:s8] =	ssyncset.s32 @!p0 $0xFFFFF086;
	s6 =	sadd.s32 @!p0 s3, s7;
	s7 =	simm.s32 @!p0 $0x108  }
0x21: {  	s3 =	sadd.s32 s3, s9;
	s6 =	sadd.s32 @!p0 $0x88, s6;
	s7 =	simm.s32 @p2 $0x1082  }
0x22: {  	[simem:s7], [sflag:s8] =	dma.local @!p0 [hbm:s6], $0xF7A  }
0x23: {  	s9 =	sor.u32 $0xD0000000, s2;
	s6 =	simm.s32 $0x108;
	_ =	swait.ge @!p0 [sflag:s8], $0x0  }
0x24: {  	s3 =	sadd.s32 $0x88, s3;
	s6 =	simm.s32 @!p1 $0x1082;
	[sflag:s4] =	ssyncset.s32 $0xFFFFF086  }
0x25: {  	[simem:s6], [sflag:s4] =	dma.local [hbm:s3], $0xF7A  }
0x26: {  	[smem:$0x3F8E] =	sst s1;
	(tag) =	ssettag s2;
	_ =	strace s9  }
0x27: {  	s1 =	sld [smem:$0x3F9E]  }
0x28: {  	s2 =	sld [smem:$0x3F9F]  }
0x29: {  	s4 =	sld [smem:$0x3FA1]  }
0x2a: {  	p0 =	seq.s32 s5, $0x0;
	s5 =	sld [smem:$0x3FA2]  }
0x2b: {  	s6 =	sld [smem:$0x3FA3]  }
0x2c: {  	s7 =	sld [smem:$0x3FA4]  }
0x2d: {  	s3 =	simm.s32 $0x108;
	s8 =	sld [smem:$0x3FA5]  }
0x2e: {  	s3 =	simm.s32 @!p0 $0x1082;
	s9 =	sld [smem:$0x3FA6]  }
0x2f: {  	lr =	sadd.s32 s0, s3;
	s0 =	sld [smem:$0x3F9D]  }
0x30: {  	s3 =	sld [smem:$0x3FA0]  }
0x31: {  	[smem:$0x3FA9] =	sst s10  }
0x32: {  	s10 =	sld [smem:$0x3FA7];
	_ =	sdelay $0x3  }
0x33: {  	p0 =	seq.s32 s10, $0x1;
	s10 =	sld [smem:$0x3FA9];
	_ =	sdelay $0x3  }
0x34: {  	[smem:$0x3FA9] =	sst s10  }
0x35: {  	s10 =	sld [smem:$0x3FA8];
	_ =	sdelay $0x3  }
0x36: {  	p1 =	seq.s32 s10, $0x1;
	s10 =	sld [smem:$0x3FA9];
	_ =	sdelay $0x3  }
0x37: {  	[smem:$0x3FA9] =	sst s10  }
0x38: {  	s10 =	sld [smem:$0x3FAA]  }
0x39: {  	_ = 	snop;
	(pc) =	sbr.ind lr, $3  }
0x3a: {  	_ = 	snop  }
0x3b: {  	_ = 	snop  }
0x3c: {  	p2 =	seq.s32 s10, $0x1;
	s10 =	sld [smem:$0x3FA9]  }
0x3d: {  	_ =	shalt  }
0x3e: {  	_ =	shalt  }
0x3f: {  	_ =	shalt  }
0x40: {  	_ =	shalt  }
0x41: {  	_ =	shalt  }
0x42: {  	_ =	shalt  }
0x43: {  	_ =	shalt  }
0x44: {  	_ =	shalt  }
0x45: {  	_ =	shalt  }
0x46: {  	_ =	shalt  }
0x47: {  	_ =	shalt  }
0x48: {  	_ =	shalt  }
0x49: {  	_ =	shalt  }
0x4a: {  	_ =	shalt  }
0x4b: {  	_ =	shalt  }
0x4c: {  	_ =	shalt  }
0x4d: {  	_ =	shalt  }
0x4e: {  	_ =	shalt  }
0x4f: {  	_ =	shalt  }
0x50: {  	_ =	shalt  }
0x51: {  	_ =	shalt  }
0x52: {  	_ =	shalt  }
0x53: {  	_ =	shalt  }
0x54: {  	_ =	shalt  }
0x55: {  	_ =	shalt  }
0x56: {  	_ =	shalt  }
0x57: {  	_ =	shalt  }
0x58: {  	_ =	shalt  }
0x59: {  	_ =	shalt  }
0x5a: {  	_ =	shalt  }
0x5b: {  	_ =	shalt  }
0x5c: {  	_ =	shalt  }
0x5d: {  	_ =	shalt  }
0x5e: {  	_ =	shalt  }
0x5f: {  	_ =	shalt  }
0x60: {  	_ =	shalt  }
0x61: {  	_ =	shalt  }
0x62: {  	_ =	shalt  }
0x63: {  	_ =	shalt  }
0x64: {  	_ =	shalt  }
0x65: {  	_ =	shalt  }
0x66: {  	_ =	shalt  }
0x67: {  	_ =	shalt  }
0x68: {  	_ =	shalt  }
0x69: {  	_ =	shalt  }
0x6a: {  	_ =	shalt  }
0x6b: {  	_ =	shalt  }
0x6c: {  	_ =	shalt  }
0x6d: {  	_ =	shalt  }
0x6e: {  	_ =	shalt  }
0x6f: {  	_ =	shalt  }
0x70: {  	_ =	shalt  }
0x71: {  	_ =	shalt  }
0x72: {  	_ =	shalt  }
0x73: {  	_ =	shalt  }
0x74: {  	_ =	shalt  }
0x75: {  	_ =	shalt  }
0x76: {  	_ =	shalt  }
0x77: {  	_ =	shalt  }
0x78: {  	_ =	shalt  }
0x79: {  	_ =	shalt  }
0x7a: {  	_ =	shalt  }
0x7b: {  	_ =	shalt  }
0x7c: {  	_ =	shalt  }
0x7d: {  	_ =	shalt  }
0x7e: {  	_ =	shalt  }
0x7f: {  	_ =	shalt  }
0x80: {  	_ =	shalt  }
0x81: {  	_ =	shalt  }
0x82: {  	_ =	shalt  }
0x83: {  	_ =	shalt  }
0x84: {  	_ =	shalt  }
0x85: {  	_ =	shalt  }
0x86: {  	_ =	shalt  }
0x87: {  	_ =	shalt  }
.Lfunc_end0:
.L_simem_size_0:
called_computation_lowered:
.L_overlay_start_0:
0x88: {  	s2 =	sld [smem:$0x3FD9]  }
0x89: {  	s3 =	sld [smem:$0x3FFE];
	_ =	sdelay $0x1  }
0x8a: {  	s1 =	srdreg.scid  }
0x8b: {  	s0 =	sand.u32 $0x1, s1  }
0x8c: {  	s14 =	sshll.u32 s0, $0xA;
	s2 =	sadd.s32 s3, s2  }
0x8d: {  	s2 =	sadd.s32 s2, s14  }
0x8e: {  	[smem:$0x3FB5] =	sst s2  }
0x8f: {  	_ = 	snop  }
0x90: {  	s2 =	sld [smem:$0x3FD0];
	_ =	sdelay $0x2  }
0x91: {  	s15 =	simm.s32 $0xA;
	s4 =	simm.s32 $0x10  }
0x92: {  	[smem:s4], [sflag:s15] =	dma.local [hbm:s2], $0x1  }
0x93: {  	_ =	swait.eq [sflag:s15], $0x1  }
0x94: {  	[sflag:s15] =	ssyncset.done $0x0  }
0x95: {  	s16 =	sld [smem:$0x10];
	[sflag:s15] =	ssyncadd.s32 $0xFFFFFFFF  }
0x96: {  	s17 =	sld [smem:$0x13];
	(tm) =	ssettm $0x1  }
0x97: {  	s18 =	sld [smem:$0x3FFB];
	_ =	sdelay $0x3  }
0x98: {  	_ =	strace s18  }
0x99: {  	s4 =	sld [smem:$0x3FFC];
	_ =	sdelay $0x3  }
0x9a: {  	_ =	strace s4  }
0x9b: {  	s4 =	sld [smem:$0x3FFD];
	_ =	sdelay $0x3  }
0x9c: {  	_ =	strace s4  }
0x9d: {  	_ =	strace $0x8FFFFFFF  }
0x9e: {  	s19 =	sld [smem:$0x3FDB];
	_ =	sdelay $0x1  }
0x9f: {  	s5 =	simm.s32 $_scs_section_size  }
0xa0: {  	s6 =	simm.s32 $_size__tile_overlayer_lowered;
	s7 =	simm.s32 $_tile_overlayer_lowered  }
0xa1: {  	s22 =	simm.s32 $0x1BFF;
	s21 =	sshll.u32 s7, $0x1;
	s4 =	sadd.s32 s5, s19  }
0xa2: {  	s8 =	simm.s32 $0x0;
	s20 =	sshll.u32 s6, $0x1;
	s6 =	sadd.s32 s21, s4  }
0xa3: {  	[timem:s8], [sflag:s22] =	dma.local [hbm:s6], s20  }
0xa4: {  	_ =	swait.ge [sflag:s22], s20  }
0xa5: {  	s5 =	ssub.s32 $0x0, s20;
	[sflag:s22] =	ssyncset.done $0x0  }
0xa6: {  	[sflag:s22] =	ssyncadd.s32 s5;
	_ =	sdelay $0x1  }
0xa7: {  	s23 =	simm.s32 $0x1B8B  }
0xa8: {  	_ =	swait.ge [sflag:s23], $0x1  }
0xa9: {  	[sflag:s23] =	ssyncset.done $0x0  }
0xaa: {  	s25 =	simm.s32 $0x1B8E;
	s24 =	sld [smem:$0x3FFE];
	[sflag:s23] =	ssyncadd.s32 $0xFFFFFFFF  }
0xab: {  	s26 =	simm.s32 $execute0_lowered;
	[smem:$0x3FD2] =	sst s25  }
0xac: {  	s6 =	sshll.u32 s26, $0x1;
	_ =	strace $0x80000046;
	[dreg:$0x1] =	wrdreg $0xFFFFFFFF  }
0xad: {  	s28 =	simm.s32 $_size_execute0_lowered;
	s4 =	sadd.s32 s4, s6;
	[dreg:$0x0] =	wrdreg $0x0  }
0xae: {  	s6 =	sshll.u32 s28, $0x1;
	[dreg:$0x2] =	wrdreg s4  }
0xaf: {  	[dreg:$0x3] =	wrdreg s6  }
0xb0: {  	[dreg:$0x4] =	wrdreg $0xC0  }
0xb1: {  	_ =	task [dreg:s8], $0x5FFFF  }
0xb2: {  	[dreg:$0x1] =	wrdreg $0xFFFFFFFF  }
0xb3: {  	[dreg:$0x0] =	wrdreg $0x60  }
0xb4: {  	[dreg:$0x2] =	wrdreg s16  }
0xb5: {  	[dreg:$0x3] =	wrdreg s17  }
0xb6: {  	[dreg:$0x4] =	wrdreg s24  }
0xb7: {  	[dreg:$0x5] =	wrdreg $0x9  }
0xb8: {  	_ =	task.clear_ibuf [dreg:s8], $0x6FFFF;
	_ =	strace $0x90000046  }
0xb9: {  	s29 =	simm.s32 $0x9;
	_ =	strace $0x8000004F  }
0xba: {  	_ =	swait.ge [sflag:s29], $0x1  }
0xbb: {  	[sflag:s29] =	ssyncadd.s32 $0xFFFFFFFF  }
0xbc: {  	_ =	strace $0x9000004F  }
0xbd: {  	_ =	sfence  }
0xbe: {  	s30 =	sld [smem:$0x0];
	_ =	sdelay $0x2  }
0xbf: {  	s31 =	sshll.u32 s1, $0xD;
	s1 =	sshrl.u32 s1, $0x2  }
0xc0: {  	s3 =	sand.u32 $0x4000, s31;
	s1 =	sadd.s32 s1, s30  }
0xc1: {  	s0 =	sor.u32 s3, s0;
	s1 =	sshll.u32 s1, $0x11  }
0xc2: {  	s0 =	sor.u32 s1, s0  }
0xc3: {  	s0 =	sadd.s32 $0x8F2B, s0  }
0xc4: {  	[sflag:s0] =	ssyncadd.remote.s32 $0x1  }
0xc5: {  	_ =	sfence.sel $0xFFFF  }
0xc6: {  	[dreg:$0x0] =	wrdreg $0xFFFFFFFF;
	(pc) =	sbr.abs _section_cstart, $3  }
0xc7: {  	[dreg:$0x1] =	wrdreg $0xFFFFFFFF  }
0xc8: {  	_ =	task.clear_ibuf [dreg:s8], $0x2FFFF;
	_ =	strace $0x9FFFFFFF  }
0xc9: {  	(tm) =	ssettm $0x7FFFFFFF  }
tec
execute0_lowered:
.L_overlay_start_1:
0x0: {  	(tag) =	ssettag $0x1  }
0x1: {  	s0 =	rddreg [dreg:$0x0]  }
0x2: {  	s1 =	rddreg [dreg:$0x1]  }
0x3: {  	s3 =	rddreg [dreg:$0x2]  }
0x4: {  	s2 =	simm.s32 $0x0;
	[dreg:$0x4] =	wrdreg s0  }
0x5: {  	s4 =	srdreg.scid;
	s8 =	simm.s32 $0x80;
	s0 =	rddreg [dreg:$0x3]  }
0x6: {  	s9 =	simm.s32 $0x5;
	s10 =	simm.s32 $0x0;
	[smem:$0x7FF] =	sst s2  }
0x7: {  	s5 =	sadd.s32 $0x2000, s3;
	s4 =	sand.u32 $0x1, s4;
	s3 =	stileid.u32  }
0x8: {  	_ =	strace $0x80000047;
	s6 =	ssub.s32 $0x2, s4;
	s4 =	sshll.u32 s4, $0x4  }
0x9: {  	[dreg:$0x5] =	wrdreg s5;
	s30 =	sshrl.u32 s6, $0x1;
	s7 =	sor.u32 s3, s4  }
0xa: {  	s6 =	ssub.s32 s6, s30;
	s4 =	sshll.u32 s7, $0x7;
	s31 =	sshll.u32 s7, $0xB  }
0xb: {  	s7 =	simm.s32 $0x1;
	s5 =	sadd.s32 s1, s31;
	s6 =	smax.u32 s6, $0x1  }
.LBB2_1:
0xc: {  	_ =	strace $0x80000048;
	s11 =	simm.s32 $0x1;
	p0 =	por $0x0, $0x0  }
0xd: {  	[tilespmem:s2], [sflag:$0x1] =	stream.linear.gather [hbm4b:s5+s2], $0x80, $0x200038;
	[tilespmem:$0x8100] =	vst v63  }
0xe: {  	s11 =	simm.s32 @p0 $0x0  }
0xf: {  	p5 =	por $0x1, $0x1;
	p1 =	sne.s32 s11, $0x0  }
0x10: {  	p0 =	por !p5, !p1  }
0x11: {  	s21 =	sand.u32 $0x1, s2;
	p3 =	por !p0, !p0  }
0x12: {  	s31 =	simm.s32 $0x0;
	s18 =	sadd.s32 $0x0, s4;
	s12 =	sadd.s32 @p3 s4, s11  }
0x13: {  	_ =	strace $0x90000048;
	s13 =	sand.u32 @p3 $0x1, s7;
	s12 =	sshll.u32 @p3 s12, $0x4  }
0x14: {  	s14 =	simm.s32 @p3 $0x0;
	_ =	strace @p3 $0x80000049;
	s12 =	sand.u32 @p3 $0x1FFFFFF0, s12  }
0x15: {  	s15 =	sshll.u32 @p3 s13, $0x7;
	s13 =	sadd.s32 @p3 $0x1, s13;
	s12 =	sadd.s32 @p3 s1, s12  }
0x16: {  	[tilespmem:s15], [sflag:s13] =	stream.linear.gather @p3 [hbm4b:s12+s14], $0x80, $0x200038;
	[tilespmem:$0x8100] =	vst v63  }
0x17: {  	p4 =	por $0x0, $0x0;
	p6 =	por $0x0, $0x0;
	_ =	strace @p3 $0x90000049  }
0x18: {  	s30 =	sadd.s32 $0x1, s21;
	s16 =	sshll.u32 s21, $0xE;
	_ =	strace $0x8000004A  }
0x19: {  	s24 =	simm.s32 $0x1;
	s22 =	sor.u32 $0x100, s16;
	_ =	swait.ge [sflag:s30], $0x80  }
0x1a: {  	s16 =	simm.s32 $0x1;
	p0 =	por $0x1, $0x1;
	[sflag:s30] =	ssyncset.done $0x0  }
0x1b: {  	s16 =	simm.s32 @!p4 $0x0;
	p2 =	por p0, p0;
	[sflag:s30] =	ssyncadd.s32 $0xFFFFFF80  }
0x1c: {  	s12 =	simm.s32 $0x7F;
	s14 =	simm.s32 $0x7E;
	_ =	strace $0x9000004A  }
0x1d: {  	s15 =	sand.u32 @!p0 $0x1, s2;
	p0 =	por $0x0, $0x0;
	_ =	strace $0x8000004B  }
0x1e: {  	s13 =	sand.u32 $0x80, s31;
	s19 =	sadd.s32 @!p2 $0x3, s15;
	s17 =	rddreg [dreg:$0x4]  }
0x1f: {  	[tilespmem:s22], [sflag:$0x5] =	stream.indirect.gather [hbm4b:s17+s8], $0x80, s13, s8, $0x2000b8;
	[tilespmem:$0x8100] =	vst v63  }
0x20: {  	s15 =	simm.s32 $0x0;
	s17 =	sadd.s32 $0x1, s11;
	s13 =	simm.s32 $0x1  }
0x21: {  	_ =	swait.ge [sflag:s9], $0x4000;
	p5 =	seq.s32 s17, $0x80;
	s13 =	simm.s32 @!p3 $0x0  }
0x22: {  	[sflag:s9] =	ssyncset.done $0x0;
	s17 =	simm.s32 @p5 $0x0;
	p5 =	por p6, p1  }
0x23: {  	p6 =	por $0x1, $0x1;
	s20 =	sadd.s32 $0x1, s13;
	s13 =	simm.s32 $0x0  }
0x24: {  	[sflag:s9] =	ssyncadd.s32 $0xFFFFC000;
	p1 =	sne.s32 s11, s17;
	s23 =	sshll.u32 @p5 s18, $0xB  }
0x25: {  	s24 =	simm.s32 @!p5 $0x0;
	p3 =	por !p6, !p1;
	_ =	strace $0x9000004B  }
0x26: {  	s18 =	simm.s32 $0x0;
	p3 =	por !p3, !p3;
	_ =	strace @p5 $0x8000004C  }
0x27: {  	s25 =	sand.u32 @p3 $0x1, s20;
	s28 =	sadd.s32 @p3 s4, s17;
	s26 =	rddreg [dreg:$0x5]  }
.LBB2_2:
0x28: {  	s28 =	sshll.u32 @p3 s28, $0x4;
	s29 =	sand.u32 @p5 $0x1FFFF800, s23;
	s15 =	sadd.s32 s24, s15  }
0x29: {  	s23 =	smov.u32 s12;
	s12 =	smov.u32 s14;
	s21 =	sadd.s32 @p5 $0x3, s21  }
0x2a: {  	s30 =	simm.s32 @p5 $0x0;
	s18 =	sadd.s32 s24, s18;
	s26 =	sadd.s32 @p5 s26, s29  }
0x2b: {  	[hbm4b:s26+s30] =	stream.linear.scatter @p5 [tilespmem:s22], [sflag:s21], $0x4000, $0x200038;
	[tilespmem:$0x8100] =	vst v63  }
0x2c: {  	s14 =	sadd.s32 $0xFFFFFFFF, s14;
	s13 =	sadd.s32 s16, s13;
	_ =	strace @p5 $0x9000004C  }
0x2d: {  	s28 =	sand.u32 @p3 $0x1FFFFFF0, s28;
	s24 =	sshll.u32 s18, $0x7;
	_ =	strace @!p2 $0x8000004D  }
0x2e: {  	p4 =	sne.s32 s14, $0x0;
	s16 =	sand.u32 @!p0 $0x1, s13;
	_ =	swait.ge @!p2 [sflag:s19], $0x4000  }
0x2f: {  	s28 =	sadd.s32 @p3 s1, s28;
	s26 =	sand.u32 $0x1, s18;
	[sflag:s19] =	ssyncset.done @!p2 $0x0  }
0x30: {  	s22 =	simm.s32 @p3 $0x0;
	s21 =	sand.u32 $0x1, s15;
	[sflag:s19] =	ssyncadd.s32 @!p2 $0xFFFFC000  }
0x31: {  	s24 =	sand.u32 $0x80, s24;
	s29 =	sadd.s32 $0x1, s26;
	_ =	strace @!p2 $0x9000004D  }
0x32: {  	s19 =	sshll.u32 @p3 s25, $0x7;
	s25 =	sadd.s32 @p3 $0x1, s25;
	_ =	strace @p3 $0x80000049  }
0x33: {  	[tilespmem:s19], [sflag:s25] =	stream.linear.gather @p3 [hbm4b:s28+s22], $0x80, $0x200038;
	[tilespmem:$0x8100] =	vst v63  }
0x34: {  	s31 =	sshll.u32 s21, $0xE;
	s26 =	simm.s32 $0x1;
	_ =	strace @p3 $0x90000049  }
0x35: {  	p5 =	sne.s32 s23, $0x80;
	s26 =	simm.s32 @!p3 $0x0;
	_ =	strace $0x8000004A  }
0x36: {  	s20 =	sadd.s32 s26, s20;
	p2 =	por p0, p0;
	_ =	swait.ge [sflag:s29], $0x80  }
0x37: {  	s25 =	sadd.s32 s4, s11;
	s11 =	smov.u32 s17;
	[sflag:s29] =	ssyncset.done $0x0  }
0x38: {  	s19 =	sadd.s32 @!p2 $0x3, s16;
	s22 =	sor.u32 $0x100, s31;
	[sflag:s29] =	ssyncadd.s32 $0xFFFFFF80  }
0x39: {  	s16 =	simm.s32 $0x1;
	s17 =	sadd.s32 $0x1, s17;
	_ =	strace $0x9000004A  }
0x3a: {  	s16 =	simm.s32 @!p5 $0x0;
	p6 =	seq.s32 s17, $0x80;
	_ =	strace $0x8000004B  }
0x3b: {  	p5 =	seq.s32 s23, $0x1;
	s17 =	simm.s32 @p6 $0x0;
	s30 =	rddreg [dreg:$0x4]  }
0x3c: {  	[tilespmem:s22], [sflag:$0x5] =	stream.indirect.gather [hbm4b:s30+s8], $0x80, s24, s8, $0x2000b8;
	[tilespmem:$0x8100] =	vst v63  }
0x3d: {  	p5 =	por p5, p1;
	p6 =	sne.s32 s12, $0x1;
	_ =	swait.ge [sflag:s9], $0x4000  }
.Ltmp0:
0x3e: {  	p1 =	sne.s32 s11, s17;
	[sflag:s9] =	ssyncset.done $0x0;
	(pc) =	sbr.rel @p4 .LBB2_2-.Ltmp0, $4  }
0x3f: {  	p0 =	seq.s32 s12, $0x80;
	p3 =	por !p6, !p1;
	[sflag:s9] =	ssyncadd.s32 $0xFFFFC000  }
0x40: {  	s23 =	sshll.u32 @p5 s25, $0xB;
	p3 =	por !p3, !p3;
	_ =	strace $0x9000004B  }
0x41: {  	s25 =	sand.u32 @p3 $0x1, s20;
	s24 =	simm.s32 $0x1;
	_ =	strace @p5 $0x8000004C  }
0x42: {  	s28 =	sadd.s32 @p3 s4, s17;
	s24 =	simm.s32 @!p5 $0x0;
	s26 =	rddreg [dreg:$0x5]  }
0x43: {  	s14 =	sand.u32 @p5 $0x1FFFF800, s23  }
0x44: {  	s17 =	sadd.s32 @p5 $0x3, s21;
	s20 =	simm.s32 @p5 $0x0;
	s14 =	sadd.s32 @p5 s26, s14  }
0x45: {  	[hbm4b:s14+s20] =	stream.linear.scatter @p5 [tilespmem:s22], [sflag:s17], $0x4000, $0x200038;
	[tilespmem:$0x8100] =	vst v63  }
0x46: {  	_ =	strace @p5 $0x9000004C  }
0x47: {  	_ =	strace @!p2 $0x8000004D  }
0x48: {  	_ =	swait.ge @!p2 [sflag:s19], $0x4000  }
0x49: {  	s23 =	sadd.s32 s24, s18;
	[sflag:s19] =	ssyncset.done @!p2 $0x0  }
0x4a: {  	s18 =	simm.s32 @p3 $0x0;
	s14 =	sshll.u32 @p3 s28, $0x4;
	[sflag:s19] =	ssyncadd.s32 @!p2 $0xFFFFC000  }
0x4b: {  	s20 =	sadd.s32 @p3 $0x1, s25;
	s14 =	sand.u32 @p3 $0x1FFFFFF0, s14;
	_ =	strace @!p2 $0x9000004D  }
0x4c: {  	s14 =	sadd.s32 @p3 s1, s14;
	s19 =	sshll.u32 @p3 s25, $0x7;
	_ =	strace @p3 $0x80000049  }
0x4d: {  	[tilespmem:s19], [sflag:s20] =	stream.linear.gather @p3 [hbm4b:s14+s18], $0x80, $0x200038;
	[tilespmem:$0x8100] =	vst v63  }
0x4e: {  	s26 =	sand.u32 $0x1, s23;
	_ =	strace @p3 $0x90000049  }
0x4f: {  	s14 =	sadd.s32 $0x1, s26;
	_ =	strace $0x8000004A  }
0x50: {  	_ =	swait.ge [sflag:s14], $0x80  }
0x51: {  	[sflag:s14] =	ssyncset.done $0x0  }
0x52: {  	s28 =	sadd.s32 s24, s15;
	[sflag:s14] =	ssyncadd.s32 $0xFFFFFF80  }
0x53: {  	s14 =	sand.u32 $0x1, s28;
	_ =	strace $0x9000004A  }
0x54: {  	s17 =	sshll.u32 s23, $0x7;
	s30 =	sshll.u32 s14, $0xE;
	_ =	strace $0x8000004B  }
0x55: {  	s17 =	sand.u32 $0x80, s17;
	s18 =	sor.u32 $0x100, s30;
	s29 =	rddreg [dreg:$0x4]  }
0x56: {  	[tilespmem:s18], [sflag:$0x5] =	stream.indirect.gather [hbm4b:s29+s8], $0x80, s17, s8, $0x2000b8;
	[tilespmem:$0x8100] =	vst v63  }
0x57: {  	_ =	swait.ge [sflag:s9], $0x4000  }
0x58: {  	[sflag:s9] =	ssyncset.done $0x0  }
0x59: {  	p6 =	seq.s32 s12, $0x1;
	[sflag:s9] =	ssyncadd.s32 $0xFFFFC000  }
0x5a: {  	s11 =	sadd.s32 s4, s11;
	p1 =	por p6, p1;
	_ =	strace $0x9000004B  }
0x5b: {  	s11 =	sshll.u32 @p1 s11, $0xB;
	_ =	strace @p1 $0x8000004C  }
0x5c: {  	s13 =	sadd.s32 s16, s13;
	s11 =	sand.u32 @p1 $0x1FFFF800, s11;
	s15 =	rddreg [dreg:$0x5]  }
0x5d: {  	s16 =	simm.s32 @p1 $0x0;
	s14 =	sadd.s32 @p1 $0x3, s14;
	s11 =	sadd.s32 @p1 s15, s11  }
0x5e: {  	[hbm4b:s11+s16] =	stream.linear.scatter @p1 [tilespmem:s18], [sflag:s14], $0x4000, $0x200038;
	[tilespmem:$0x8100] =	vst v63  }
0x5f: {  	s11 =	sand.u32 @!p0 $0x1, s13;
	p0 =	por p0, p0;
	_ =	strace @p1 $0x9000004C  }
0x60: {  	s11 =	sadd.s32 @!p0 $0x3, s11;
	_ =	strace @!p0 $0x8000004D  }
0x61: {  	p1 =	sne.s32 s12, $0x80;
	s12 =	simm.s32 $0x1;
	_ =	swait.ge @!p0 [sflag:s11], $0x4000  }
0x62: {  	s12 =	simm.s32 @!p1 $0x0;
	[sflag:s11] =	ssyncset.done @!p0 $0x0  }
0x63: {  	s10 =	sadd.s32 $0x1, s10;
	s12 =	sadd.s32 s12, s13;
	[sflag:s11] =	ssyncadd.s32 @!p0 $0xFFFFC000  }
0x64: {  	s31 =	sand.u32 $0x1, s12;
	_ =	strace @!p0 $0x9000004D;
	p0 =	sne.s32 s10, s6  }
.Ltmp1:
0x65: {  	s11 =	sadd.s32 $0x3, s31;
	_ =	strace $0x8000004E;
	(pc) =	sbr.rel @p0 .LBB2_1-.Ltmp1, $4  }
0x66: {  	_ =	swait.ge [sflag:s11], $0x4000  }
0x67: {  	[sflag:s11] =	ssyncset.done $0x0  }
0x68: {  	[sflag:s11] =	ssyncadd.s32 $0xFFFFC000  }
0x69: {  	_ =	strace $0x9000004E  }
0x6a: {  	_ =	sfence.sel $0x180000  }
0x6b: {  	[bflag:$0x0] =	sbarrier.arrive $0xFFFF  }
0x6c: {  	p0 =	sne.s32 s3, $0x0;
	_ =	strace $0x90000047  }
0x6d: {  	s0 =	sadd.s32 @!p0 $0x100000, s0;
	[bflag:$0x2] =	sbarrier.arrive $0xFFFF  }
0x6e: {  	[sflag:s0] =	ssyncadd.tile.s32 @!p0 $0x1;
	_ =	shalt  }
.Lfunc_end2:
_tile_overlayer_lowered:
.L_overlay_start_2:
0x6f: {  	(tag) =	ssettag $0x2  }
0x70: {  	s0 =	rddreg [dreg:$0x0];
	s2 =	stileid.u32  }
0x71: {  	s1 =	rddreg [dreg:$0x1];
	p0 =	sne.s32 s2, $0x0  }
0x72: {  	s3 =	rddreg [dreg:$0x2];
	[bflag:$0x3] =	sbarrier.arrive $0xFFFF;
	s2 =	simm.s32 @!p0 $0x1C01  }
0x73: {  	[timem:s3], [sflag:s2] =	dma.local @!p0 [hbm:s0], s1  }
0x74: {  	s0 =	simm.s32 @!p0 $0x1  }
0x75: {  	_ =	swait.ge @!p0 [sflag:s0], s1  }
0x76: {  	s1 =	ssub.s32 @!p0 $0x0, s1;
	[sflag:s0] =	ssyncset.done @!p0 $0x0  }
0x77: {  	[sflag:s0] =	ssyncadd.s32 @!p0 s1  }
0x78: {  	[bflag:$0x3] =	sbarrier.arrive $0xFFFF  }
0x79: {  	_ =	shalt  }

// kernel: kernel.20.cloned.1.call-start
scs
__scs_entry_jumppad:
0x0: {  	(pc) =	sbr.rel $0x88, $3  }
0x1: {  	(tag) =	ssettag $0x0;
	lr =	simm.s32 $0x1  }
0x2: {  	[smem:$0x3F8E] =	sst lr;
	_ =	strace $0xD0000000  }
0x3: {  	_ = 	snop  }
0x4: {  	_ = 	snop  }
0x5: {  	_ = 	snop  }
0x6: {  	_ = 	snop  }
0x7: {  	_ = 	snop  }
__scs_overlays_trampoline_lowered:
0x8: {  	[smem:$0x3F9D] =	sst s0  }
0x9: {  	[smem:$0x3F9E] =	sst s1  }
0xa: {  	[smem:$0x3F9F] =	sst s2  }
0xb: {  	[smem:$0x3FA0] =	sst s3  }
0xc: {  	[smem:$0x3FA1] =	sst s4  }
0xd: {  	[smem:$0x3FA2] =	sst s5  }
0xe: {  	[smem:$0x3FA3] =	sst s6  }
0xf: {  	[smem:$0x3FA4] =	sst s7  }
0x10: {  	[smem:$0x3FA5] =	sst s8  }
0x11: {  	[smem:$0x3FA6] =	sst s9;
	s0 =	simm.s32 @!p0 $0x0  }
0x12: {  	s1 =	sld [smem:$0x3F8C];
	s0 =	simm.s32 @p0 $0x1  }
0x13: {  	[smem:$0x3FA7] =	sst s0;
	s0 =	simm.s32 @!p1 $0x0  }
0x14: {  	s2 =	sld [smem:$0x3F8B];
	s0 =	simm.s32 @p1 $0x1  }
0x15: {  	[smem:$0x3FA8] =	sst s0;
	s0 =	simm.s32 @!p2 $0x0  }
0x16: {  	s3 =	sld [smem:$0x3FDB];
	s0 =	simm.s32 @p2 $0x1  }
0x17: {  	s4 =	simm.s32 $0x1BF5;
	[smem:$0x3FAA] =	sst s0  }
0x18: {  	s0 =	sld [smem:$0x3F8D];
	_ =	swait.ge [sflag:s4], $0x0  }
0x19: {  	s7 =	sld [smem:$0x3F8E]  }
0x1a: {  	s8 =	sadd.s32 $0xFFFFE003, lr  }
0x1b: {  	s9 =	sadd.s32 $0xFFFFFEF7, lr;
	s5 =	simm.s32 $0xFFFFFFFF;
	p2 =	slt.u32 s8, $0xFFFFF086  }
0x1c: {  	p1 =	slt.u32 s9, $0xF7A;
	s5 =	simm.s32 @!p2 $0x0  }
0x1d: {  	s5 =	simm.s32 @p1 $0x1;
	p0 =	seq.s32 s7, s2  }
0x1e: {  	s7 =	smul.u32 @!p0 $0xF7A, s2;
	p2 =	seq.s32 @!p0 s5, $0x0  }
0x1f: {  	s9 =	smul.u32 $0xF7A, s1;
	s8 =	simm.s32 @!p0 $0x1BF5;
	p2 =	por !p2, p0  }
0x20: {  	[sflag:s8] =	ssyncset.s32 @!p0 $0xFFFFF086;
	s6 =	sadd.s32 @!p0 s3, s7;
	s7 =	simm.s32 @!p0 $0x108  }
0x21: {  	s3 =	sadd.s32 s3, s9;
	s6 =	sadd.s32 @!p0 $0x88, s6;
	s7 =	simm.s32 @p2 $0x1082  }
0x22: {  	[simem:s7], [sflag:s8] =	dma.local @!p0 [hbm:s6], $0xF7A  }
0x23: {  	s9 =	sor.u32 $0xD0000000, s2;
	s6 =	simm.s32 $0x108;
	_ =	swait.ge @!p0 [sflag:s8], $0x0  }
0x24: {  	s3 =	sadd.s32 $0x88, s3;
	s6 =	simm.s32 @!p1 $0x1082;
	[sflag:s4] =	ssyncset.s32 $0xFFFFF086  }
0x25: {  	[simem:s6], [sflag:s4] =	dma.local [hbm:s3], $0xF7A  }
0x26: {  	[smem:$0x3F8E] =	sst s1;
	(tag) =	ssettag s2;
	_ =	strace s9  }
0x27: {  	s1 =	sld [smem:$0x3F9E]  }
0x28: {  	s2 =	sld [smem:$0x3F9F]  }
0x29: {  	s4 =	sld [smem:$0x3FA1]  }
0x2a: {  	p0 =	seq.s32 s5, $0x0;
	s5 =	sld [smem:$0x3FA2]  }
0x2b: {  	s6 =	sld [smem:$0x3FA3]  }
0x2c: {  	s7 =	sld [smem:$0x3FA4]  }
0x2d: {  	s3 =	simm.s32 $0x108;
	s8 =	sld [smem:$0x3FA5]  }
0x2e: {  	s3 =	simm.s32 @!p0 $0x1082;
	s9 =	sld [smem:$0x3FA6]  }
0x2f: {  	lr =	sadd.s32 s0, s3;
	s0 =	sld [smem:$0x3F9D]  }
0x30: {  	s3 =	sld [smem:$0x3FA0]  }
0x31: {  	[smem:$0x3FA9] =	sst s10  }
0x32: {  	s10 =	sld [smem:$0x3FA7];
	_ =	sdelay $0x3  }
0x33: {  	p0 =	seq.s32 s10, $0x1;
	s10 =	sld [smem:$0x3FA9];
	_ =	sdelay $0x3  }
0x34: {  	[smem:$0x3FA9] =	sst s10  }
0x35: {  	s10 =	sld [smem:$0x3FA8];
	_ =	sdelay $0x3  }
0x36: {  	p1 =	seq.s32 s10, $0x1;
	s10 =	sld [smem:$0x3FA9];
	_ =	sdelay $0x3  }
0x37: {  	[smem:$0x3FA9] =	sst s10  }
0x38: {  	s10 =	sld [smem:$0x3FAA]  }
0x39: {  	_ = 	snop;
	(pc) =	sbr.ind lr, $3  }
0x3a: {  	_ = 	snop  }
0x3b: {  	_ = 	snop  }
0x3c: {  	p2 =	seq.s32 s10, $0x1;
	s10 =	sld [smem:$0x3FA9]  }
0x3d: {  	_ =	shalt  }
0x3e: {  	_ =	shalt  }
0x3f: {  	_ =	shalt  }
0x40: {  	_ =	shalt  }
0x41: {  	_ =	shalt  }
0x42: {  	_ =	shalt  }
0x43: {  	_ =	shalt  }
0x44: {  	_ =	shalt  }
0x45: {  	_ =	shalt  }
0x46: {  	_ =	shalt  }
0x47: {  	_ =	shalt  }
0x48: {  	_ =	shalt  }
0x49: {  	_ =	shalt  }
0x4a: {  	_ =	shalt  }
0x4b: {  	_ =	shalt  }
0x4c: {  	_ =	shalt  }
0x4d: {  	_ =	shalt  }
0x4e: {  	_ =	shalt  }
0x4f: {  	_ =	shalt  }
0x50: {  	_ =	shalt  }
0x51: {  	_ =	shalt  }
0x52: {  	_ =	shalt  }
0x53: {  	_ =	shalt  }
0x54: {  	_ =	shalt  }
0x55: {  	_ =	shalt  }
0x56: {  	_ =	shalt  }
0x57: {  	_ =	shalt  }
0x58: {  	_ =	shalt  }
0x59: {  	_ =	shalt  }
0x5a: {  	_ =	shalt  }
0x5b: {  	_ =	shalt  }
0x5c: {  	_ =	shalt  }
0x5d: {  	_ =	shalt  }
0x5e: {  	_ =	shalt  }
0x5f: {  	_ =	shalt  }
0x60: {  	_ =	shalt  }
0x61: {  	_ =	shalt  }
0x62: {  	_ =	shalt  }
0x63: {  	_ =	shalt  }
0x64: {  	_ =	shalt  }
0x65: {  	_ =	shalt  }
0x66: {  	_ =	shalt  }
0x67: {  	_ =	shalt  }
0x68: {  	_ =	shalt  }
0x69: {  	_ =	shalt  }
0x6a: {  	_ =	shalt  }
0x6b: {  	_ =	shalt  }
0x6c: {  	_ =	shalt  }
0x6d: {  	_ =	shalt  }
0x6e: {  	_ =	shalt  }
0x6f: {  	_ =	shalt  }
0x70: {  	_ =	shalt  }
0x71: {  	_ =	shalt  }
0x72: {  	_ =	shalt  }
0x73: {  	_ =	shalt  }
0x74: {  	_ =	shalt  }
0x75: {  	_ =	shalt  }
0x76: {  	_ =	shalt  }
0x77: {  	_ =	shalt  }
0x78: {  	_ =	shalt  }
0x79: {  	_ =	shalt  }
0x7a: {  	_ =	shalt  }
0x7b: {  	_ =	shalt  }
0x7c: {  	_ =	shalt  }
0x7d: {  	_ =	shalt  }
0x7e: {  	_ =	shalt  }
0x7f: {  	_ =	shalt  }
0x80: {  	_ =	shalt  }
0x81: {  	_ =	shalt  }
0x82: {  	_ =	shalt  }
0x83: {  	_ =	shalt  }
0x84: {  	_ =	shalt  }
0x85: {  	_ =	shalt  }
0x86: {  	_ =	shalt  }
0x87: {  	_ =	shalt  }
.Lfunc_end0:
.L_simem_size_0:
called_computation.1_lowered:
.L_overlay_start_0:
0x88: {  	s2 =	sld [smem:$0x3FD9]  }
0x89: {  	s3 =	sld [smem:$0x3FFE];
	_ =	sdelay $0x1  }
0x8a: {  	s1 =	srdreg.scid  }
0x8b: {  	s0 =	sand.u32 $0x1, s1  }
0x8c: {  	s14 =	sshll.u32 s0, $0xA;
	s2 =	sadd.s32 s3, s2  }
0x8d: {  	s2 =	sadd.s32 s2, s14  }
0x8e: {  	[smem:$0x3FB5] =	sst s2  }
0x8f: {  	_ = 	snop  }
0x90: {  	s2 =	sld [smem:$0x3FD0];
	_ =	sdelay $0x2  }
0x91: {  	s15 =	simm.s32 $0xA;
	s4 =	simm.s32 $0x10  }
0x92: {  	[smem:s4], [sflag:s15] =	dma.local [hbm:s2], $0x1  }
0x93: {  	_ =	swait.eq [sflag:s15], $0x1  }
0x94: {  	[sflag:s15] =	ssyncset.done $0x0  }
0x95: {  	s16 =	sld [smem:$0x10];
	[sflag:s15] =	ssyncadd.s32 $0xFFFFFFFF  }
0x96: {  	s17 =	sld [smem:$0x13];
	(tm) =	ssettm $0x1  }
0x97: {  	s18 =	sld [smem:$0x3FFB];
	_ =	sdelay $0x3  }
0x98: {  	_ =	strace s18  }
0x99: {  	s4 =	sld [smem:$0x3FFC];
	_ =	sdelay $0x3  }
0x9a: {  	_ =	strace s4  }
0x9b: {  	s4 =	sld [smem:$0x3FFD];
	_ =	sdelay $0x3  }
0x9c: {  	_ =	strace s4  }
0x9d: {  	_ =	strace $0x8FFFFFFF  }
0x9e: {  	s19 =	sld [smem:$0x3FDB];
	_ =	sdelay $0x1  }
0x9f: {  	s5 =	simm.s32 $_scs_section_size  }
0xa0: {  	s6 =	simm.s32 $_size__tile_overlayer_lowered;
	s7 =	simm.s32 $_tile_overlayer_lowered  }
0xa1: {  	s22 =	simm.s32 $0x1BFF;
	s21 =	sshll.u32 s7, $0x1;
	s4 =	sadd.s32 s5, s19  }
0xa2: {  	s8 =	simm.s32 $0x0;
	s20 =	sshll.u32 s6, $0x1;
	s6 =	sadd.s32 s21, s4  }
0xa3: {  	[timem:s8], [sflag:s22] =	dma.local [hbm:s6], s20  }
0xa4: {  	_ =	swait.ge [sflag:s22], s20  }
0xa5: {  	s5 =	ssub.s32 $0x0, s20;
	[sflag:s22] =	ssyncset.done $0x0  }
0xa6: {  	[sflag:s22] =	ssyncadd.s32 s5;
	_ =	sdelay $0x1  }
0xa7: {  	s23 =	simm.s32 $0x1B8B  }
0xa8: {  	_ =	swait.ge [sflag:s23], $0x1  }
0xa9: {  	[sflag:s23] =	ssyncset.done $0x0  }
0xaa: {  	s25 =	simm.s32 $0x1B8E;
	s24 =	sld [smem:$0x3FFE];
	[sflag:s23] =	ssyncadd.s32 $0xFFFFFFFF  }
0xab: {  	s26 =	simm.s32 $execute0_lowered;
	[smem:$0x3FD2] =	sst s25  }
0xac: {  	s6 =	sshll.u32 s26, $0x1;
	_ =	strace $0x80000050;
	[dreg:$0x1] =	wrdreg $0xFFFFFFFF  }
0xad: {  	s28 =	simm.s32 $_size_execute0_lowered;
	s4 =	sadd.s32 s4, s6;
	[dreg:$0x0] =	wrdreg $0x0  }
0xae: {  	s6 =	sshll.u32 s28, $0x1;
	[dreg:$0x2] =	wrdreg s4  }
0xaf: {  	[dreg:$0x3] =	wrdreg s6  }
0xb0: {  	[dreg:$0x4] =	wrdreg $0xC0  }
0xb1: {  	_ =	task [dreg:s8], $0x5FFFF  }
0xb2: {  	[dreg:$0x1] =	wrdreg $0xFFFFFFFF  }
0xb3: {  	[dreg:$0x0] =	wrdreg $0x60  }
0xb4: {  	[dreg:$0x2] =	wrdreg s16  }
0xb5: {  	[dreg:$0x3] =	wrdreg s17  }
0xb6: {  	[dreg:$0x4] =	wrdreg s24  }
0xb7: {  	[dreg:$0x5] =	wrdreg $0x9  }
0xb8: {  	_ =	task.clear_ibuf [dreg:s8], $0x6FFFF;
	_ =	strace $0x90000050  }
0xb9: {  	s29 =	simm.s32 $0x9;
	_ =	strace $0x80000059  }
0xba: {  	_ =	swait.ge [sflag:s29], $0x1  }
0xbb: {  	[sflag:s29] =	ssyncadd.s32 $0xFFFFFFFF  }
0xbc: {  	_ =	strace $0x90000059  }
0xbd: {  	_ =	sfence  }
0xbe: {  	s30 =	sld [smem:$0x0];
	_ =	sdelay $0x2  }
0xbf: {  	s31 =	sshll.u32 s1, $0xD;
	s1 =	sshrl.u32 s1, $0x2  }
0xc0: {  	s3 =	sand.u32 $0x4000, s31;
	s1 =	sadd.s32 s1, s30  }
0xc1: {  	s0 =	sor.u32 s3, s0;
	s1 =	sshll.u32 s1, $0x11  }
0xc2: {  	s0 =	sor.u32 s1, s0  }
0xc3: {  	s0 =	sadd.s32 $0x8F2B, s0  }
0xc4: {  	[sflag:s0] =	ssyncadd.remote.s32 $0x1  }
0xc5: {  	_ =	sfence.sel $0xFFFF  }
0xc6: {  	[dreg:$0x0] =	wrdreg $0xFFFFFFFF;
	(pc) =	sbr.abs _section_cstart, $3  }
0xc7: {  	[dreg:$0x1] =	wrdreg $0xFFFFFFFF  }
0xc8: {  	_ =	task.clear_ibuf [dreg:s8], $0x2FFFF;
	_ =	strace $0x9FFFFFFF  }
0xc9: {  	(tm) =	ssettm $0x7FFFFFFF  }
tec
execute0_lowered:
.L_overlay_start_1:
0x0: {  	(tag) =	ssettag $0x1  }
0x1: {  	s0 =	rddreg [dreg:$0x0]  }
0x2: {  	s1 =	rddreg [dreg:$0x1]  }
0x3: {  	s3 =	rddreg [dreg:$0x2]  }
0x4: {  	s2 =	simm.s32 $0x0;
	[dreg:$0x4] =	wrdreg s0  }
0x5: {  	s4 =	srdreg.scid;
	s8 =	simm.s32 $0x80;
	s0 =	rddreg [dreg:$0x3]  }
0x6: {  	s9 =	simm.s32 $0x5;
	s10 =	simm.s32 $0x0;
	[smem:$0x7FF] =	sst s2  }
0x7: {  	s5 =	sadd.s32 $0x2000, s3;
	s4 =	sand.u32 $0x1, s4;
	s3 =	stileid.u32  }
0x8: {  	_ =	strace $0x80000051;
	s6 =	ssub.s32 $0x2, s4;
	s4 =	sshll.u32 s4, $0x4  }
0x9: {  	[dreg:$0x5] =	wrdreg s5;
	s30 =	sshrl.u32 s6, $0x1;
	s7 =	sor.u32 s3, s4  }
0xa: {  	s6 =	ssub.s32 s6, s30;
	s4 =	sshll.u32 s7, $0x7;
	s31 =	sshll.u32 s7, $0xB  }
0xb: {  	s7 =	simm.s32 $0x1;
	s5 =	sadd.s32 s1, s31;
	s6 =	smax.u32 s6, $0x1  }
.LBB2_1:
0xc: {  	_ =	strace $0x80000052;
	s11 =	simm.s32 $0x1;
	p0 =	por $0x0, $0x0  }
0xd: {  	[tilespmem:s2], [sflag:$0x1] =	stream.linear.gather [hbm4b:s5+s2], $0x80, $0x200038;
	[tilespmem:$0x8100] =	vst v63  }
0xe: {  	s11 =	simm.s32 @p0 $0x0  }
0xf: {  	p5 =	por $0x1, $0x1;
	p1 =	sne.s32 s11, $0x0  }
0x10: {  	p0 =	por !p5, !p1  }
0x11: {  	s21 =	sand.u32 $0x1, s2;
	p3 =	por !p0, !p0  }
0x12: {  	s31 =	simm.s32 $0x0;
	s18 =	sadd.s32 $0x0, s4;
	s12 =	sadd.s32 @p3 s4, s11  }
0x13: {  	_ =	strace $0x90000052;
	s13 =	sand.u32 @p3 $0x1, s7;
	s12 =	sshll.u32 @p3 s12, $0x4  }
0x14: {  	s14 =	simm.s32 @p3 $0x0;
	_ =	strace @p3 $0x80000053;
	s12 =	sand.u32 @p3 $0x1FFFFFF0, s12  }
0x15: {  	s15 =	sshll.u32 @p3 s13, $0x7;
	s13 =	sadd.s32 @p3 $0x1, s13;
	s12 =	sadd.s32 @p3 s1, s12  }
0x16: {  	[tilespmem:s15], [sflag:s13] =	stream.linear.gather @p3 [hbm4b:s12+s14], $0x80, $0x200038;
	[tilespmem:$0x8100] =	vst v63  }
0x17: {  	p4 =	por $0x0, $0x0;
	p6 =	por $0x0, $0x0;
	_ =	strace @p3 $0x90000053  }
0x18: {  	s30 =	sadd.s32 $0x1, s21;
	s16 =	sshll.u32 s21, $0xE;
	_ =	strace $0x80000054  }
0x19: {  	s24 =	simm.s32 $0x1;
	s22 =	sor.u32 $0x100, s16;
	_ =	swait.ge [sflag:s30], $0x80  }
0x1a: {  	s16 =	simm.s32 $0x1;
	p0 =	por $0x1, $0x1;
	[sflag:s30] =	ssyncset.done $0x0  }
0x1b: {  	s16 =	simm.s32 @!p4 $0x0;
	p2 =	por p0, p0;
	[sflag:s30] =	ssyncadd.s32 $0xFFFFFF80  }
0x1c: {  	s12 =	simm.s32 $0x7F;
	s14 =	simm.s32 $0x7E;
	_ =	strace $0x90000054  }
0x1d: {  	s15 =	sand.u32 @!p0 $0x1, s2;
	p0 =	por $0x0, $0x0;
	_ =	strace $0x80000055  }
0x1e: {  	s13 =	sand.u32 $0x80, s31;
	s19 =	sadd.s32 @!p2 $0x3, s15;
	s17 =	rddreg [dreg:$0x4]  }
0x1f: {  	[tilespmem:s22], [sflag:$0x5] =	stream.indirect.gather [hbm4b:s17+s8], $0x80, s13, s8, $0x2000b8;
	[tilespmem:$0x8100] =	vst v63  }
0x20: {  	s15 =	simm.s32 $0x0;
	s17 =	sadd.s32 $0x1, s11;
	s13 =	simm.s32 $0x1  }
0x21: {  	_ =	swait.ge [sflag:s9], $0x4000;
	p5 =	seq.s32 s17, $0x80;
	s13 =	simm.s32 @!p3 $0x0  }
0x22: {  	[sflag:s9] =	ssyncset.done $0x0;
	s17 =	simm.s32 @p5 $0x0;
	p5 =	por p6, p1  }
0x23: {  	p6 =	por $0x1, $0x1;
	s20 =	sadd.s32 $0x1, s13;
	s13 =	simm.s32 $0x0  }
0x24: {  	[sflag:s9] =	ssyncadd.s32 $0xFFFFC000;
	p1 =	sne.s32 s11, s17;
	s23 =	sshll.u32 @p5 s18, $0xB  }
0x25: {  	s24 =	simm.s32 @!p5 $0x0;
	p3 =	por !p6, !p1;
	_ =	strace $0x90000055  }
0x26: {  	s18 =	simm.s32 $0x0;
	p3 =	por !p3, !p3;
	_ =	strace @p5 $0x80000056  }
0x27: {  	s25 =	sand.u32 @p3 $0x1, s20;
	s28 =	sadd.s32 @p3 s4, s17;
	s26 =	rddreg [dreg:$0x5]  }
.LBB2_2:
0x28: {  	s28 =	sshll.u32 @p3 s28, $0x4;
	s29 =	sand.u32 @p5 $0x1FFFF800, s23;
	s15 =	sadd.s32 s24, s15  }
0x29: {  	s23 =	smov.u32 s12;
	s12 =	smov.u32 s14;
	s21 =	sadd.s32 @p5 $0x3, s21  }
0x2a: {  	s30 =	simm.s32 @p5 $0x0;
	s18 =	sadd.s32 s24, s18;
	s26 =	sadd.s32 @p5 s26, s29  }
0x2b: {  	[hbm4b:s26+s30] =	stream.linear.scatter @p5 [tilespmem:s22], [sflag:s21], $0x4000, $0x200038;
	[tilespmem:$0x8100] =	vst v63  }
0x2c: {  	s14 =	sadd.s32 $0xFFFFFFFF, s14;
	s13 =	sadd.s32 s16, s13;
	_ =	strace @p5 $0x90000056  }
0x2d: {  	s28 =	sand.u32 @p3 $0x1FFFFFF0, s28;
	s24 =	sshll.u32 s18, $0x7;
	_ =	strace @!p2 $0x80000057  }
0x2e: {  	p4 =	sne.s32 s14, $0x0;
	s16 =	sand.u32 @!p0 $0x1, s13;
	_ =	swait.ge @!p2 [sflag:s19], $0x4000  }
0x2f: {  	s28 =	sadd.s32 @p3 s1, s28;
	s26 =	sand.u32 $0x1, s18;
	[sflag:s19] =	ssyncset.done @!p2 $0x0  }
0x30: {  	s22 =	simm.s32 @p3 $0x0;
	s21 =	sand.u32 $0x1, s15;
	[sflag:s19] =	ssyncadd.s32 @!p2 $0xFFFFC000  }
0x31: {  	s24 =	sand.u32 $0x80, s24;
	s29 =	sadd.s32 $0x1, s26;
	_ =	strace @!p2 $0x90000057  }
0x32: {  	s19 =	sshll.u32 @p3 s25, $0x7;
	s25 =	sadd.s32 @p3 $0x1, s25;
	_ =	strace @p3 $0x80000053  }
0x33: {  	[tilespmem:s19], [sflag:s25] =	stream.linear.gather @p3 [hbm4b:s28+s22], $0x80, $0x200038;
	[tilespmem:$0x8100] =	vst v63  }
0x34: {  	s31 =	sshll.u32 s21, $0xE;
	s26 =	simm.s32 $0x1;
	_ =	strace @p3 $0x90000053  }
0x35: {  	p5 =	sne.s32 s23, $0x80;
	s26 =	simm.s32 @!p3 $0x0;
	_ =	strace $0x80000054  }
0x36: {  	s20 =	sadd.s32 s26, s20;
	p2 =	por p0, p0;
	_ =	swait.ge [sflag:s29], $0x80  }
0x37: {  	s25 =	sadd.s32 s4, s11;
	s11 =	smov.u32 s17;
	[sflag:s29] =	ssyncset.done $0x0  }
0x38: {  	s19 =	sadd.s32 @!p2 $0x3, s16;
	s22 =	sor.u32 $0x100, s31;
	[sflag:s29] =	ssyncadd.s32 $0xFFFFFF80  }
0x39: {  	s16 =	simm.s32 $0x1;
	s17 =	sadd.s32 $0x1, s17;
	_ =	strace $0x90000054  }
0x3a: {  	s16 =	simm.s32 @!p5 $0x0;
	p6 =	seq.s32 s17, $0x80;
	_ =	strace $0x80000055  }
0x3b: {  	p5 =	seq.s32 s23, $0x1;
	s17 =	simm.s32 @p6 $0x0;
	s30 =	rddreg [dreg:$0x4]  }
0x3c: {  	[tilespmem:s22], [sflag:$0x5] =	stream.indirect.gather [hbm4b:s30+s8], $0x80, s24, s8, $0x2000b8;
	[tilespmem:$0x8100] =	vst v63  }
0x3d: {  	p5 =	por p5, p1;
	p6 =	sne.s32 s12, $0x1;
	_ =	swait.ge [sflag:s9], $0x4000  }
.Ltmp0:
0x3e: {  	p1 =	sne.s32 s11, s17;
	[sflag:s9] =	ssyncset.done $0x0;
	(pc) =	sbr.rel @p4 .LBB2_2-.Ltmp0, $4  }
0x3f: {  	p0 =	seq.s32 s12, $0x80;
	p3 =	por !p6, !p1;
	[sflag:s9] =	ssyncadd.s32 $0xFFFFC000  }
0x40: {  	s23 =	sshll.u32 @p5 s25, $0xB;
	p3 =	por !p3, !p3;
	_ =	strace $0x90000055  }
0x41: {  	s25 =	sand.u32 @p3 $0x1, s20;
	s24 =	simm.s32 $0x1;
	_ =	strace @p5 $0x80000056  }
0x42: {  	s28 =	sadd.s32 @p3 s4, s17;
	s24 =	simm.s32 @!p5 $0x0;
	s26 =	rddreg [dreg:$0x5]  }
0x43: {  	s14 =	sand.u32 @p5 $0x1FFFF800, s23  }
0x44: {  	s17 =	sadd.s32 @p5 $0x3, s21;
	s20 =	simm.s32 @p5 $0x0;
	s14 =	sadd.s32 @p5 s26, s14  }
0x45: {  	[hbm4b:s14+s20] =	stream.linear.scatter @p5 [tilespmem:s22], [sflag:s17], $0x4000, $0x200038;
	[tilespmem:$0x8100] =	vst v63  }
0x46: {  	_ =	strace @p5 $0x90000056  }
0x47: {  	_ =	strace @!p2 $0x80000057  }
0x48: {  	_ =	swait.ge @!p2 [sflag:s19], $0x4000  }
0x49: {  	s23 =	sadd.s32 s24, s18;
	[sflag:s19] =	ssyncset.done @!p2 $0x0  }
0x4a: {  	s18 =	simm.s32 @p3 $0x0;
	s14 =	sshll.u32 @p3 s28, $0x4;
	[sflag:s19] =	ssyncadd.s32 @!p2 $0xFFFFC000  }
0x4b: {  	s20 =	sadd.s32 @p3 $0x1, s25;
	s14 =	sand.u32 @p3 $0x1FFFFFF0, s14;
	_ =	strace @!p2 $0x90000057  }
0x4c: {  	s14 =	sadd.s32 @p3 s1, s14;
	s19 =	sshll.u32 @p3 s25, $0x7;
	_ =	strace @p3 $0x80000053  }
0x4d: {  	[tilespmem:s19], [sflag:s20] =	stream.linear.gather @p3 [hbm4b:s14+s18], $0x80, $0x200038;
	[tilespmem:$0x8100] =	vst v63  }
0x4e: {  	s26 =	sand.u32 $0x1, s23;
	_ =	strace @p3 $0x90000053  }
0x4f: {  	s14 =	sadd.s32 $0x1, s26;
	_ =	strace $0x80000054  }
0x50: {  	_ =	swait.ge [sflag:s14], $0x80  }
0x51: {  	[sflag:s14] =	ssyncset.done $0x0  }
0x52: {  	s28 =	sadd.s32 s24, s15;
	[sflag:s14] =	ssyncadd.s32 $0xFFFFFF80  }
0x53: {  	s14 =	sand.u32 $0x1, s28;
	_ =	strace $0x90000054  }
0x54: {  	s17 =	sshll.u32 s23, $0x7;
	s30 =	sshll.u32 s14, $0xE;
	_ =	strace $0x80000055  }
0x55: {  	s17 =	sand.u32 $0x80, s17;
	s18 =	sor.u32 $0x100, s30;
	s29 =	rddreg [dreg:$0x4]  }
0x56: {  	[tilespmem:s18], [sflag:$0x5] =	stream.indirect.gather [hbm4b:s29+s8], $0x80, s17, s8, $0x2000b8;
	[tilespmem:$0x8100] =	vst v63  }
0x57: {  	_ =	swait.ge [sflag:s9], $0x4000  }
0x58: {  	[sflag:s9] =	ssyncset.done $0x0  }
0x59: {  	p6 =	seq.s32 s12, $0x1;
	[sflag:s9] =	ssyncadd.s32 $0xFFFFC000  }
0x5a: {  	s11 =	sadd.s32 s4, s11;
	p1 =	por p6, p1;
	_ =	strace $0x90000055  }
0x5b: {  	s11 =	sshll.u32 @p1 s11, $0xB;
	_ =	strace @p1 $0x80000056  }
0x5c: {  	s13 =	sadd.s32 s16, s13;
	s11 =	sand.u32 @p1 $0x1FFFF800, s11;
	s15 =	rddreg [dreg:$0x5]  }
0x5d: {  	s16 =	simm.s32 @p1 $0x0;
	s14 =	sadd.s32 @p1 $0x3, s14;
	s11 =	sadd.s32 @p1 s15, s11  }
0x5e: {  	[hbm4b:s11+s16] =	stream.linear.scatter @p1 [tilespmem:s18], [sflag:s14], $0x4000, $0x200038;
	[tilespmem:$0x8100] =	vst v63  }
0x5f: {  	s11 =	sand.u32 @!p0 $0x1, s13;
	p0 =	por p0, p0;
	_ =	strace @p1 $0x90000056  }
0x60: {  	s11 =	sadd.s32 @!p0 $0x3, s11;
	_ =	strace @!p0 $0x80000057  }
0x61: {  	p1 =	sne.s32 s12, $0x80;
	s12 =	simm.s32 $0x1;
	_ =	swait.ge @!p0 [sflag:s11], $0x4000  }
0x62: {  	s12 =	simm.s32 @!p1 $0x0;
	[sflag:s11] =	ssyncset.done @!p0 $0x0  }
0x63: {  	s10 =	sadd.s32 $0x1, s10;
	s12 =	sadd.s32 s12, s13;
	[sflag:s11] =	ssyncadd.s32 @!p0 $0xFFFFC000  }
0x64: {  	s31 =	sand.u32 $0x1, s12;
	_ =	strace @!p0 $0x90000057;
	p0 =	sne.s32 s10, s6  }
.Ltmp1:
0x65: {  	s11 =	sadd.s32 $0x3, s31;
	_ =	strace $0x80000058;
	(pc) =	sbr.rel @p0 .LBB2_1-.Ltmp1, $4  }
0x66: {  	_ =	swait.ge [sflag:s11], $0x4000  }
0x67: {  	[sflag:s11] =	ssyncset.done $0x0  }
0x68: {  	[sflag:s11] =	ssyncadd.s32 $0xFFFFC000  }
0x69: {  	_ =	strace $0x90000058  }
0x6a: {  	_ =	sfence.sel $0x180000  }
0x6b: {  	[bflag:$0x0] =	sbarrier.arrive $0xFFFF  }
0x6c: {  	p0 =	sne.s32 s3, $0x0;
	_ =	strace $0x90000051  }
0x6d: {  	s0 =	sadd.s32 @!p0 $0x100000, s0;
	[bflag:$0x2] =	sbarrier.arrive $0xFFFF  }
0x6e: {  	[sflag:s0] =	ssyncadd.tile.s32 @!p0 $0x1;
	_ =	shalt  }
.Lfunc_end2:
_tile_overlayer_lowered:
.L_overlay_start_2:
0x6f: {  	(tag) =	ssettag $0x2  }
0x70: {  	s0 =	rddreg [dreg:$0x0];
	s2 =	stileid.u32  }
0x71: {  	s1 =	rddreg [dreg:$0x1];
	p0 =	sne.s32 s2, $0x0  }
0x72: {  	s3 =	rddreg [dreg:$0x2];
	[bflag:$0x3] =	sbarrier.arrive $0xFFFF;
	s2 =	simm.s32 @!p0 $0x1C01  }
0x73: {  	[timem:s3], [sflag:s2] =	dma.local @!p0 [hbm:s0], s1  }
0x74: {  	s0 =	simm.s32 @!p0 $0x1  }
0x75: {  	_ =	swait.ge @!p0 [sflag:s0], s1  }
0x76: {  	s1 =	ssub.s32 @!p0 $0x0, s1;
	[sflag:s0] =	ssyncset.done @!p0 $0x0  }
0x77: {  	[sflag:s0] =	ssyncadd.s32 @!p0 s1  }
0x78: {  	[bflag:$0x3] =	sbarrier.arrive $0xFFFF  }
0x79: {  	_ =	shalt  }

// kernel: kernel.23.cloned.1.call-start
scs
__scs_entry_jumppad:
0x0: {  	(pc) =	sbr.rel $0x88, $3  }
0x1: {  	(tag) =	ssettag $0x0;
	lr =	simm.s32 $0x1  }
0x2: {  	[smem:$0x3F8E] =	sst lr;
	_ =	strace $0xD0000000  }
0x3: {  	_ = 	snop  }
0x4: {  	_ = 	snop  }
0x5: {  	_ = 	snop  }
0x6: {  	_ = 	snop  }
0x7: {  	_ = 	snop  }
__scs_overlays_trampoline_lowered:
0x8: {  	[smem:$0x3F9D] =	sst s0  }
0x9: {  	[smem:$0x3F9E] =	sst s1  }
0xa: {  	[smem:$0x3F9F] =	sst s2  }
0xb: {  	[smem:$0x3FA0] =	sst s3  }
0xc: {  	[smem:$0x3FA1] =	sst s4  }
0xd: {  	[smem:$0x3FA2] =	sst s5  }
0xe: {  	[smem:$0x3FA3] =	sst s6  }
0xf: {  	[smem:$0x3FA4] =	sst s7  }
0x10: {  	[smem:$0x3FA5] =	sst s8  }
0x11: {  	[smem:$0x3FA6] =	sst s9;
	s0 =	simm.s32 @!p0 $0x0  }
0x12: {  	s1 =	sld [smem:$0x3F8C];
	s0 =	simm.s32 @p0 $0x1  }
0x13: {  	[smem:$0x3FA7] =	sst s0;
	s0 =	simm.s32 @!p1 $0x0  }
0x14: {  	s2 =	sld [smem:$0x3F8B];
	s0 =	simm.s32 @p1 $0x1  }
0x15: {  	[smem:$0x3FA8] =	sst s0;
	s0 =	simm.s32 @!p2 $0x0  }
0x16: {  	s3 =	sld [smem:$0x3FDB];
	s0 =	simm.s32 @p2 $0x1  }
0x17: {  	s4 =	simm.s32 $0x1BF5;
	[smem:$0x3FAA] =	sst s0  }
0x18: {  	s0 =	sld [smem:$0x3F8D];
	_ =	swait.ge [sflag:s4], $0x0  }
0x19: {  	s7 =	sld [smem:$0x3F8E]  }
0x1a: {  	s8 =	sadd.s32 $0xFFFFE003, lr  }
0x1b: {  	s9 =	sadd.s32 $0xFFFFFEF7, lr;
	s5 =	simm.s32 $0xFFFFFFFF;
	p2 =	slt.u32 s8, $0xFFFFF086  }
0x1c: {  	p1 =	slt.u32 s9, $0xF7A;
	s5 =	simm.s32 @!p2 $0x0  }
0x1d: {  	s5 =	simm.s32 @p1 $0x1;
	p0 =	seq.s32 s7, s2  }
0x1e: {  	s7 =	smul.u32 @!p0 $0xF7A, s2;
	p2 =	seq.s32 @!p0 s5, $0x0  }
0x1f: {  	s9 =	smul.u32 $0xF7A, s1;
	s8 =	simm.s32 @!p0 $0x1BF5;
	p2 =	por !p2, p0  }
0x20: {  	[sflag:s8] =	ssyncset.s32 @!p0 $0xFFFFF086;
	s6 =	sadd.s32 @!p0 s3, s7;
	s7 =	simm.s32 @!p0 $0x108  }
0x21: {  	s3 =	sadd.s32 s3, s9;
	s6 =	sadd.s32 @!p0 $0x88, s6;
	s7 =	simm.s32 @p2 $0x1082  }
0x22: {  	[simem:s7], [sflag:s8] =	dma.local @!p0 [hbm:s6], $0xF7A  }
0x23: {  	s9 =	sor.u32 $0xD0000000, s2;
	s6 =	simm.s32 $0x108;
	_ =	swait.ge @!p0 [sflag:s8], $0x0  }
0x24: {  	s3 =	sadd.s32 $0x88, s3;
	s6 =	simm.s32 @!p1 $0x1082;
	[sflag:s4] =	ssyncset.s32 $0xFFFFF086  }
0x25: {  	[simem:s6], [sflag:s4] =	dma.local [hbm:s3], $0xF7A  }
0x26: {  	[smem:$0x3F8E] =	sst s1;
	(tag) =	ssettag s2;
	_ =	strace s9  }
0x27: {  	s1 =	sld [smem:$0x3F9E]  }
0x28: {  	s2 =	sld [smem:$0x3F9F]  }
0x29: {  	s4 =	sld [smem:$0x3FA1]  }
0x2a: {  	p0 =	seq.s32 s5, $0x0;
	s5 =	sld [smem:$0x3FA2]  }
0x2b: {  	s6 =	sld [smem:$0x3FA3]  }
0x2c: {  	s7 =	sld [smem:$0x3FA4]  }
0x2d: {  	s3 =	simm.s32 $0x108;
	s8 =	sld [smem:$0x3FA5]  }
0x2e: {  	s3 =	simm.s32 @!p0 $0x1082;
	s9 =	sld [smem:$0x3FA6]  }
0x2f: {  	lr =	sadd.s32 s0, s3;
	s0 =	sld [smem:$0x3F9D]  }
0x30: {  	s3 =	sld [smem:$0x3FA0]  }
0x31: {  	[smem:$0x3FA9] =	sst s10  }
0x32: {  	s10 =	sld [smem:$0x3FA7];
	_ =	sdelay $0x3  }
0x33: {  	p0 =	seq.s32 s10, $0x1;
	s10 =	sld [smem:$0x3FA9];
	_ =	sdelay $0x3  }
0x34: {  	[smem:$0x3FA9] =	sst s10  }
0x35: {  	s10 =	sld [smem:$0x3FA8];
	_ =	sdelay $0x3  }
0x36: {  	p1 =	seq.s32 s10, $0x1;
	s10 =	sld [smem:$0x3FA9];
	_ =	sdelay $0x3  }
0x37: {  	[smem:$0x3FA9] =	sst s10  }
0x38: {  	s10 =	sld [smem:$0x3FAA]  }
0x39: {  	_ = 	snop;
	(pc) =	sbr.ind lr, $3  }
0x3a: {  	_ = 	snop  }
0x3b: {  	_ = 	snop  }
0x3c: {  	p2 =	seq.s32 s10, $0x1;
	s10 =	sld [smem:$0x3FA9]  }
0x3d: {  	_ =	shalt  }
0x3e: {  	_ =	shalt  }
0x3f: {  	_ =	shalt  }
0x40: {  	_ =	shalt  }
0x41: {  	_ =	shalt  }
0x42: {  	_ =	shalt  }
0x43: {  	_ =	shalt  }
0x44: {  	_ =	shalt  }
0x45: {  	_ =	shalt  }
0x46: {  	_ =	shalt  }
0x47: {  	_ =	shalt  }
0x48: {  	_ =	shalt  }
0x49: {  	_ =	shalt  }
0x4a: {  	_ =	shalt  }
0x4b: {  	_ =	shalt  }
0x4c: {  	_ =	shalt  }
0x4d: {  	_ =	shalt  }
0x4e: {  	_ =	shalt  }
0x4f: {  	_ =	shalt  }
0x50: {  	_ =	shalt  }
0x51: {  	_ =	shalt  }
0x52: {  	_ =	shalt  }
0x53: {  	_ =	shalt  }
0x54: {  	_ =	shalt  }
0x55: {  	_ =	shalt  }
0x56: {  	_ =	shalt  }
0x57: {  	_ =	shalt  }
0x58: {  	_ =	shalt  }
0x59: {  	_ =	shalt  }
0x5a: {  	_ =	shalt  }
0x5b: {  	_ =	shalt  }
0x5c: {  	_ =	shalt  }
0x5d: {  	_ =	shalt  }
0x5e: {  	_ =	shalt  }
0x5f: {  	_ =	shalt  }
0x60: {  	_ =	shalt  }
0x61: {  	_ =	shalt  }
0x62: {  	_ =	shalt  }
0x63: {  	_ =	shalt  }
0x64: {  	_ =	shalt  }
0x65: {  	_ =	shalt  }
0x66: {  	_ =	shalt  }
0x67: {  	_ =	shalt  }
0x68: {  	_ =	shalt  }
0x69: {  	_ =	shalt  }
0x6a: {  	_ =	shalt  }
0x6b: {  	_ =	shalt  }
0x6c: {  	_ =	shalt  }
0x6d: {  	_ =	shalt  }
0x6e: {  	_ =	shalt  }
0x6f: {  	_ =	shalt  }
0x70: {  	_ =	shalt  }
0x71: {  	_ =	shalt  }
0x72: {  	_ =	shalt  }
0x73: {  	_ =	shalt  }
0x74: {  	_ =	shalt  }
0x75: {  	_ =	shalt  }
0x76: {  	_ =	shalt  }
0x77: {  	_ =	shalt  }
0x78: {  	_ =	shalt  }
0x79: {  	_ =	shalt  }
0x7a: {  	_ =	shalt  }
0x7b: {  	_ =	shalt  }
0x7c: {  	_ =	shalt  }
0x7d: {  	_ =	shalt  }
0x7e: {  	_ =	shalt  }
0x7f: {  	_ =	shalt  }
0x80: {  	_ =	shalt  }
0x81: {  	_ =	shalt  }
0x82: {  	_ =	shalt  }
0x83: {  	_ =	shalt  }
0x84: {  	_ =	shalt  }
0x85: {  	_ =	shalt  }
0x86: {  	_ =	shalt  }
0x87: {  	_ =	shalt  }
.Lfunc_end0:
.L_simem_size_0:
called_computation.2_lowered:
.L_overlay_start_0:
0x88: {  	s2 =	sld [smem:$0x3FD9]  }
0x89: {  	s3 =	sld [smem:$0x3FFE];
	_ =	sdelay $0x1  }
0x8a: {  	s1 =	srdreg.scid  }
0x8b: {  	s0 =	sand.u32 $0x1, s1  }
0x8c: {  	s14 =	sshll.u32 s0, $0xA;
	s2 =	sadd.s32 s3, s2  }
0x8d: {  	s2 =	sadd.s32 s2, s14  }
0x8e: {  	[smem:$0x3FB5] =	sst s2  }
0x8f: {  	_ = 	snop  }
0x90: {  	s2 =	sld [smem:$0x3FD0];
	_ =	sdelay $0x2  }
0x91: {  	s15 =	simm.s32 $0xA;
	s4 =	simm.s32 $0x10  }
0x92: {  	[smem:s4], [sflag:s15] =	dma.local [hbm:s2], $0x1  }
0x93: {  	_ =	swait.eq [sflag:s15], $0x1  }
0x94: {  	[sflag:s15] =	ssyncset.done $0x0  }
0x95: {  	s16 =	sld [smem:$0x10];
	[sflag:s15] =	ssyncadd.s32 $0xFFFFFFFF  }
0x96: {  	s17 =	sld [smem:$0x13];
	(tm) =	ssettm $0x1  }
0x97: {  	s18 =	sld [smem:$0x3FFB];
	_ =	sdelay $0x3  }
0x98: {  	_ =	strace s18  }
0x99: {  	s4 =	sld [smem:$0x3FFC];
	_ =	sdelay $0x3  }
0x9a: {  	_ =	strace s4  }
0x9b: {  	s4 =	sld [smem:$0x3FFD];
	_ =	sdelay $0x3  }
0x9c: {  	_ =	strace s4  }
0x9d: {  	_ =	strace $0x8FFFFFFF  }
0x9e: {  	s19 =	sld [smem:$0x3FDB];
	_ =	sdelay $0x1  }
0x9f: {  	s5 =	simm.s32 $_scs_section_size  }
0xa0: {  	s6 =	simm.s32 $_size__tile_overlayer_lowered;
	s7 =	simm.s32 $_tile_overlayer_lowered  }
0xa1: {  	s22 =	simm.s32 $0x1BFF;
	s21 =	sshll.u32 s7, $0x1;
	s4 =	sadd.s32 s5, s19  }
0xa2: {  	s8 =	simm.s32 $0x0;
	s20 =	sshll.u32 s6, $0x1;
	s6 =	sadd.s32 s21, s4  }
0xa3: {  	[timem:s8], [sflag:s22] =	dma.local [hbm:s6], s20  }
0xa4: {  	_ =	swait.ge [sflag:s22], s20  }
0xa5: {  	s5 =	ssub.s32 $0x0, s20;
	[sflag:s22] =	ssyncset.done $0x0  }
0xa6: {  	[sflag:s22] =	ssyncadd.s32 s5;
	_ =	sdelay $0x1  }
0xa7: {  	s23 =	simm.s32 $0x1B8B  }
0xa8: {  	_ =	swait.ge [sflag:s23], $0x1  }
0xa9: {  	[sflag:s23] =	ssyncset.done $0x0  }
0xaa: {  	s25 =	simm.s32 $0x1B8E;
	s24 =	sld [smem:$0x3FFE];
	[sflag:s23] =	ssyncadd.s32 $0xFFFFFFFF  }
0xab: {  	s26 =	simm.s32 $execute0_lowered;
	[smem:$0x3FD2] =	sst s25  }
0xac: {  	s6 =	sshll.u32 s26, $0x1;
	_ =	strace $0x8000005A;
	[dreg:$0x1] =	wrdreg $0xFFFFFFFF  }
0xad: {  	s28 =	simm.s32 $_size_execute0_lowered;
	s4 =	sadd.s32 s4, s6;
	[dreg:$0x0] =	wrdreg $0x0  }
0xae: {  	s6 =	sshll.u32 s28, $0x1;
	[dreg:$0x2] =	wrdreg s4  }
0xaf: {  	[dreg:$0x3] =	wrdreg s6  }
0xb0: {  	[dreg:$0x4] =	wrdreg $0xC0  }
0xb1: {  	_ =	task [dreg:s8], $0x5FFFF  }
0xb2: {  	[dreg:$0x1] =	wrdreg $0xFFFFFFFF  }
0xb3: {  	[dreg:$0x0] =	wrdreg $0x60  }
0xb4: {  	[dreg:$0x2] =	wrdreg s16  }
0xb5: {  	[dreg:$0x3] =	wrdreg s17  }
0xb6: {  	[dreg:$0x4] =	wrdreg s24  }
0xb7: {  	[dreg:$0x5] =	wrdreg $0x9  }
0xb8: {  	_ =	task.clear_ibuf [dreg:s8], $0x6FFFF;
	_ =	strace $0x9000005A  }
0xb9: {  	s29 =	simm.s32 $0x9;
	_ =	strace $0x80000063  }
0xba: {  	_ =	swait.ge [sflag:s29], $0x1  }
0xbb: {  	[sflag:s29] =	ssyncadd.s32 $0xFFFFFFFF  }
0xbc: {  	_ =	strace $0x90000063  }
0xbd: {  	_ =	sfence  }
0xbe: {  	s30 =	sld [smem:$0x0];
	_ =	sdelay $0x2  }
0xbf: {  	s31 =	sshll.u32 s1, $0xD;
	s1 =	sshrl.u32 s1, $0x2  }
0xc0: {  	s3 =	sand.u32 $0x4000, s31;
	s1 =	sadd.s32 s1, s30  }
0xc1: {  	s0 =	sor.u32 s3, s0;
	s1 =	sshll.u32 s1, $0x11  }
0xc2: {  	s0 =	sor.u32 s1, s0  }
0xc3: {  	s0 =	sadd.s32 $0x8F2B, s0  }
0xc4: {  	[sflag:s0] =	ssyncadd.remote.s32 $0x1  }
0xc5: {  	_ =	sfence.sel $0xFFFF  }
0xc6: {  	[dreg:$0x0] =	wrdreg $0xFFFFFFFF;
	(pc) =	sbr.abs _section_cstart, $3  }
0xc7: {  	[dreg:$0x1] =	wrdreg $0xFFFFFFFF  }
0xc8: {  	_ =	task.clear_ibuf [dreg:s8], $0x2FFFF;
	_ =	strace $0x9FFFFFFF  }
0xc9: {  	(tm) =	ssettm $0x7FFFFFFF  }
tec
execute0_lowered:
.L_overlay_start_1:
0x0: {  	(tag) =	ssettag $0x1  }
0x1: {  	s0 =	rddreg [dreg:$0x0]  }
0x2: {  	s1 =	rddreg [dreg:$0x1]  }
0x3: {  	s3 =	rddreg [dreg:$0x2]  }
0x4: {  	s2 =	simm.s32 $0x0;
	[dreg:$0x4] =	wrdreg s0  }
0x5: {  	s4 =	srdreg.scid;
	s8 =	simm.s32 $0x80;
	s0 =	rddreg [dreg:$0x3]  }
0x6: {  	s9 =	simm.s32 $0x5;
	s10 =	simm.s32 $0x0;
	[smem:$0x7FF] =	sst s2  }
0x7: {  	s5 =	sadd.s32 $0x2000, s3;
	s4 =	sand.u32 $0x1, s4;
	s3 =	stileid.u32  }
0x8: {  	_ =	strace $0x8000005B;
	s6 =	ssub.s32 $0x2, s4;
	s4 =	sshll.u32 s4, $0x4  }
0x9: {  	[dreg:$0x5] =	wrdreg s5;
	s30 =	sshrl.u32 s6, $0x1;
	s7 =	sor.u32 s3, s4  }
0xa: {  	s6 =	ssub.s32 s6, s30;
	s4 =	sshll.u32 s7, $0x7;
	s31 =	sshll.u32 s7, $0xB  }
0xb: {  	s7 =	simm.s32 $0x1;
	s5 =	sadd.s32 s1, s31;
	s6 =	smax.u32 s6, $0x1  }
.LBB2_1:
0xc: {  	_ =	strace $0x8000005C;
	s11 =	simm.s32 $0x1;
	p0 =	por $0x0, $0x0  }
0xd: {  	[tilespmem:s2], [sflag:$0x1] =	stream.linear.gather [hbm4b:s5+s2], $0x80, $0x200038;
	[tilespmem:$0x8100] =	vst v63  }
0xe: {  	s11 =	simm.s32 @p0 $0x0  }
0xf: {  	p5 =	por $0x1, $0x1;
	p1 =	sne.s32 s11, $0x0  }
0x10: {  	p0 =	por !p5, !p1  }
0x11: {  	s21 =	sand.u32 $0x1, s2;
	p3 =	por !p0, !p0  }
0x12: {  	s31 =	simm.s32 $0x0;
	s18 =	sadd.s32 $0x0, s4;
	s12 =	sadd.s32 @p3 s4, s11  }
0x13: {  	_ =	strace $0x9000005C;
	s13 =	sand.u32 @p3 $0x1, s7;
	s12 =	sshll.u32 @p3 s12, $0x4  }
0x14: {  	s14 =	simm.s32 @p3 $0x0;
	_ =	strace @p3 $0x8000005D;
	s12 =	sand.u32 @p3 $0x1FFFFFF0, s12  }
0x15: {  	s15 =	sshll.u32 @p3 s13, $0x7;
	s13 =	sadd.s32 @p3 $0x1, s13;
	s12 =	sadd.s32 @p3 s1, s12  }
0x16: {  	[tilespmem:s15], [sflag:s13] =	stream.linear.gather @p3 [hbm4b:s12+s14], $0x80, $0x200038;
	[tilespmem:$0x8100] =	vst v63  }
0x17: {  	p4 =	por $0x0, $0x0;
	p6 =	por $0x0, $0x0;
	_ =	strace @p3 $0x9000005D  }
0x18: {  	s30 =	sadd.s32 $0x1, s21;
	s16 =	sshll.u32 s21, $0xE;
	_ =	strace $0x8000005E  }
0x19: {  	s24 =	simm.s32 $0x1;
	s22 =	sor.u32 $0x100, s16;
	_ =	swait.ge [sflag:s30], $0x80  }
0x1a: {  	s16 =	simm.s32 $0x1;
	p0 =	por $0x1, $0x1;
	[sflag:s30] =	ssyncset.done $0x0  }
0x1b: {  	s16 =	simm.s32 @!p4 $0x0;
	p2 =	por p0, p0;
	[sflag:s30] =	ssyncadd.s32 $0xFFFFFF80  }
0x1c: {  	s12 =	simm.s32 $0x7F;
	s14 =	simm.s32 $0x7E;
	_ =	strace $0x9000005E  }
0x1d: {  	s15 =	sand.u32 @!p0 $0x1, s2;
	p0 =	por $0x0, $0x0;
	_ =	strace $0x8000005F  }
0x1e: {  	s13 =	sand.u32 $0x80, s31;
	s19 =	sadd.s32 @!p2 $0x3, s15;
	s17 =	rddreg [dreg:$0x4]  }
0x1f: {  	[tilespmem:s22], [sflag:$0x5] =	stream.indirect.gather [hbm4b:s17+s8], $0x80, s13, s8, $0x2000b8;
	[tilespmem:$0x8100] =	vst v63  }
0x20: {  	s15 =	simm.s32 $0x0;
	s17 =	sadd.s32 $0x1, s11;
	s13 =	simm.s32 $0x1  }
0x21: {  	_ =	swait.ge [sflag:s9], $0x4000;
	p5 =	seq.s32 s17, $0x80;
	s13 =	simm.s32 @!p3 $0x0  }
0x22: {  	[sflag:s9] =	ssyncset.done $0x0;
	s17 =	simm.s32 @p5 $0x0;
	p5 =	por p6, p1  }
0x23: {  	p6 =	por $0x1, $0x1;
	s20 =	sadd.s32 $0x1, s13;
	s13 =	simm.s32 $0x0  }
0x24: {  	[sflag:s9] =	ssyncadd.s32 $0xFFFFC000;
	p1 =	sne.s32 s11, s17;
	s23 =	sshll.u32 @p5 s18, $0xB  }
0x25: {  	s24 =	simm.s32 @!p5 $0x0;
	p3 =	por !p6, !p1;
	_ =	strace $0x9000005F  }
0x26: {  	s18 =	simm.s32 $0x0;
	p3 =	por !p3, !p3;
	_ =	strace @p5 $0x80000060  }
0x27: {  	s25 =	sand.u32 @p3 $0x1, s20;
	s28 =	sadd.s32 @p3 s4, s17;
	s26 =	rddreg [dreg:$0x5]  }
.LBB2_2:
0x28: {  	s28 =	sshll.u32 @p3 s28, $0x4;
	s29 =	sand.u32 @p5 $0x1FFFF800, s23;
	s15 =	sadd.s32 s24, s15  }
0x29: {  	s23 =	smov.u32 s12;
	s12 =	smov.u32 s14;
	s21 =	sadd.s32 @p5 $0x3, s21  }
0x2a: {  	s30 =	simm.s32 @p5 $0x0;
	s18 =	sadd.s32 s24, s18;
	s26 =	sadd.s32 @p5 s26, s29  }
0x2b: {  	[hbm4b:s26+s30] =	stream.linear.scatter @p5 [tilespmem:s22], [sflag:s21], $0x4000, $0x200038;
	[tilespmem:$0x8100] =	vst v63  }
0x2c: {  	s14 =	sadd.s32 $0xFFFFFFFF, s14;
	s13 =	sadd.s32 s16, s13;
	_ =	strace @p5 $0x90000060  }
0x2d: {  	s28 =	sand.u32 @p3 $0x1FFFFFF0, s28;
	s24 =	sshll.u32 s18, $0x7;
	_ =	strace @!p2 $0x80000061  }
0x2e: {  	p4 =	sne.s32 s14, $0x0;
	s16 =	sand.u32 @!p0 $0x1, s13;
	_ =	swait.ge @!p2 [sflag:s19], $0x4000  }
0x2f: {  	s28 =	sadd.s32 @p3 s1, s28;
	s26 =	sand.u32 $0x1, s18;
	[sflag:s19] =	ssyncset.done @!p2 $0x0  }
0x30: {  	s22 =	simm.s32 @p3 $0x0;
	s21 =	sand.u32 $0x1, s15;
	[sflag:s19] =	ssyncadd.s32 @!p2 $0xFFFFC000  }
0x31: {  	s24 =	sand.u32 $0x80, s24;
	s29 =	sadd.s32 $0x1, s26;
	_ =	strace @!p2 $0x90000061  }
0x32: {  	s19 =	sshll.u32 @p3 s25, $0x7;
	s25 =	sadd.s32 @p3 $0x1, s25;
	_ =	strace @p3 $0x8000005D  }
0x33: {  	[tilespmem:s19], [sflag:s25] =	stream.linear.gather @p3 [hbm4b:s28+s22], $0x80, $0x200038;
	[tilespmem:$0x8100] =	vst v63  }
0x34: {  	s31 =	sshll.u32 s21, $0xE;
	s26 =	simm.s32 $0x1;
	_ =	strace @p3 $0x9000005D  }
0x35: {  	p5 =	sne.s32 s23, $0x80;
	s26 =	simm.s32 @!p3 $0x0;
	_ =	strace $0x8000005E  }
0x36: {  	s20 =	sadd.s32 s26, s20;
	p2 =	por p0, p0;
	_ =	swait.ge [sflag:s29], $0x80  }
0x37: {  	s25 =	sadd.s32 s4, s11;
	s11 =	smov.u32 s17;
	[sflag:s29] =	ssyncset.done $0x0  }
0x38: {  	s19 =	sadd.s32 @!p2 $0x3, s16;
	s22 =	sor.u32 $0x100, s31;
	[sflag:s29] =	ssyncadd.s32 $0xFFFFFF80  }
0x39: {  	s16 =	simm.s32 $0x1;
	s17 =	sadd.s32 $0x1, s17;
	_ =	strace $0x9000005E  }
0x3a: {  	s16 =	simm.s32 @!p5 $0x0;
	p6 =	seq.s32 s17, $0x80;
	_ =	strace $0x8000005F  }
0x3b: {  	p5 =	seq.s32 s23, $0x1;
	s17 =	simm.s32 @p6 $0x0;
	s30 =	rddreg [dreg:$0x4]  }
0x3c: {  	[tilespmem:s22], [sflag:$0x5] =	stream.indirect.gather [hbm4b:s30+s8], $0x80, s24, s8, $0x2000b8;
	[tilespmem:$0x8100] =	vst v63  }
0x3d: {  	p5 =	por p5, p1;
	p6 =	sne.s32 s12, $0x1;
	_ =	swait.ge [sflag:s9], $0x4000  }
.Ltmp0:
0x3e: {  	p1 =	sne.s32 s11, s17;
	[sflag:s9] =	ssyncset.done $0x0;
	(pc) =	sbr.rel @p4 .LBB2_2-.Ltmp0, $4  }
0x3f: {  	p0 =	seq.s32 s12, $0x80;
	p3 =	por !p6, !p1;
	[sflag:s9] =	ssyncadd.s32 $0xFFFFC000  }
0x40: {  	s23 =	sshll.u32 @p5 s25, $0xB;
	p3 =	por !p3, !p3;
	_ =	strace $0x9000005F  }
0x41: {  	s25 =	sand.u32 @p3 $0x1, s20;
	s24 =	simm.s32 $0x1;
	_ =	strace @p5 $0x80000060  }
0x42: {  	s28 =	sadd.s32 @p3 s4, s17;
	s24 =	simm.s32 @!p5 $0x0;
	s26 =	rddreg [dreg:$0x5]  }
0x43: {  	s14 =	sand.u32 @p5 $0x1FFFF800, s23  }
0x44: {  	s17 =	sadd.s32 @p5 $0x3, s21;
	s20 =	simm.s32 @p5 $0x0;
	s14 =	sadd.s32 @p5 s26, s14  }
0x45: {  	[hbm4b:s14+s20] =	stream.linear.scatter @p5 [tilespmem:s22], [sflag:s17], $0x4000, $0x200038;
	[tilespmem:$0x8100] =	vst v63  }
0x46: {  	_ =	strace @p5 $0x90000060  }
0x47: {  	_ =	strace @!p2 $0x80000061  }
0x48: {  	_ =	swait.ge @!p2 [sflag:s19], $0x4000  }
0x49: {  	s23 =	sadd.s32 s24, s18;
	[sflag:s19] =	ssyncset.done @!p2 $0x0  }
0x4a: {  	s18 =	simm.s32 @p3 $0x0;
	s14 =	sshll.u32 @p3 s28, $0x4;
	[sflag:s19] =	ssyncadd.s32 @!p2 $0xFFFFC000  }
0x4b: {  	s20 =	sadd.s32 @p3 $0x1, s25;
	s14 =	sand.u32 @p3 $0x1FFFFFF0, s14;
	_ =	strace @!p2 $0x90000061  }
0x4c: {  	s14 =	sadd.s32 @p3 s1, s14;
	s19 =	sshll.u32 @p3 s25, $0x7;
	_ =	strace @p3 $0x8000005D  }
0x4d: {  	[tilespmem:s19], [sflag:s20] =	stream.linear.gather @p3 [hbm4b:s14+s18], $0x80, $0x200038;
	[tilespmem:$0x8100] =	vst v63  }
0x4e: {  	s26 =	sand.u32 $0x1, s23;
	_ =	strace @p3 $0x9000005D  }
0x4f: {  	s14 =	sadd.s32 $0x1, s26;
	_ =	strace $0x8000005E  }
0x50: {  	_ =	swait.ge [sflag:s14], $0x80  }
0x51: {  	[sflag:s14] =	ssyncset.done $0x0  }
0x52: {  	s28 =	sadd.s32 s24, s15;
	[sflag:s14] =	ssyncadd.s32 $0xFFFFFF80  }
0x53: {  	s14 =	sand.u32 $0x1, s28;
	_ =	strace $0x9000005E  }
0x54: {  	s17 =	sshll.u32 s23, $0x7;
	s30 =	sshll.u32 s14, $0xE;
	_ =	strace $0x8000005F  }
0x55: {  	s17 =	sand.u32 $0x80, s17;
	s18 =	sor.u32 $0x100, s30;
	s29 =	rddreg [dreg:$0x4]  }
0x56: {  	[tilespmem:s18], [sflag:$0x5] =	stream.indirect.gather [hbm4b:s29+s8], $0x80, s17, s8, $0x2000b8;
	[tilespmem:$0x8100] =	vst v63  }
0x57: {  	_ =	swait.ge [sflag:s9], $0x4000  }
0x58: {  	[sflag:s9] =	ssyncset.done $0x0  }
0x59: {  	p6 =	seq.s32 s12, $0x1;
	[sflag:s9] =	ssyncadd.s32 $0xFFFFC000  }
0x5a: {  	s11 =	sadd.s32 s4, s11;
	p1 =	por p6, p1;
	_ =	strace $0x9000005F  }
0x5b: {  	s11 =	sshll.u32 @p1 s11, $0xB;
	_ =	strace @p1 $0x80000060  }
0x5c: {  	s13 =	sadd.s32 s16, s13;
	s11 =	sand.u32 @p1 $0x1FFFF800, s11;
	s15 =	rddreg [dreg:$0x5]  }
0x5d: {  	s16 =	simm.s32 @p1 $0x0;
	s14 =	sadd.s32 @p1 $0x3, s14;
	s11 =	sadd.s32 @p1 s15, s11  }
0x5e: {  	[hbm4b:s11+s16] =	stream.linear.scatter @p1 [tilespmem:s18], [sflag:s14], $0x4000, $0x200038;
	[tilespmem:$0x8100] =	vst v63  }
0x5f: {  	s11 =	sand.u32 @!p0 $0x1, s13;
	p0 =	por p0, p0;
	_ =	strace @p1 $0x90000060  }
0x60: {  	s11 =	sadd.s32 @!p0 $0x3, s11;
	_ =	strace @!p0 $0x80000061  }
0x61: {  	p1 =	sne.s32 s12, $0x80;
	s12 =	simm.s32 $0x1;
	_ =	swait.ge @!p0 [sflag:s11], $0x4000  }
0x62: {  	s12 =	simm.s32 @!p1 $0x0;
	[sflag:s11] =	ssyncset.done @!p0 $0x0  }
0x63: {  	s10 =	sadd.s32 $0x1, s10;
	s12 =	sadd.s32 s12, s13;
	[sflag:s11] =	ssyncadd.s32 @!p0 $0xFFFFC000  }
0x64: {  	s31 =	sand.u32 $0x1, s12;
	_ =	strace @!p0 $0x90000061;
	p0 =	sne.s32 s10, s6  }
.Ltmp1:
0x65: {  	s11 =	sadd.s32 $0x3, s31;
	_ =	strace $0x80000062;
	(pc) =	sbr.rel @p0 .LBB2_1-.Ltmp1, $4  }
0x66: {  	_ =	swait.ge [sflag:s11], $0x4000  }
0x67: {  	[sflag:s11] =	ssyncset.done $0x0  }
0x68: {  	[sflag:s11] =	ssyncadd.s32 $0xFFFFC000  }
0x69: {  	_ =	strace $0x90000062  }
0x6a: {  	_ =	sfence.sel $0x180000  }
0x6b: {  	[bflag:$0x0] =	sbarrier.arrive $0xFFFF  }
0x6c: {  	p0 =	sne.s32 s3, $0x0;
	_ =	strace $0x9000005B  }
0x6d: {  	s0 =	sadd.s32 @!p0 $0x100000, s0;
	[bflag:$0x2] =	sbarrier.arrive $0xFFFF  }
0x6e: {  	[sflag:s0] =	ssyncadd.tile.s32 @!p0 $0x1;
	_ =	shalt  }
.Lfunc_end2:
_tile_overlayer_lowered:
.L_overlay_start_2:
0x6f: {  	(tag) =	ssettag $0x2  }
0x70: {  	s0 =	rddreg [dreg:$0x0];
	s2 =	stileid.u32  }
0x71: {  	s1 =	rddreg [dreg:$0x1];
	p0 =	sne.s32 s2, $0x0  }
0x72: {  	s3 =	rddreg [dreg:$0x2];
	[bflag:$0x3] =	sbarrier.arrive $0xFFFF;
	s2 =	simm.s32 @!p0 $0x1C01  }
0x73: {  	[timem:s3], [sflag:s2] =	dma.local @!p0 [hbm:s0], s1  }
0x74: {  	s0 =	simm.s32 @!p0 $0x1  }
0x75: {  	_ =	swait.ge @!p0 [sflag:s0], s1  }
0x76: {  	s1 =	ssub.s32 @!p0 $0x0, s1;
	[sflag:s0] =	ssyncset.done @!p0 $0x0  }
0x77: {  	[sflag:s0] =	ssyncadd.s32 @!p0 s1  }
0x78: {  	[bflag:$0x3] =	sbarrier.arrive $0xFFFF  }
0x79: {  	_ =	shalt  }

</sc_bundles>
